<compile_context>
chip_gen: v7x
topology: tpu7x:2x2x1
jax: 0.10.2.dev20260603
libtpu: 0.0.44.dev20260713+nightly
codegen_flags: <defaults>
</compile_context>

<pallas_src>
import functools

import jax
import jax.numpy as jnp
from jax import lax
from jax.experimental import pallas as pl
from jax.experimental.pallas import tpu as pltpu
from jax.experimental.pallas import tpu_sc as plsc

N_NODES = 10000
N_EDGES = 320000
D = 128
NC_, NS = 2, 16
NW = NC_ * NS
EPW = N_EDGES // NW
CH = 40
NCH = EPW // CH
NT = 2 * NCH
NB = 6
LEAD = 4

assert EPW % CH == 0 and CH % 8 == 0 and LEAD <= NB - 2

_mesh = plsc.VectorSubcoreMesh(core_axis_name="c", subcore_axis_name="s")


@functools.partial(
    pl.kernel,
    mesh=_mesh,
    out_type=(jax.ShapeDtypeStruct((N_EDGES, D), jnp.float32),
              jax.ShapeDtypeStruct((N_EDGES, D), jnp.float32)),
    scratch_types=[
        pltpu.VMEM((EPW,), jnp.int32),
        pltpu.VMEM((EPW,), jnp.int32),
        pltpu.VMEM((NB, CH, D), jnp.float32),
        pltpu.VMEM_SHARED((N_NODES, D), jnp.float32),
        pltpu.SemaphoreType.DMA,
        pltpu.SemaphoreType.DMA,
    ],
)
def _gather_both(wx, eidx, out_i, out_j, idx_i, idx_j, rbuf, shared,
                 gsem, wsem):
    wid = lax.axis_index("s") * NC_ + lax.axis_index("c")
    base = wid * EPW
    sid = lax.axis_index("s")
    rows = (N_NODES // NS) // 8 * 8
    off = sid * rows
    pltpu.sync_copy(wx.at[pl.ds(off, rows)], shared.at[pl.ds(off, rows)])

    @pl.when(sid == NS - 1)
    def _():
        rem_off = NS * rows
        pltpu.sync_copy(wx.at[pl.ds(rem_off, N_NODES - rem_off)],
                        shared.at[pl.ds(rem_off, N_NODES - rem_off)])

    pltpu.sync_copy(eidx.at[pl.ds(N_EDGES + base, EPW)], idx_i)
    pltpu.sync_copy(eidx.at[pl.ds(base, EPW)], idx_j)
    plsc.subcore_barrier()

    def g(t, b, idx, tb):
        pltpu.async_copy(
            shared.at[idx.at[pl.ds((t - tb) * CH, CH)]],
            rbuf.at[b], gsem)

    def gwait(b):
        pltpu.make_async_copy(
            shared.at[idx_i.at[pl.ds(0, CH)]], rbuf.at[b], gsem).wait()

    def w(t, b, out, tb):
        pltpu.async_copy(rbuf.at[b],
                         out.at[pl.ds(base + (t - tb) * CH, CH)], wsem)

    def wwait():
        pltpu.make_async_copy(
            rbuf.at[0], out_i.at[pl.ds(base, CH)], wsem).wait()

    def py_g(t, b):
        if t < NCH:
            g(t, b, idx_i, 0)
        else:
            g(t, b, idx_j, NCH)

    def py_w(t, b):
        if t < NCH:
            w(t, b, out_i, 0)
        else:
            w(t, b, out_j, NCH)

    def py_step(t, b):
        gwait(b)
        py_w(t, b)
        if t + LEAD < NT:
            if t + LEAD - NB >= 0:
                wwait()
            py_g(t + LEAD, (b + LEAD) % NB)

    def steady(lo, n_blocks, out, idx, tb):
        def body(i, carry):
            t0 = lo + i * NB
            for k in range(NB):
                t = t0 + k
                gwait(k)
                w(t, k, out, tb)
                wwait()
                g(t + LEAD, (k + LEAD) % NB, idx, tb)
            return carry
        lax.fori_loop(0, n_blocks, body, 0)

    for t in range(LEAD):
        py_g(t, t % NB)

    HEAD = 2 * NB
    B1 = NCH - LEAD - (NCH - LEAD - HEAD) % NB
    B2 = ((NCH + LEAD + NB - 1) // NB) * NB
    B3 = B2 + (NT - LEAD - B2) // NB * NB
    assert HEAD % NB == 0 and B1 % NB == 0 and B2 % NB == 0

    for t in range(HEAD):
        py_step(t, t % NB)
    steady(HEAD, (B1 - HEAD) // NB, out_i, idx_i, 0)
    for t in range(B1, B2):
        py_step(t, t % NB)
    steady(B2, (B3 - B2) // NB, out_j, idx_j, NCH)
    for t in range(B3, NT):
        py_step(t, t % NB)
    for _ in range(NB):
        wwait()


def kernel(Wx, edge_index):
    eidx = edge_index.astype(jnp.int32).reshape(-1)
    return _gather_both(Wx, eidx)

# --- scband reference (transcript-rebuilt; emitter-appended) ---
"""Pipeline reference for scband-gatprimitive-gather-both-41807211659466 (READ-ONLY COPY).

The authoritative reference and input builder live on the scoring server;
editing this copy changes nothing except your own understanding.
"""

import jax, jax.numpy as jnp
import numpy as np

N_NODES = 10000
N_EDGES = 320000
D_FEAT = 128


def setup_inputs(seed: int = 0) -> dict:
    key = jax.random.key(seed)
    k1, k2 = jax.random.split(key)
    Wx = jax.random.normal(k1, (N_NODES, D_FEAT), dtype=jnp.float32)
    edge_index = jax.random.randint(k2, (2, N_EDGES), 0, N_NODES, dtype=jnp.int64)
    return {"Wx": Wx, "edge_index": edge_index}


def reference(Wx, edge_index):
    # GATHER_BOTH = 2 x GATHER
    # Wx_j = gather of source-node features, Wx_i = gather of dst-node features
    Wx_j = jnp.take(Wx, edge_index[0], axis=0)
    Wx_i = jnp.take(Wx, edge_index[1], axis=0)
    return (Wx_i, Wx_j)

if __name__ == "__main__":
    import jax
    _d = setup_inputs()
    print(jax.jit(kernel)(*tuple(_d.values())))

</pallas_src>

<mosaic_0001>
#map = affine_map<(d0, d1) -> (0, 0)>
#map1 = affine_map<(d0, d1) -> (0)>
module attributes {stable_mosaic.version = 14 : i64} {
  func.func @_gather_both(%arg0: i32, %arg1: i32, %arg2: memref<10000x128xf32, #tpu.memory_space<hbm>>, %arg3: memref<640000xi32, #tpu.memory_space<hbm>>, %arg4: memref<320000x128xf32, #tpu.memory_space<hbm>>, %arg5: memref<320000x128xf32, #tpu.memory_space<hbm>>, %arg6: memref<10000xi32, #tpu.memory_space<vmem>>, %arg7: memref<10000xi32, #tpu.memory_space<vmem>>, %arg8: memref<6x40x128xf32, #tpu.memory_space<vmem>>, %arg9: memref<10000x128xf32, #tpu.memory_space<vmem_shared>>, %arg10: memref<!tpu.dma_semaphore, #tpu.memory_space<semaphore_mem>>, %arg11: memref<!tpu.dma_semaphore, #tpu.memory_space<semaphore_mem>>) attributes {dimension_semantics = [#tpu.dimension_semantics<core_parallel>, #tpu.dimension_semantics<subcore_parallel>], iteration_bounds = array<i64: 2, 16>, scalar_prefetch = 0 : i64, scratch_operands = 6 : i64, tpu.core_type = #tpu.core_type<sc_vector_subcore>, window_params = [{transform_indices = #map}, {transform_indices = #map1}, {transform_indices = #map}, {transform_indices = #map}]} {
    %mul3A = arith.constant 2 : i32
    %mul3A_0 = arith.muli %arg1, %mul3A : i32
    %add3A = arith.addi %mul3A_0, %arg0 : i32
    %mul3A_1 = arith.constant 10000 : i32
    %mul3A_2 = arith.muli %add3A, %mul3A_1 : i32
    %mul3A_3 = arith.constant 624 : i32
    %mul3A_4 = arith.muli %arg1, %mul3A_3 : i32
    "tpu.region"() ({
      %run_scoped3A = tpu.sem_alloc : memref<!tpu.dma_semaphore, #tpu.memory_space<semaphore_mem>>
      %dma_start3A_1554 = arith.constant 0 : i32
      %dma_start3A_1555 = tpu.memref_slice %arg9[%mul3A_4, %dma_start3A_1554] : memref<10000x128xf32, #tpu.memory_space<vmem_shared>> -> memref<624x128xf32, #tpu.memory_space<vmem_shared>>
      %dma_start3A_1556 = arith.constant 0 : i32
      %dma_start3A_1557 = tpu.memref_slice %arg2[%mul3A_4, %dma_start3A_1556] : memref<10000x128xf32, #tpu.memory_space<hbm>> -> memref<624x128xf32, #tpu.memory_space<hbm>>
      tpu.enqueue_dma source(%dma_start3A_1557 : memref<624x128xf32, #tpu.memory_space<hbm>>) target(%dma_start3A_1555 : memref<624x128xf32, #tpu.memory_space<vmem_shared>>) target_semaphore(%run_scoped3A : memref<!tpu.dma_semaphore, #tpu.memory_space<semaphore_mem>>)
      %dma_wait3A_1558 = arith.constant 0 : i32
      %dma_wait3A_1559 = tpu.memref_slice %arg9[%mul3A_4, %dma_wait3A_1558] : memref<10000x128xf32, #tpu.memory_space<vmem_shared>> -> memref<624x128xf32, #tpu.memory_space<vmem_shared>>
      %dma_wait3A_1560 = arith.constant 0 : i32
      %dma_wait3A_1561 = tpu.memref_slice %arg2[%mul3A_4, %dma_wait3A_1560] : memref<10000x128xf32, #tpu.memory_space<hbm>> -> memref<624x128xf32, #tpu.memory_space<hbm>>
      tpu.wait_dma2 semaphore(%run_scoped3A : memref<!tpu.dma_semaphore, #tpu.memory_space<semaphore_mem>>) src(%dma_wait3A_1561 : memref<624x128xf32, #tpu.memory_space<hbm>>) dst(%dma_wait3A_1559 : memref<624x128xf32, #tpu.memory_space<vmem_shared>>)
      tpu.yield
    }) : () -> ()
    %eq3A = arith.constant 15 : i32
    %eq3A_5 = arith.cmpi eq, %arg1, %eq3A : i32
    %convert_element_type3A = arith.extui %eq3A_5 : i1 to i32
    %cond3A = arith.constant 0 : i32
    %cond3A_6 = arith.cmpi ne, %convert_element_type3A, %cond3A : i32
    scf.if %cond3A_6 {
      "tpu.region"() ({
        %run_scoped3A = tpu.sem_alloc : memref<!tpu.dma_semaphore, #tpu.memory_space<semaphore_mem>>
        %dma_start3A_1554 = arith.constant 9984 : i32
        %dma_start3A_1555 = arith.constant 0 : i32
        %dma_start3A_1556 = tpu.memref_slice %arg9[%dma_start3A_1554, %dma_start3A_1555] : memref<10000x128xf32, #tpu.memory_space<vmem_shared>> -> memref<16x128xf32, #tpu.memory_space<vmem_shared>>
        %dma_start3A_1557 = arith.constant 9984 : i32
        %dma_start3A_1558 = arith.constant 0 : i32
        %dma_start3A_1559 = tpu.memref_slice %arg2[%dma_start3A_1557, %dma_start3A_1558] : memref<10000x128xf32, #tpu.memory_space<hbm>> -> memref<16x128xf32, #tpu.memory_space<hbm>>
        tpu.enqueue_dma source(%dma_start3A_1559 : memref<16x128xf32, #tpu.memory_space<hbm>>) target(%dma_start3A_1556 : memref<16x128xf32, #tpu.memory_space<vmem_shared>>) target_semaphore(%run_scoped3A : memref<!tpu.dma_semaphore, #tpu.memory_space<semaphore_mem>>)
        %dma_wait3A_1560 = arith.constant 9984 : i32
        %dma_wait3A_1561 = arith.constant 0 : i32
        %dma_wait3A_1562 = tpu.memref_slice %arg9[%dma_wait3A_1560, %dma_wait3A_1561] : memref<10000x128xf32, #tpu.memory_space<vmem_shared>> -> memref<16x128xf32, #tpu.memory_space<vmem_shared>>
        %dma_wait3A_1563 = arith.constant 9984 : i32
        %dma_wait3A_1564 = arith.constant 0 : i32
        %dma_wait3A_1565 = tpu.memref_slice %arg2[%dma_wait3A_1563, %dma_wait3A_1564] : memref<10000x128xf32, #tpu.memory_space<hbm>> -> memref<16x128xf32, #tpu.memory_space<hbm>>
        tpu.wait_dma2 semaphore(%run_scoped3A : memref<!tpu.dma_semaphore, #tpu.memory_space<semaphore_mem>>) src(%dma_wait3A_1565 : memref<16x128xf32, #tpu.memory_space<hbm>>) dst(%dma_wait3A_1562 : memref<16x128xf32, #tpu.memory_space<vmem_shared>>)
        tpu.yield
      }) : () -> ()
    } else {
    }
    %add3A_7 = arith.constant 320000 : i32
    %add3A_8 = arith.addi %add3A_7, %mul3A_2 : i32
    "tpu.region"() ({
      %run_scoped3A = tpu.sem_alloc : memref<!tpu.dma_semaphore, #tpu.memory_space<semaphore_mem>>
      %dma_start3A_1554 = tpu.memref_slice %arg3[%add3A_8] : memref<640000xi32, #tpu.memory_space<hbm>> -> memref<10000xi32, #tpu.memory_space<hbm>>
      %dma_start3A_1555 = tpu.memref_slice %arg3[%add3A_8] : memref<640000xi32, #tpu.memory_space<hbm>> -> memref<10000xi32, #tpu.memory_space<hbm>>
      tpu.enqueue_dma source(%dma_start3A_1555 : memref<10000xi32, #tpu.memory_space<hbm>>) target(%arg6 : memref<10000xi32, #tpu.memory_space<vmem>>) target_semaphore(%run_scoped3A : memref<!tpu.dma_semaphore, #tpu.memory_space<semaphore_mem>>)
      %dma_wait3A_1556 = tpu.memref_slice %arg3[%add3A_8] : memref<640000xi32, #tpu.memory_space<hbm>> -> memref<10000xi32, #tpu.memory_space<hbm>>
      %dma_wait3A_1557 = tpu.memref_slice %arg3[%add3A_8] : memref<640000xi32, #tpu.memory_space<hbm>> -> memref<10000xi32, #tpu.memory_space<hbm>>
      tpu.wait_dma2 semaphore(%run_scoped3A : memref<!tpu.dma_semaphore, #tpu.memory_space<semaphore_mem>>) src(%dma_wait3A_1557 : memref<10000xi32, #tpu.memory_space<hbm>>) dst(%arg6 : memref<10000xi32, #tpu.memory_space<vmem>>)
      tpu.yield
    }) : () -> ()
    "tpu.region"() ({
      %run_scoped3A = tpu.sem_alloc : memref<!tpu.dma_semaphore, #tpu.memory_space<semaphore_mem>>
      %dma_start3A_1554 = tpu.memref_slice %arg3[%mul3A_2] : memref<640000xi32, #tpu.memory_space<hbm>> -> memref<10000xi32, #tpu.memory_space<hbm>>
      %dma_start3A_1555 = tpu.memref_slice %arg3[%mul3A_2] : memref<640000xi32, #tpu.memory_space<hbm>> -> memref<10000xi32, #tpu.memory_space<hbm>>
      tpu.enqueue_dma source(%dma_start3A_1555 : memref<10000xi32, #tpu.memory_space<hbm>>) target(%arg7 : memref<10000xi32, #tpu.memory_space<vmem>>) target_semaphore(%run_scoped3A : memref<!tpu.dma_semaphore, #tpu.memory_space<semaphore_mem>>)
      %dma_wait3A_1556 = tpu.memref_slice %arg3[%mul3A_2] : memref<640000xi32, #tpu.memory_space<hbm>> -> memref<10000xi32, #tpu.memory_space<hbm>>
      %dma_wait3A_1557 = tpu.memref_slice %arg3[%mul3A_2] : memref<640000xi32, #tpu.memory_space<hbm>> -> memref<10000xi32, #tpu.memory_space<hbm>>
      tpu.wait_dma2 semaphore(%run_scoped3A : memref<!tpu.dma_semaphore, #tpu.memory_space<semaphore_mem>>) src(%dma_wait3A_1557 : memref<10000xi32, #tpu.memory_space<hbm>>) dst(%arg7 : memref<10000xi32, #tpu.memory_space<vmem>>)
      tpu.yield
    }) : () -> ()
    %barrier3A = arith.constant 0 : index
    tpu.barrier barrier_id(%barrier3A)
    %dma_start3A = arith.constant 0 : i32
    %dma_start3A_9 = arith.constant 0 : i32
    %dma_start3A_10 = arith.constant 0 : i32
    %dma_start3A_11 = tpu.memref_slice %arg8[%dma_start3A, %dma_start3A_9, %dma_start3A_10] : memref<6x40x128xf32, #tpu.memory_space<vmem>> -> memref<1x40x128xf32, #tpu.memory_space<vmem>>
    %dma_start3A_12 = tpu.memref_squeeze %dma_start3A_11 : memref<1x40x128xf32, #tpu.memory_space<vmem>> -> memref<40x128xf32, #tpu.memory_space<vmem>>
    %dma_start3A_13 = arith.constant 0 : i32
    %dma_start3A_14 = tpu.memref_slice %arg6[%dma_start3A_13] : memref<10000xi32, #tpu.memory_space<vmem>> -> memref<40xi32, #tpu.memory_space<vmem>>
    %dma_start3A_15 = arith.constant 0 : i32
    %dma_start3A_16 = arith.constant 0 : i32
    %dma_start3A_17 = tpu.memref_slice %arg9[%dma_start3A_15, %dma_start3A_16] : memref<10000x128xf32, #tpu.memory_space<vmem_shared>> -> memref<10000x128xf32, #tpu.memory_space<vmem_shared>>
    tpu.enqueue_indirect_dma source(%dma_start3A_17 : memref<10000x128xf32, #tpu.memory_space<vmem_shared>>) target(%dma_start3A_12 : memref<40x128xf32, #tpu.memory_space<vmem>>) offsets(%dma_start3A_14 : memref<40xi32, #tpu.memory_space<vmem>>) semaphore(%arg10 : memref<!tpu.dma_semaphore, #tpu.memory_space<semaphore_mem>>)
    %dma_start3A_18 = arith.constant 1 : i32
    %dma_start3A_19 = arith.constant 0 : i32
    %dma_start3A_20 = arith.constant 0 : i32
    %dma_start3A_21 = tpu.memref_slice %arg8[%dma_start3A_18, %dma_start3A_19, %dma_start3A_20] : memref<6x40x128xf32, #tpu.memory_space<vmem>> -> memref<1x40x128xf32, #tpu.memory_space<vmem>>
    %dma_start3A_22 = tpu.memref_squeeze %dma_start3A_21 : memref<1x40x128xf32, #tpu.memory_space<vmem>> -> memref<40x128xf32, #tpu.memory_space<vmem>>
    %dma_start3A_23 = arith.constant 40 : i32
    %dma_start3A_24 = tpu.memref_slice %arg6[%dma_start3A_23] : memref<10000xi32, #tpu.memory_space<vmem>> -> memref<40xi32, #tpu.memory_space<vmem>>
    %dma_start3A_25 = arith.constant 0 : i32
    %dma_start3A_26 = arith.constant 0 : i32
    %dma_start3A_27 = tpu.memref_slice %arg9[%dma_start3A_25, %dma_start3A_26] : memref<10000x128xf32, #tpu.memory_space<vmem_shared>> -> memref<10000x128xf32, #tpu.memory_space<vmem_shared>>
    tpu.enqueue_indirect_dma source(%dma_start3A_27 : memref<10000x128xf32, #tpu.memory_space<vmem_shared>>) target(%dma_start3A_22 : memref<40x128xf32, #tpu.memory_space<vmem>>) offsets(%dma_start3A_24 : memref<40xi32, #tpu.memory_space<vmem>>) semaphore(%arg10 : memref<!tpu.dma_semaphore, #tpu.memory_space<semaphore_mem>>)
    %dma_start3A_28 = arith.constant 2 : i32
    %dma_start3A_29 = arith.constant 0 : i32
    %dma_start3A_30 = arith.constant 0 : i32
    %dma_start3A_31 = tpu.memref_slice %arg8[%dma_start3A_28, %dma_start3A_29, %dma_start3A_30] : memref<6x40x128xf32, #tpu.memory_space<vmem>> -> memref<1x40x128xf32, #tpu.memory_space<vmem>>
    %dma_start3A_32 = tpu.memref_squeeze %dma_start3A_31 : memref<1x40x128xf32, #tpu.memory_space<vmem>> -> memref<40x128xf32, #tpu.memory_space<vmem>>
    %dma_start3A_33 = arith.constant 80 : i32
    %dma_start3A_34 = tpu.memref_slice %arg6[%dma_start3A_33] : memref<10000xi32, #tpu.memory_space<vmem>> -> memref<40xi32, #tpu.memory_space<vmem>>
    %dma_start3A_35 = arith.constant 0 : i32
    %dma_start3A_36 = arith.constant 0 : i32
    %dma_start3A_37 = tpu.memref_slice %arg9[%dma_start3A_35, %dma_start3A_36] : memref<10000x128xf32, #tpu.memory_space<vmem_shared>> -> memref<10000x128xf32, #tpu.memory_space<vmem_shared>>
    tpu.enqueue_indirect_dma source(%dma_start3A_37 : memref<10000x128xf32, #tpu.memory_space<vmem_shared>>) target(%dma_start3A_32 : memref<40x128xf32, #tpu.memory_space<vmem>>) offsets(%dma_start3A_34 : memref<40xi32, #tpu.memory_space<vmem>>) semaphore(%arg10 : memref<!tpu.dma_semaphore, #tpu.memory_space<semaphore_mem>>)
    %dma_start3A_38 = arith.constant 3 : i32
    %dma_start3A_39 = arith.constant 0 : i32
    %dma_start3A_40 = arith.constant 0 : i32
    %dma_start3A_41 = tpu.memref_slice %arg8[%dma_start3A_38, %dma_start3A_39, %dma_start3A_40] : memref<6x40x128xf32, #tpu.memory_space<vmem>> -> memref<1x40x128xf32, #tpu.memory_space<vmem>>
    %dma_start3A_42 = tpu.memref_squeeze %dma_start3A_41 : memref<1x40x128xf32, #tpu.memory_space<vmem>> -> memref<40x128xf32, #tpu.memory_space<vmem>>
    %dma_start3A_43 = arith.constant 120 : i32
    %dma_start3A_44 = tpu.memref_slice %arg6[%dma_start3A_43] : memref<10000xi32, #tpu.memory_space<vmem>> -> memref<40xi32, #tpu.memory_space<vmem>>
    %dma_start3A_45 = arith.constant 0 : i32
    %dma_start3A_46 = arith.constant 0 : i32
    %dma_start3A_47 = tpu.memref_slice %arg9[%dma_start3A_45, %dma_start3A_46] : memref<10000x128xf32, #tpu.memory_space<vmem_shared>> -> memref<10000x128xf32, #tpu.memory_space<vmem_shared>>
    tpu.enqueue_indirect_dma source(%dma_start3A_47 : memref<10000x128xf32, #tpu.memory_space<vmem_shared>>) target(%dma_start3A_42 : memref<40x128xf32, #tpu.memory_space<vmem>>) offsets(%dma_start3A_44 : memref<40xi32, #tpu.memory_space<vmem>>) semaphore(%arg10 : memref<!tpu.dma_semaphore, #tpu.memory_space<semaphore_mem>>)
    %dma_wait3A = arith.constant 0 : i32
    %dma_wait3A_48 = arith.constant 0 : i32
    %dma_wait3A_49 = arith.constant 0 : i32
    %dma_wait3A_50 = tpu.memref_slice %arg8[%dma_wait3A, %dma_wait3A_48, %dma_wait3A_49] : memref<6x40x128xf32, #tpu.memory_space<vmem>> -> memref<1x40x128xf32, #tpu.memory_space<vmem>>
    %dma_wait3A_51 = tpu.memref_squeeze %dma_wait3A_50 : memref<1x40x128xf32, #tpu.memory_space<vmem>> -> memref<40x128xf32, #tpu.memory_space<vmem>>
    %dma_wait3A_52 = arith.constant 0 : i32
    %dma_wait3A_53 = tpu.memref_slice %arg6[%dma_wait3A_52] : memref<10000xi32, #tpu.memory_space<vmem>> -> memref<40xi32, #tpu.memory_space<vmem>>
    %dma_wait3A_54 = arith.constant 0 : i32
    %dma_wait3A_55 = arith.constant 0 : i32
    %dma_wait3A_56 = tpu.memref_slice %arg9[%dma_wait3A_54, %dma_wait3A_55] : memref<10000x128xf32, #tpu.memory_space<vmem_shared>> -> memref<10000x128xf32, #tpu.memory_space<vmem_shared>>
    tpu.wait_indirect_dma semaphore(%arg10 : memref<!tpu.dma_semaphore, #tpu.memory_space<semaphore_mem>>) src(%dma_wait3A_56 : memref<10000x128xf32, #tpu.memory_space<vmem_shared>>) dst(%dma_wait3A_51 : memref<40x128xf32, #tpu.memory_space<vmem>>)
    %add3A_57 = arith.constant 0 : i32
    %add3A_58 = arith.addi %mul3A_2, %add3A_57 : i32
    %dma_start3A_59 = arith.constant 0 : i32
    %dma_start3A_60 = arith.constant 0 : i32
    %dma_start3A_61 = arith.constant 0 : i32
    %dma_start3A_62 = tpu.memref_slice %arg8[%dma_start3A_59, %dma_start3A_60, %dma_start3A_61] : memref<6x40x128xf32, #tpu.memory_space<vmem>> -> memref<1x40x128xf32, #tpu.memory_space<vmem>>
    %dma_start3A_63 = tpu.memref_squeeze %dma_start3A_62 : memref<1x40x128xf32, #tpu.memory_space<vmem>> -> memref<40x128xf32, #tpu.memory_space<vmem>>
    %dma_start3A_64 = arith.constant 0 : i32
    %dma_start3A_65 = tpu.memref_slice %arg4[%add3A_58, %dma_start3A_64] : memref<320000x128xf32, #tpu.memory_space<hbm>> -> memref<40x128xf32, #tpu.memory_space<hbm>>
    %dma_start3A_66 = arith.constant 0 : i32
    %dma_start3A_67 = tpu.memref_slice %arg4[%add3A_58, %dma_start3A_66] : memref<320000x128xf32, #tpu.memory_space<hbm>> -> memref<40x128xf32, #tpu.memory_space<hbm>>
    %dma_start3A_68 = arith.constant 0 : i32
    %dma_start3A_69 = arith.constant 0 : i32
    %dma_start3A_70 = tpu.memref_slice %arg8[%dma_start3A_59, %dma_start3A_68, %dma_start3A_69] : memref<6x40x128xf32, #tpu.memory_space<vmem>> -> memref<1x40x128xf32, #tpu.memory_space<vmem>>
    %dma_start3A_71 = tpu.memref_squeeze %dma_start3A_70 : memref<1x40x128xf32, #tpu.memory_space<vmem>> -> memref<40x128xf32, #tpu.memory_space<vmem>>
    tpu.enqueue_dma source(%dma_start3A_71 : memref<40x128xf32, #tpu.memory_space<vmem>>) target(%dma_start3A_67 : memref<40x128xf32, #tpu.memory_space<hbm>>) target_semaphore(%arg11 : memref<!tpu.dma_semaphore, #tpu.memory_space<semaphore_mem>>)
    %dma_start3A_72 = arith.constant 4 : i32
    %dma_start3A_73 = arith.constant 0 : i32
    %dma_start3A_74 = arith.constant 0 : i32
    %dma_start3A_75 = tpu.memref_slice %arg8[%dma_start3A_72, %dma_start3A_73, %dma_start3A_74] : memref<6x40x128xf32, #tpu.memory_space<vmem>> -> memref<1x40x128xf32, #tpu.memory_space<vmem>>
    %dma_start3A_76 = tpu.memref_squeeze %dma_start3A_75 : memref<1x40x128xf32, #tpu.memory_space<vmem>> -> memref<40x128xf32, #tpu.memory_space<vmem>>
    %dma_start3A_77 = arith.constant 160 : i32
    %dma_start3A_78 = tpu.memref_slice %arg6[%dma_start3A_77] : memref<10000xi32, #tpu.memory_space<vmem>> -> memref<40xi32, #tpu.memory_space<vmem>>
    %dma_start3A_79 = arith.constant 0 : i32
    %dma_start3A_80 = arith.constant 0 : i32
    %dma_start3A_81 = tpu.memref_slice %arg9[%dma_start3A_79, %dma_start3A_80] : memref<10000x128xf32, #tpu.memory_space<vmem_shared>> -> memref<10000x128xf32, #tpu.memory_space<vmem_shared>>
    tpu.enqueue_indirect_dma source(%dma_start3A_81 : memref<10000x128xf32, #tpu.memory_space<vmem_shared>>) target(%dma_start3A_76 : memref<40x128xf32, #tpu.memory_space<vmem>>) offsets(%dma_start3A_78 : memref<40xi32, #tpu.memory_space<vmem>>) semaphore(%arg10 : memref<!tpu.dma_semaphore, #tpu.memory_space<semaphore_mem>>)
    %dma_wait3A_82 = arith.constant 1 : i32
    %dma_wait3A_83 = arith.constant 0 : i32
    %dma_wait3A_84 = arith.constant 0 : i32
    %dma_wait3A_85 = tpu.memref_slice %arg8[%dma_wait3A_82, %dma_wait3A_83, %dma_wait3A_84] : memref<6x40x128xf32, #tpu.memory_space<vmem>> -> memref<1x40x128xf32, #tpu.memory_space<vmem>>
    %dma_wait3A_86 = tpu.memref_squeeze %dma_wait3A_85 : memref<1x40x128xf32, #tpu.memory_space<vmem>> -> memref<40x128xf32, #tpu.memory_space<vmem>>
    %dma_wait3A_87 = arith.constant 0 : i32
    %dma_wait3A_88 = tpu.memref_slice %arg6[%dma_wait3A_87] : memref<10000xi32, #tpu.memory_space<vmem>> -> memref<40xi32, #tpu.memory_space<vmem>>
    %dma_wait3A_89 = arith.constant 0 : i32
    %dma_wait3A_90 = arith.constant 0 : i32
    %dma_wait3A_91 = tpu.memref_slice %arg9[%dma_wait3A_89, %dma_wait3A_90] : memref<10000x128xf32, #tpu.memory_space<vmem_shared>> -> memref<10000x128xf32, #tpu.memory_space<vmem_shared>>
    tpu.wait_indirect_dma semaphore(%arg10 : memref<!tpu.dma_semaphore, #tpu.memory_space<semaphore_mem>>) src(%dma_wait3A_91 : memref<10000x128xf32, #tpu.memory_space<vmem_shared>>) dst(%dma_wait3A_86 : memref<40x128xf32, #tpu.memory_space<vmem>>)
    %add3A_92 = arith.constant 40 : i32
    %add3A_93 = arith.addi %mul3A_2, %add3A_92 : i32
    %dma_start3A_94 = arith.constant 1 : i32
    %dma_start3A_95 = arith.constant 0 : i32
    %dma_start3A_96 = arith.constant 0 : i32
    %dma_start3A_97 = tpu.memref_slice %arg8[%dma_start3A_94, %dma_start3A_95, %dma_start3A_96] : memref<6x40x128xf32, #tpu.memory_space<vmem>> -> memref<1x40x128xf32, #tpu.memory_space<vmem>>
    %dma_start3A_98 = tpu.memref_squeeze %dma_start3A_97 : memref<1x40x128xf32, #tpu.memory_space<vmem>> -> memref<40x128xf32, #tpu.memory_space<vmem>>
    %dma_start3A_99 = arith.constant 0 : i32
    %dma_start3A_100 = tpu.memref_slice %arg4[%add3A_93, %dma_start3A_99] : memref<320000x128xf32, #tpu.memory_space<hbm>> -> memref<40x128xf32, #tpu.memory_space<hbm>>
    %dma_start3A_101 = arith.constant 0 : i32
    %dma_start3A_102 = tpu.memref_slice %arg4[%add3A_93, %dma_start3A_101] : memref<320000x128xf32, #tpu.memory_space<hbm>> -> memref<40x128xf32, #tpu.memory_space<hbm>>
    %dma_start3A_103 = arith.constant 0 : i32
    %dma_start3A_104 = arith.constant 0 : i32
    %dma_start3A_105 = tpu.memref_slice %arg8[%dma_start3A_94, %dma_start3A_103, %dma_start3A_104] : memref<6x40x128xf32, #tpu.memory_space<vmem>> -> memref<1x40x128xf32, #tpu.memory_space<vmem>>
    %dma_start3A_106 = tpu.memref_squeeze %dma_start3A_105 : memref<1x40x128xf32, #tpu.memory_space<vmem>> -> memref<40x128xf32, #tpu.memory_space<vmem>>
    tpu.enqueue_dma source(%dma_start3A_106 : memref<40x128xf32, #tpu.memory_space<vmem>>) target(%dma_start3A_102 : memref<40x128xf32, #tpu.memory_space<hbm>>) target_semaphore(%arg11 : memref<!tpu.dma_semaphore, #tpu.memory_space<semaphore_mem>>)
    %dma_start3A_107 = arith.constant 5 : i32
    %dma_start3A_108 = arith.constant 0 : i32
    %dma_start3A_109 = arith.constant 0 : i32
    %dma_start3A_110 = tpu.memref_slice %arg8[%dma_start3A_107, %dma_start3A_108, %dma_start3A_109] : memref<6x40x128xf32, #tpu.memory_space<vmem>> -> memref<1x40x128xf32, #tpu.memory_space<vmem>>
    %dma_start3A_111 = tpu.memref_squeeze %dma_start3A_110 : memref<1x40x128xf32, #tpu.memory_space<vmem>> -> memref<40x128xf32, #tpu.memory_space<vmem>>
    %dma_start3A_112 = arith.constant 200 : i32
    %dma_start3A_113 = tpu.memref_slice %arg6[%dma_start3A_112] : memref<10000xi32, #tpu.memory_space<vmem>> -> memref<40xi32, #tpu.memory_space<vmem>>
    %dma_start3A_114 = arith.constant 0 : i32
    %dma_start3A_115 = arith.constant 0 : i32
    %dma_start3A_116 = tpu.memref_slice %arg9[%dma_start3A_114, %dma_start3A_115] : memref<10000x128xf32, #tpu.memory_space<vmem_shared>> -> memref<10000x128xf32, #tpu.memory_space<vmem_shared>>
    tpu.enqueue_indirect_dma source(%dma_start3A_116 : memref<10000x128xf32, #tpu.memory_space<vmem_shared>>) target(%dma_start3A_111 : memref<40x128xf32, #tpu.memory_space<vmem>>) offsets(%dma_start3A_113 : memref<40xi32, #tpu.memory_space<vmem>>) semaphore(%arg10 : memref<!tpu.dma_semaphore, #tpu.memory_space<semaphore_mem>>)
    %dma_wait3A_117 = arith.constant 2 : i32
    %dma_wait3A_118 = arith.constant 0 : i32
    %dma_wait3A_119 = arith.constant 0 : i32
    %dma_wait3A_120 = tpu.memref_slice %arg8[%dma_wait3A_117, %dma_wait3A_118, %dma_wait3A_119] : memref<6x40x128xf32, #tpu.memory_space<vmem>> -> memref<1x40x128xf32, #tpu.memory_space<vmem>>
    %dma_wait3A_121 = tpu.memref_squeeze %dma_wait3A_120 : memref<1x40x128xf32, #tpu.memory_space<vmem>> -> memref<40x128xf32, #tpu.memory_space<vmem>>
    %dma_wait3A_122 = arith.constant 0 : i32
    %dma_wait3A_123 = tpu.memref_slice %arg6[%dma_wait3A_122] : memref<10000xi32, #tpu.memory_space<vmem>> -> memref<40xi32, #tpu.memory_space<vmem>>
    %dma_wait3A_124 = arith.constant 0 : i32
    %dma_wait3A_125 = arith.constant 0 : i32
    %dma_wait3A_126 = tpu.memref_slice %arg9[%dma_wait3A_124, %dma_wait3A_125] : memref<10000x128xf32, #tpu.memory_space<vmem_shared>> -> memref<10000x128xf32, #tpu.memory_space<vmem_shared>>
    tpu.wait_indirect_dma semaphore(%arg10 : memref<!tpu.dma_semaphore, #tpu.memory_space<semaphore_mem>>) src(%dma_wait3A_126 : memref<10000x128xf32, #tpu.memory_space<vmem_shared>>) dst(%dma_wait3A_121 : memref<40x128xf32, #tpu.memory_space<vmem>>)
    %add3A_127 = arith.constant 80 : i32
    %add3A_128 = arith.addi %mul3A_2, %add3A_127 : i32
    %dma_start3A_129 = arith.constant 2 : i32
    %dma_start3A_130 = arith.constant 0 : i32
    %dma_start3A_131 = arith.constant 0 : i32
    %dma_start3A_132 = tpu.memref_slice %arg8[%dma_start3A_129, %dma_start3A_130, %dma_start3A_131] : memref<6x40x128xf32, #tpu.memory_space<vmem>> -> memref<1x40x128xf32, #tpu.memory_space<vmem>>
    %dma_start3A_133 = tpu.memref_squeeze %dma_start3A_132 : memref<1x40x128xf32, #tpu.memory_space<vmem>> -> memref<40x128xf32, #tpu.memory_space<vmem>>
    %dma_start3A_134 = arith.constant 0 : i32
    %dma_start3A_135 = tpu.memref_slice %arg4[%add3A_128, %dma_start3A_134] : memref<320000x128xf32, #tpu.memory_space<hbm>> -> memref<40x128xf32, #tpu.memory_space<hbm>>
    %dma_start3A_136 = arith.constant 0 : i32
    %dma_start3A_137 = tpu.memref_slice %arg4[%add3A_128, %dma_start3A_136] : memref<320000x128xf32, #tpu.memory_space<hbm>> -> memref<40x128xf32, #tpu.memory_space<hbm>>
    %dma_start3A_138 = arith.constant 0 : i32
    %dma_start3A_139 = arith.constant 0 : i32
    %dma_start3A_140 = tpu.memref_slice %arg8[%dma_start3A_129, %dma_start3A_138, %dma_start3A_139] : memref<6x40x128xf32, #tpu.memory_space<vmem>> -> memref<1x40x128xf32, #tpu.memory_space<vmem>>
    %dma_start3A_141 = tpu.memref_squeeze %dma_start3A_140 : memref<1x40x128xf32, #tpu.memory_space<vmem>> -> memref<40x128xf32, #tpu.memory_space<vmem>>
    tpu.enqueue_dma source(%dma_start3A_141 : memref<40x128xf32, #tpu.memory_space<vmem>>) target(%dma_start3A_137 : memref<40x128xf32, #tpu.memory_space<hbm>>) target_semaphore(%arg11 : memref<!tpu.dma_semaphore, #tpu.memory_space<semaphore_mem>>)
    %dma_wait3A_142 = arith.constant 0 : i32
    %dma_wait3A_143 = arith.constant 0 : i32
    %dma_wait3A_144 = arith.constant 0 : i32
    %dma_wait3A_145 = tpu.memref_slice %arg8[%dma_wait3A_142, %dma_wait3A_143, %dma_wait3A_144] : memref<6x40x128xf32, #tpu.memory_space<vmem>> -> memref<1x40x128xf32, #tpu.memory_space<vmem>>
    %dma_wait3A_146 = tpu.memref_squeeze %dma_wait3A_145 : memref<1x40x128xf32, #tpu.memory_space<vmem>> -> memref<40x128xf32, #tpu.memory_space<vmem>>
    %dma_wait3A_147 = arith.constant 0 : i32
    %dma_wait3A_148 = tpu.memref_slice %arg4[%mul3A_2, %dma_wait3A_147] : memref<320000x128xf32, #tpu.memory_space<hbm>> -> memref<40x128xf32, #tpu.memory_space<hbm>>
    %dma_wait3A_149 = arith.constant 0 : i32
    %dma_wait3A_150 = tpu.memref_slice %arg4[%mul3A_2, %dma_wait3A_149] : memref<320000x128xf32, #tpu.memory_space<hbm>> -> memref<40x128xf32, #tpu.memory_space<hbm>>
    %dma_wait3A_151 = arith.constant 0 : i32
    %dma_wait3A_152 = arith.constant 0 : i32
    %dma_wait3A_153 = tpu.memref_slice %arg8[%dma_wait3A_142, %dma_wait3A_151, %dma_wait3A_152] : memref<6x40x128xf32, #tpu.memory_space<vmem>> -> memref<1x40x128xf32, #tpu.memory_space<vmem>>
    %dma_wait3A_154 = tpu.memref_squeeze %dma_wait3A_153 : memref<1x40x128xf32, #tpu.memory_space<vmem>> -> memref<40x128xf32, #tpu.memory_space<vmem>>
    tpu.wait_dma2 semaphore(%arg11 : memref<!tpu.dma_semaphore, #tpu.memory_space<semaphore_mem>>) src(%dma_wait3A_154 : memref<40x128xf32, #tpu.memory_space<vmem>>) dst(%dma_wait3A_150 : memref<40x128xf32, #tpu.memory_space<hbm>>)
    %dma_start3A_155 = arith.constant 0 : i32
    %dma_start3A_156 = arith.constant 0 : i32
    %dma_start3A_157 = arith.constant 0 : i32
    %dma_start3A_158 = tpu.memref_slice %arg8[%dma_start3A_155, %dma_start3A_156, %dma_start3A_157] : memref<6x40x128xf32, #tpu.memory_space<vmem>> -> memref<1x40x128xf32, #tpu.memory_space<vmem>>
    %dma_start3A_159 = tpu.memref_squeeze %dma_start3A_158 : memref<1x40x128xf32, #tpu.memory_space<vmem>> -> memref<40x128xf32, #tpu.memory_space<vmem>>
    %dma_start3A_160 = arith.constant 240 : i32
    %dma_start3A_161 = tpu.memref_slice %arg6[%dma_start3A_160] : memref<10000xi32, #tpu.memory_space<vmem>> -> memref<40xi32, #tpu.memory_space<vmem>>
    %dma_start3A_162 = arith.constant 0 : i32
    %dma_start3A_163 = arith.constant 0 : i32
    %dma_start3A_164 = tpu.memref_slice %arg9[%dma_start3A_162, %dma_start3A_163] : memref<10000x128xf32, #tpu.memory_space<vmem_shared>> -> memref<10000x128xf32, #tpu.memory_space<vmem_shared>>
    tpu.enqueue_indirect_dma source(%dma_start3A_164 : memref<10000x128xf32, #tpu.memory_space<vmem_shared>>) target(%dma_start3A_159 : memref<40x128xf32, #tpu.memory_space<vmem>>) offsets(%dma_start3A_161 : memref<40xi32, #tpu.memory_space<vmem>>) semaphore(%arg10 : memref<!tpu.dma_semaphore, #tpu.memory_space<semaphore_mem>>)
    %dma_wait3A_165 = arith.constant 3 : i32
    %dma_wait3A_166 = arith.constant 0 : i32
    %dma_wait3A_167 = arith.constant 0 : i32
    %dma_wait3A_168 = tpu.memref_slice %arg8[%dma_wait3A_165, %dma_wait3A_166, %dma_wait3A_167] : memref<6x40x128xf32, #tpu.memory_space<vmem>> -> memref<1x40x128xf32, #tpu.memory_space<vmem>>
    %dma_wait3A_169 = tpu.memref_squeeze %dma_wait3A_168 : memref<1x40x128xf32, #tpu.memory_space<vmem>> -> memref<40x128xf32, #tpu.memory_space<vmem>>
    %dma_wait3A_170 = arith.constant 0 : i32
    %dma_wait3A_171 = tpu.memref_slice %arg6[%dma_wait3A_170] : memref<10000xi32, #tpu.memory_space<vmem>> -> memref<40xi32, #tpu.memory_space<vmem>>
    %dma_wait3A_172 = arith.constant 0 : i32
    %dma_wait3A_173 = arith.constant 0 : i32
    %dma_wait3A_174 = tpu.memref_slice %arg9[%dma_wait3A_172, %dma_wait3A_173] : memref<10000x128xf32, #tpu.memory_space<vmem_shared>> -> memref<10000x128xf32, #tpu.memory_space<vmem_shared>>
    tpu.wait_indirect_dma semaphore(%arg10 : memref<!tpu.dma_semaphore, #tpu.memory_space<semaphore_mem>>) src(%dma_wait3A_174 : memref<10000x128xf32, #tpu.memory_space<vmem_shared>>) dst(%dma_wait3A_169 : memref<40x128xf32, #tpu.memory_space<vmem>>)
    %add3A_175 = arith.constant 120 : i32
    %add3A_176 = arith.addi %mul3A_2, %add3A_175 : i32
    %dma_start3A_177 = arith.constant 3 : i32
    %dma_start3A_178 = arith.constant 0 : i32
    %dma_start3A_179 = arith.constant 0 : i32
    %dma_start3A_180 = tpu.memref_slice %arg8[%dma_start3A_177, %dma_start3A_178, %dma_start3A_179] : memref<6x40x128xf32, #tpu.memory_space<vmem>> -> memref<1x40x128xf32, #tpu.memory_space<vmem>>
    %dma_start3A_181 = tpu.memref_squeeze %dma_start3A_180 : memref<1x40x128xf32, #tpu.memory_space<vmem>> -> memref<40x128xf32, #tpu.memory_space<vmem>>
    %dma_start3A_182 = arith.constant 0 : i32
    %dma_start3A_183 = tpu.memref_slice %arg4[%add3A_176, %dma_start3A_182] : memref<320000x128xf32, #tpu.memory_space<hbm>> -> memref<40x128xf32, #tpu.memory_space<hbm>>
    %dma_start3A_184 = arith.constant 0 : i32
    %dma_start3A_185 = tpu.memref_slice %arg4[%add3A_176, %dma_start3A_184] : memref<320000x128xf32, #tpu.memory_space<hbm>> -> memref<40x128xf32, #tpu.memory_space<hbm>>
    %dma_start3A_186 = arith.constant 0 : i32
    %dma_start3A_187 = arith.constant 0 : i32
    %dma_start3A_188 = tpu.memref_slice %arg8[%dma_start3A_177, %dma_start3A_186, %dma_start3A_187] : memref<6x40x128xf32, #tpu.memory_space<vmem>> -> memref<1x40x128xf32, #tpu.memory_space<vmem>>
    %dma_start3A_189 = tpu.memref_squeeze %dma_start3A_188 : memref<1x40x128xf32, #tpu.memory_space<vmem>> -> memref<40x128xf32, #tpu.memory_space<vmem>>
    tpu.enqueue_dma source(%dma_start3A_189 : memref<40x128xf32, #tpu.memory_space<vmem>>) target(%dma_start3A_185 : memref<40x128xf32, #tpu.memory_space<hbm>>) target_semaphore(%arg11 : memref<!tpu.dma_semaphore, #tpu.memory_space<semaphore_mem>>)
    %dma_wait3A_190 = arith.constant 0 : i32
    %dma_wait3A_191 = arith.constant 0 : i32
    %dma_wait3A_192 = arith.constant 0 : i32
    %dma_wait3A_193 = tpu.memref_slice %arg8[%dma_wait3A_190, %dma_wait3A_191, %dma_wait3A_192] : memref<6x40x128xf32, #tpu.memory_space<vmem>> -> memref<1x40x128xf32, #tpu.memory_space<vmem>>
    %dma_wait3A_194 = tpu.memref_squeeze %dma_wait3A_193 : memref<1x40x128xf32, #tpu.memory_space<vmem>> -> memref<40x128xf32, #tpu.memory_space<vmem>>
    %dma_wait3A_195 = arith.constant 0 : i32
    %dma_wait3A_196 = tpu.memref_slice %arg4[%mul3A_2, %dma_wait3A_195] : memref<320000x128xf32, #tpu.memory_space<hbm>> -> memref<40x128xf32, #tpu.memory_space<hbm>>
    %dma_wait3A_197 = arith.constant 0 : i32
    %dma_wait3A_198 = tpu.memref_slice %arg4[%mul3A_2, %dma_wait3A_197] : memref<320000x128xf32, #tpu.memory_space<hbm>> -> memref<40x128xf32, #tpu.memory_space<hbm>>
    %dma_wait3A_199 = arith.constant 0 : i32
    %dma_wait3A_200 = arith.constant 0 : i32
    %dma_wait3A_201 = tpu.memref_slice %arg8[%dma_wait3A_190, %dma_wait3A_199, %dma_wait3A_200] : memref<6x40x128xf32, #tpu.memory_space<vmem>> -> memref<1x40x128xf32, #tpu.memory_space<vmem>>
    %dma_wait3A_202 = tpu.memref_squeeze %dma_wait3A_201 : memref<1x40x128xf32, #tpu.memory_space<vmem>> -> memref<40x128xf32, #tpu.memory_space<vmem>>
    tpu.wait_dma2 semaphore(%arg11 : memref<!tpu.dma_semaphore, #tpu.memory_space<semaphore_mem>>) src(%dma_wait3A_202 : memref<40x128xf32, #tpu.memory_space<vmem>>) dst(%dma_wait3A_198 : memref<40x128xf32, #tpu.memory_space<hbm>>)
    %dma_start3A_203 = arith.constant 1 : i32
    %dma_start3A_204 = arith.constant 0 : i32
    %dma_start3A_205 = arith.constant 0 : i32
    %dma_start3A_206 = tpu.memref_slice %arg8[%dma_start3A_203, %dma_start3A_204, %dma_start3A_205] : memref<6x40x128xf32, #tpu.memory_space<vmem>> -> memref<1x40x128xf32, #tpu.memory_space<vmem>>
    %dma_start3A_207 = tpu.memref_squeeze %dma_start3A_206 : memref<1x40x128xf32, #tpu.memory_space<vmem>> -> memref<40x128xf32, #tpu.memory_space<vmem>>
    %dma_start3A_208 = arith.constant 280 : i32
    %dma_start3A_209 = tpu.memref_slice %arg6[%dma_start3A_208] : memref<10000xi32, #tpu.memory_space<vmem>> -> memref<40xi32, #tpu.memory_space<vmem>>
    %dma_start3A_210 = arith.constant 0 : i32
    %dma_start3A_211 = arith.constant 0 : i32
    %dma_start3A_212 = tpu.memref_slice %arg9[%dma_start3A_210, %dma_start3A_211] : memref<10000x128xf32, #tpu.memory_space<vmem_shared>> -> memref<10000x128xf32, #tpu.memory_space<vmem_shared>>
    tpu.enqueue_indirect_dma source(%dma_start3A_212 : memref<10000x128xf32, #tpu.memory_space<vmem_shared>>) target(%dma_start3A_207 : memref<40x128xf32, #tpu.memory_space<vmem>>) offsets(%dma_start3A_209 : memref<40xi32, #tpu.memory_space<vmem>>) semaphore(%arg10 : memref<!tpu.dma_semaphore, #tpu.memory_space<semaphore_mem>>)
    %dma_wait3A_213 = arith.constant 4 : i32
    %dma_wait3A_214 = arith.constant 0 : i32
    %dma_wait3A_215 = arith.constant 0 : i32
    %dma_wait3A_216 = tpu.memref_slice %arg8[%dma_wait3A_213, %dma_wait3A_214, %dma_wait3A_215] : memref<6x40x128xf32, #tpu.memory_space<vmem>> -> memref<1x40x128xf32, #tpu.memory_space<vmem>>
    %dma_wait3A_217 = tpu.memref_squeeze %dma_wait3A_216 : memref<1x40x128xf32, #tpu.memory_space<vmem>> -> memref<40x128xf32, #tpu.memory_space<vmem>>
    %dma_wait3A_218 = arith.constant 0 : i32
    %dma_wait3A_219 = tpu.memref_slice %arg6[%dma_wait3A_218] : memref<10000xi32, #tpu.memory_space<vmem>> -> memref<40xi32, #tpu.memory_space<vmem>>
    %dma_wait3A_220 = arith.constant 0 : i32
    %dma_wait3A_221 = arith.constant 0 : i32
    %dma_wait3A_222 = tpu.memref_slice %arg9[%dma_wait3A_220, %dma_wait3A_221] : memref<10000x128xf32, #tpu.memory_space<vmem_shared>> -> memref<10000x128xf32, #tpu.memory_space<vmem_shared>>
    tpu.wait_indirect_dma semaphore(%arg10 : memref<!tpu.dma_semaphore, #tpu.memory_space<semaphore_mem>>) src(%dma_wait3A_222 : memref<10000x128xf32, #tpu.memory_space<vmem_shared>>) dst(%dma_wait3A_217 : memref<40x128xf32, #tpu.memory_space<vmem>>)
    %add3A_223 = arith.constant 160 : i32
    %add3A_224 = arith.addi %mul3A_2, %add3A_223 : i32
    %dma_start3A_225 = arith.constant 4 : i32
    %dma_start3A_226 = arith.constant 0 : i32
    %dma_start3A_227 = arith.constant 0 : i32
    %dma_start3A_228 = tpu.memref_slice %arg8[%dma_start3A_225, %dma_start3A_226, %dma_start3A_227] : memref<6x40x128xf32, #tpu.memory_space<vmem>> -> memref<1x40x128xf32, #tpu.memory_space<vmem>>
    %dma_start3A_229 = tpu.memref_squeeze %dma_start3A_228 : memref<1x40x128xf32, #tpu.memory_space<vmem>> -> memref<40x128xf32, #tpu.memory_space<vmem>>
    %dma_start3A_230 = arith.constant 0 : i32
    %dma_start3A_231 = tpu.memref_slice %arg4[%add3A_224, %dma_start3A_230] : memref<320000x128xf32, #tpu.memory_space<hbm>> -> memref<40x128xf32, #tpu.memory_space<hbm>>
    %dma_start3A_232 = arith.constant 0 : i32
    %dma_start3A_233 = tpu.memref_slice %arg4[%add3A_224, %dma_start3A_232] : memref<320000x128xf32, #tpu.memory_space<hbm>> -> memref<40x128xf32, #tpu.memory_space<hbm>>
    %dma_start3A_234 = arith.constant 0 : i32
    %dma_start3A_235 = arith.constant 0 : i32
    %dma_start3A_236 = tpu.memref_slice %arg8[%dma_start3A_225, %dma_start3A_234, %dma_start3A_235] : memref<6x40x128xf32, #tpu.memory_space<vmem>> -> memref<1x40x128xf32, #tpu.memory_space<vmem>>
    %dma_start3A_237 = tpu.memref_squeeze %dma_start3A_236 : memref<1x40x128xf32, #tpu.memory_space<vmem>> -> memref<40x128xf32, #tpu.memory_space<vmem>>
    tpu.enqueue_dma source(%dma_start3A_237 : memref<40x128xf32, #tpu.memory_space<vmem>>) target(%dma_start3A_233 : memref<40x128xf32, #tpu.memory_space<hbm>>) target_semaphore(%arg11 : memref<!tpu.dma_semaphore, #tpu.memory_space<semaphore_mem>>)
    %dma_wait3A_238 = arith.constant 0 : i32
    %dma_wait3A_239 = arith.constant 0 : i32
    %dma_wait3A_240 = arith.constant 0 : i32
    %dma_wait3A_241 = tpu.memref_slice %arg8[%dma_wait3A_238, %dma_wait3A_239, %dma_wait3A_240] : memref<6x40x128xf32, #tpu.memory_space<vmem>> -> memref<1x40x128xf32, #tpu.memory_space<vmem>>
    %dma_wait3A_242 = tpu.memref_squeeze %dma_wait3A_241 : memref<1x40x128xf32, #tpu.memory_space<vmem>> -> memref<40x128xf32, #tpu.memory_space<vmem>>
    %dma_wait3A_243 = arith.constant 0 : i32
    %dma_wait3A_244 = tpu.memref_slice %arg4[%mul3A_2, %dma_wait3A_243] : memref<320000x128xf32, #tpu.memory_space<hbm>> -> memref<40x128xf32, #tpu.memory_space<hbm>>
    %dma_wait3A_245 = arith.constant 0 : i32
    %dma_wait3A_246 = tpu.memref_slice %arg4[%mul3A_2, %dma_wait3A_245] : memref<320000x128xf32, #tpu.memory_space<hbm>> -> memref<40x128xf32, #tpu.memory_space<hbm>>
    %dma_wait3A_247 = arith.constant 0 : i32
    %dma_wait3A_248 = arith.constant 0 : i32
    %dma_wait3A_249 = tpu.memref_slice %arg8[%dma_wait3A_238, %dma_wait3A_247, %dma_wait3A_248] : memref<6x40x128xf32, #tpu.memory_space<vmem>> -> memref<1x40x128xf32, #tpu.memory_space<vmem>>
    %dma_wait3A_250 = tpu.memref_squeeze %dma_wait3A_249 : memref<1x40x128xf32, #tpu.memory_space<vmem>> -> memref<40x128xf32, #tpu.memory_space<vmem>>
    tpu.wait_dma2 semaphore(%arg11 : memref<!tpu.dma_semaphore, #tpu.memory_space<semaphore_mem>>) src(%dma_wait3A_250 : memref<40x128xf32, #tpu.memory_space<vmem>>) dst(%dma_wait3A_246 : memref<40x128xf32, #tpu.memory_space<hbm>>)
    %dma_start3A_251 = arith.constant 2 : i32
    %dma_start3A_252 = arith.constant 0 : i32
    %dma_start3A_253 = arith.constant 0 : i32
    %dma_start3A_254 = tpu.memref_slice %arg8[%dma_start3A_251, %dma_start3A_252, %dma_start3A_253] : memref<6x40x128xf32, #tpu.memory_space<vmem>> -> memref<1x40x128xf32, #tpu.memory_space<vmem>>
    %dma_start3A_255 = tpu.memref_squeeze %dma_start3A_254 : memref<1x40x128xf32, #tpu.memory_space<vmem>> -> memref<40x128xf32, #tpu.memory_space<vmem>>
    %dma_start3A_256 = arith.constant 320 : i32
    %dma_start3A_257 = tpu.memref_slice %arg6[%dma_start3A_256] : memref<10000xi32, #tpu.memory_space<vmem>> -> memref<40xi32, #tpu.memory_space<vmem>>
    %dma_start3A_258 = arith.constant 0 : i32
    %dma_start3A_259 = arith.constant 0 : i32
    %dma_start3A_260 = tpu.memref_slice %arg9[%dma_start3A_258, %dma_start3A_259] : memref<10000x128xf32, #tpu.memory_space<vmem_shared>> -> memref<10000x128xf32, #tpu.memory_space<vmem_shared>>
    tpu.enqueue_indirect_dma source(%dma_start3A_260 : memref<10000x128xf32, #tpu.memory_space<vmem_shared>>) target(%dma_start3A_255 : memref<40x128xf32, #tpu.memory_space<vmem>>) offsets(%dma_start3A_257 : memref<40xi32, #tpu.memory_space<vmem>>) semaphore(%arg10 : memref<!tpu.dma_semaphore, #tpu.memory_space<semaphore_mem>>)
    %dma_wait3A_261 = arith.constant 5 : i32
    %dma_wait3A_262 = arith.constant 0 : i32
    %dma_wait3A_263 = arith.constant 0 : i32
    %dma_wait3A_264 = tpu.memref_slice %arg8[%dma_wait3A_261, %dma_wait3A_262, %dma_wait3A_263] : memref<6x40x128xf32, #tpu.memory_space<vmem>> -> memref<1x40x128xf32, #tpu.memory_space<vmem>>
    %dma_wait3A_265 = tpu.memref_squeeze %dma_wait3A_264 : memref<1x40x128xf32, #tpu.memory_space<vmem>> -> memref<40x128xf32, #tpu.memory_space<vmem>>
    %dma_wait3A_266 = arith.constant 0 : i32
    %dma_wait3A_267 = tpu.memref_slice %arg6[%dma_wait3A_266] : memref<10000xi32, #tpu.memory_space<vmem>> -> memref<40xi32, #tpu.memory_space<vmem>>
    %dma_wait3A_268 = arith.constant 0 : i32
    %dma_wait3A_269 = arith.constant 0 : i32
    %dma_wait3A_270 = tpu.memref_slice %arg9[%dma_wait3A_268, %dma_wait3A_269] : memref<10000x128xf32, #tpu.memory_space<vmem_shared>> -> memref<10000x128xf32, #tpu.memory_space<vmem_shared>>
    tpu.wait_indirect_dma semaphore(%arg10 : memref<!tpu.dma_semaphore, #tpu.memory_space<semaphore_mem>>) src(%dma_wait3A_270 : memref<10000x128xf32, #tpu.memory_space<vmem_shared>>) dst(%dma_wait3A_265 : memref<40x128xf32, #tpu.memory_space<vmem>>)
    %add3A_271 = arith.constant 200 : i32
    %add3A_272 = arith.addi %mul3A_2, %add3A_271 : i32
    %dma_start3A_273 = arith.constant 5 : i32
    %dma_start3A_274 = arith.constant 0 : i32
    %dma_start3A_275 = arith.constant 0 : i32
    %dma_start3A_276 = tpu.memref_slice %arg8[%dma_start3A_273, %dma_start3A_274, %dma_start3A_275] : memref<6x40x128xf32, #tpu.memory_space<vmem>> -> memref<1x40x128xf32, #tpu.memory_space<vmem>>
    %dma_start3A_277 = tpu.memref_squeeze %dma_start3A_276 : memref<1x40x128xf32, #tpu.memory_space<vmem>> -> memref<40x128xf32, #tpu.memory_space<vmem>>
    %dma_start3A_278 = arith.constant 0 : i32
    %dma_start3A_279 = tpu.memref_slice %arg4[%add3A_272, %dma_start3A_278] : memref<320000x128xf32, #tpu.memory_space<hbm>> -> memref<40x128xf32, #tpu.memory_space<hbm>>
    %dma_start3A_280 = arith.constant 0 : i32
    %dma_start3A_281 = tpu.memref_slice %arg4[%add3A_272, %dma_start3A_280] : memref<320000x128xf32, #tpu.memory_space<hbm>> -> memref<40x128xf32, #tpu.memory_space<hbm>>
    %dma_start3A_282 = arith.constant 0 : i32
    %dma_start3A_283 = arith.constant 0 : i32
    %dma_start3A_284 = tpu.memref_slice %arg8[%dma_start3A_273, %dma_start3A_282, %dma_start3A_283] : memref<6x40x128xf32, #tpu.memory_space<vmem>> -> memref<1x40x128xf32, #tpu.memory_space<vmem>>
    %dma_start3A_285 = tpu.memref_squeeze %dma_start3A_284 : memref<1x40x128xf32, #tpu.memory_space<vmem>> -> memref<40x128xf32, #tpu.memory_space<vmem>>
    tpu.enqueue_dma source(%dma_start3A_285 : memref<40x128xf32, #tpu.memory_space<vmem>>) target(%dma_start3A_281 : memref<40x128xf32, #tpu.memory_space<hbm>>) target_semaphore(%arg11 : memref<!tpu.dma_semaphore, #tpu.memory_space<semaphore_mem>>)
    %dma_wait3A_286 = arith.constant 0 : i32
    %dma_wait3A_287 = arith.constant 0 : i32
    %dma_wait3A_288 = arith.constant 0 : i32
    %dma_wait3A_289 = tpu.memref_slice %arg8[%dma_wait3A_286, %dma_wait3A_287, %dma_wait3A_288] : memref<6x40x128xf32, #tpu.memory_space<vmem>> -> memref<1x40x128xf32, #tpu.memory_space<vmem>>
    %dma_wait3A_290 = tpu.memref_squeeze %dma_wait3A_289 : memref<1x40x128xf32, #tpu.memory_space<vmem>> -> memref<40x128xf32, #tpu.memory_space<vmem>>
    %dma_wait3A_291 = arith.constant 0 : i32
    %dma_wait3A_292 = tpu.memref_slice %arg4[%mul3A_2, %dma_wait3A_291] : memref<320000x128xf32, #tpu.memory_space<hbm>> -> memref<40x128xf32, #tpu.memory_space<hbm>>
    %dma_wait3A_293 = arith.constant 0 : i32
    %dma_wait3A_294 = tpu.memref_slice %arg4[%mul3A_2, %dma_wait3A_293] : memref<320000x128xf32, #tpu.memory_space<hbm>> -> memref<40x128xf32, #tpu.memory_space<hbm>>
    %dma_wait3A_295 = arith.constant 0 : i32
    %dma_wait3A_296 = arith.constant 0 : i32
    %dma_wait3A_297 = tpu.memref_slice %arg8[%dma_wait3A_286, %dma_wait3A_295, %dma_wait3A_296] : memref<6x40x128xf32, #tpu.memory_space<vmem>> -> memref<1x40x128xf32, #tpu.memory_space<vmem>>
    %dma_wait3A_298 = tpu.memref_squeeze %dma_wait3A_297 : memref<1x40x128xf32, #tpu.memory_space<vmem>> -> memref<40x128xf32, #tpu.memory_space<vmem>>
    tpu.wait_dma2 semaphore(%arg11 : memref<!tpu.dma_semaphore, #tpu.memory_space<semaphore_mem>>) src(%dma_wait3A_298 : memref<40x128xf32, #tpu.memory_space<vmem>>) dst(%dma_wait3A_294 : memref<40x128xf32, #tpu.memory_space<hbm>>)
    %dma_start3A_299 = arith.constant 3 : i32
    %dma_start3A_300 = arith.constant 0 : i32
    %dma_start3A_301 = arith.constant 0 : i32
    %dma_start3A_302 = tpu.memref_slice %arg8[%dma_start3A_299, %dma_start3A_300, %dma_start3A_301] : memref<6x40x128xf32, #tpu.memory_space<vmem>> -> memref<1x40x128xf32, #tpu.memory_space<vmem>>
    %dma_start3A_303 = tpu.memref_squeeze %dma_start3A_302 : memref<1x40x128xf32, #tpu.memory_space<vmem>> -> memref<40x128xf32, #tpu.memory_space<vmem>>
    %dma_start3A_304 = arith.constant 360 : i32
    %dma_start3A_305 = tpu.memref_slice %arg6[%dma_start3A_304] : memref<10000xi32, #tpu.memory_space<vmem>> -> memref<40xi32, #tpu.memory_space<vmem>>
    %dma_start3A_306 = arith.constant 0 : i32
    %dma_start3A_307 = arith.constant 0 : i32
    %dma_start3A_308 = tpu.memref_slice %arg9[%dma_start3A_306, %dma_start3A_307] : memref<10000x128xf32, #tpu.memory_space<vmem_shared>> -> memref<10000x128xf32, #tpu.memory_space<vmem_shared>>
    tpu.enqueue_indirect_dma source(%dma_start3A_308 : memref<10000x128xf32, #tpu.memory_space<vmem_shared>>) target(%dma_start3A_303 : memref<40x128xf32, #tpu.memory_space<vmem>>) offsets(%dma_start3A_305 : memref<40xi32, #tpu.memory_space<vmem>>) semaphore(%arg10 : memref<!tpu.dma_semaphore, #tpu.memory_space<semaphore_mem>>)
    %dma_wait3A_309 = arith.constant 0 : i32
    %dma_wait3A_310 = arith.constant 0 : i32
    %dma_wait3A_311 = arith.constant 0 : i32
    %dma_wait3A_312 = tpu.memref_slice %arg8[%dma_wait3A_309, %dma_wait3A_310, %dma_wait3A_311] : memref<6x40x128xf32, #tpu.memory_space<vmem>> -> memref<1x40x128xf32, #tpu.memory_space<vmem>>
    %dma_wait3A_313 = tpu.memref_squeeze %dma_wait3A_312 : memref<1x40x128xf32, #tpu.memory_space<vmem>> -> memref<40x128xf32, #tpu.memory_space<vmem>>
    %dma_wait3A_314 = arith.constant 0 : i32
    %dma_wait3A_315 = tpu.memref_slice %arg6[%dma_wait3A_314] : memref<10000xi32, #tpu.memory_space<vmem>> -> memref<40xi32, #tpu.memory_space<vmem>>
    %dma_wait3A_316 = arith.constant 0 : i32
    %dma_wait3A_317 = arith.constant 0 : i32
    %dma_wait3A_318 = tpu.memref_slice %arg9[%dma_wait3A_316, %dma_wait3A_317] : memref<10000x128xf32, #tpu.memory_space<vmem_shared>> -> memref<10000x128xf32, #tpu.memory_space<vmem_shared>>
    tpu.wait_indirect_dma semaphore(%arg10 : memref<!tpu.dma_semaphore, #tpu.memory_space<semaphore_mem>>) src(%dma_wait3A_318 : memref<10000x128xf32, #tpu.memory_space<vmem_shared>>) dst(%dma_wait3A_313 : memref<40x128xf32, #tpu.memory_space<vmem>>)
    %add3A_319 = arith.constant 240 : i32
    %add3A_320 = arith.addi %mul3A_2, %add3A_319 : i32
    %dma_start3A_321 = arith.constant 0 : i32
    %dma_start3A_322 = arith.constant 0 : i32
    %dma_start3A_323 = arith.constant 0 : i32
    %dma_start3A_324 = tpu.memref_slice %arg8[%dma_start3A_321, %dma_start3A_322, %dma_start3A_323] : memref<6x40x128xf32, #tpu.memory_space<vmem>> -> memref<1x40x128xf32, #tpu.memory_space<vmem>>
    %dma_start3A_325 = tpu.memref_squeeze %dma_start3A_324 : memref<1x40x128xf32, #tpu.memory_space<vmem>> -> memref<40x128xf32, #tpu.memory_space<vmem>>
    %dma_start3A_326 = arith.constant 0 : i32
    %dma_start3A_327 = tpu.memref_slice %arg4[%add3A_320, %dma_start3A_326] : memref<320000x128xf32, #tpu.memory_space<hbm>> -> memref<40x128xf32, #tpu.memory_space<hbm>>
    %dma_start3A_328 = arith.constant 0 : i32
    %dma_start3A_329 = tpu.memref_slice %arg4[%add3A_320, %dma_start3A_328] : memref<320000x128xf32, #tpu.memory_space<hbm>> -> memref<40x128xf32, #tpu.memory_space<hbm>>
    %dma_start3A_330 = arith.constant 0 : i32
    %dma_start3A_331 = arith.constant 0 : i32
    %dma_start3A_332 = tpu.memref_slice %arg8[%dma_start3A_321, %dma_start3A_330, %dma_start3A_331] : memref<6x40x128xf32, #tpu.memory_space<vmem>> -> memref<1x40x128xf32, #tpu.memory_space<vmem>>
    %dma_start3A_333 = tpu.memref_squeeze %dma_start3A_332 : memref<1x40x128xf32, #tpu.memory_space<vmem>> -> memref<40x128xf32, #tpu.memory_space<vmem>>
    tpu.enqueue_dma source(%dma_start3A_333 : memref<40x128xf32, #tpu.memory_space<vmem>>) target(%dma_start3A_329 : memref<40x128xf32, #tpu.memory_space<hbm>>) target_semaphore(%arg11 : memref<!tpu.dma_semaphore, #tpu.memory_space<semaphore_mem>>)
    %dma_wait3A_334 = arith.constant 0 : i32
    %dma_wait3A_335 = arith.constant 0 : i32
    %dma_wait3A_336 = arith.constant 0 : i32
    %dma_wait3A_337 = tpu.memref_slice %arg8[%dma_wait3A_334, %dma_wait3A_335, %dma_wait3A_336] : memref<6x40x128xf32, #tpu.memory_space<vmem>> -> memref<1x40x128xf32, #tpu.memory_space<vmem>>
    %dma_wait3A_338 = tpu.memref_squeeze %dma_wait3A_337 : memref<1x40x128xf32, #tpu.memory_space<vmem>> -> memref<40x128xf32, #tpu.memory_space<vmem>>
    %dma_wait3A_339 = arith.constant 0 : i32
    %dma_wait3A_340 = tpu.memref_slice %arg4[%mul3A_2, %dma_wait3A_339] : memref<320000x128xf32, #tpu.memory_space<hbm>> -> memref<40x128xf32, #tpu.memory_space<hbm>>
    %dma_wait3A_341 = arith.constant 0 : i32
    %dma_wait3A_342 = tpu.memref_slice %arg4[%mul3A_2, %dma_wait3A_341] : memref<320000x128xf32, #tpu.memory_space<hbm>> -> memref<40x128xf32, #tpu.memory_space<hbm>>
    %dma_wait3A_343 = arith.constant 0 : i32
    %dma_wait3A_344 = arith.constant 0 : i32
    %dma_wait3A_345 = tpu.memref_slice %arg8[%dma_wait3A_334, %dma_wait3A_343, %dma_wait3A_344] : memref<6x40x128xf32, #tpu.memory_space<vmem>> -> memref<1x40x128xf32, #tpu.memory_space<vmem>>
    %dma_wait3A_346 = tpu.memref_squeeze %dma_wait3A_345 : memref<1x40x128xf32, #tpu.memory_space<vmem>> -> memref<40x128xf32, #tpu.memory_space<vmem>>
    tpu.wait_dma2 semaphore(%arg11 : memref<!tpu.dma_semaphore, #tpu.memory_space<semaphore_mem>>) src(%dma_wait3A_346 : memref<40x128xf32, #tpu.memory_space<vmem>>) dst(%dma_wait3A_342 : memref<40x128xf32, #tpu.memory_space<hbm>>)
    %dma_start3A_347 = arith.constant 4 : i32
    %dma_start3A_348 = arith.constant 0 : i32
    %dma_start3A_349 = arith.constant 0 : i32
    %dma_start3A_350 = tpu.memref_slice %arg8[%dma_start3A_347, %dma_start3A_348, %dma_start3A_349] : memref<6x40x128xf32, #tpu.memory_space<vmem>> -> memref<1x40x128xf32, #tpu.memory_space<vmem>>
    %dma_start3A_351 = tpu.memref_squeeze %dma_start3A_350 : memref<1x40x128xf32, #tpu.memory_space<vmem>> -> memref<40x128xf32, #tpu.memory_space<vmem>>
    %dma_start3A_352 = arith.constant 400 : i32
    %dma_start3A_353 = tpu.memref_slice %arg6[%dma_start3A_352] : memref<10000xi32, #tpu.memory_space<vmem>> -> memref<40xi32, #tpu.memory_space<vmem>>
    %dma_start3A_354 = arith.constant 0 : i32
    %dma_start3A_355 = arith.constant 0 : i32
    %dma_start3A_356 = tpu.memref_slice %arg9[%dma_start3A_354, %dma_start3A_355] : memref<10000x128xf32, #tpu.memory_space<vmem_shared>> -> memref<10000x128xf32, #tpu.memory_space<vmem_shared>>
    tpu.enqueue_indirect_dma source(%dma_start3A_356 : memref<10000x128xf32, #tpu.memory_space<vmem_shared>>) target(%dma_start3A_351 : memref<40x128xf32, #tpu.memory_space<vmem>>) offsets(%dma_start3A_353 : memref<40xi32, #tpu.memory_space<vmem>>) semaphore(%arg10 : memref<!tpu.dma_semaphore, #tpu.memory_space<semaphore_mem>>)
    %dma_wait3A_357 = arith.constant 1 : i32
    %dma_wait3A_358 = arith.constant 0 : i32
    %dma_wait3A_359 = arith.constant 0 : i32
    %dma_wait3A_360 = tpu.memref_slice %arg8[%dma_wait3A_357, %dma_wait3A_358, %dma_wait3A_359] : memref<6x40x128xf32, #tpu.memory_space<vmem>> -> memref<1x40x128xf32, #tpu.memory_space<vmem>>
    %dma_wait3A_361 = tpu.memref_squeeze %dma_wait3A_360 : memref<1x40x128xf32, #tpu.memory_space<vmem>> -> memref<40x128xf32, #tpu.memory_space<vmem>>
    %dma_wait3A_362 = arith.constant 0 : i32
    %dma_wait3A_363 = tpu.memref_slice %arg6[%dma_wait3A_362] : memref<10000xi32, #tpu.memory_space<vmem>> -> memref<40xi32, #tpu.memory_space<vmem>>
    %dma_wait3A_364 = arith.constant 0 : i32
    %dma_wait3A_365 = arith.constant 0 : i32
    %dma_wait3A_366 = tpu.memref_slice %arg9[%dma_wait3A_364, %dma_wait3A_365] : memref<10000x128xf32, #tpu.memory_space<vmem_shared>> -> memref<10000x128xf32, #tpu.memory_space<vmem_shared>>
    tpu.wait_indirect_dma semaphore(%arg10 : memref<!tpu.dma_semaphore, #tpu.memory_space<semaphore_mem>>) src(%dma_wait3A_366 : memref<10000x128xf32, #tpu.memory_space<vmem_shared>>) dst(%dma_wait3A_361 : memref<40x128xf32, #tpu.memory_space<vmem>>)
    %add3A_367 = arith.constant 280 : i32
    %add3A_368 = arith.addi %mul3A_2, %add3A_367 : i32
    %dma_start3A_369 = arith.constant 1 : i32
    %dma_start3A_370 = arith.constant 0 : i32
    %dma_start3A_371 = arith.constant 0 : i32
    %dma_start3A_372 = tpu.memref_slice %arg8[%dma_start3A_369, %dma_start3A_370, %dma_start3A_371] : memref<6x40x128xf32, #tpu.memory_space<vmem>> -> memref<1x40x128xf32, #tpu.memory_space<vmem>>
    %dma_start3A_373 = tpu.memref_squeeze %dma_start3A_372 : memref<1x40x128xf32, #tpu.memory_space<vmem>> -> memref<40x128xf32, #tpu.memory_space<vmem>>
    %dma_start3A_374 = arith.constant 0 : i32
    %dma_start3A_375 = tpu.memref_slice %arg4[%add3A_368, %dma_start3A_374] : memref<320000x128xf32, #tpu.memory_space<hbm>> -> memref<40x128xf32, #tpu.memory_space<hbm>>
    %dma_start3A_376 = arith.constant 0 : i32
    %dma_start3A_377 = tpu.memref_slice %arg4[%add3A_368, %dma_start3A_376] : memref<320000x128xf32, #tpu.memory_space<hbm>> -> memref<40x128xf32, #tpu.memory_space<hbm>>
    %dma_start3A_378 = arith.constant 0 : i32
    %dma_start3A_379 = arith.constant 0 : i32
    %dma_start3A_380 = tpu.memref_slice %arg8[%dma_start3A_369, %dma_start3A_378, %dma_start3A_379] : memref<6x40x128xf32, #tpu.memory_space<vmem>> -> memref<1x40x128xf32, #tpu.memory_space<vmem>>
    %dma_start3A_381 = tpu.memref_squeeze %dma_start3A_380 : memref<1x40x128xf32, #tpu.memory_space<vmem>> -> memref<40x128xf32, #tpu.memory_space<vmem>>
    tpu.enqueue_dma source(%dma_start3A_381 : memref<40x128xf32, #tpu.memory_space<vmem>>) target(%dma_start3A_377 : memref<40x128xf32, #tpu.memory_space<hbm>>) target_semaphore(%arg11 : memref<!tpu.dma_semaphore, #tpu.memory_space<semaphore_mem>>)
    %dma_wait3A_382 = arith.constant 0 : i32
    %dma_wait3A_383 = arith.constant 0 : i32
    %dma_wait3A_384 = arith.constant 0 : i32
    %dma_wait3A_385 = tpu.memref_slice %arg8[%dma_wait3A_382, %dma_wait3A_383, %dma_wait3A_384] : memref<6x40x128xf32, #tpu.memory_space<vmem>> -> memref<1x40x128xf32, #tpu.memory_space<vmem>>
    %dma_wait3A_386 = tpu.memref_squeeze %dma_wait3A_385 : memref<1x40x128xf32, #tpu.memory_space<vmem>> -> memref<40x128xf32, #tpu.memory_space<vmem>>
    %dma_wait3A_387 = arith.constant 0 : i32
    %dma_wait3A_388 = tpu.memref_slice %arg4[%mul3A_2, %dma_wait3A_387] : memref<320000x128xf32, #tpu.memory_space<hbm>> -> memref<40x128xf32, #tpu.memory_space<hbm>>
    %dma_wait3A_389 = arith.constant 0 : i32
    %dma_wait3A_390 = tpu.memref_slice %arg4[%mul3A_2, %dma_wait3A_389] : memref<320000x128xf32, #tpu.memory_space<hbm>> -> memref<40x128xf32, #tpu.memory_space<hbm>>
    %dma_wait3A_391 = arith.constant 0 : i32
    %dma_wait3A_392 = arith.constant 0 : i32
    %dma_wait3A_393 = tpu.memref_slice %arg8[%dma_wait3A_382, %dma_wait3A_391, %dma_wait3A_392] : memref<6x40x128xf32, #tpu.memory_space<vmem>> -> memref<1x40x128xf32, #tpu.memory_space<vmem>>
    %dma_wait3A_394 = tpu.memref_squeeze %dma_wait3A_393 : memref<1x40x128xf32, #tpu.memory_space<vmem>> -> memref<40x128xf32, #tpu.memory_space<vmem>>
    tpu.wait_dma2 semaphore(%arg11 : memref<!tpu.dma_semaphore, #tpu.memory_space<semaphore_mem>>) src(%dma_wait3A_394 : memref<40x128xf32, #tpu.memory_space<vmem>>) dst(%dma_wait3A_390 : memref<40x128xf32, #tpu.memory_space<hbm>>)
    %dma_start3A_395 = arith.constant 5 : i32
    %dma_start3A_396 = arith.constant 0 : i32
    %dma_start3A_397 = arith.constant 0 : i32
    %dma_start3A_398 = tpu.memref_slice %arg8[%dma_start3A_395, %dma_start3A_396, %dma_start3A_397] : memref<6x40x128xf32, #tpu.memory_space<vmem>> -> memref<1x40x128xf32, #tpu.memory_space<vmem>>
    %dma_start3A_399 = tpu.memref_squeeze %dma_start3A_398 : memref<1x40x128xf32, #tpu.memory_space<vmem>> -> memref<40x128xf32, #tpu.memory_space<vmem>>
    %dma_start3A_400 = arith.constant 440 : i32
    %dma_start3A_401 = tpu.memref_slice %arg6[%dma_start3A_400] : memref<10000xi32, #tpu.memory_space<vmem>> -> memref<40xi32, #tpu.memory_space<vmem>>
    %dma_start3A_402 = arith.constant 0 : i32
    %dma_start3A_403 = arith.constant 0 : i32
    %dma_start3A_404 = tpu.memref_slice %arg9[%dma_start3A_402, %dma_start3A_403] : memref<10000x128xf32, #tpu.memory_space<vmem_shared>> -> memref<10000x128xf32, #tpu.memory_space<vmem_shared>>
    tpu.enqueue_indirect_dma source(%dma_start3A_404 : memref<10000x128xf32, #tpu.memory_space<vmem_shared>>) target(%dma_start3A_399 : memref<40x128xf32, #tpu.memory_space<vmem>>) offsets(%dma_start3A_401 : memref<40xi32, #tpu.memory_space<vmem>>) semaphore(%arg10 : memref<!tpu.dma_semaphore, #tpu.memory_space<semaphore_mem>>)
    %dma_wait3A_405 = arith.constant 2 : i32
    %dma_wait3A_406 = arith.constant 0 : i32
    %dma_wait3A_407 = arith.constant 0 : i32
    %dma_wait3A_408 = tpu.memref_slice %arg8[%dma_wait3A_405, %dma_wait3A_406, %dma_wait3A_407] : memref<6x40x128xf32, #tpu.memory_space<vmem>> -> memref<1x40x128xf32, #tpu.memory_space<vmem>>
    %dma_wait3A_409 = tpu.memref_squeeze %dma_wait3A_408 : memref<1x40x128xf32, #tpu.memory_space<vmem>> -> memref<40x128xf32, #tpu.memory_space<vmem>>
    %dma_wait3A_410 = arith.constant 0 : i32
    %dma_wait3A_411 = tpu.memref_slice %arg6[%dma_wait3A_410] : memref<10000xi32, #tpu.memory_space<vmem>> -> memref<40xi32, #tpu.memory_space<vmem>>
    %dma_wait3A_412 = arith.constant 0 : i32
    %dma_wait3A_413 = arith.constant 0 : i32
    %dma_wait3A_414 = tpu.memref_slice %arg9[%dma_wait3A_412, %dma_wait3A_413] : memref<10000x128xf32, #tpu.memory_space<vmem_shared>> -> memref<10000x128xf32, #tpu.memory_space<vmem_shared>>
    tpu.wait_indirect_dma semaphore(%arg10 : memref<!tpu.dma_semaphore, #tpu.memory_space<semaphore_mem>>) src(%dma_wait3A_414 : memref<10000x128xf32, #tpu.memory_space<vmem_shared>>) dst(%dma_wait3A_409 : memref<40x128xf32, #tpu.memory_space<vmem>>)
    %add3A_415 = arith.constant 320 : i32
    %add3A_416 = arith.addi %mul3A_2, %add3A_415 : i32
    %dma_start3A_417 = arith.constant 2 : i32
    %dma_start3A_418 = arith.constant 0 : i32
    %dma_start3A_419 = arith.constant 0 : i32
    %dma_start3A_420 = tpu.memref_slice %arg8[%dma_start3A_417, %dma_start3A_418, %dma_start3A_419] : memref<6x40x128xf32, #tpu.memory_space<vmem>> -> memref<1x40x128xf32, #tpu.memory_space<vmem>>
    %dma_start3A_421 = tpu.memref_squeeze %dma_start3A_420 : memref<1x40x128xf32, #tpu.memory_space<vmem>> -> memref<40x128xf32, #tpu.memory_space<vmem>>
    %dma_start3A_422 = arith.constant 0 : i32
    %dma_start3A_423 = tpu.memref_slice %arg4[%add3A_416, %dma_start3A_422] : memref<320000x128xf32, #tpu.memory_space<hbm>> -> memref<40x128xf32, #tpu.memory_space<hbm>>
    %dma_start3A_424 = arith.constant 0 : i32
    %dma_start3A_425 = tpu.memref_slice %arg4[%add3A_416, %dma_start3A_424] : memref<320000x128xf32, #tpu.memory_space<hbm>> -> memref<40x128xf32, #tpu.memory_space<hbm>>
    %dma_start3A_426 = arith.constant 0 : i32
    %dma_start3A_427 = arith.constant 0 : i32
    %dma_start3A_428 = tpu.memref_slice %arg8[%dma_start3A_417, %dma_start3A_426, %dma_start3A_427] : memref<6x40x128xf32, #tpu.memory_space<vmem>> -> memref<1x40x128xf32, #tpu.memory_space<vmem>>
    %dma_start3A_429 = tpu.memref_squeeze %dma_start3A_428 : memref<1x40x128xf32, #tpu.memory_space<vmem>> -> memref<40x128xf32, #tpu.memory_space<vmem>>
    tpu.enqueue_dma source(%dma_start3A_429 : memref<40x128xf32, #tpu.memory_space<vmem>>) target(%dma_start3A_425 : memref<40x128xf32, #tpu.memory_space<hbm>>) target_semaphore(%arg11 : memref<!tpu.dma_semaphore, #tpu.memory_space<semaphore_mem>>)
    %dma_wait3A_430 = arith.constant 0 : i32
    %dma_wait3A_431 = arith.constant 0 : i32
    %dma_wait3A_432 = arith.constant 0 : i32
    %dma_wait3A_433 = tpu.memref_slice %arg8[%dma_wait3A_430, %dma_wait3A_431, %dma_wait3A_432] : memref<6x40x128xf32, #tpu.memory_space<vmem>> -> memref<1x40x128xf32, #tpu.memory_space<vmem>>
    %dma_wait3A_434 = tpu.memref_squeeze %dma_wait3A_433 : memref<1x40x128xf32, #tpu.memory_space<vmem>> -> memref<40x128xf32, #tpu.memory_space<vmem>>
    %dma_wait3A_435 = arith.constant 0 : i32
    %dma_wait3A_436 = tpu.memref_slice %arg4[%mul3A_2, %dma_wait3A_435] : memref<320000x128xf32, #tpu.memory_space<hbm>> -> memref<40x128xf32, #tpu.memory_space<hbm>>
    %dma_wait3A_437 = arith.constant 0 : i32
    %dma_wait3A_438 = tpu.memref_slice %arg4[%mul3A_2, %dma_wait3A_437] : memref<320000x128xf32, #tpu.memory_space<hbm>> -> memref<40x128xf32, #tpu.memory_space<hbm>>
    %dma_wait3A_439 = arith.constant 0 : i32
    %dma_wait3A_440 = arith.constant 0 : i32
    %dma_wait3A_441 = tpu.memref_slice %arg8[%dma_wait3A_430, %dma_wait3A_439, %dma_wait3A_440] : memref<6x40x128xf32, #tpu.memory_space<vmem>> -> memref<1x40x128xf32, #tpu.memory_space<vmem>>
    %dma_wait3A_442 = tpu.memref_squeeze %dma_wait3A_441 : memref<1x40x128xf32, #tpu.memory_space<vmem>> -> memref<40x128xf32, #tpu.memory_space<vmem>>
    tpu.wait_dma2 semaphore(%arg11 : memref<!tpu.dma_semaphore, #tpu.memory_space<semaphore_mem>>) src(%dma_wait3A_442 : memref<40x128xf32, #tpu.memory_space<vmem>>) dst(%dma_wait3A_438 : memref<40x128xf32, #tpu.memory_space<hbm>>)
    %dma_start3A_443 = arith.constant 0 : i32
    %dma_start3A_444 = arith.constant 0 : i32
    %dma_start3A_445 = arith.constant 0 : i32
    %dma_start3A_446 = tpu.memref_slice %arg8[%dma_start3A_443, %dma_start3A_444, %dma_start3A_445] : memref<6x40x128xf32, #tpu.memory_space<vmem>> -> memref<1x40x128xf32, #tpu.memory_space<vmem>>
    %dma_start3A_447 = tpu.memref_squeeze %dma_start3A_446 : memref<1x40x128xf32, #tpu.memory_space<vmem>> -> memref<40x128xf32, #tpu.memory_space<vmem>>
    %dma_start3A_448 = arith.constant 480 : i32
    %dma_start3A_449 = tpu.memref_slice %arg6[%dma_start3A_448] : memref<10000xi32, #tpu.memory_space<vmem>> -> memref<40xi32, #tpu.memory_space<vmem>>
    %dma_start3A_450 = arith.constant 0 : i32
    %dma_start3A_451 = arith.constant 0 : i32
    %dma_start3A_452 = tpu.memref_slice %arg9[%dma_start3A_450, %dma_start3A_451] : memref<10000x128xf32, #tpu.memory_space<vmem_shared>> -> memref<10000x128xf32, #tpu.memory_space<vmem_shared>>
    tpu.enqueue_indirect_dma source(%dma_start3A_452 : memref<10000x128xf32, #tpu.memory_space<vmem_shared>>) target(%dma_start3A_447 : memref<40x128xf32, #tpu.memory_space<vmem>>) offsets(%dma_start3A_449 : memref<40xi32, #tpu.memory_space<vmem>>) semaphore(%arg10 : memref<!tpu.dma_semaphore, #tpu.memory_space<semaphore_mem>>)
    %dma_wait3A_453 = arith.constant 3 : i32
    %dma_wait3A_454 = arith.constant 0 : i32
    %dma_wait3A_455 = arith.constant 0 : i32
    %dma_wait3A_456 = tpu.memref_slice %arg8[%dma_wait3A_453, %dma_wait3A_454, %dma_wait3A_455] : memref<6x40x128xf32, #tpu.memory_space<vmem>> -> memref<1x40x128xf32, #tpu.memory_space<vmem>>
    %dma_wait3A_457 = tpu.memref_squeeze %dma_wait3A_456 : memref<1x40x128xf32, #tpu.memory_space<vmem>> -> memref<40x128xf32, #tpu.memory_space<vmem>>
    %dma_wait3A_458 = arith.constant 0 : i32
    %dma_wait3A_459 = tpu.memref_slice %arg6[%dma_wait3A_458] : memref<10000xi32, #tpu.memory_space<vmem>> -> memref<40xi32, #tpu.memory_space<vmem>>
    %dma_wait3A_460 = arith.constant 0 : i32
    %dma_wait3A_461 = arith.constant 0 : i32
    %dma_wait3A_462 = tpu.memref_slice %arg9[%dma_wait3A_460, %dma_wait3A_461] : memref<10000x128xf32, #tpu.memory_space<vmem_shared>> -> memref<10000x128xf32, #tpu.memory_space<vmem_shared>>
    tpu.wait_indirect_dma semaphore(%arg10 : memref<!tpu.dma_semaphore, #tpu.memory_space<semaphore_mem>>) src(%dma_wait3A_462 : memref<10000x128xf32, #tpu.memory_space<vmem_shared>>) dst(%dma_wait3A_457 : memref<40x128xf32, #tpu.memory_space<vmem>>)
    %add3A_463 = arith.constant 360 : i32
    %add3A_464 = arith.addi %mul3A_2, %add3A_463 : i32
    %dma_start3A_465 = arith.constant 3 : i32
    %dma_start3A_466 = arith.constant 0 : i32
    %dma_start3A_467 = arith.constant 0 : i32
    %dma_start3A_468 = tpu.memref_slice %arg8[%dma_start3A_465, %dma_start3A_466, %dma_start3A_467] : memref<6x40x128xf32, #tpu.memory_space<vmem>> -> memref<1x40x128xf32, #tpu.memory_space<vmem>>
    %dma_start3A_469 = tpu.memref_squeeze %dma_start3A_468 : memref<1x40x128xf32, #tpu.memory_space<vmem>> -> memref<40x128xf32, #tpu.memory_space<vmem>>
    %dma_start3A_470 = arith.constant 0 : i32
    %dma_start3A_471 = tpu.memref_slice %arg4[%add3A_464, %dma_start3A_470] : memref<320000x128xf32, #tpu.memory_space<hbm>> -> memref<40x128xf32, #tpu.memory_space<hbm>>
    %dma_start3A_472 = arith.constant 0 : i32
    %dma_start3A_473 = tpu.memref_slice %arg4[%add3A_464, %dma_start3A_472] : memref<320000x128xf32, #tpu.memory_space<hbm>> -> memref<40x128xf32, #tpu.memory_space<hbm>>
    %dma_start3A_474 = arith.constant 0 : i32
    %dma_start3A_475 = arith.constant 0 : i32
    %dma_start3A_476 = tpu.memref_slice %arg8[%dma_start3A_465, %dma_start3A_474, %dma_start3A_475] : memref<6x40x128xf32, #tpu.memory_space<vmem>> -> memref<1x40x128xf32, #tpu.memory_space<vmem>>
    %dma_start3A_477 = tpu.memref_squeeze %dma_start3A_476 : memref<1x40x128xf32, #tpu.memory_space<vmem>> -> memref<40x128xf32, #tpu.memory_space<vmem>>
    tpu.enqueue_dma source(%dma_start3A_477 : memref<40x128xf32, #tpu.memory_space<vmem>>) target(%dma_start3A_473 : memref<40x128xf32, #tpu.memory_space<hbm>>) target_semaphore(%arg11 : memref<!tpu.dma_semaphore, #tpu.memory_space<semaphore_mem>>)
    %dma_wait3A_478 = arith.constant 0 : i32
    %dma_wait3A_479 = arith.constant 0 : i32
    %dma_wait3A_480 = arith.constant 0 : i32
    %dma_wait3A_481 = tpu.memref_slice %arg8[%dma_wait3A_478, %dma_wait3A_479, %dma_wait3A_480] : memref<6x40x128xf32, #tpu.memory_space<vmem>> -> memref<1x40x128xf32, #tpu.memory_space<vmem>>
    %dma_wait3A_482 = tpu.memref_squeeze %dma_wait3A_481 : memref<1x40x128xf32, #tpu.memory_space<vmem>> -> memref<40x128xf32, #tpu.memory_space<vmem>>
    %dma_wait3A_483 = arith.constant 0 : i32
    %dma_wait3A_484 = tpu.memref_slice %arg4[%mul3A_2, %dma_wait3A_483] : memref<320000x128xf32, #tpu.memory_space<hbm>> -> memref<40x128xf32, #tpu.memory_space<hbm>>
    %dma_wait3A_485 = arith.constant 0 : i32
    %dma_wait3A_486 = tpu.memref_slice %arg4[%mul3A_2, %dma_wait3A_485] : memref<320000x128xf32, #tpu.memory_space<hbm>> -> memref<40x128xf32, #tpu.memory_space<hbm>>
    %dma_wait3A_487 = arith.constant 0 : i32
    %dma_wait3A_488 = arith.constant 0 : i32
    %dma_wait3A_489 = tpu.memref_slice %arg8[%dma_wait3A_478, %dma_wait3A_487, %dma_wait3A_488] : memref<6x40x128xf32, #tpu.memory_space<vmem>> -> memref<1x40x128xf32, #tpu.memory_space<vmem>>
    %dma_wait3A_490 = tpu.memref_squeeze %dma_wait3A_489 : memref<1x40x128xf32, #tpu.memory_space<vmem>> -> memref<40x128xf32, #tpu.memory_space<vmem>>
    tpu.wait_dma2 semaphore(%arg11 : memref<!tpu.dma_semaphore, #tpu.memory_space<semaphore_mem>>) src(%dma_wait3A_490 : memref<40x128xf32, #tpu.memory_space<vmem>>) dst(%dma_wait3A_486 : memref<40x128xf32, #tpu.memory_space<hbm>>)
    %dma_start3A_491 = arith.constant 1 : i32
    %dma_start3A_492 = arith.constant 0 : i32
    %dma_start3A_493 = arith.constant 0 : i32
    %dma_start3A_494 = tpu.memref_slice %arg8[%dma_start3A_491, %dma_start3A_492, %dma_start3A_493] : memref<6x40x128xf32, #tpu.memory_space<vmem>> -> memref<1x40x128xf32, #tpu.memory_space<vmem>>
    %dma_start3A_495 = tpu.memref_squeeze %dma_start3A_494 : memref<1x40x128xf32, #tpu.memory_space<vmem>> -> memref<40x128xf32, #tpu.memory_space<vmem>>
    %dma_start3A_496 = arith.constant 520 : i32
    %dma_start3A_497 = tpu.memref_slice %arg6[%dma_start3A_496] : memref<10000xi32, #tpu.memory_space<vmem>> -> memref<40xi32, #tpu.memory_space<vmem>>
    %dma_start3A_498 = arith.constant 0 : i32
    %dma_start3A_499 = arith.constant 0 : i32
    %dma_start3A_500 = tpu.memref_slice %arg9[%dma_start3A_498, %dma_start3A_499] : memref<10000x128xf32, #tpu.memory_space<vmem_shared>> -> memref<10000x128xf32, #tpu.memory_space<vmem_shared>>
    tpu.enqueue_indirect_dma source(%dma_start3A_500 : memref<10000x128xf32, #tpu.memory_space<vmem_shared>>) target(%dma_start3A_495 : memref<40x128xf32, #tpu.memory_space<vmem>>) offsets(%dma_start3A_497 : memref<40xi32, #tpu.memory_space<vmem>>) semaphore(%arg10 : memref<!tpu.dma_semaphore, #tpu.memory_space<semaphore_mem>>)
    %dma_wait3A_501 = arith.constant 4 : i32
    %dma_wait3A_502 = arith.constant 0 : i32
    %dma_wait3A_503 = arith.constant 0 : i32
    %dma_wait3A_504 = tpu.memref_slice %arg8[%dma_wait3A_501, %dma_wait3A_502, %dma_wait3A_503] : memref<6x40x128xf32, #tpu.memory_space<vmem>> -> memref<1x40x128xf32, #tpu.memory_space<vmem>>
    %dma_wait3A_505 = tpu.memref_squeeze %dma_wait3A_504 : memref<1x40x128xf32, #tpu.memory_space<vmem>> -> memref<40x128xf32, #tpu.memory_space<vmem>>
    %dma_wait3A_506 = arith.constant 0 : i32
    %dma_wait3A_507 = tpu.memref_slice %arg6[%dma_wait3A_506] : memref<10000xi32, #tpu.memory_space<vmem>> -> memref<40xi32, #tpu.memory_space<vmem>>
    %dma_wait3A_508 = arith.constant 0 : i32
    %dma_wait3A_509 = arith.constant 0 : i32
    %dma_wait3A_510 = tpu.memref_slice %arg9[%dma_wait3A_508, %dma_wait3A_509] : memref<10000x128xf32, #tpu.memory_space<vmem_shared>> -> memref<10000x128xf32, #tpu.memory_space<vmem_shared>>
    tpu.wait_indirect_dma semaphore(%arg10 : memref<!tpu.dma_semaphore, #tpu.memory_space<semaphore_mem>>) src(%dma_wait3A_510 : memref<10000x128xf32, #tpu.memory_space<vmem_shared>>) dst(%dma_wait3A_505 : memref<40x128xf32, #tpu.memory_space<vmem>>)
    %add3A_511 = arith.constant 400 : i32
    %add3A_512 = arith.addi %mul3A_2, %add3A_511 : i32
    %dma_start3A_513 = arith.constant 4 : i32
    %dma_start3A_514 = arith.constant 0 : i32
    %dma_start3A_515 = arith.constant 0 : i32
    %dma_start3A_516 = tpu.memref_slice %arg8[%dma_start3A_513, %dma_start3A_514, %dma_start3A_515] : memref<6x40x128xf32, #tpu.memory_space<vmem>> -> memref<1x40x128xf32, #tpu.memory_space<vmem>>
    %dma_start3A_517 = tpu.memref_squeeze %dma_start3A_516 : memref<1x40x128xf32, #tpu.memory_space<vmem>> -> memref<40x128xf32, #tpu.memory_space<vmem>>
    %dma_start3A_518 = arith.constant 0 : i32
    %dma_start3A_519 = tpu.memref_slice %arg4[%add3A_512, %dma_start3A_518] : memref<320000x128xf32, #tpu.memory_space<hbm>> -> memref<40x128xf32, #tpu.memory_space<hbm>>
    %dma_start3A_520 = arith.constant 0 : i32
    %dma_start3A_521 = tpu.memref_slice %arg4[%add3A_512, %dma_start3A_520] : memref<320000x128xf32, #tpu.memory_space<hbm>> -> memref<40x128xf32, #tpu.memory_space<hbm>>
    %dma_start3A_522 = arith.constant 0 : i32
    %dma_start3A_523 = arith.constant 0 : i32
    %dma_start3A_524 = tpu.memref_slice %arg8[%dma_start3A_513, %dma_start3A_522, %dma_start3A_523] : memref<6x40x128xf32, #tpu.memory_space<vmem>> -> memref<1x40x128xf32, #tpu.memory_space<vmem>>
    %dma_start3A_525 = tpu.memref_squeeze %dma_start3A_524 : memref<1x40x128xf32, #tpu.memory_space<vmem>> -> memref<40x128xf32, #tpu.memory_space<vmem>>
    tpu.enqueue_dma source(%dma_start3A_525 : memref<40x128xf32, #tpu.memory_space<vmem>>) target(%dma_start3A_521 : memref<40x128xf32, #tpu.memory_space<hbm>>) target_semaphore(%arg11 : memref<!tpu.dma_semaphore, #tpu.memory_space<semaphore_mem>>)
    %dma_wait3A_526 = arith.constant 0 : i32
    %dma_wait3A_527 = arith.constant 0 : i32
    %dma_wait3A_528 = arith.constant 0 : i32
    %dma_wait3A_529 = tpu.memref_slice %arg8[%dma_wait3A_526, %dma_wait3A_527, %dma_wait3A_528] : memref<6x40x128xf32, #tpu.memory_space<vmem>> -> memref<1x40x128xf32, #tpu.memory_space<vmem>>
    %dma_wait3A_530 = tpu.memref_squeeze %dma_wait3A_529 : memref<1x40x128xf32, #tpu.memory_space<vmem>> -> memref<40x128xf32, #tpu.memory_space<vmem>>
    %dma_wait3A_531 = arith.constant 0 : i32
    %dma_wait3A_532 = tpu.memref_slice %arg4[%mul3A_2, %dma_wait3A_531] : memref<320000x128xf32, #tpu.memory_space<hbm>> -> memref<40x128xf32, #tpu.memory_space<hbm>>
    %dma_wait3A_533 = arith.constant 0 : i32
    %dma_wait3A_534 = tpu.memref_slice %arg4[%mul3A_2, %dma_wait3A_533] : memref<320000x128xf32, #tpu.memory_space<hbm>> -> memref<40x128xf32, #tpu.memory_space<hbm>>
    %dma_wait3A_535 = arith.constant 0 : i32
    %dma_wait3A_536 = arith.constant 0 : i32
    %dma_wait3A_537 = tpu.memref_slice %arg8[%dma_wait3A_526, %dma_wait3A_535, %dma_wait3A_536] : memref<6x40x128xf32, #tpu.memory_space<vmem>> -> memref<1x40x128xf32, #tpu.memory_space<vmem>>
    %dma_wait3A_538 = tpu.memref_squeeze %dma_wait3A_537 : memref<1x40x128xf32, #tpu.memory_space<vmem>> -> memref<40x128xf32, #tpu.memory_space<vmem>>
    tpu.wait_dma2 semaphore(%arg11 : memref<!tpu.dma_semaphore, #tpu.memory_space<semaphore_mem>>) src(%dma_wait3A_538 : memref<40x128xf32, #tpu.memory_space<vmem>>) dst(%dma_wait3A_534 : memref<40x128xf32, #tpu.memory_space<hbm>>)
    %dma_start3A_539 = arith.constant 2 : i32
    %dma_start3A_540 = arith.constant 0 : i32
    %dma_start3A_541 = arith.constant 0 : i32
    %dma_start3A_542 = tpu.memref_slice %arg8[%dma_start3A_539, %dma_start3A_540, %dma_start3A_541] : memref<6x40x128xf32, #tpu.memory_space<vmem>> -> memref<1x40x128xf32, #tpu.memory_space<vmem>>
    %dma_start3A_543 = tpu.memref_squeeze %dma_start3A_542 : memref<1x40x128xf32, #tpu.memory_space<vmem>> -> memref<40x128xf32, #tpu.memory_space<vmem>>
    %dma_start3A_544 = arith.constant 560 : i32
    %dma_start3A_545 = tpu.memref_slice %arg6[%dma_start3A_544] : memref<10000xi32, #tpu.memory_space<vmem>> -> memref<40xi32, #tpu.memory_space<vmem>>
    %dma_start3A_546 = arith.constant 0 : i32
    %dma_start3A_547 = arith.constant 0 : i32
    %dma_start3A_548 = tpu.memref_slice %arg9[%dma_start3A_546, %dma_start3A_547] : memref<10000x128xf32, #tpu.memory_space<vmem_shared>> -> memref<10000x128xf32, #tpu.memory_space<vmem_shared>>
    tpu.enqueue_indirect_dma source(%dma_start3A_548 : memref<10000x128xf32, #tpu.memory_space<vmem_shared>>) target(%dma_start3A_543 : memref<40x128xf32, #tpu.memory_space<vmem>>) offsets(%dma_start3A_545 : memref<40xi32, #tpu.memory_space<vmem>>) semaphore(%arg10 : memref<!tpu.dma_semaphore, #tpu.memory_space<semaphore_mem>>)
    %dma_wait3A_549 = arith.constant 5 : i32
    %dma_wait3A_550 = arith.constant 0 : i32
    %dma_wait3A_551 = arith.constant 0 : i32
    %dma_wait3A_552 = tpu.memref_slice %arg8[%dma_wait3A_549, %dma_wait3A_550, %dma_wait3A_551] : memref<6x40x128xf32, #tpu.memory_space<vmem>> -> memref<1x40x128xf32, #tpu.memory_space<vmem>>
    %dma_wait3A_553 = tpu.memref_squeeze %dma_wait3A_552 : memref<1x40x128xf32, #tpu.memory_space<vmem>> -> memref<40x128xf32, #tpu.memory_space<vmem>>
    %dma_wait3A_554 = arith.constant 0 : i32
    %dma_wait3A_555 = tpu.memref_slice %arg6[%dma_wait3A_554] : memref<10000xi32, #tpu.memory_space<vmem>> -> memref<40xi32, #tpu.memory_space<vmem>>
    %dma_wait3A_556 = arith.constant 0 : i32
    %dma_wait3A_557 = arith.constant 0 : i32
    %dma_wait3A_558 = tpu.memref_slice %arg9[%dma_wait3A_556, %dma_wait3A_557] : memref<10000x128xf32, #tpu.memory_space<vmem_shared>> -> memref<10000x128xf32, #tpu.memory_space<vmem_shared>>
    tpu.wait_indirect_dma semaphore(%arg10 : memref<!tpu.dma_semaphore, #tpu.memory_space<semaphore_mem>>) src(%dma_wait3A_558 : memref<10000x128xf32, #tpu.memory_space<vmem_shared>>) dst(%dma_wait3A_553 : memref<40x128xf32, #tpu.memory_space<vmem>>)
    %add3A_559 = arith.constant 440 : i32
    %add3A_560 = arith.addi %mul3A_2, %add3A_559 : i32
    %dma_start3A_561 = arith.constant 5 : i32
    %dma_start3A_562 = arith.constant 0 : i32
    %dma_start3A_563 = arith.constant 0 : i32
    %dma_start3A_564 = tpu.memref_slice %arg8[%dma_start3A_561, %dma_start3A_562, %dma_start3A_563] : memref<6x40x128xf32, #tpu.memory_space<vmem>> -> memref<1x40x128xf32, #tpu.memory_space<vmem>>
    %dma_start3A_565 = tpu.memref_squeeze %dma_start3A_564 : memref<1x40x128xf32, #tpu.memory_space<vmem>> -> memref<40x128xf32, #tpu.memory_space<vmem>>
    %dma_start3A_566 = arith.constant 0 : i32
    %dma_start3A_567 = tpu.memref_slice %arg4[%add3A_560, %dma_start3A_566] : memref<320000x128xf32, #tpu.memory_space<hbm>> -> memref<40x128xf32, #tpu.memory_space<hbm>>
    %dma_start3A_568 = arith.constant 0 : i32
    %dma_start3A_569 = tpu.memref_slice %arg4[%add3A_560, %dma_start3A_568] : memref<320000x128xf32, #tpu.memory_space<hbm>> -> memref<40x128xf32, #tpu.memory_space<hbm>>
    %dma_start3A_570 = arith.constant 0 : i32
    %dma_start3A_571 = arith.constant 0 : i32
    %dma_start3A_572 = tpu.memref_slice %arg8[%dma_start3A_561, %dma_start3A_570, %dma_start3A_571] : memref<6x40x128xf32, #tpu.memory_space<vmem>> -> memref<1x40x128xf32, #tpu.memory_space<vmem>>
    %dma_start3A_573 = tpu.memref_squeeze %dma_start3A_572 : memref<1x40x128xf32, #tpu.memory_space<vmem>> -> memref<40x128xf32, #tpu.memory_space<vmem>>
    tpu.enqueue_dma source(%dma_start3A_573 : memref<40x128xf32, #tpu.memory_space<vmem>>) target(%dma_start3A_569 : memref<40x128xf32, #tpu.memory_space<hbm>>) target_semaphore(%arg11 : memref<!tpu.dma_semaphore, #tpu.memory_space<semaphore_mem>>)
    %dma_wait3A_574 = arith.constant 0 : i32
    %dma_wait3A_575 = arith.constant 0 : i32
    %dma_wait3A_576 = arith.constant 0 : i32
    %dma_wait3A_577 = tpu.memref_slice %arg8[%dma_wait3A_574, %dma_wait3A_575, %dma_wait3A_576] : memref<6x40x128xf32, #tpu.memory_space<vmem>> -> memref<1x40x128xf32, #tpu.memory_space<vmem>>
    %dma_wait3A_578 = tpu.memref_squeeze %dma_wait3A_577 : memref<1x40x128xf32, #tpu.memory_space<vmem>> -> memref<40x128xf32, #tpu.memory_space<vmem>>
    %dma_wait3A_579 = arith.constant 0 : i32
    %dma_wait3A_580 = tpu.memref_slice %arg4[%mul3A_2, %dma_wait3A_579] : memref<320000x128xf32, #tpu.memory_space<hbm>> -> memref<40x128xf32, #tpu.memory_space<hbm>>
    %dma_wait3A_581 = arith.constant 0 : i32
    %dma_wait3A_582 = tpu.memref_slice %arg4[%mul3A_2, %dma_wait3A_581] : memref<320000x128xf32, #tpu.memory_space<hbm>> -> memref<40x128xf32, #tpu.memory_space<hbm>>
    %dma_wait3A_583 = arith.constant 0 : i32
    %dma_wait3A_584 = arith.constant 0 : i32
    %dma_wait3A_585 = tpu.memref_slice %arg8[%dma_wait3A_574, %dma_wait3A_583, %dma_wait3A_584] : memref<6x40x128xf32, #tpu.memory_space<vmem>> -> memref<1x40x128xf32, #tpu.memory_space<vmem>>
    %dma_wait3A_586 = tpu.memref_squeeze %dma_wait3A_585 : memref<1x40x128xf32, #tpu.memory_space<vmem>> -> memref<40x128xf32, #tpu.memory_space<vmem>>
    tpu.wait_dma2 semaphore(%arg11 : memref<!tpu.dma_semaphore, #tpu.memory_space<semaphore_mem>>) src(%dma_wait3A_586 : memref<40x128xf32, #tpu.memory_space<vmem>>) dst(%dma_wait3A_582 : memref<40x128xf32, #tpu.memory_space<hbm>>)
    %dma_start3A_587 = arith.constant 3 : i32
    %dma_start3A_588 = arith.constant 0 : i32
    %dma_start3A_589 = arith.constant 0 : i32
    %dma_start3A_590 = tpu.memref_slice %arg8[%dma_start3A_587, %dma_start3A_588, %dma_start3A_589] : memref<6x40x128xf32, #tpu.memory_space<vmem>> -> memref<1x40x128xf32, #tpu.memory_space<vmem>>
    %dma_start3A_591 = tpu.memref_squeeze %dma_start3A_590 : memref<1x40x128xf32, #tpu.memory_space<vmem>> -> memref<40x128xf32, #tpu.memory_space<vmem>>
    %dma_start3A_592 = arith.constant 600 : i32
    %dma_start3A_593 = tpu.memref_slice %arg6[%dma_start3A_592] : memref<10000xi32, #tpu.memory_space<vmem>> -> memref<40xi32, #tpu.memory_space<vmem>>
    %dma_start3A_594 = arith.constant 0 : i32
    %dma_start3A_595 = arith.constant 0 : i32
    %dma_start3A_596 = tpu.memref_slice %arg9[%dma_start3A_594, %dma_start3A_595] : memref<10000x128xf32, #tpu.memory_space<vmem_shared>> -> memref<10000x128xf32, #tpu.memory_space<vmem_shared>>
    tpu.enqueue_indirect_dma source(%dma_start3A_596 : memref<10000x128xf32, #tpu.memory_space<vmem_shared>>) target(%dma_start3A_591 : memref<40x128xf32, #tpu.memory_space<vmem>>) offsets(%dma_start3A_593 : memref<40xi32, #tpu.memory_space<vmem>>) semaphore(%arg10 : memref<!tpu.dma_semaphore, #tpu.memory_space<semaphore_mem>>)
    %scan3A = arith.constant 0 : i32
    %scan3A_597 = arith.constant 0 : i32
    %scan3A_598 = arith.constant 39 : i32
    %scan3A_599 = arith.addi %scan3A_597, %scan3A_598 : i32
    %scan3A_600 = arith.constant 1 : i32
    scf.for %scan3A_1554 = %scan3A_597 to %scan3A_599 step %scan3A_600  : i32 {
      %mul3A_1555 = arith.constant 6 : i32
      %mul3A_1556 = arith.muli %scan3A_1554, %mul3A_1555 : i32
      %add3A_1557 = arith.constant 12 : i32
      %add3A_1558 = arith.addi %add3A_1557, %mul3A_1556 : i32
      %add3A_1559 = arith.constant 0 : i32
      %add3A_1560 = arith.addi %add3A_1558, %add3A_1559 : i32
      %dma_wait3A_1561 = arith.constant 0 : i32
      %dma_wait3A_1562 = arith.constant 0 : i32
      %dma_wait3A_1563 = arith.constant 0 : i32
      %dma_wait3A_1564 = tpu.memref_slice %arg8[%dma_wait3A_1561, %dma_wait3A_1562, %dma_wait3A_1563] : memref<6x40x128xf32, #tpu.memory_space<vmem>> -> memref<1x40x128xf32, #tpu.memory_space<vmem>>
      %dma_wait3A_1565 = tpu.memref_squeeze %dma_wait3A_1564 : memref<1x40x128xf32, #tpu.memory_space<vmem>> -> memref<40x128xf32, #tpu.memory_space<vmem>>
      %dma_wait3A_1566 = arith.constant 0 : i32
      %dma_wait3A_1567 = tpu.memref_slice %arg6[%dma_wait3A_1566] : memref<10000xi32, #tpu.memory_space<vmem>> -> memref<40xi32, #tpu.memory_space<vmem>>
      %dma_wait3A_1568 = arith.constant 0 : i32
      %dma_wait3A_1569 = arith.constant 0 : i32
      %dma_wait3A_1570 = tpu.memref_slice %arg9[%dma_wait3A_1568, %dma_wait3A_1569] : memref<10000x128xf32, #tpu.memory_space<vmem_shared>> -> memref<10000x128xf32, #tpu.memory_space<vmem_shared>>
      tpu.wait_indirect_dma semaphore(%arg10 : memref<!tpu.dma_semaphore, #tpu.memory_space<semaphore_mem>>) src(%dma_wait3A_1570 : memref<10000x128xf32, #tpu.memory_space<vmem_shared>>) dst(%dma_wait3A_1565 : memref<40x128xf32, #tpu.memory_space<vmem>>)
      %sub3A = arith.constant 0 : i32
      %sub3A_1571 = arith.subi %add3A_1560, %sub3A : i32
      %mul3A_1572 = arith.constant 40 : i32
      %mul3A_1573 = arith.muli %sub3A_1571, %mul3A_1572 : i32
      %add3A_1574 = arith.addi %mul3A_2, %mul3A_1573 : i32
      %dma_start3A_1575 = arith.constant 0 : i32
      %dma_start3A_1576 = arith.constant 0 : i32
      %dma_start3A_1577 = arith.constant 0 : i32
      %dma_start3A_1578 = tpu.memref_slice %arg8[%dma_start3A_1575, %dma_start3A_1576, %dma_start3A_1577] : memref<6x40x128xf32, #tpu.memory_space<vmem>> -> memref<1x40x128xf32, #tpu.memory_space<vmem>>
      %dma_start3A_1579 = tpu.memref_squeeze %dma_start3A_1578 : memref<1x40x128xf32, #tpu.memory_space<vmem>> -> memref<40x128xf32, #tpu.memory_space<vmem>>
      %dma_start3A_1580 = arith.constant 0 : i32
      %dma_start3A_1581 = tpu.memref_slice %arg4[%add3A_1574, %dma_start3A_1580] : memref<320000x128xf32, #tpu.memory_space<hbm>> -> memref<40x128xf32, #tpu.memory_space<hbm>>
      %dma_start3A_1582 = arith.constant 0 : i32
      %dma_start3A_1583 = tpu.memref_slice %arg4[%add3A_1574, %dma_start3A_1582] : memref<320000x128xf32, #tpu.memory_space<hbm>> -> memref<40x128xf32, #tpu.memory_space<hbm>>
      %dma_start3A_1584 = arith.constant 0 : i32
      %dma_start3A_1585 = arith.constant 0 : i32
      %dma_start3A_1586 = tpu.memref_slice %arg8[%dma_start3A_1575, %dma_start3A_1584, %dma_start3A_1585] : memref<6x40x128xf32, #tpu.memory_space<vmem>> -> memref<1x40x128xf32, #tpu.memory_space<vmem>>
      %dma_start3A_1587 = tpu.memref_squeeze %dma_start3A_1586 : memref<1x40x128xf32, #tpu.memory_space<vmem>> -> memref<40x128xf32, #tpu.memory_space<vmem>>
      tpu.enqueue_dma source(%dma_start3A_1587 : memref<40x128xf32, #tpu.memory_space<vmem>>) target(%dma_start3A_1583 : memref<40x128xf32, #tpu.memory_space<hbm>>) target_semaphore(%arg11 : memref<!tpu.dma_semaphore, #tpu.memory_space<semaphore_mem>>)
      %dma_wait3A_1588 = arith.constant 0 : i32
      %dma_wait3A_1589 = arith.constant 0 : i32
      %dma_wait3A_1590 = arith.constant 0 : i32
      %dma_wait3A_1591 = tpu.memref_slice %arg8[%dma_wait3A_1588, %dma_wait3A_1589, %dma_wait3A_1590] : memref<6x40x128xf32, #tpu.memory_space<vmem>> -> memref<1x40x128xf32, #tpu.memory_space<vmem>>
      %dma_wait3A_1592 = tpu.memref_squeeze %dma_wait3A_1591 : memref<1x40x128xf32, #tpu.memory_space<vmem>> -> memref<40x128xf32, #tpu.memory_space<vmem>>
      %dma_wait3A_1593 = arith.constant 0 : i32
      %dma_wait3A_1594 = tpu.memref_slice %arg4[%mul3A_2, %dma_wait3A_1593] : memref<320000x128xf32, #tpu.memory_space<hbm>> -> memref<40x128xf32, #tpu.memory_space<hbm>>
      %dma_wait3A_1595 = arith.constant 0 : i32
      %dma_wait3A_1596 = tpu.memref_slice %arg4[%mul3A_2, %dma_wait3A_1595] : memref<320000x128xf32, #tpu.memory_space<hbm>> -> memref<40x128xf32, #tpu.memory_space<hbm>>
      %dma_wait3A_1597 = arith.constant 0 : i32
      %dma_wait3A_1598 = arith.constant 0 : i32
      %dma_wait3A_1599 = tpu.memref_slice %arg8[%dma_wait3A_1588, %dma_wait3A_1597, %dma_wait3A_1598] : memref<6x40x128xf32, #tpu.memory_space<vmem>> -> memref<1x40x128xf32, #tpu.memory_space<vmem>>
      %dma_wait3A_1600 = tpu.memref_squeeze %dma_wait3A_1599 : memref<1x40x128xf32, #tpu.memory_space<vmem>> -> memref<40x128xf32, #tpu.memory_space<vmem>>
      tpu.wait_dma2 semaphore(%arg11 : memref<!tpu.dma_semaphore, #tpu.memory_space<semaphore_mem>>) src(%dma_wait3A_1600 : memref<40x128xf32, #tpu.memory_space<vmem>>) dst(%dma_wait3A_1596 : memref<40x128xf32, #tpu.memory_space<hbm>>)
      %add3A_1601 = arith.constant 4 : i32
      %add3A_1602 = arith.addi %add3A_1560, %add3A_1601 : i32
      %sub3A_1603 = arith.constant 0 : i32
      %sub3A_1604 = arith.subi %add3A_1602, %sub3A_1603 : i32
      %mul3A_1605 = arith.constant 40 : i32
      %mul3A_1606 = arith.muli %sub3A_1604, %mul3A_1605 : i32
      %dma_start3A_1607 = arith.constant 4 : i32
      %dma_start3A_1608 = arith.constant 0 : i32
      %dma_start3A_1609 = arith.constant 0 : i32
      %dma_start3A_1610 = tpu.memref_slice %arg8[%dma_start3A_1607, %dma_start3A_1608, %dma_start3A_1609] : memref<6x40x128xf32, #tpu.memory_space<vmem>> -> memref<1x40x128xf32, #tpu.memory_space<vmem>>
      %dma_start3A_1611 = tpu.memref_squeeze %dma_start3A_1610 : memref<1x40x128xf32, #tpu.memory_space<vmem>> -> memref<40x128xf32, #tpu.memory_space<vmem>>
      %dma_start3A_1612 = tpu.memref_slice %arg6[%mul3A_1606] : memref<10000xi32, #tpu.memory_space<vmem>> -> memref<40xi32, #tpu.memory_space<vmem>>
      %dma_start3A_1613 = arith.constant 0 : i32
      %dma_start3A_1614 = arith.constant 0 : i32
      %dma_start3A_1615 = tpu.memref_slice %arg9[%dma_start3A_1613, %dma_start3A_1614] : memref<10000x128xf32, #tpu.memory_space<vmem_shared>> -> memref<10000x128xf32, #tpu.memory_space<vmem_shared>>
      tpu.enqueue_indirect_dma source(%dma_start3A_1615 : memref<10000x128xf32, #tpu.memory_space<vmem_shared>>) target(%dma_start3A_1611 : memref<40x128xf32, #tpu.memory_space<vmem>>) offsets(%dma_start3A_1612 : memref<40xi32, #tpu.memory_space<vmem>>) semaphore(%arg10 : memref<!tpu.dma_semaphore, #tpu.memory_space<semaphore_mem>>)
      %add3A_1616 = arith.constant 1 : i32
      %add3A_1617 = arith.addi %add3A_1558, %add3A_1616 : i32
      %dma_wait3A_1618 = arith.constant 1 : i32
      %dma_wait3A_1619 = arith.constant 0 : i32
      %dma_wait3A_1620 = arith.constant 0 : i32
      %dma_wait3A_1621 = tpu.memref_slice %arg8[%dma_wait3A_1618, %dma_wait3A_1619, %dma_wait3A_1620] : memref<6x40x128xf32, #tpu.memory_space<vmem>> -> memref<1x40x128xf32, #tpu.memory_space<vmem>>
      %dma_wait3A_1622 = tpu.memref_squeeze %dma_wait3A_1621 : memref<1x40x128xf32, #tpu.memory_space<vmem>> -> memref<40x128xf32, #tpu.memory_space<vmem>>
      %dma_wait3A_1623 = arith.constant 0 : i32
      %dma_wait3A_1624 = tpu.memref_slice %arg6[%dma_wait3A_1623] : memref<10000xi32, #tpu.memory_space<vmem>> -> memref<40xi32, #tpu.memory_space<vmem>>
      %dma_wait3A_1625 = arith.constant 0 : i32
      %dma_wait3A_1626 = arith.constant 0 : i32
      %dma_wait3A_1627 = tpu.memref_slice %arg9[%dma_wait3A_1625, %dma_wait3A_1626] : memref<10000x128xf32, #tpu.memory_space<vmem_shared>> -> memref<10000x128xf32, #tpu.memory_space<vmem_shared>>
      tpu.wait_indirect_dma semaphore(%arg10 : memref<!tpu.dma_semaphore, #tpu.memory_space<semaphore_mem>>) src(%dma_wait3A_1627 : memref<10000x128xf32, #tpu.memory_space<vmem_shared>>) dst(%dma_wait3A_1622 : memref<40x128xf32, #tpu.memory_space<vmem>>)
      %sub3A_1628 = arith.constant 0 : i32
      %sub3A_1629 = arith.subi %add3A_1617, %sub3A_1628 : i32
      %mul3A_1630 = arith.constant 40 : i32
      %mul3A_1631 = arith.muli %sub3A_1629, %mul3A_1630 : i32
      %add3A_1632 = arith.addi %mul3A_2, %mul3A_1631 : i32
      %dma_start3A_1633 = arith.constant 1 : i32
      %dma_start3A_1634 = arith.constant 0 : i32
      %dma_start3A_1635 = arith.constant 0 : i32
      %dma_start3A_1636 = tpu.memref_slice %arg8[%dma_start3A_1633, %dma_start3A_1634, %dma_start3A_1635] : memref<6x40x128xf32, #tpu.memory_space<vmem>> -> memref<1x40x128xf32, #tpu.memory_space<vmem>>
      %dma_start3A_1637 = tpu.memref_squeeze %dma_start3A_1636 : memref<1x40x128xf32, #tpu.memory_space<vmem>> -> memref<40x128xf32, #tpu.memory_space<vmem>>
      %dma_start3A_1638 = arith.constant 0 : i32
      %dma_start3A_1639 = tpu.memref_slice %arg4[%add3A_1632, %dma_start3A_1638] : memref<320000x128xf32, #tpu.memory_space<hbm>> -> memref<40x128xf32, #tpu.memory_space<hbm>>
      %dma_start3A_1640 = arith.constant 0 : i32
      %dma_start3A_1641 = tpu.memref_slice %arg4[%add3A_1632, %dma_start3A_1640] : memref<320000x128xf32, #tpu.memory_space<hbm>> -> memref<40x128xf32, #tpu.memory_space<hbm>>
      %dma_start3A_1642 = arith.constant 0 : i32
      %dma_start3A_1643 = arith.constant 0 : i32
      %dma_start3A_1644 = tpu.memref_slice %arg8[%dma_start3A_1633, %dma_start3A_1642, %dma_start3A_1643] : memref<6x40x128xf32, #tpu.memory_space<vmem>> -> memref<1x40x128xf32, #tpu.memory_space<vmem>>
      %dma_start3A_1645 = tpu.memref_squeeze %dma_start3A_1644 : memref<1x40x128xf32, #tpu.memory_space<vmem>> -> memref<40x128xf32, #tpu.memory_space<vmem>>
      tpu.enqueue_dma source(%dma_start3A_1645 : memref<40x128xf32, #tpu.memory_space<vmem>>) target(%dma_start3A_1641 : memref<40x128xf32, #tpu.memory_space<hbm>>) target_semaphore(%arg11 : memref<!tpu.dma_semaphore, #tpu.memory_space<semaphore_mem>>)
      %dma_wait3A_1646 = arith.constant 0 : i32
      %dma_wait3A_1647 = arith.constant 0 : i32
      %dma_wait3A_1648 = arith.constant 0 : i32
      %dma_wait3A_1649 = tpu.memref_slice %arg8[%dma_wait3A_1646, %dma_wait3A_1647, %dma_wait3A_1648] : memref<6x40x128xf32, #tpu.memory_space<vmem>> -> memref<1x40x128xf32, #tpu.memory_space<vmem>>
      %dma_wait3A_1650 = tpu.memref_squeeze %dma_wait3A_1649 : memref<1x40x128xf32, #tpu.memory_space<vmem>> -> memref<40x128xf32, #tpu.memory_space<vmem>>
      %dma_wait3A_1651 = arith.constant 0 : i32
      %dma_wait3A_1652 = tpu.memref_slice %arg4[%mul3A_2, %dma_wait3A_1651] : memref<320000x128xf32, #tpu.memory_space<hbm>> -> memref<40x128xf32, #tpu.memory_space<hbm>>
      %dma_wait3A_1653 = arith.constant 0 : i32
      %dma_wait3A_1654 = tpu.memref_slice %arg4[%mul3A_2, %dma_wait3A_1653] : memref<320000x128xf32, #tpu.memory_space<hbm>> -> memref<40x128xf32, #tpu.memory_space<hbm>>
      %dma_wait3A_1655 = arith.constant 0 : i32
      %dma_wait3A_1656 = arith.constant 0 : i32
      %dma_wait3A_1657 = tpu.memref_slice %arg8[%dma_wait3A_1646, %dma_wait3A_1655, %dma_wait3A_1656] : memref<6x40x128xf32, #tpu.memory_space<vmem>> -> memref<1x40x128xf32, #tpu.memory_space<vmem>>
      %dma_wait3A_1658 = tpu.memref_squeeze %dma_wait3A_1657 : memref<1x40x128xf32, #tpu.memory_space<vmem>> -> memref<40x128xf32, #tpu.memory_space<vmem>>
      tpu.wait_dma2 semaphore(%arg11 : memref<!tpu.dma_semaphore, #tpu.memory_space<semaphore_mem>>) src(%dma_wait3A_1658 : memref<40x128xf32, #tpu.memory_space<vmem>>) dst(%dma_wait3A_1654 : memref<40x128xf32, #tpu.memory_space<hbm>>)
      %add3A_1659 = arith.constant 4 : i32
      %add3A_1660 = arith.addi %add3A_1617, %add3A_1659 : i32
      %sub3A_1661 = arith.constant 0 : i32
      %sub3A_1662 = arith.subi %add3A_1660, %sub3A_1661 : i32
      %mul3A_1663 = arith.constant 40 : i32
      %mul3A_1664 = arith.muli %sub3A_1662, %mul3A_1663 : i32
      %dma_start3A_1665 = arith.constant 5 : i32
      %dma_start3A_1666 = arith.constant 0 : i32
      %dma_start3A_1667 = arith.constant 0 : i32
      %dma_start3A_1668 = tpu.memref_slice %arg8[%dma_start3A_1665, %dma_start3A_1666, %dma_start3A_1667] : memref<6x40x128xf32, #tpu.memory_space<vmem>> -> memref<1x40x128xf32, #tpu.memory_space<vmem>>
      %dma_start3A_1669 = tpu.memref_squeeze %dma_start3A_1668 : memref<1x40x128xf32, #tpu.memory_space<vmem>> -> memref<40x128xf32, #tpu.memory_space<vmem>>
      %dma_start3A_1670 = tpu.memref_slice %arg6[%mul3A_1664] : memref<10000xi32, #tpu.memory_space<vmem>> -> memref<40xi32, #tpu.memory_space<vmem>>
      %dma_start3A_1671 = arith.constant 0 : i32
      %dma_start3A_1672 = arith.constant 0 : i32
      %dma_start3A_1673 = tpu.memref_slice %arg9[%dma_start3A_1671, %dma_start3A_1672] : memref<10000x128xf32, #tpu.memory_space<vmem_shared>> -> memref<10000x128xf32, #tpu.memory_space<vmem_shared>>
      tpu.enqueue_indirect_dma source(%dma_start3A_1673 : memref<10000x128xf32, #tpu.memory_space<vmem_shared>>) target(%dma_start3A_1669 : memref<40x128xf32, #tpu.memory_space<vmem>>) offsets(%dma_start3A_1670 : memref<40xi32, #tpu.memory_space<vmem>>) semaphore(%arg10 : memref<!tpu.dma_semaphore, #tpu.memory_space<semaphore_mem>>)
      %add3A_1674 = arith.constant 2 : i32
      %add3A_1675 = arith.addi %add3A_1558, %add3A_1674 : i32
      %dma_wait3A_1676 = arith.constant 2 : i32
      %dma_wait3A_1677 = arith.constant 0 : i32
      %dma_wait3A_1678 = arith.constant 0 : i32
      %dma_wait3A_1679 = tpu.memref_slice %arg8[%dma_wait3A_1676, %dma_wait3A_1677, %dma_wait3A_1678] : memref<6x40x128xf32, #tpu.memory_space<vmem>> -> memref<1x40x128xf32, #tpu.memory_space<vmem>>
      %dma_wait3A_1680 = tpu.memref_squeeze %dma_wait3A_1679 : memref<1x40x128xf32, #tpu.memory_space<vmem>> -> memref<40x128xf32, #tpu.memory_space<vmem>>
      %dma_wait3A_1681 = arith.constant 0 : i32
      %dma_wait3A_1682 = tpu.memref_slice %arg6[%dma_wait3A_1681] : memref<10000xi32, #tpu.memory_space<vmem>> -> memref<40xi32, #tpu.memory_space<vmem>>
      %dma_wait3A_1683 = arith.constant 0 : i32
      %dma_wait3A_1684 = arith.constant 0 : i32
      %dma_wait3A_1685 = tpu.memref_slice %arg9[%dma_wait3A_1683, %dma_wait3A_1684] : memref<10000x128xf32, #tpu.memory_space<vmem_shared>> -> memref<10000x128xf32, #tpu.memory_space<vmem_shared>>
      tpu.wait_indirect_dma semaphore(%arg10 : memref<!tpu.dma_semaphore, #tpu.memory_space<semaphore_mem>>) src(%dma_wait3A_1685 : memref<10000x128xf32, #tpu.memory_space<vmem_shared>>) dst(%dma_wait3A_1680 : memref<40x128xf32, #tpu.memory_space<vmem>>)
      %sub3A_1686 = arith.constant 0 : i32
      %sub3A_1687 = arith.subi %add3A_1675, %sub3A_1686 : i32
      %mul3A_1688 = arith.constant 40 : i32
      %mul3A_1689 = arith.muli %sub3A_1687, %mul3A_1688 : i32
      %add3A_1690 = arith.addi %mul3A_2, %mul3A_1689 : i32
      %dma_start3A_1691 = arith.constant 2 : i32
      %dma_start3A_1692 = arith.constant 0 : i32
      %dma_start3A_1693 = arith.constant 0 : i32
      %dma_start3A_1694 = tpu.memref_slice %arg8[%dma_start3A_1691, %dma_start3A_1692, %dma_start3A_1693] : memref<6x40x128xf32, #tpu.memory_space<vmem>> -> memref<1x40x128xf32, #tpu.memory_space<vmem>>
      %dma_start3A_1695 = tpu.memref_squeeze %dma_start3A_1694 : memref<1x40x128xf32, #tpu.memory_space<vmem>> -> memref<40x128xf32, #tpu.memory_space<vmem>>
      %dma_start3A_1696 = arith.constant 0 : i32
      %dma_start3A_1697 = tpu.memref_slice %arg4[%add3A_1690, %dma_start3A_1696] : memref<320000x128xf32, #tpu.memory_space<hbm>> -> memref<40x128xf32, #tpu.memory_space<hbm>>
      %dma_start3A_1698 = arith.constant 0 : i32
      %dma_start3A_1699 = tpu.memref_slice %arg4[%add3A_1690, %dma_start3A_1698] : memref<320000x128xf32, #tpu.memory_space<hbm>> -> memref<40x128xf32, #tpu.memory_space<hbm>>
      %dma_start3A_1700 = arith.constant 0 : i32
      %dma_start3A_1701 = arith.constant 0 : i32
      %dma_start3A_1702 = tpu.memref_slice %arg8[%dma_start3A_1691, %dma_start3A_1700, %dma_start3A_1701] : memref<6x40x128xf32, #tpu.memory_space<vmem>> -> memref<1x40x128xf32, #tpu.memory_space<vmem>>
      %dma_start3A_1703 = tpu.memref_squeeze %dma_start3A_1702 : memref<1x40x128xf32, #tpu.memory_space<vmem>> -> memref<40x128xf32, #tpu.memory_space<vmem>>
      tpu.enqueue_dma source(%dma_start3A_1703 : memref<40x128xf32, #tpu.memory_space<vmem>>) target(%dma_start3A_1699 : memref<40x128xf32, #tpu.memory_space<hbm>>) target_semaphore(%arg11 : memref<!tpu.dma_semaphore, #tpu.memory_space<semaphore_mem>>)
      %dma_wait3A_1704 = arith.constant 0 : i32
      %dma_wait3A_1705 = arith.constant 0 : i32
      %dma_wait3A_1706 = arith.constant 0 : i32
      %dma_wait3A_1707 = tpu.memref_slice %arg8[%dma_wait3A_1704, %dma_wait3A_1705, %dma_wait3A_1706] : memref<6x40x128xf32, #tpu.memory_space<vmem>> -> memref<1x40x128xf32, #tpu.memory_space<vmem>>
      %dma_wait3A_1708 = tpu.memref_squeeze %dma_wait3A_1707 : memref<1x40x128xf32, #tpu.memory_space<vmem>> -> memref<40x128xf32, #tpu.memory_space<vmem>>
      %dma_wait3A_1709 = arith.constant 0 : i32
      %dma_wait3A_1710 = tpu.memref_slice %arg4[%mul3A_2, %dma_wait3A_1709] : memref<320000x128xf32, #tpu.memory_space<hbm>> -> memref<40x128xf32, #tpu.memory_space<hbm>>
      %dma_wait3A_1711 = arith.constant 0 : i32
      %dma_wait3A_1712 = tpu.memref_slice %arg4[%mul3A_2, %dma_wait3A_1711] : memref<320000x128xf32, #tpu.memory_space<hbm>> -> memref<40x128xf32, #tpu.memory_space<hbm>>
      %dma_wait3A_1713 = arith.constant 0 : i32
      %dma_wait3A_1714 = arith.constant 0 : i32
      %dma_wait3A_1715 = tpu.memref_slice %arg8[%dma_wait3A_1704, %dma_wait3A_1713, %dma_wait3A_1714] : memref<6x40x128xf32, #tpu.memory_space<vmem>> -> memref<1x40x128xf32, #tpu.memory_space<vmem>>
      %dma_wait3A_1716 = tpu.memref_squeeze %dma_wait3A_1715 : memref<1x40x128xf32, #tpu.memory_space<vmem>> -> memref<40x128xf32, #tpu.memory_space<vmem>>
      tpu.wait_dma2 semaphore(%arg11 : memref<!tpu.dma_semaphore, #tpu.memory_space<semaphore_mem>>) src(%dma_wait3A_1716 : memref<40x128xf32, #tpu.memory_space<vmem>>) dst(%dma_wait3A_1712 : memref<40x128xf32, #tpu.memory_space<hbm>>)
      %add3A_1717 = arith.constant 4 : i32
      %add3A_1718 = arith.addi %add3A_1675, %add3A_1717 : i32
      %sub3A_1719 = arith.constant 0 : i32
      %sub3A_1720 = arith.subi %add3A_1718, %sub3A_1719 : i32
      %mul3A_1721 = arith.constant 40 : i32
      %mul3A_1722 = arith.muli %sub3A_1720, %mul3A_1721 : i32
      %dma_start3A_1723 = arith.constant 0 : i32
      %dma_start3A_1724 = arith.constant 0 : i32
      %dma_start3A_1725 = arith.constant 0 : i32
      %dma_start3A_1726 = tpu.memref_slice %arg8[%dma_start3A_1723, %dma_start3A_1724, %dma_start3A_1725] : memref<6x40x128xf32, #tpu.memory_space<vmem>> -> memref<1x40x128xf32, #tpu.memory_space<vmem>>
      %dma_start3A_1727 = tpu.memref_squeeze %dma_start3A_1726 : memref<1x40x128xf32, #tpu.memory_space<vmem>> -> memref<40x128xf32, #tpu.memory_space<vmem>>
      %dma_start3A_1728 = tpu.memref_slice %arg6[%mul3A_1722] : memref<10000xi32, #tpu.memory_space<vmem>> -> memref<40xi32, #tpu.memory_space<vmem>>
      %dma_start3A_1729 = arith.constant 0 : i32
      %dma_start3A_1730 = arith.constant 0 : i32
      %dma_start3A_1731 = tpu.memref_slice %arg9[%dma_start3A_1729, %dma_start3A_1730] : memref<10000x128xf32, #tpu.memory_space<vmem_shared>> -> memref<10000x128xf32, #tpu.memory_space<vmem_shared>>
      tpu.enqueue_indirect_dma source(%dma_start3A_1731 : memref<10000x128xf32, #tpu.memory_space<vmem_shared>>) target(%dma_start3A_1727 : memref<40x128xf32, #tpu.memory_space<vmem>>) offsets(%dma_start3A_1728 : memref<40xi32, #tpu.memory_space<vmem>>) semaphore(%arg10 : memref<!tpu.dma_semaphore, #tpu.memory_space<semaphore_mem>>)
      %add3A_1732 = arith.constant 3 : i32
      %add3A_1733 = arith.addi %add3A_1558, %add3A_1732 : i32
      %dma_wait3A_1734 = arith.constant 3 : i32
      %dma_wait3A_1735 = arith.constant 0 : i32
      %dma_wait3A_1736 = arith.constant 0 : i32
      %dma_wait3A_1737 = tpu.memref_slice %arg8[%dma_wait3A_1734, %dma_wait3A_1735, %dma_wait3A_1736] : memref<6x40x128xf32, #tpu.memory_space<vmem>> -> memref<1x40x128xf32, #tpu.memory_space<vmem>>
      %dma_wait3A_1738 = tpu.memref_squeeze %dma_wait3A_1737 : memref<1x40x128xf32, #tpu.memory_space<vmem>> -> memref<40x128xf32, #tpu.memory_space<vmem>>
      %dma_wait3A_1739 = arith.constant 0 : i32
      %dma_wait3A_1740 = tpu.memref_slice %arg6[%dma_wait3A_1739] : memref<10000xi32, #tpu.memory_space<vmem>> -> memref<40xi32, #tpu.memory_space<vmem>>
      %dma_wait3A_1741 = arith.constant 0 : i32
      %dma_wait3A_1742 = arith.constant 0 : i32
      %dma_wait3A_1743 = tpu.memref_slice %arg9[%dma_wait3A_1741, %dma_wait3A_1742] : memref<10000x128xf32, #tpu.memory_space<vmem_shared>> -> memref<10000x128xf32, #tpu.memory_space<vmem_shared>>
      tpu.wait_indirect_dma semaphore(%arg10 : memref<!tpu.dma_semaphore, #tpu.memory_space<semaphore_mem>>) src(%dma_wait3A_1743 : memref<10000x128xf32, #tpu.memory_space<vmem_shared>>) dst(%dma_wait3A_1738 : memref<40x128xf32, #tpu.memory_space<vmem>>)
      %sub3A_1744 = arith.constant 0 : i32
      %sub3A_1745 = arith.subi %add3A_1733, %sub3A_1744 : i32
      %mul3A_1746 = arith.constant 40 : i32
      %mul3A_1747 = arith.muli %sub3A_1745, %mul3A_1746 : i32
      %add3A_1748 = arith.addi %mul3A_2, %mul3A_1747 : i32
      %dma_start3A_1749 = arith.constant 3 : i32
      %dma_start3A_1750 = arith.constant 0 : i32
      %dma_start3A_1751 = arith.constant 0 : i32
      %dma_start3A_1752 = tpu.memref_slice %arg8[%dma_start3A_1749, %dma_start3A_1750, %dma_start3A_1751] : memref<6x40x128xf32, #tpu.memory_space<vmem>> -> memref<1x40x128xf32, #tpu.memory_space<vmem>>
      %dma_start3A_1753 = tpu.memref_squeeze %dma_start3A_1752 : memref<1x40x128xf32, #tpu.memory_space<vmem>> -> memref<40x128xf32, #tpu.memory_space<vmem>>
      %dma_start3A_1754 = arith.constant 0 : i32
      %dma_start3A_1755 = tpu.memref_slice %arg4[%add3A_1748, %dma_start3A_1754] : memref<320000x128xf32, #tpu.memory_space<hbm>> -> memref<40x128xf32, #tpu.memory_space<hbm>>
      %dma_start3A_1756 = arith.constant 0 : i32
      %dma_start3A_1757 = tpu.memref_slice %arg4[%add3A_1748, %dma_start3A_1756] : memref<320000x128xf32, #tpu.memory_space<hbm>> -> memref<40x128xf32, #tpu.memory_space<hbm>>
      %dma_start3A_1758 = arith.constant 0 : i32
      %dma_start3A_1759 = arith.constant 0 : i32
      %dma_start3A_1760 = tpu.memref_slice %arg8[%dma_start3A_1749, %dma_start3A_1758, %dma_start3A_1759] : memref<6x40x128xf32, #tpu.memory_space<vmem>> -> memref<1x40x128xf32, #tpu.memory_space<vmem>>
      %dma_start3A_1761 = tpu.memref_squeeze %dma_start3A_1760 : memref<1x40x128xf32, #tpu.memory_space<vmem>> -> memref<40x128xf32, #tpu.memory_space<vmem>>
      tpu.enqueue_dma source(%dma_start3A_1761 : memref<40x128xf32, #tpu.memory_space<vmem>>) target(%dma_start3A_1757 : memref<40x128xf32, #tpu.memory_space<hbm>>) target_semaphore(%arg11 : memref<!tpu.dma_semaphore, #tpu.memory_space<semaphore_mem>>)
      %dma_wait3A_1762 = arith.constant 0 : i32
      %dma_wait3A_1763 = arith.constant 0 : i32
      %dma_wait3A_1764 = arith.constant 0 : i32
      %dma_wait3A_1765 = tpu.memref_slice %arg8[%dma_wait3A_1762, %dma_wait3A_1763, %dma_wait3A_1764] : memref<6x40x128xf32, #tpu.memory_space<vmem>> -> memref<1x40x128xf32, #tpu.memory_space<vmem>>
      %dma_wait3A_1766 = tpu.memref_squeeze %dma_wait3A_1765 : memref<1x40x128xf32, #tpu.memory_space<vmem>> -> memref<40x128xf32, #tpu.memory_space<vmem>>
      %dma_wait3A_1767 = arith.constant 0 : i32
      %dma_wait3A_1768 = tpu.memref_slice %arg4[%mul3A_2, %dma_wait3A_1767] : memref<320000x128xf32, #tpu.memory_space<hbm>> -> memref<40x128xf32, #tpu.memory_space<hbm>>
      %dma_wait3A_1769 = arith.constant 0 : i32
      %dma_wait3A_1770 = tpu.memref_slice %arg4[%mul3A_2, %dma_wait3A_1769] : memref<320000x128xf32, #tpu.memory_space<hbm>> -> memref<40x128xf32, #tpu.memory_space<hbm>>
      %dma_wait3A_1771 = arith.constant 0 : i32
      %dma_wait3A_1772 = arith.constant 0 : i32
      %dma_wait3A_1773 = tpu.memref_slice %arg8[%dma_wait3A_1762, %dma_wait3A_1771, %dma_wait3A_1772] : memref<6x40x128xf32, #tpu.memory_space<vmem>> -> memref<1x40x128xf32, #tpu.memory_space<vmem>>
      %dma_wait3A_1774 = tpu.memref_squeeze %dma_wait3A_1773 : memref<1x40x128xf32, #tpu.memory_space<vmem>> -> memref<40x128xf32, #tpu.memory_space<vmem>>
      tpu.wait_dma2 semaphore(%arg11 : memref<!tpu.dma_semaphore, #tpu.memory_space<semaphore_mem>>) src(%dma_wait3A_1774 : memref<40x128xf32, #tpu.memory_space<vmem>>) dst(%dma_wait3A_1770 : memref<40x128xf32, #tpu.memory_space<hbm>>)
      %add3A_1775 = arith.constant 4 : i32
      %add3A_1776 = arith.addi %add3A_1733, %add3A_1775 : i32
      %sub3A_1777 = arith.constant 0 : i32
      %sub3A_1778 = arith.subi %add3A_1776, %sub3A_1777 : i32
      %mul3A_1779 = arith.constant 40 : i32
      %mul3A_1780 = arith.muli %sub3A_1778, %mul3A_1779 : i32
      %dma_start3A_1781 = arith.constant 1 : i32
      %dma_start3A_1782 = arith.constant 0 : i32
      %dma_start3A_1783 = arith.constant 0 : i32
      %dma_start3A_1784 = tpu.memref_slice %arg8[%dma_start3A_1781, %dma_start3A_1782, %dma_start3A_1783] : memref<6x40x128xf32, #tpu.memory_space<vmem>> -> memref<1x40x128xf32, #tpu.memory_space<vmem>>
      %dma_start3A_1785 = tpu.memref_squeeze %dma_start3A_1784 : memref<1x40x128xf32, #tpu.memory_space<vmem>> -> memref<40x128xf32, #tpu.memory_space<vmem>>
      %dma_start3A_1786 = tpu.memref_slice %arg6[%mul3A_1780] : memref<10000xi32, #tpu.memory_space<vmem>> -> memref<40xi32, #tpu.memory_space<vmem>>
      %dma_start3A_1787 = arith.constant 0 : i32
      %dma_start3A_1788 = arith.constant 0 : i32
      %dma_start3A_1789 = tpu.memref_slice %arg9[%dma_start3A_1787, %dma_start3A_1788] : memref<10000x128xf32, #tpu.memory_space<vmem_shared>> -> memref<10000x128xf32, #tpu.memory_space<vmem_shared>>
      tpu.enqueue_indirect_dma source(%dma_start3A_1789 : memref<10000x128xf32, #tpu.memory_space<vmem_shared>>) target(%dma_start3A_1785 : memref<40x128xf32, #tpu.memory_space<vmem>>) offsets(%dma_start3A_1786 : memref<40xi32, #tpu.memory_space<vmem>>) semaphore(%arg10 : memref<!tpu.dma_semaphore, #tpu.memory_space<semaphore_mem>>)
      %add3A_1790 = arith.constant 4 : i32
      %add3A_1791 = arith.addi %add3A_1558, %add3A_1790 : i32
      %dma_wait3A_1792 = arith.constant 4 : i32
      %dma_wait3A_1793 = arith.constant 0 : i32
      %dma_wait3A_1794 = arith.constant 0 : i32
      %dma_wait3A_1795 = tpu.memref_slice %arg8[%dma_wait3A_1792, %dma_wait3A_1793, %dma_wait3A_1794] : memref<6x40x128xf32, #tpu.memory_space<vmem>> -> memref<1x40x128xf32, #tpu.memory_space<vmem>>
      %dma_wait3A_1796 = tpu.memref_squeeze %dma_wait3A_1795 : memref<1x40x128xf32, #tpu.memory_space<vmem>> -> memref<40x128xf32, #tpu.memory_space<vmem>>
      %dma_wait3A_1797 = arith.constant 0 : i32
      %dma_wait3A_1798 = tpu.memref_slice %arg6[%dma_wait3A_1797] : memref<10000xi32, #tpu.memory_space<vmem>> -> memref<40xi32, #tpu.memory_space<vmem>>
      %dma_wait3A_1799 = arith.constant 0 : i32
      %dma_wait3A_1800 = arith.constant 0 : i32
      %dma_wait3A_1801 = tpu.memref_slice %arg9[%dma_wait3A_1799, %dma_wait3A_1800] : memref<10000x128xf32, #tpu.memory_space<vmem_shared>> -> memref<10000x128xf32, #tpu.memory_space<vmem_shared>>
      tpu.wait_indirect_dma semaphore(%arg10 : memref<!tpu.dma_semaphore, #tpu.memory_space<semaphore_mem>>) src(%dma_wait3A_1801 : memref<10000x128xf32, #tpu.memory_space<vmem_shared>>) dst(%dma_wait3A_1796 : memref<40x128xf32, #tpu.memory_space<vmem>>)
      %sub3A_1802 = arith.constant 0 : i32
      %sub3A_1803 = arith.subi %add3A_1791, %sub3A_1802 : i32
      %mul3A_1804 = arith.constant 40 : i32
      %mul3A_1805 = arith.muli %sub3A_1803, %mul3A_1804 : i32
      %add3A_1806 = arith.addi %mul3A_2, %mul3A_1805 : i32
      %dma_start3A_1807 = arith.constant 4 : i32
      %dma_start3A_1808 = arith.constant 0 : i32
      %dma_start3A_1809 = arith.constant 0 : i32
      %dma_start3A_1810 = tpu.memref_slice %arg8[%dma_start3A_1807, %dma_start3A_1808, %dma_start3A_1809] : memref<6x40x128xf32, #tpu.memory_space<vmem>> -> memref<1x40x128xf32, #tpu.memory_space<vmem>>
      %dma_start3A_1811 = tpu.memref_squeeze %dma_start3A_1810 : memref<1x40x128xf32, #tpu.memory_space<vmem>> -> memref<40x128xf32, #tpu.memory_space<vmem>>
      %dma_start3A_1812 = arith.constant 0 : i32
      %dma_start3A_1813 = tpu.memref_slice %arg4[%add3A_1806, %dma_start3A_1812] : memref<320000x128xf32, #tpu.memory_space<hbm>> -> memref<40x128xf32, #tpu.memory_space<hbm>>
      %dma_start3A_1814 = arith.constant 0 : i32
      %dma_start3A_1815 = tpu.memref_slice %arg4[%add3A_1806, %dma_start3A_1814] : memref<320000x128xf32, #tpu.memory_space<hbm>> -> memref<40x128xf32, #tpu.memory_space<hbm>>
      %dma_start3A_1816 = arith.constant 0 : i32
      %dma_start3A_1817 = arith.constant 0 : i32
      %dma_start3A_1818 = tpu.memref_slice %arg8[%dma_start3A_1807, %dma_start3A_1816, %dma_start3A_1817] : memref<6x40x128xf32, #tpu.memory_space<vmem>> -> memref<1x40x128xf32, #tpu.memory_space<vmem>>
      %dma_start3A_1819 = tpu.memref_squeeze %dma_start3A_1818 : memref<1x40x128xf32, #tpu.memory_space<vmem>> -> memref<40x128xf32, #tpu.memory_space<vmem>>
      tpu.enqueue_dma source(%dma_start3A_1819 : memref<40x128xf32, #tpu.memory_space<vmem>>) target(%dma_start3A_1815 : memref<40x128xf32, #tpu.memory_space<hbm>>) target_semaphore(%arg11 : memref<!tpu.dma_semaphore, #tpu.memory_space<semaphore_mem>>)
      %dma_wait3A_1820 = arith.constant 0 : i32
      %dma_wait3A_1821 = arith.constant 0 : i32
      %dma_wait3A_1822 = arith.constant 0 : i32
      %dma_wait3A_1823 = tpu.memref_slice %arg8[%dma_wait3A_1820, %dma_wait3A_1821, %dma_wait3A_1822] : memref<6x40x128xf32, #tpu.memory_space<vmem>> -> memref<1x40x128xf32, #tpu.memory_space<vmem>>
      %dma_wait3A_1824 = tpu.memref_squeeze %dma_wait3A_1823 : memref<1x40x128xf32, #tpu.memory_space<vmem>> -> memref<40x128xf32, #tpu.memory_space<vmem>>
      %dma_wait3A_1825 = arith.constant 0 : i32
      %dma_wait3A_1826 = tpu.memref_slice %arg4[%mul3A_2, %dma_wait3A_1825] : memref<320000x128xf32, #tpu.memory_space<hbm>> -> memref<40x128xf32, #tpu.memory_space<hbm>>
      %dma_wait3A_1827 = arith.constant 0 : i32
      %dma_wait3A_1828 = tpu.memref_slice %arg4[%mul3A_2, %dma_wait3A_1827] : memref<320000x128xf32, #tpu.memory_space<hbm>> -> memref<40x128xf32, #tpu.memory_space<hbm>>
      %dma_wait3A_1829 = arith.constant 0 : i32
      %dma_wait3A_1830 = arith.constant 0 : i32
      %dma_wait3A_1831 = tpu.memref_slice %arg8[%dma_wait3A_1820, %dma_wait3A_1829, %dma_wait3A_1830] : memref<6x40x128xf32, #tpu.memory_space<vmem>> -> memref<1x40x128xf32, #tpu.memory_space<vmem>>
      %dma_wait3A_1832 = tpu.memref_squeeze %dma_wait3A_1831 : memref<1x40x128xf32, #tpu.memory_space<vmem>> -> memref<40x128xf32, #tpu.memory_space<vmem>>
      tpu.wait_dma2 semaphore(%arg11 : memref<!tpu.dma_semaphore, #tpu.memory_space<semaphore_mem>>) src(%dma_wait3A_1832 : memref<40x128xf32, #tpu.memory_space<vmem>>) dst(%dma_wait3A_1828 : memref<40x128xf32, #tpu.memory_space<hbm>>)
      %add3A_1833 = arith.constant 4 : i32
      %add3A_1834 = arith.addi %add3A_1791, %add3A_1833 : i32
      %sub3A_1835 = arith.constant 0 : i32
      %sub3A_1836 = arith.subi %add3A_1834, %sub3A_1835 : i32
      %mul3A_1837 = arith.constant 40 : i32
      %mul3A_1838 = arith.muli %sub3A_1836, %mul3A_1837 : i32
      %dma_start3A_1839 = arith.constant 2 : i32
      %dma_start3A_1840 = arith.constant 0 : i32
      %dma_start3A_1841 = arith.constant 0 : i32
      %dma_start3A_1842 = tpu.memref_slice %arg8[%dma_start3A_1839, %dma_start3A_1840, %dma_start3A_1841] : memref<6x40x128xf32, #tpu.memory_space<vmem>> -> memref<1x40x128xf32, #tpu.memory_space<vmem>>
      %dma_start3A_1843 = tpu.memref_squeeze %dma_start3A_1842 : memref<1x40x128xf32, #tpu.memory_space<vmem>> -> memref<40x128xf32, #tpu.memory_space<vmem>>
      %dma_start3A_1844 = tpu.memref_slice %arg6[%mul3A_1838] : memref<10000xi32, #tpu.memory_space<vmem>> -> memref<40xi32, #tpu.memory_space<vmem>>
      %dma_start3A_1845 = arith.constant 0 : i32
      %dma_start3A_1846 = arith.constant 0 : i32
      %dma_start3A_1847 = tpu.memref_slice %arg9[%dma_start3A_1845, %dma_start3A_1846] : memref<10000x128xf32, #tpu.memory_space<vmem_shared>> -> memref<10000x128xf32, #tpu.memory_space<vmem_shared>>
      tpu.enqueue_indirect_dma source(%dma_start3A_1847 : memref<10000x128xf32, #tpu.memory_space<vmem_shared>>) target(%dma_start3A_1843 : memref<40x128xf32, #tpu.memory_space<vmem>>) offsets(%dma_start3A_1844 : memref<40xi32, #tpu.memory_space<vmem>>) semaphore(%arg10 : memref<!tpu.dma_semaphore, #tpu.memory_space<semaphore_mem>>)
      %add3A_1848 = arith.constant 5 : i32
      %add3A_1849 = arith.addi %add3A_1558, %add3A_1848 : i32
      %dma_wait3A_1850 = arith.constant 5 : i32
      %dma_wait3A_1851 = arith.constant 0 : i32
      %dma_wait3A_1852 = arith.constant 0 : i32
      %dma_wait3A_1853 = tpu.memref_slice %arg8[%dma_wait3A_1850, %dma_wait3A_1851, %dma_wait3A_1852] : memref<6x40x128xf32, #tpu.memory_space<vmem>> -> memref<1x40x128xf32, #tpu.memory_space<vmem>>
      %dma_wait3A_1854 = tpu.memref_squeeze %dma_wait3A_1853 : memref<1x40x128xf32, #tpu.memory_space<vmem>> -> memref<40x128xf32, #tpu.memory_space<vmem>>
      %dma_wait3A_1855 = arith.constant 0 : i32
      %dma_wait3A_1856 = tpu.memref_slice %arg6[%dma_wait3A_1855] : memref<10000xi32, #tpu.memory_space<vmem>> -> memref<40xi32, #tpu.memory_space<vmem>>
      %dma_wait3A_1857 = arith.constant 0 : i32
      %dma_wait3A_1858 = arith.constant 0 : i32
      %dma_wait3A_1859 = tpu.memref_slice %arg9[%dma_wait3A_1857, %dma_wait3A_1858] : memref<10000x128xf32, #tpu.memory_space<vmem_shared>> -> memref<10000x128xf32, #tpu.memory_space<vmem_shared>>
      tpu.wait_indirect_dma semaphore(%arg10 : memref<!tpu.dma_semaphore, #tpu.memory_space<semaphore_mem>>) src(%dma_wait3A_1859 : memref<10000x128xf32, #tpu.memory_space<vmem_shared>>) dst(%dma_wait3A_1854 : memref<40x128xf32, #tpu.memory_space<vmem>>)
      %sub3A_1860 = arith.constant 0 : i32
      %sub3A_1861 = arith.subi %add3A_1849, %sub3A_1860 : i32
      %mul3A_1862 = arith.constant 40 : i32
      %mul3A_1863 = arith.muli %sub3A_1861, %mul3A_1862 : i32
      %add3A_1864 = arith.addi %mul3A_2, %mul3A_1863 : i32
      %dma_start3A_1865 = arith.constant 5 : i32
      %dma_start3A_1866 = arith.constant 0 : i32
      %dma_start3A_1867 = arith.constant 0 : i32
      %dma_start3A_1868 = tpu.memref_slice %arg8[%dma_start3A_1865, %dma_start3A_1866, %dma_start3A_1867] : memref<6x40x128xf32, #tpu.memory_space<vmem>> -> memref<1x40x128xf32, #tpu.memory_space<vmem>>
      %dma_start3A_1869 = tpu.memref_squeeze %dma_start3A_1868 : memref<1x40x128xf32, #tpu.memory_space<vmem>> -> memref<40x128xf32, #tpu.memory_space<vmem>>
      %dma_start3A_1870 = arith.constant 0 : i32
      %dma_start3A_1871 = tpu.memref_slice %arg4[%add3A_1864, %dma_start3A_1870] : memref<320000x128xf32, #tpu.memory_space<hbm>> -> memref<40x128xf32, #tpu.memory_space<hbm>>
      %dma_start3A_1872 = arith.constant 0 : i32
      %dma_start3A_1873 = tpu.memref_slice %arg4[%add3A_1864, %dma_start3A_1872] : memref<320000x128xf32, #tpu.memory_space<hbm>> -> memref<40x128xf32, #tpu.memory_space<hbm>>
      %dma_start3A_1874 = arith.constant 0 : i32
      %dma_start3A_1875 = arith.constant 0 : i32
      %dma_start3A_1876 = tpu.memref_slice %arg8[%dma_start3A_1865, %dma_start3A_1874, %dma_start3A_1875] : memref<6x40x128xf32, #tpu.memory_space<vmem>> -> memref<1x40x128xf32, #tpu.memory_space<vmem>>
      %dma_start3A_1877 = tpu.memref_squeeze %dma_start3A_1876 : memref<1x40x128xf32, #tpu.memory_space<vmem>> -> memref<40x128xf32, #tpu.memory_space<vmem>>
      tpu.enqueue_dma source(%dma_start3A_1877 : memref<40x128xf32, #tpu.memory_space<vmem>>) target(%dma_start3A_1873 : memref<40x128xf32, #tpu.memory_space<hbm>>) target_semaphore(%arg11 : memref<!tpu.dma_semaphore, #tpu.memory_space<semaphore_mem>>)
      %dma_wait3A_1878 = arith.constant 0 : i32
      %dma_wait3A_1879 = arith.constant 0 : i32
      %dma_wait3A_1880 = arith.constant 0 : i32
      %dma_wait3A_1881 = tpu.memref_slice %arg8[%dma_wait3A_1878, %dma_wait3A_1879, %dma_wait3A_1880] : memref<6x40x128xf32, #tpu.memory_space<vmem>> -> memref<1x40x128xf32, #tpu.memory_space<vmem>>
      %dma_wait3A_1882 = tpu.memref_squeeze %dma_wait3A_1881 : memref<1x40x128xf32, #tpu.memory_space<vmem>> -> memref<40x128xf32, #tpu.memory_space<vmem>>
      %dma_wait3A_1883 = arith.constant 0 : i32
      %dma_wait3A_1884 = tpu.memref_slice %arg4[%mul3A_2, %dma_wait3A_1883] : memref<320000x128xf32, #tpu.memory_space<hbm>> -> memref<40x128xf32, #tpu.memory_space<hbm>>
      %dma_wait3A_1885 = arith.constant 0 : i32
      %dma_wait3A_1886 = tpu.memref_slice %arg4[%mul3A_2, %dma_wait3A_1885] : memref<320000x128xf32, #tpu.memory_space<hbm>> -> memref<40x128xf32, #tpu.memory_space<hbm>>
      %dma_wait3A_1887 = arith.constant 0 : i32
      %dma_wait3A_1888 = arith.constant 0 : i32
      %dma_wait3A_1889 = tpu.memref_slice %arg8[%dma_wait3A_1878, %dma_wait3A_1887, %dma_wait3A_1888] : memref<6x40x128xf32, #tpu.memory_space<vmem>> -> memref<1x40x128xf32, #tpu.memory_space<vmem>>
      %dma_wait3A_1890 = tpu.memref_squeeze %dma_wait3A_1889 : memref<1x40x128xf32, #tpu.memory_space<vmem>> -> memref<40x128xf32, #tpu.memory_space<vmem>>
      tpu.wait_dma2 semaphore(%arg11 : memref<!tpu.dma_semaphore, #tpu.memory_space<semaphore_mem>>) src(%dma_wait3A_1890 : memref<40x128xf32, #tpu.memory_space<vmem>>) dst(%dma_wait3A_1886 : memref<40x128xf32, #tpu.memory_space<hbm>>)
      %add3A_1891 = arith.constant 4 : i32
      %add3A_1892 = arith.addi %add3A_1849, %add3A_1891 : i32
      %sub3A_1893 = arith.constant 0 : i32
      %sub3A_1894 = arith.subi %add3A_1892, %sub3A_1893 : i32
      %mul3A_1895 = arith.constant 40 : i32
      %mul3A_1896 = arith.muli %sub3A_1894, %mul3A_1895 : i32
      %dma_start3A_1897 = arith.constant 3 : i32
      %dma_start3A_1898 = arith.constant 0 : i32
      %dma_start3A_1899 = arith.constant 0 : i32
      %dma_start3A_1900 = tpu.memref_slice %arg8[%dma_start3A_1897, %dma_start3A_1898, %dma_start3A_1899] : memref<6x40x128xf32, #tpu.memory_space<vmem>> -> memref<1x40x128xf32, #tpu.memory_space<vmem>>
      %dma_start3A_1901 = tpu.memref_squeeze %dma_start3A_1900 : memref<1x40x128xf32, #tpu.memory_space<vmem>> -> memref<40x128xf32, #tpu.memory_space<vmem>>
      %dma_start3A_1902 = tpu.memref_slice %arg6[%mul3A_1896] : memref<10000xi32, #tpu.memory_space<vmem>> -> memref<40xi32, #tpu.memory_space<vmem>>
      %dma_start3A_1903 = arith.constant 0 : i32
      %dma_start3A_1904 = arith.constant 0 : i32
      %dma_start3A_1905 = tpu.memref_slice %arg9[%dma_start3A_1903, %dma_start3A_1904] : memref<10000x128xf32, #tpu.memory_space<vmem_shared>> -> memref<10000x128xf32, #tpu.memory_space<vmem_shared>>
      tpu.enqueue_indirect_dma source(%dma_start3A_1905 : memref<10000x128xf32, #tpu.memory_space<vmem_shared>>) target(%dma_start3A_1901 : memref<40x128xf32, #tpu.memory_space<vmem>>) offsets(%dma_start3A_1902 : memref<40xi32, #tpu.memory_space<vmem>>) semaphore(%arg10 : memref<!tpu.dma_semaphore, #tpu.memory_space<semaphore_mem>>)
    }
    %scan3A_601 = arith.constant 39 : i32
    %dma_wait3A_602 = arith.constant 0 : i32
    %dma_wait3A_603 = arith.constant 0 : i32
    %dma_wait3A_604 = arith.constant 0 : i32
    %dma_wait3A_605 = tpu.memref_slice %arg8[%dma_wait3A_602, %dma_wait3A_603, %dma_wait3A_604] : memref<6x40x128xf32, #tpu.memory_space<vmem>> -> memref<1x40x128xf32, #tpu.memory_space<vmem>>
    %dma_wait3A_606 = tpu.memref_squeeze %dma_wait3A_605 : memref<1x40x128xf32, #tpu.memory_space<vmem>> -> memref<40x128xf32, #tpu.memory_space<vmem>>
    %dma_wait3A_607 = arith.constant 0 : i32
    %dma_wait3A_608 = tpu.memref_slice %arg6[%dma_wait3A_607] : memref<10000xi32, #tpu.memory_space<vmem>> -> memref<40xi32, #tpu.memory_space<vmem>>
    %dma_wait3A_609 = arith.constant 0 : i32
    %dma_wait3A_610 = arith.constant 0 : i32
    %dma_wait3A_611 = tpu.memref_slice %arg9[%dma_wait3A_609, %dma_wait3A_610] : memref<10000x128xf32, #tpu.memory_space<vmem_shared>> -> memref<10000x128xf32, #tpu.memory_space<vmem_shared>>
    tpu.wait_indirect_dma semaphore(%arg10 : memref<!tpu.dma_semaphore, #tpu.memory_space<semaphore_mem>>) src(%dma_wait3A_611 : memref<10000x128xf32, #tpu.memory_space<vmem_shared>>) dst(%dma_wait3A_606 : memref<40x128xf32, #tpu.memory_space<vmem>>)
    %add3A_612 = arith.constant 9840 : i32
    %add3A_613 = arith.addi %mul3A_2, %add3A_612 : i32
    %dma_start3A_614 = arith.constant 0 : i32
    %dma_start3A_615 = arith.constant 0 : i32
    %dma_start3A_616 = arith.constant 0 : i32
    %dma_start3A_617 = tpu.memref_slice %arg8[%dma_start3A_614, %dma_start3A_615, %dma_start3A_616] : memref<6x40x128xf32, #tpu.memory_space<vmem>> -> memref<1x40x128xf32, #tpu.memory_space<vmem>>
    %dma_start3A_618 = tpu.memref_squeeze %dma_start3A_617 : memref<1x40x128xf32, #tpu.memory_space<vmem>> -> memref<40x128xf32, #tpu.memory_space<vmem>>
    %dma_start3A_619 = arith.constant 0 : i32
    %dma_start3A_620 = tpu.memref_slice %arg4[%add3A_613, %dma_start3A_619] : memref<320000x128xf32, #tpu.memory_space<hbm>> -> memref<40x128xf32, #tpu.memory_space<hbm>>
    %dma_start3A_621 = arith.constant 0 : i32
    %dma_start3A_622 = tpu.memref_slice %arg4[%add3A_613, %dma_start3A_621] : memref<320000x128xf32, #tpu.memory_space<hbm>> -> memref<40x128xf32, #tpu.memory_space<hbm>>
    %dma_start3A_623 = arith.constant 0 : i32
    %dma_start3A_624 = arith.constant 0 : i32
    %dma_start3A_625 = tpu.memref_slice %arg8[%dma_start3A_614, %dma_start3A_623, %dma_start3A_624] : memref<6x40x128xf32, #tpu.memory_space<vmem>> -> memref<1x40x128xf32, #tpu.memory_space<vmem>>
    %dma_start3A_626 = tpu.memref_squeeze %dma_start3A_625 : memref<1x40x128xf32, #tpu.memory_space<vmem>> -> memref<40x128xf32, #tpu.memory_space<vmem>>
    tpu.enqueue_dma source(%dma_start3A_626 : memref<40x128xf32, #tpu.memory_space<vmem>>) target(%dma_start3A_622 : memref<40x128xf32, #tpu.memory_space<hbm>>) target_semaphore(%arg11 : memref<!tpu.dma_semaphore, #tpu.memory_space<semaphore_mem>>)
    %dma_wait3A_627 = arith.constant 0 : i32
    %dma_wait3A_628 = arith.constant 0 : i32
    %dma_wait3A_629 = arith.constant 0 : i32
    %dma_wait3A_630 = tpu.memref_slice %arg8[%dma_wait3A_627, %dma_wait3A_628, %dma_wait3A_629] : memref<6x40x128xf32, #tpu.memory_space<vmem>> -> memref<1x40x128xf32, #tpu.memory_space<vmem>>
    %dma_wait3A_631 = tpu.memref_squeeze %dma_wait3A_630 : memref<1x40x128xf32, #tpu.memory_space<vmem>> -> memref<40x128xf32, #tpu.memory_space<vmem>>
    %dma_wait3A_632 = arith.constant 0 : i32
    %dma_wait3A_633 = tpu.memref_slice %arg4[%mul3A_2, %dma_wait3A_632] : memref<320000x128xf32, #tpu.memory_space<hbm>> -> memref<40x128xf32, #tpu.memory_space<hbm>>
    %dma_wait3A_634 = arith.constant 0 : i32
    %dma_wait3A_635 = tpu.memref_slice %arg4[%mul3A_2, %dma_wait3A_634] : memref<320000x128xf32, #tpu.memory_space<hbm>> -> memref<40x128xf32, #tpu.memory_space<hbm>>
    %dma_wait3A_636 = arith.constant 0 : i32
    %dma_wait3A_637 = arith.constant 0 : i32
    %dma_wait3A_638 = tpu.memref_slice %arg8[%dma_wait3A_627, %dma_wait3A_636, %dma_wait3A_637] : memref<6x40x128xf32, #tpu.memory_space<vmem>> -> memref<1x40x128xf32, #tpu.memory_space<vmem>>
    %dma_wait3A_639 = tpu.memref_squeeze %dma_wait3A_638 : memref<1x40x128xf32, #tpu.memory_space<vmem>> -> memref<40x128xf32, #tpu.memory_space<vmem>>
    tpu.wait_dma2 semaphore(%arg11 : memref<!tpu.dma_semaphore, #tpu.memory_space<semaphore_mem>>) src(%dma_wait3A_639 : memref<40x128xf32, #tpu.memory_space<vmem>>) dst(%dma_wait3A_635 : memref<40x128xf32, #tpu.memory_space<hbm>>)
    %dma_start3A_640 = arith.constant 4 : i32
    %dma_start3A_641 = arith.constant 0 : i32
    %dma_start3A_642 = arith.constant 0 : i32
    %dma_start3A_643 = tpu.memref_slice %arg8[%dma_start3A_640, %dma_start3A_641, %dma_start3A_642] : memref<6x40x128xf32, #tpu.memory_space<vmem>> -> memref<1x40x128xf32, #tpu.memory_space<vmem>>
    %dma_start3A_644 = tpu.memref_squeeze %dma_start3A_643 : memref<1x40x128xf32, #tpu.memory_space<vmem>> -> memref<40x128xf32, #tpu.memory_space<vmem>>
    %dma_start3A_645 = arith.constant 0 : i32
    %dma_start3A_646 = tpu.memref_slice %arg7[%dma_start3A_645] : memref<10000xi32, #tpu.memory_space<vmem>> -> memref<40xi32, #tpu.memory_space<vmem>>
    %dma_start3A_647 = arith.constant 0 : i32
    %dma_start3A_648 = arith.constant 0 : i32
    %dma_start3A_649 = tpu.memref_slice %arg9[%dma_start3A_647, %dma_start3A_648] : memref<10000x128xf32, #tpu.memory_space<vmem_shared>> -> memref<10000x128xf32, #tpu.memory_space<vmem_shared>>
    tpu.enqueue_indirect_dma source(%dma_start3A_649 : memref<10000x128xf32, #tpu.memory_space<vmem_shared>>) target(%dma_start3A_644 : memref<40x128xf32, #tpu.memory_space<vmem>>) offsets(%dma_start3A_646 : memref<40xi32, #tpu.memory_space<vmem>>) semaphore(%arg10 : memref<!tpu.dma_semaphore, #tpu.memory_space<semaphore_mem>>)
    %dma_wait3A_650 = arith.constant 1 : i32
    %dma_wait3A_651 = arith.constant 0 : i32
    %dma_wait3A_652 = arith.constant 0 : i32
    %dma_wait3A_653 = tpu.memref_slice %arg8[%dma_wait3A_650, %dma_wait3A_651, %dma_wait3A_652] : memref<6x40x128xf32, #tpu.memory_space<vmem>> -> memref<1x40x128xf32, #tpu.memory_space<vmem>>
    %dma_wait3A_654 = tpu.memref_squeeze %dma_wait3A_653 : memref<1x40x128xf32, #tpu.memory_space<vmem>> -> memref<40x128xf32, #tpu.memory_space<vmem>>
    %dma_wait3A_655 = arith.constant 0 : i32
    %dma_wait3A_656 = tpu.memref_slice %arg6[%dma_wait3A_655] : memref<10000xi32, #tpu.memory_space<vmem>> -> memref<40xi32, #tpu.memory_space<vmem>>
    %dma_wait3A_657 = arith.constant 0 : i32
    %dma_wait3A_658 = arith.constant 0 : i32
    %dma_wait3A_659 = tpu.memref_slice %arg9[%dma_wait3A_657, %dma_wait3A_658] : memref<10000x128xf32, #tpu.memory_space<vmem_shared>> -> memref<10000x128xf32, #tpu.memory_space<vmem_shared>>
    tpu.wait_indirect_dma semaphore(%arg10 : memref<!tpu.dma_semaphore, #tpu.memory_space<semaphore_mem>>) src(%dma_wait3A_659 : memref<10000x128xf32, #tpu.memory_space<vmem_shared>>) dst(%dma_wait3A_654 : memref<40x128xf32, #tpu.memory_space<vmem>>)
    %add3A_660 = arith.constant 9880 : i32
    %add3A_661 = arith.addi %mul3A_2, %add3A_660 : i32
    %dma_start3A_662 = arith.constant 1 : i32
    %dma_start3A_663 = arith.constant 0 : i32
    %dma_start3A_664 = arith.constant 0 : i32
    %dma_start3A_665 = tpu.memref_slice %arg8[%dma_start3A_662, %dma_start3A_663, %dma_start3A_664] : memref<6x40x128xf32, #tpu.memory_space<vmem>> -> memref<1x40x128xf32, #tpu.memory_space<vmem>>
    %dma_start3A_666 = tpu.memref_squeeze %dma_start3A_665 : memref<1x40x128xf32, #tpu.memory_space<vmem>> -> memref<40x128xf32, #tpu.memory_space<vmem>>
    %dma_start3A_667 = arith.constant 0 : i32
    %dma_start3A_668 = tpu.memref_slice %arg4[%add3A_661, %dma_start3A_667] : memref<320000x128xf32, #tpu.memory_space<hbm>> -> memref<40x128xf32, #tpu.memory_space<hbm>>
    %dma_start3A_669 = arith.constant 0 : i32
    %dma_start3A_670 = tpu.memref_slice %arg4[%add3A_661, %dma_start3A_669] : memref<320000x128xf32, #tpu.memory_space<hbm>> -> memref<40x128xf32, #tpu.memory_space<hbm>>
    %dma_start3A_671 = arith.constant 0 : i32
    %dma_start3A_672 = arith.constant 0 : i32
    %dma_start3A_673 = tpu.memref_slice %arg8[%dma_start3A_662, %dma_start3A_671, %dma_start3A_672] : memref<6x40x128xf32, #tpu.memory_space<vmem>> -> memref<1x40x128xf32, #tpu.memory_space<vmem>>
    %dma_start3A_674 = tpu.memref_squeeze %dma_start3A_673 : memref<1x40x128xf32, #tpu.memory_space<vmem>> -> memref<40x128xf32, #tpu.memory_space<vmem>>
    tpu.enqueue_dma source(%dma_start3A_674 : memref<40x128xf32, #tpu.memory_space<vmem>>) target(%dma_start3A_670 : memref<40x128xf32, #tpu.memory_space<hbm>>) target_semaphore(%arg11 : memref<!tpu.dma_semaphore, #tpu.memory_space<semaphore_mem>>)
    %dma_wait3A_675 = arith.constant 0 : i32
    %dma_wait3A_676 = arith.constant 0 : i32
    %dma_wait3A_677 = arith.constant 0 : i32
    %dma_wait3A_678 = tpu.memref_slice %arg8[%dma_wait3A_675, %dma_wait3A_676, %dma_wait3A_677] : memref<6x40x128xf32, #tpu.memory_space<vmem>> -> memref<1x40x128xf32, #tpu.memory_space<vmem>>
    %dma_wait3A_679 = tpu.memref_squeeze %dma_wait3A_678 : memref<1x40x128xf32, #tpu.memory_space<vmem>> -> memref<40x128xf32, #tpu.memory_space<vmem>>
    %dma_wait3A_680 = arith.constant 0 : i32
    %dma_wait3A_681 = tpu.memref_slice %arg4[%mul3A_2, %dma_wait3A_680] : memref<320000x128xf32, #tpu.memory_space<hbm>> -> memref<40x128xf32, #tpu.memory_space<hbm>>
    %dma_wait3A_682 = arith.constant 0 : i32
    %dma_wait3A_683 = tpu.memref_slice %arg4[%mul3A_2, %dma_wait3A_682] : memref<320000x128xf32, #tpu.memory_space<hbm>> -> memref<40x128xf32, #tpu.memory_space<hbm>>
    %dma_wait3A_684 = arith.constant 0 : i32
    %dma_wait3A_685 = arith.constant 0 : i32
    %dma_wait3A_686 = tpu.memref_slice %arg8[%dma_wait3A_675, %dma_wait3A_684, %dma_wait3A_685] : memref<6x40x128xf32, #tpu.memory_space<vmem>> -> memref<1x40x128xf32, #tpu.memory_space<vmem>>
    %dma_wait3A_687 = tpu.memref_squeeze %dma_wait3A_686 : memref<1x40x128xf32, #tpu.memory_space<vmem>> -> memref<40x128xf32, #tpu.memory_space<vmem>>
    tpu.wait_dma2 semaphore(%arg11 : memref<!tpu.dma_semaphore, #tpu.memory_space<semaphore_mem>>) src(%dma_wait3A_687 : memref<40x128xf32, #tpu.memory_space<vmem>>) dst(%dma_wait3A_683 : memref<40x128xf32, #tpu.memory_space<hbm>>)
    %dma_start3A_688 = arith.constant 5 : i32
    %dma_start3A_689 = arith.constant 0 : i32
    %dma_start3A_690 = arith.constant 0 : i32
    %dma_start3A_691 = tpu.memref_slice %arg8[%dma_start3A_688, %dma_start3A_689, %dma_start3A_690] : memref<6x40x128xf32, #tpu.memory_space<vmem>> -> memref<1x40x128xf32, #tpu.memory_space<vmem>>
    %dma_start3A_692 = tpu.memref_squeeze %dma_start3A_691 : memref<1x40x128xf32, #tpu.memory_space<vmem>> -> memref<40x128xf32, #tpu.memory_space<vmem>>
    %dma_start3A_693 = arith.constant 40 : i32
    %dma_start3A_694 = tpu.memref_slice %arg7[%dma_start3A_693] : memref<10000xi32, #tpu.memory_space<vmem>> -> memref<40xi32, #tpu.memory_space<vmem>>
    %dma_start3A_695 = arith.constant 0 : i32
    %dma_start3A_696 = arith.constant 0 : i32
    %dma_start3A_697 = tpu.memref_slice %arg9[%dma_start3A_695, %dma_start3A_696] : memref<10000x128xf32, #tpu.memory_space<vmem_shared>> -> memref<10000x128xf32, #tpu.memory_space<vmem_shared>>
    tpu.enqueue_indirect_dma source(%dma_start3A_697 : memref<10000x128xf32, #tpu.memory_space<vmem_shared>>) target(%dma_start3A_692 : memref<40x128xf32, #tpu.memory_space<vmem>>) offsets(%dma_start3A_694 : memref<40xi32, #tpu.memory_space<vmem>>) semaphore(%arg10 : memref<!tpu.dma_semaphore, #tpu.memory_space<semaphore_mem>>)
    %dma_wait3A_698 = arith.constant 2 : i32
    %dma_wait3A_699 = arith.constant 0 : i32
    %dma_wait3A_700 = arith.constant 0 : i32
    %dma_wait3A_701 = tpu.memref_slice %arg8[%dma_wait3A_698, %dma_wait3A_699, %dma_wait3A_700] : memref<6x40x128xf32, #tpu.memory_space<vmem>> -> memref<1x40x128xf32, #tpu.memory_space<vmem>>
    %dma_wait3A_702 = tpu.memref_squeeze %dma_wait3A_701 : memref<1x40x128xf32, #tpu.memory_space<vmem>> -> memref<40x128xf32, #tpu.memory_space<vmem>>
    %dma_wait3A_703 = arith.constant 0 : i32
    %dma_wait3A_704 = tpu.memref_slice %arg6[%dma_wait3A_703] : memref<10000xi32, #tpu.memory_space<vmem>> -> memref<40xi32, #tpu.memory_space<vmem>>
    %dma_wait3A_705 = arith.constant 0 : i32
    %dma_wait3A_706 = arith.constant 0 : i32
    %dma_wait3A_707 = tpu.memref_slice %arg9[%dma_wait3A_705, %dma_wait3A_706] : memref<10000x128xf32, #tpu.memory_space<vmem_shared>> -> memref<10000x128xf32, #tpu.memory_space<vmem_shared>>
    tpu.wait_indirect_dma semaphore(%arg10 : memref<!tpu.dma_semaphore, #tpu.memory_space<semaphore_mem>>) src(%dma_wait3A_707 : memref<10000x128xf32, #tpu.memory_space<vmem_shared>>) dst(%dma_wait3A_702 : memref<40x128xf32, #tpu.memory_space<vmem>>)
    %add3A_708 = arith.constant 9920 : i32
    %add3A_709 = arith.addi %mul3A_2, %add3A_708 : i32
    %dma_start3A_710 = arith.constant 2 : i32
    %dma_start3A_711 = arith.constant 0 : i32
    %dma_start3A_712 = arith.constant 0 : i32
    %dma_start3A_713 = tpu.memref_slice %arg8[%dma_start3A_710, %dma_start3A_711, %dma_start3A_712] : memref<6x40x128xf32, #tpu.memory_space<vmem>> -> memref<1x40x128xf32, #tpu.memory_space<vmem>>
    %dma_start3A_714 = tpu.memref_squeeze %dma_start3A_713 : memref<1x40x128xf32, #tpu.memory_space<vmem>> -> memref<40x128xf32, #tpu.memory_space<vmem>>
    %dma_start3A_715 = arith.constant 0 : i32
    %dma_start3A_716 = tpu.memref_slice %arg4[%add3A_709, %dma_start3A_715] : memref<320000x128xf32, #tpu.memory_space<hbm>> -> memref<40x128xf32, #tpu.memory_space<hbm>>
    %dma_start3A_717 = arith.constant 0 : i32
    %dma_start3A_718 = tpu.memref_slice %arg4[%add3A_709, %dma_start3A_717] : memref<320000x128xf32, #tpu.memory_space<hbm>> -> memref<40x128xf32, #tpu.memory_space<hbm>>
    %dma_start3A_719 = arith.constant 0 : i32
    %dma_start3A_720 = arith.constant 0 : i32
    %dma_start3A_721 = tpu.memref_slice %arg8[%dma_start3A_710, %dma_start3A_719, %dma_start3A_720] : memref<6x40x128xf32, #tpu.memory_space<vmem>> -> memref<1x40x128xf32, #tpu.memory_space<vmem>>
    %dma_start3A_722 = tpu.memref_squeeze %dma_start3A_721 : memref<1x40x128xf32, #tpu.memory_space<vmem>> -> memref<40x128xf32, #tpu.memory_space<vmem>>
    tpu.enqueue_dma source(%dma_start3A_722 : memref<40x128xf32, #tpu.memory_space<vmem>>) target(%dma_start3A_718 : memref<40x128xf32, #tpu.memory_space<hbm>>) target_semaphore(%arg11 : memref<!tpu.dma_semaphore, #tpu.memory_space<semaphore_mem>>)
    %dma_wait3A_723 = arith.constant 0 : i32
    %dma_wait3A_724 = arith.constant 0 : i32
    %dma_wait3A_725 = arith.constant 0 : i32
    %dma_wait3A_726 = tpu.memref_slice %arg8[%dma_wait3A_723, %dma_wait3A_724, %dma_wait3A_725] : memref<6x40x128xf32, #tpu.memory_space<vmem>> -> memref<1x40x128xf32, #tpu.memory_space<vmem>>
    %dma_wait3A_727 = tpu.memref_squeeze %dma_wait3A_726 : memref<1x40x128xf32, #tpu.memory_space<vmem>> -> memref<40x128xf32, #tpu.memory_space<vmem>>
    %dma_wait3A_728 = arith.constant 0 : i32
    %dma_wait3A_729 = tpu.memref_slice %arg4[%mul3A_2, %dma_wait3A_728] : memref<320000x128xf32, #tpu.memory_space<hbm>> -> memref<40x128xf32, #tpu.memory_space<hbm>>
    %dma_wait3A_730 = arith.constant 0 : i32
    %dma_wait3A_731 = tpu.memref_slice %arg4[%mul3A_2, %dma_wait3A_730] : memref<320000x128xf32, #tpu.memory_space<hbm>> -> memref<40x128xf32, #tpu.memory_space<hbm>>
    %dma_wait3A_732 = arith.constant 0 : i32
    %dma_wait3A_733 = arith.constant 0 : i32
    %dma_wait3A_734 = tpu.memref_slice %arg8[%dma_wait3A_723, %dma_wait3A_732, %dma_wait3A_733] : memref<6x40x128xf32, #tpu.memory_space<vmem>> -> memref<1x40x128xf32, #tpu.memory_space<vmem>>
    %dma_wait3A_735 = tpu.memref_squeeze %dma_wait3A_734 : memref<1x40x128xf32, #tpu.memory_space<vmem>> -> memref<40x128xf32, #tpu.memory_space<vmem>>
    tpu.wait_dma2 semaphore(%arg11 : memref<!tpu.dma_semaphore, #tpu.memory_space<semaphore_mem>>) src(%dma_wait3A_735 : memref<40x128xf32, #tpu.memory_space<vmem>>) dst(%dma_wait3A_731 : memref<40x128xf32, #tpu.memory_space<hbm>>)
    %dma_start3A_736 = arith.constant 0 : i32
    %dma_start3A_737 = arith.constant 0 : i32
    %dma_start3A_738 = arith.constant 0 : i32
    %dma_start3A_739 = tpu.memref_slice %arg8[%dma_start3A_736, %dma_start3A_737, %dma_start3A_738] : memref<6x40x128xf32, #tpu.memory_space<vmem>> -> memref<1x40x128xf32, #tpu.memory_space<vmem>>
    %dma_start3A_740 = tpu.memref_squeeze %dma_start3A_739 : memref<1x40x128xf32, #tpu.memory_space<vmem>> -> memref<40x128xf32, #tpu.memory_space<vmem>>
    %dma_start3A_741 = arith.constant 80 : i32
    %dma_start3A_742 = tpu.memref_slice %arg7[%dma_start3A_741] : memref<10000xi32, #tpu.memory_space<vmem>> -> memref<40xi32, #tpu.memory_space<vmem>>
    %dma_start3A_743 = arith.constant 0 : i32
    %dma_start3A_744 = arith.constant 0 : i32
    %dma_start3A_745 = tpu.memref_slice %arg9[%dma_start3A_743, %dma_start3A_744] : memref<10000x128xf32, #tpu.memory_space<vmem_shared>> -> memref<10000x128xf32, #tpu.memory_space<vmem_shared>>
    tpu.enqueue_indirect_dma source(%dma_start3A_745 : memref<10000x128xf32, #tpu.memory_space<vmem_shared>>) target(%dma_start3A_740 : memref<40x128xf32, #tpu.memory_space<vmem>>) offsets(%dma_start3A_742 : memref<40xi32, #tpu.memory_space<vmem>>) semaphore(%arg10 : memref<!tpu.dma_semaphore, #tpu.memory_space<semaphore_mem>>)
    %dma_wait3A_746 = arith.constant 3 : i32
    %dma_wait3A_747 = arith.constant 0 : i32
    %dma_wait3A_748 = arith.constant 0 : i32
    %dma_wait3A_749 = tpu.memref_slice %arg8[%dma_wait3A_746, %dma_wait3A_747, %dma_wait3A_748] : memref<6x40x128xf32, #tpu.memory_space<vmem>> -> memref<1x40x128xf32, #tpu.memory_space<vmem>>
    %dma_wait3A_750 = tpu.memref_squeeze %dma_wait3A_749 : memref<1x40x128xf32, #tpu.memory_space<vmem>> -> memref<40x128xf32, #tpu.memory_space<vmem>>
    %dma_wait3A_751 = arith.constant 0 : i32
    %dma_wait3A_752 = tpu.memref_slice %arg6[%dma_wait3A_751] : memref<10000xi32, #tpu.memory_space<vmem>> -> memref<40xi32, #tpu.memory_space<vmem>>
    %dma_wait3A_753 = arith.constant 0 : i32
    %dma_wait3A_754 = arith.constant 0 : i32
    %dma_wait3A_755 = tpu.memref_slice %arg9[%dma_wait3A_753, %dma_wait3A_754] : memref<10000x128xf32, #tpu.memory_space<vmem_shared>> -> memref<10000x128xf32, #tpu.memory_space<vmem_shared>>
    tpu.wait_indirect_dma semaphore(%arg10 : memref<!tpu.dma_semaphore, #tpu.memory_space<semaphore_mem>>) src(%dma_wait3A_755 : memref<10000x128xf32, #tpu.memory_space<vmem_shared>>) dst(%dma_wait3A_750 : memref<40x128xf32, #tpu.memory_space<vmem>>)
    %add3A_756 = arith.constant 9960 : i32
    %add3A_757 = arith.addi %mul3A_2, %add3A_756 : i32
    %dma_start3A_758 = arith.constant 3 : i32
    %dma_start3A_759 = arith.constant 0 : i32
    %dma_start3A_760 = arith.constant 0 : i32
    %dma_start3A_761 = tpu.memref_slice %arg8[%dma_start3A_758, %dma_start3A_759, %dma_start3A_760] : memref<6x40x128xf32, #tpu.memory_space<vmem>> -> memref<1x40x128xf32, #tpu.memory_space<vmem>>
    %dma_start3A_762 = tpu.memref_squeeze %dma_start3A_761 : memref<1x40x128xf32, #tpu.memory_space<vmem>> -> memref<40x128xf32, #tpu.memory_space<vmem>>
    %dma_start3A_763 = arith.constant 0 : i32
    %dma_start3A_764 = tpu.memref_slice %arg4[%add3A_757, %dma_start3A_763] : memref<320000x128xf32, #tpu.memory_space<hbm>> -> memref<40x128xf32, #tpu.memory_space<hbm>>
    %dma_start3A_765 = arith.constant 0 : i32
    %dma_start3A_766 = tpu.memref_slice %arg4[%add3A_757, %dma_start3A_765] : memref<320000x128xf32, #tpu.memory_space<hbm>> -> memref<40x128xf32, #tpu.memory_space<hbm>>
    %dma_start3A_767 = arith.constant 0 : i32
    %dma_start3A_768 = arith.constant 0 : i32
    %dma_start3A_769 = tpu.memref_slice %arg8[%dma_start3A_758, %dma_start3A_767, %dma_start3A_768] : memref<6x40x128xf32, #tpu.memory_space<vmem>> -> memref<1x40x128xf32, #tpu.memory_space<vmem>>
    %dma_start3A_770 = tpu.memref_squeeze %dma_start3A_769 : memref<1x40x128xf32, #tpu.memory_space<vmem>> -> memref<40x128xf32, #tpu.memory_space<vmem>>
    tpu.enqueue_dma source(%dma_start3A_770 : memref<40x128xf32, #tpu.memory_space<vmem>>) target(%dma_start3A_766 : memref<40x128xf32, #tpu.memory_space<hbm>>) target_semaphore(%arg11 : memref<!tpu.dma_semaphore, #tpu.memory_space<semaphore_mem>>)
    %dma_wait3A_771 = arith.constant 0 : i32
    %dma_wait3A_772 = arith.constant 0 : i32
    %dma_wait3A_773 = arith.constant 0 : i32
    %dma_wait3A_774 = tpu.memref_slice %arg8[%dma_wait3A_771, %dma_wait3A_772, %dma_wait3A_773] : memref<6x40x128xf32, #tpu.memory_space<vmem>> -> memref<1x40x128xf32, #tpu.memory_space<vmem>>
    %dma_wait3A_775 = tpu.memref_squeeze %dma_wait3A_774 : memref<1x40x128xf32, #tpu.memory_space<vmem>> -> memref<40x128xf32, #tpu.memory_space<vmem>>
    %dma_wait3A_776 = arith.constant 0 : i32
    %dma_wait3A_777 = tpu.memref_slice %arg4[%mul3A_2, %dma_wait3A_776] : memref<320000x128xf32, #tpu.memory_space<hbm>> -> memref<40x128xf32, #tpu.memory_space<hbm>>
    %dma_wait3A_778 = arith.constant 0 : i32
    %dma_wait3A_779 = tpu.memref_slice %arg4[%mul3A_2, %dma_wait3A_778] : memref<320000x128xf32, #tpu.memory_space<hbm>> -> memref<40x128xf32, #tpu.memory_space<hbm>>
    %dma_wait3A_780 = arith.constant 0 : i32
    %dma_wait3A_781 = arith.constant 0 : i32
    %dma_wait3A_782 = tpu.memref_slice %arg8[%dma_wait3A_771, %dma_wait3A_780, %dma_wait3A_781] : memref<6x40x128xf32, #tpu.memory_space<vmem>> -> memref<1x40x128xf32, #tpu.memory_space<vmem>>
    %dma_wait3A_783 = tpu.memref_squeeze %dma_wait3A_782 : memref<1x40x128xf32, #tpu.memory_space<vmem>> -> memref<40x128xf32, #tpu.memory_space<vmem>>
    tpu.wait_dma2 semaphore(%arg11 : memref<!tpu.dma_semaphore, #tpu.memory_space<semaphore_mem>>) src(%dma_wait3A_783 : memref<40x128xf32, #tpu.memory_space<vmem>>) dst(%dma_wait3A_779 : memref<40x128xf32, #tpu.memory_space<hbm>>)
    %dma_start3A_784 = arith.constant 1 : i32
    %dma_start3A_785 = arith.constant 0 : i32
    %dma_start3A_786 = arith.constant 0 : i32
    %dma_start3A_787 = tpu.memref_slice %arg8[%dma_start3A_784, %dma_start3A_785, %dma_start3A_786] : memref<6x40x128xf32, #tpu.memory_space<vmem>> -> memref<1x40x128xf32, #tpu.memory_space<vmem>>
    %dma_start3A_788 = tpu.memref_squeeze %dma_start3A_787 : memref<1x40x128xf32, #tpu.memory_space<vmem>> -> memref<40x128xf32, #tpu.memory_space<vmem>>
    %dma_start3A_789 = arith.constant 120 : i32
    %dma_start3A_790 = tpu.memref_slice %arg7[%dma_start3A_789] : memref<10000xi32, #tpu.memory_space<vmem>> -> memref<40xi32, #tpu.memory_space<vmem>>
    %dma_start3A_791 = arith.constant 0 : i32
    %dma_start3A_792 = arith.constant 0 : i32
    %dma_start3A_793 = tpu.memref_slice %arg9[%dma_start3A_791, %dma_start3A_792] : memref<10000x128xf32, #tpu.memory_space<vmem_shared>> -> memref<10000x128xf32, #tpu.memory_space<vmem_shared>>
    tpu.enqueue_indirect_dma source(%dma_start3A_793 : memref<10000x128xf32, #tpu.memory_space<vmem_shared>>) target(%dma_start3A_788 : memref<40x128xf32, #tpu.memory_space<vmem>>) offsets(%dma_start3A_790 : memref<40xi32, #tpu.memory_space<vmem>>) semaphore(%arg10 : memref<!tpu.dma_semaphore, #tpu.memory_space<semaphore_mem>>)
    %dma_wait3A_794 = arith.constant 4 : i32
    %dma_wait3A_795 = arith.constant 0 : i32
    %dma_wait3A_796 = arith.constant 0 : i32
    %dma_wait3A_797 = tpu.memref_slice %arg8[%dma_wait3A_794, %dma_wait3A_795, %dma_wait3A_796] : memref<6x40x128xf32, #tpu.memory_space<vmem>> -> memref<1x40x128xf32, #tpu.memory_space<vmem>>
    %dma_wait3A_798 = tpu.memref_squeeze %dma_wait3A_797 : memref<1x40x128xf32, #tpu.memory_space<vmem>> -> memref<40x128xf32, #tpu.memory_space<vmem>>
    %dma_wait3A_799 = arith.constant 0 : i32
    %dma_wait3A_800 = tpu.memref_slice %arg6[%dma_wait3A_799] : memref<10000xi32, #tpu.memory_space<vmem>> -> memref<40xi32, #tpu.memory_space<vmem>>
    %dma_wait3A_801 = arith.constant 0 : i32
    %dma_wait3A_802 = arith.constant 0 : i32
    %dma_wait3A_803 = tpu.memref_slice %arg9[%dma_wait3A_801, %dma_wait3A_802] : memref<10000x128xf32, #tpu.memory_space<vmem_shared>> -> memref<10000x128xf32, #tpu.memory_space<vmem_shared>>
    tpu.wait_indirect_dma semaphore(%arg10 : memref<!tpu.dma_semaphore, #tpu.memory_space<semaphore_mem>>) src(%dma_wait3A_803 : memref<10000x128xf32, #tpu.memory_space<vmem_shared>>) dst(%dma_wait3A_798 : memref<40x128xf32, #tpu.memory_space<vmem>>)
    %add3A_804 = arith.constant 0 : i32
    %add3A_805 = arith.addi %mul3A_2, %add3A_804 : i32
    %dma_start3A_806 = arith.constant 4 : i32
    %dma_start3A_807 = arith.constant 0 : i32
    %dma_start3A_808 = arith.constant 0 : i32
    %dma_start3A_809 = tpu.memref_slice %arg8[%dma_start3A_806, %dma_start3A_807, %dma_start3A_808] : memref<6x40x128xf32, #tpu.memory_space<vmem>> -> memref<1x40x128xf32, #tpu.memory_space<vmem>>
    %dma_start3A_810 = tpu.memref_squeeze %dma_start3A_809 : memref<1x40x128xf32, #tpu.memory_space<vmem>> -> memref<40x128xf32, #tpu.memory_space<vmem>>
    %dma_start3A_811 = arith.constant 0 : i32
    %dma_start3A_812 = tpu.memref_slice %arg5[%add3A_805, %dma_start3A_811] : memref<320000x128xf32, #tpu.memory_space<hbm>> -> memref<40x128xf32, #tpu.memory_space<hbm>>
    %dma_start3A_813 = arith.constant 0 : i32
    %dma_start3A_814 = tpu.memref_slice %arg5[%add3A_805, %dma_start3A_813] : memref<320000x128xf32, #tpu.memory_space<hbm>> -> memref<40x128xf32, #tpu.memory_space<hbm>>
    %dma_start3A_815 = arith.constant 0 : i32
    %dma_start3A_816 = arith.constant 0 : i32
    %dma_start3A_817 = tpu.memref_slice %arg8[%dma_start3A_806, %dma_start3A_815, %dma_start3A_816] : memref<6x40x128xf32, #tpu.memory_space<vmem>> -> memref<1x40x128xf32, #tpu.memory_space<vmem>>
    %dma_start3A_818 = tpu.memref_squeeze %dma_start3A_817 : memref<1x40x128xf32, #tpu.memory_space<vmem>> -> memref<40x128xf32, #tpu.memory_space<vmem>>
    tpu.enqueue_dma source(%dma_start3A_818 : memref<40x128xf32, #tpu.memory_space<vmem>>) target(%dma_start3A_814 : memref<40x128xf32, #tpu.memory_space<hbm>>) target_semaphore(%arg11 : memref<!tpu.dma_semaphore, #tpu.memory_space<semaphore_mem>>)
    %dma_wait3A_819 = arith.constant 0 : i32
    %dma_wait3A_820 = arith.constant 0 : i32
    %dma_wait3A_821 = arith.constant 0 : i32
    %dma_wait3A_822 = tpu.memref_slice %arg8[%dma_wait3A_819, %dma_wait3A_820, %dma_wait3A_821] : memref<6x40x128xf32, #tpu.memory_space<vmem>> -> memref<1x40x128xf32, #tpu.memory_space<vmem>>
    %dma_wait3A_823 = tpu.memref_squeeze %dma_wait3A_822 : memref<1x40x128xf32, #tpu.memory_space<vmem>> -> memref<40x128xf32, #tpu.memory_space<vmem>>
    %dma_wait3A_824 = arith.constant 0 : i32
    %dma_wait3A_825 = tpu.memref_slice %arg4[%mul3A_2, %dma_wait3A_824] : memref<320000x128xf32, #tpu.memory_space<hbm>> -> memref<40x128xf32, #tpu.memory_space<hbm>>
    %dma_wait3A_826 = arith.constant 0 : i32
    %dma_wait3A_827 = tpu.memref_slice %arg4[%mul3A_2, %dma_wait3A_826] : memref<320000x128xf32, #tpu.memory_space<hbm>> -> memref<40x128xf32, #tpu.memory_space<hbm>>
    %dma_wait3A_828 = arith.constant 0 : i32
    %dma_wait3A_829 = arith.constant 0 : i32
    %dma_wait3A_830 = tpu.memref_slice %arg8[%dma_wait3A_819, %dma_wait3A_828, %dma_wait3A_829] : memref<6x40x128xf32, #tpu.memory_space<vmem>> -> memref<1x40x128xf32, #tpu.memory_space<vmem>>
    %dma_wait3A_831 = tpu.memref_squeeze %dma_wait3A_830 : memref<1x40x128xf32, #tpu.memory_space<vmem>> -> memref<40x128xf32, #tpu.memory_space<vmem>>
    tpu.wait_dma2 semaphore(%arg11 : memref<!tpu.dma_semaphore, #tpu.memory_space<semaphore_mem>>) src(%dma_wait3A_831 : memref<40x128xf32, #tpu.memory_space<vmem>>) dst(%dma_wait3A_827 : memref<40x128xf32, #tpu.memory_space<hbm>>)
    %dma_start3A_832 = arith.constant 2 : i32
    %dma_start3A_833 = arith.constant 0 : i32
    %dma_start3A_834 = arith.constant 0 : i32
    %dma_start3A_835 = tpu.memref_slice %arg8[%dma_start3A_832, %dma_start3A_833, %dma_start3A_834] : memref<6x40x128xf32, #tpu.memory_space<vmem>> -> memref<1x40x128xf32, #tpu.memory_space<vmem>>
    %dma_start3A_836 = tpu.memref_squeeze %dma_start3A_835 : memref<1x40x128xf32, #tpu.memory_space<vmem>> -> memref<40x128xf32, #tpu.memory_space<vmem>>
    %dma_start3A_837 = arith.constant 160 : i32
    %dma_start3A_838 = tpu.memref_slice %arg7[%dma_start3A_837] : memref<10000xi32, #tpu.memory_space<vmem>> -> memref<40xi32, #tpu.memory_space<vmem>>
    %dma_start3A_839 = arith.constant 0 : i32
    %dma_start3A_840 = arith.constant 0 : i32
    %dma_start3A_841 = tpu.memref_slice %arg9[%dma_start3A_839, %dma_start3A_840] : memref<10000x128xf32, #tpu.memory_space<vmem_shared>> -> memref<10000x128xf32, #tpu.memory_space<vmem_shared>>
    tpu.enqueue_indirect_dma source(%dma_start3A_841 : memref<10000x128xf32, #tpu.memory_space<vmem_shared>>) target(%dma_start3A_836 : memref<40x128xf32, #tpu.memory_space<vmem>>) offsets(%dma_start3A_838 : memref<40xi32, #tpu.memory_space<vmem>>) semaphore(%arg10 : memref<!tpu.dma_semaphore, #tpu.memory_space<semaphore_mem>>)
    %dma_wait3A_842 = arith.constant 5 : i32
    %dma_wait3A_843 = arith.constant 0 : i32
    %dma_wait3A_844 = arith.constant 0 : i32
    %dma_wait3A_845 = tpu.memref_slice %arg8[%dma_wait3A_842, %dma_wait3A_843, %dma_wait3A_844] : memref<6x40x128xf32, #tpu.memory_space<vmem>> -> memref<1x40x128xf32, #tpu.memory_space<vmem>>
    %dma_wait3A_846 = tpu.memref_squeeze %dma_wait3A_845 : memref<1x40x128xf32, #tpu.memory_space<vmem>> -> memref<40x128xf32, #tpu.memory_space<vmem>>
    %dma_wait3A_847 = arith.constant 0 : i32
    %dma_wait3A_848 = tpu.memref_slice %arg6[%dma_wait3A_847] : memref<10000xi32, #tpu.memory_space<vmem>> -> memref<40xi32, #tpu.memory_space<vmem>>
    %dma_wait3A_849 = arith.constant 0 : i32
    %dma_wait3A_850 = arith.constant 0 : i32
    %dma_wait3A_851 = tpu.memref_slice %arg9[%dma_wait3A_849, %dma_wait3A_850] : memref<10000x128xf32, #tpu.memory_space<vmem_shared>> -> memref<10000x128xf32, #tpu.memory_space<vmem_shared>>
    tpu.wait_indirect_dma semaphore(%arg10 : memref<!tpu.dma_semaphore, #tpu.memory_space<semaphore_mem>>) src(%dma_wait3A_851 : memref<10000x128xf32, #tpu.memory_space<vmem_shared>>) dst(%dma_wait3A_846 : memref<40x128xf32, #tpu.memory_space<vmem>>)
    %add3A_852 = arith.constant 40 : i32
    %add3A_853 = arith.addi %mul3A_2, %add3A_852 : i32
    %dma_start3A_854 = arith.constant 5 : i32
    %dma_start3A_855 = arith.constant 0 : i32
    %dma_start3A_856 = arith.constant 0 : i32
    %dma_start3A_857 = tpu.memref_slice %arg8[%dma_start3A_854, %dma_start3A_855, %dma_start3A_856] : memref<6x40x128xf32, #tpu.memory_space<vmem>> -> memref<1x40x128xf32, #tpu.memory_space<vmem>>
    %dma_start3A_858 = tpu.memref_squeeze %dma_start3A_857 : memref<1x40x128xf32, #tpu.memory_space<vmem>> -> memref<40x128xf32, #tpu.memory_space<vmem>>
    %dma_start3A_859 = arith.constant 0 : i32
    %dma_start3A_860 = tpu.memref_slice %arg5[%add3A_853, %dma_start3A_859] : memref<320000x128xf32, #tpu.memory_space<hbm>> -> memref<40x128xf32, #tpu.memory_space<hbm>>
    %dma_start3A_861 = arith.constant 0 : i32
    %dma_start3A_862 = tpu.memref_slice %arg5[%add3A_853, %dma_start3A_861] : memref<320000x128xf32, #tpu.memory_space<hbm>> -> memref<40x128xf32, #tpu.memory_space<hbm>>
    %dma_start3A_863 = arith.constant 0 : i32
    %dma_start3A_864 = arith.constant 0 : i32
    %dma_start3A_865 = tpu.memref_slice %arg8[%dma_start3A_854, %dma_start3A_863, %dma_start3A_864] : memref<6x40x128xf32, #tpu.memory_space<vmem>> -> memref<1x40x128xf32, #tpu.memory_space<vmem>>
    %dma_start3A_866 = tpu.memref_squeeze %dma_start3A_865 : memref<1x40x128xf32, #tpu.memory_space<vmem>> -> memref<40x128xf32, #tpu.memory_space<vmem>>
    tpu.enqueue_dma source(%dma_start3A_866 : memref<40x128xf32, #tpu.memory_space<vmem>>) target(%dma_start3A_862 : memref<40x128xf32, #tpu.memory_space<hbm>>) target_semaphore(%arg11 : memref<!tpu.dma_semaphore, #tpu.memory_space<semaphore_mem>>)
    %dma_wait3A_867 = arith.constant 0 : i32
    %dma_wait3A_868 = arith.constant 0 : i32
    %dma_wait3A_869 = arith.constant 0 : i32
    %dma_wait3A_870 = tpu.memref_slice %arg8[%dma_wait3A_867, %dma_wait3A_868, %dma_wait3A_869] : memref<6x40x128xf32, #tpu.memory_space<vmem>> -> memref<1x40x128xf32, #tpu.memory_space<vmem>>
    %dma_wait3A_871 = tpu.memref_squeeze %dma_wait3A_870 : memref<1x40x128xf32, #tpu.memory_space<vmem>> -> memref<40x128xf32, #tpu.memory_space<vmem>>
    %dma_wait3A_872 = arith.constant 0 : i32
    %dma_wait3A_873 = tpu.memref_slice %arg4[%mul3A_2, %dma_wait3A_872] : memref<320000x128xf32, #tpu.memory_space<hbm>> -> memref<40x128xf32, #tpu.memory_space<hbm>>
    %dma_wait3A_874 = arith.constant 0 : i32
    %dma_wait3A_875 = tpu.memref_slice %arg4[%mul3A_2, %dma_wait3A_874] : memref<320000x128xf32, #tpu.memory_space<hbm>> -> memref<40x128xf32, #tpu.memory_space<hbm>>
    %dma_wait3A_876 = arith.constant 0 : i32
    %dma_wait3A_877 = arith.constant 0 : i32
    %dma_wait3A_878 = tpu.memref_slice %arg8[%dma_wait3A_867, %dma_wait3A_876, %dma_wait3A_877] : memref<6x40x128xf32, #tpu.memory_space<vmem>> -> memref<1x40x128xf32, #tpu.memory_space<vmem>>
    %dma_wait3A_879 = tpu.memref_squeeze %dma_wait3A_878 : memref<1x40x128xf32, #tpu.memory_space<vmem>> -> memref<40x128xf32, #tpu.memory_space<vmem>>
    tpu.wait_dma2 semaphore(%arg11 : memref<!tpu.dma_semaphore, #tpu.memory_space<semaphore_mem>>) src(%dma_wait3A_879 : memref<40x128xf32, #tpu.memory_space<vmem>>) dst(%dma_wait3A_875 : memref<40x128xf32, #tpu.memory_space<hbm>>)
    %dma_start3A_880 = arith.constant 3 : i32
    %dma_start3A_881 = arith.constant 0 : i32
    %dma_start3A_882 = arith.constant 0 : i32
    %dma_start3A_883 = tpu.memref_slice %arg8[%dma_start3A_880, %dma_start3A_881, %dma_start3A_882] : memref<6x40x128xf32, #tpu.memory_space<vmem>> -> memref<1x40x128xf32, #tpu.memory_space<vmem>>
    %dma_start3A_884 = tpu.memref_squeeze %dma_start3A_883 : memref<1x40x128xf32, #tpu.memory_space<vmem>> -> memref<40x128xf32, #tpu.memory_space<vmem>>
    %dma_start3A_885 = arith.constant 200 : i32
    %dma_start3A_886 = tpu.memref_slice %arg7[%dma_start3A_885] : memref<10000xi32, #tpu.memory_space<vmem>> -> memref<40xi32, #tpu.memory_space<vmem>>
    %dma_start3A_887 = arith.constant 0 : i32
    %dma_start3A_888 = arith.constant 0 : i32
    %dma_start3A_889 = tpu.memref_slice %arg9[%dma_start3A_887, %dma_start3A_888] : memref<10000x128xf32, #tpu.memory_space<vmem_shared>> -> memref<10000x128xf32, #tpu.memory_space<vmem_shared>>
    tpu.enqueue_indirect_dma source(%dma_start3A_889 : memref<10000x128xf32, #tpu.memory_space<vmem_shared>>) target(%dma_start3A_884 : memref<40x128xf32, #tpu.memory_space<vmem>>) offsets(%dma_start3A_886 : memref<40xi32, #tpu.memory_space<vmem>>) semaphore(%arg10 : memref<!tpu.dma_semaphore, #tpu.memory_space<semaphore_mem>>)
    %dma_wait3A_890 = arith.constant 0 : i32
    %dma_wait3A_891 = arith.constant 0 : i32
    %dma_wait3A_892 = arith.constant 0 : i32
    %dma_wait3A_893 = tpu.memref_slice %arg8[%dma_wait3A_890, %dma_wait3A_891, %dma_wait3A_892] : memref<6x40x128xf32, #tpu.memory_space<vmem>> -> memref<1x40x128xf32, #tpu.memory_space<vmem>>
    %dma_wait3A_894 = tpu.memref_squeeze %dma_wait3A_893 : memref<1x40x128xf32, #tpu.memory_space<vmem>> -> memref<40x128xf32, #tpu.memory_space<vmem>>
    %dma_wait3A_895 = arith.constant 0 : i32
    %dma_wait3A_896 = tpu.memref_slice %arg6[%dma_wait3A_895] : memref<10000xi32, #tpu.memory_space<vmem>> -> memref<40xi32, #tpu.memory_space<vmem>>
    %dma_wait3A_897 = arith.constant 0 : i32
    %dma_wait3A_898 = arith.constant 0 : i32
    %dma_wait3A_899 = tpu.memref_slice %arg9[%dma_wait3A_897, %dma_wait3A_898] : memref<10000x128xf32, #tpu.memory_space<vmem_shared>> -> memref<10000x128xf32, #tpu.memory_space<vmem_shared>>
    tpu.wait_indirect_dma semaphore(%arg10 : memref<!tpu.dma_semaphore, #tpu.memory_space<semaphore_mem>>) src(%dma_wait3A_899 : memref<10000x128xf32, #tpu.memory_space<vmem_shared>>) dst(%dma_wait3A_894 : memref<40x128xf32, #tpu.memory_space<vmem>>)
    %add3A_900 = arith.constant 80 : i32
    %add3A_901 = arith.addi %mul3A_2, %add3A_900 : i32
    %dma_start3A_902 = arith.constant 0 : i32
    %dma_start3A_903 = arith.constant 0 : i32
    %dma_start3A_904 = arith.constant 0 : i32
    %dma_start3A_905 = tpu.memref_slice %arg8[%dma_start3A_902, %dma_start3A_903, %dma_start3A_904] : memref<6x40x128xf32, #tpu.memory_space<vmem>> -> memref<1x40x128xf32, #tpu.memory_space<vmem>>
    %dma_start3A_906 = tpu.memref_squeeze %dma_start3A_905 : memref<1x40x128xf32, #tpu.memory_space<vmem>> -> memref<40x128xf32, #tpu.memory_space<vmem>>
    %dma_start3A_907 = arith.constant 0 : i32
    %dma_start3A_908 = tpu.memref_slice %arg5[%add3A_901, %dma_start3A_907] : memref<320000x128xf32, #tpu.memory_space<hbm>> -> memref<40x128xf32, #tpu.memory_space<hbm>>
    %dma_start3A_909 = arith.constant 0 : i32
    %dma_start3A_910 = tpu.memref_slice %arg5[%add3A_901, %dma_start3A_909] : memref<320000x128xf32, #tpu.memory_space<hbm>> -> memref<40x128xf32, #tpu.memory_space<hbm>>
    %dma_start3A_911 = arith.constant 0 : i32
    %dma_start3A_912 = arith.constant 0 : i32
    %dma_start3A_913 = tpu.memref_slice %arg8[%dma_start3A_902, %dma_start3A_911, %dma_start3A_912] : memref<6x40x128xf32, #tpu.memory_space<vmem>> -> memref<1x40x128xf32, #tpu.memory_space<vmem>>
    %dma_start3A_914 = tpu.memref_squeeze %dma_start3A_913 : memref<1x40x128xf32, #tpu.memory_space<vmem>> -> memref<40x128xf32, #tpu.memory_space<vmem>>
    tpu.enqueue_dma source(%dma_start3A_914 : memref<40x128xf32, #tpu.memory_space<vmem>>) target(%dma_start3A_910 : memref<40x128xf32, #tpu.memory_space<hbm>>) target_semaphore(%arg11 : memref<!tpu.dma_semaphore, #tpu.memory_space<semaphore_mem>>)
    %dma_wait3A_915 = arith.constant 0 : i32
    %dma_wait3A_916 = arith.constant 0 : i32
    %dma_wait3A_917 = arith.constant 0 : i32
    %dma_wait3A_918 = tpu.memref_slice %arg8[%dma_wait3A_915, %dma_wait3A_916, %dma_wait3A_917] : memref<6x40x128xf32, #tpu.memory_space<vmem>> -> memref<1x40x128xf32, #tpu.memory_space<vmem>>
    %dma_wait3A_919 = tpu.memref_squeeze %dma_wait3A_918 : memref<1x40x128xf32, #tpu.memory_space<vmem>> -> memref<40x128xf32, #tpu.memory_space<vmem>>
    %dma_wait3A_920 = arith.constant 0 : i32
    %dma_wait3A_921 = tpu.memref_slice %arg4[%mul3A_2, %dma_wait3A_920] : memref<320000x128xf32, #tpu.memory_space<hbm>> -> memref<40x128xf32, #tpu.memory_space<hbm>>
    %dma_wait3A_922 = arith.constant 0 : i32
    %dma_wait3A_923 = tpu.memref_slice %arg4[%mul3A_2, %dma_wait3A_922] : memref<320000x128xf32, #tpu.memory_space<hbm>> -> memref<40x128xf32, #tpu.memory_space<hbm>>
    %dma_wait3A_924 = arith.constant 0 : i32
    %dma_wait3A_925 = arith.constant 0 : i32
    %dma_wait3A_926 = tpu.memref_slice %arg8[%dma_wait3A_915, %dma_wait3A_924, %dma_wait3A_925] : memref<6x40x128xf32, #tpu.memory_space<vmem>> -> memref<1x40x128xf32, #tpu.memory_space<vmem>>
    %dma_wait3A_927 = tpu.memref_squeeze %dma_wait3A_926 : memref<1x40x128xf32, #tpu.memory_space<vmem>> -> memref<40x128xf32, #tpu.memory_space<vmem>>
    tpu.wait_dma2 semaphore(%arg11 : memref<!tpu.dma_semaphore, #tpu.memory_space<semaphore_mem>>) src(%dma_wait3A_927 : memref<40x128xf32, #tpu.memory_space<vmem>>) dst(%dma_wait3A_923 : memref<40x128xf32, #tpu.memory_space<hbm>>)
    %dma_start3A_928 = arith.constant 4 : i32
    %dma_start3A_929 = arith.constant 0 : i32
    %dma_start3A_930 = arith.constant 0 : i32
    %dma_start3A_931 = tpu.memref_slice %arg8[%dma_start3A_928, %dma_start3A_929, %dma_start3A_930] : memref<6x40x128xf32, #tpu.memory_space<vmem>> -> memref<1x40x128xf32, #tpu.memory_space<vmem>>
    %dma_start3A_932 = tpu.memref_squeeze %dma_start3A_931 : memref<1x40x128xf32, #tpu.memory_space<vmem>> -> memref<40x128xf32, #tpu.memory_space<vmem>>
    %dma_start3A_933 = arith.constant 240 : i32
    %dma_start3A_934 = tpu.memref_slice %arg7[%dma_start3A_933] : memref<10000xi32, #tpu.memory_space<vmem>> -> memref<40xi32, #tpu.memory_space<vmem>>
    %dma_start3A_935 = arith.constant 0 : i32
    %dma_start3A_936 = arith.constant 0 : i32
    %dma_start3A_937 = tpu.memref_slice %arg9[%dma_start3A_935, %dma_start3A_936] : memref<10000x128xf32, #tpu.memory_space<vmem_shared>> -> memref<10000x128xf32, #tpu.memory_space<vmem_shared>>
    tpu.enqueue_indirect_dma source(%dma_start3A_937 : memref<10000x128xf32, #tpu.memory_space<vmem_shared>>) target(%dma_start3A_932 : memref<40x128xf32, #tpu.memory_space<vmem>>) offsets(%dma_start3A_934 : memref<40xi32, #tpu.memory_space<vmem>>) semaphore(%arg10 : memref<!tpu.dma_semaphore, #tpu.memory_space<semaphore_mem>>)
    %dma_wait3A_938 = arith.constant 1 : i32
    %dma_wait3A_939 = arith.constant 0 : i32
    %dma_wait3A_940 = arith.constant 0 : i32
    %dma_wait3A_941 = tpu.memref_slice %arg8[%dma_wait3A_938, %dma_wait3A_939, %dma_wait3A_940] : memref<6x40x128xf32, #tpu.memory_space<vmem>> -> memref<1x40x128xf32, #tpu.memory_space<vmem>>
    %dma_wait3A_942 = tpu.memref_squeeze %dma_wait3A_941 : memref<1x40x128xf32, #tpu.memory_space<vmem>> -> memref<40x128xf32, #tpu.memory_space<vmem>>
    %dma_wait3A_943 = arith.constant 0 : i32
    %dma_wait3A_944 = tpu.memref_slice %arg6[%dma_wait3A_943] : memref<10000xi32, #tpu.memory_space<vmem>> -> memref<40xi32, #tpu.memory_space<vmem>>
    %dma_wait3A_945 = arith.constant 0 : i32
    %dma_wait3A_946 = arith.constant 0 : i32
    %dma_wait3A_947 = tpu.memref_slice %arg9[%dma_wait3A_945, %dma_wait3A_946] : memref<10000x128xf32, #tpu.memory_space<vmem_shared>> -> memref<10000x128xf32, #tpu.memory_space<vmem_shared>>
    tpu.wait_indirect_dma semaphore(%arg10 : memref<!tpu.dma_semaphore, #tpu.memory_space<semaphore_mem>>) src(%dma_wait3A_947 : memref<10000x128xf32, #tpu.memory_space<vmem_shared>>) dst(%dma_wait3A_942 : memref<40x128xf32, #tpu.memory_space<vmem>>)
    %add3A_948 = arith.constant 120 : i32
    %add3A_949 = arith.addi %mul3A_2, %add3A_948 : i32
    %dma_start3A_950 = arith.constant 1 : i32
    %dma_start3A_951 = arith.constant 0 : i32
    %dma_start3A_952 = arith.constant 0 : i32
    %dma_start3A_953 = tpu.memref_slice %arg8[%dma_start3A_950, %dma_start3A_951, %dma_start3A_952] : memref<6x40x128xf32, #tpu.memory_space<vmem>> -> memref<1x40x128xf32, #tpu.memory_space<vmem>>
    %dma_start3A_954 = tpu.memref_squeeze %dma_start3A_953 : memref<1x40x128xf32, #tpu.memory_space<vmem>> -> memref<40x128xf32, #tpu.memory_space<vmem>>
    %dma_start3A_955 = arith.constant 0 : i32
    %dma_start3A_956 = tpu.memref_slice %arg5[%add3A_949, %dma_start3A_955] : memref<320000x128xf32, #tpu.memory_space<hbm>> -> memref<40x128xf32, #tpu.memory_space<hbm>>
    %dma_start3A_957 = arith.constant 0 : i32
    %dma_start3A_958 = tpu.memref_slice %arg5[%add3A_949, %dma_start3A_957] : memref<320000x128xf32, #tpu.memory_space<hbm>> -> memref<40x128xf32, #tpu.memory_space<hbm>>
    %dma_start3A_959 = arith.constant 0 : i32
    %dma_start3A_960 = arith.constant 0 : i32
    %dma_start3A_961 = tpu.memref_slice %arg8[%dma_start3A_950, %dma_start3A_959, %dma_start3A_960] : memref<6x40x128xf32, #tpu.memory_space<vmem>> -> memref<1x40x128xf32, #tpu.memory_space<vmem>>
    %dma_start3A_962 = tpu.memref_squeeze %dma_start3A_961 : memref<1x40x128xf32, #tpu.memory_space<vmem>> -> memref<40x128xf32, #tpu.memory_space<vmem>>
    tpu.enqueue_dma source(%dma_start3A_962 : memref<40x128xf32, #tpu.memory_space<vmem>>) target(%dma_start3A_958 : memref<40x128xf32, #tpu.memory_space<hbm>>) target_semaphore(%arg11 : memref<!tpu.dma_semaphore, #tpu.memory_space<semaphore_mem>>)
    %dma_wait3A_963 = arith.constant 0 : i32
    %dma_wait3A_964 = arith.constant 0 : i32
    %dma_wait3A_965 = arith.constant 0 : i32
    %dma_wait3A_966 = tpu.memref_slice %arg8[%dma_wait3A_963, %dma_wait3A_964, %dma_wait3A_965] : memref<6x40x128xf32, #tpu.memory_space<vmem>> -> memref<1x40x128xf32, #tpu.memory_space<vmem>>
    %dma_wait3A_967 = tpu.memref_squeeze %dma_wait3A_966 : memref<1x40x128xf32, #tpu.memory_space<vmem>> -> memref<40x128xf32, #tpu.memory_space<vmem>>
    %dma_wait3A_968 = arith.constant 0 : i32
    %dma_wait3A_969 = tpu.memref_slice %arg4[%mul3A_2, %dma_wait3A_968] : memref<320000x128xf32, #tpu.memory_space<hbm>> -> memref<40x128xf32, #tpu.memory_space<hbm>>
    %dma_wait3A_970 = arith.constant 0 : i32
    %dma_wait3A_971 = tpu.memref_slice %arg4[%mul3A_2, %dma_wait3A_970] : memref<320000x128xf32, #tpu.memory_space<hbm>> -> memref<40x128xf32, #tpu.memory_space<hbm>>
    %dma_wait3A_972 = arith.constant 0 : i32
    %dma_wait3A_973 = arith.constant 0 : i32
    %dma_wait3A_974 = tpu.memref_slice %arg8[%dma_wait3A_963, %dma_wait3A_972, %dma_wait3A_973] : memref<6x40x128xf32, #tpu.memory_space<vmem>> -> memref<1x40x128xf32, #tpu.memory_space<vmem>>
    %dma_wait3A_975 = tpu.memref_squeeze %dma_wait3A_974 : memref<1x40x128xf32, #tpu.memory_space<vmem>> -> memref<40x128xf32, #tpu.memory_space<vmem>>
    tpu.wait_dma2 semaphore(%arg11 : memref<!tpu.dma_semaphore, #tpu.memory_space<semaphore_mem>>) src(%dma_wait3A_975 : memref<40x128xf32, #tpu.memory_space<vmem>>) dst(%dma_wait3A_971 : memref<40x128xf32, #tpu.memory_space<hbm>>)
    %dma_start3A_976 = arith.constant 5 : i32
    %dma_start3A_977 = arith.constant 0 : i32
    %dma_start3A_978 = arith.constant 0 : i32
    %dma_start3A_979 = tpu.memref_slice %arg8[%dma_start3A_976, %dma_start3A_977, %dma_start3A_978] : memref<6x40x128xf32, #tpu.memory_space<vmem>> -> memref<1x40x128xf32, #tpu.memory_space<vmem>>
    %dma_start3A_980 = tpu.memref_squeeze %dma_start3A_979 : memref<1x40x128xf32, #tpu.memory_space<vmem>> -> memref<40x128xf32, #tpu.memory_space<vmem>>
    %dma_start3A_981 = arith.constant 280 : i32
    %dma_start3A_982 = tpu.memref_slice %arg7[%dma_start3A_981] : memref<10000xi32, #tpu.memory_space<vmem>> -> memref<40xi32, #tpu.memory_space<vmem>>
    %dma_start3A_983 = arith.constant 0 : i32
    %dma_start3A_984 = arith.constant 0 : i32
    %dma_start3A_985 = tpu.memref_slice %arg9[%dma_start3A_983, %dma_start3A_984] : memref<10000x128xf32, #tpu.memory_space<vmem_shared>> -> memref<10000x128xf32, #tpu.memory_space<vmem_shared>>
    tpu.enqueue_indirect_dma source(%dma_start3A_985 : memref<10000x128xf32, #tpu.memory_space<vmem_shared>>) target(%dma_start3A_980 : memref<40x128xf32, #tpu.memory_space<vmem>>) offsets(%dma_start3A_982 : memref<40xi32, #tpu.memory_space<vmem>>) semaphore(%arg10 : memref<!tpu.dma_semaphore, #tpu.memory_space<semaphore_mem>>)
    %dma_wait3A_986 = arith.constant 2 : i32
    %dma_wait3A_987 = arith.constant 0 : i32
    %dma_wait3A_988 = arith.constant 0 : i32
    %dma_wait3A_989 = tpu.memref_slice %arg8[%dma_wait3A_986, %dma_wait3A_987, %dma_wait3A_988] : memref<6x40x128xf32, #tpu.memory_space<vmem>> -> memref<1x40x128xf32, #tpu.memory_space<vmem>>
    %dma_wait3A_990 = tpu.memref_squeeze %dma_wait3A_989 : memref<1x40x128xf32, #tpu.memory_space<vmem>> -> memref<40x128xf32, #tpu.memory_space<vmem>>
    %dma_wait3A_991 = arith.constant 0 : i32
    %dma_wait3A_992 = tpu.memref_slice %arg6[%dma_wait3A_991] : memref<10000xi32, #tpu.memory_space<vmem>> -> memref<40xi32, #tpu.memory_space<vmem>>
    %dma_wait3A_993 = arith.constant 0 : i32
    %dma_wait3A_994 = arith.constant 0 : i32
    %dma_wait3A_995 = tpu.memref_slice %arg9[%dma_wait3A_993, %dma_wait3A_994] : memref<10000x128xf32, #tpu.memory_space<vmem_shared>> -> memref<10000x128xf32, #tpu.memory_space<vmem_shared>>
    tpu.wait_indirect_dma semaphore(%arg10 : memref<!tpu.dma_semaphore, #tpu.memory_space<semaphore_mem>>) src(%dma_wait3A_995 : memref<10000x128xf32, #tpu.memory_space<vmem_shared>>) dst(%dma_wait3A_990 : memref<40x128xf32, #tpu.memory_space<vmem>>)
    %add3A_996 = arith.constant 160 : i32
    %add3A_997 = arith.addi %mul3A_2, %add3A_996 : i32
    %dma_start3A_998 = arith.constant 2 : i32
    %dma_start3A_999 = arith.constant 0 : i32
    %dma_start3A_1000 = arith.constant 0 : i32
    %dma_start3A_1001 = tpu.memref_slice %arg8[%dma_start3A_998, %dma_start3A_999, %dma_start3A_1000] : memref<6x40x128xf32, #tpu.memory_space<vmem>> -> memref<1x40x128xf32, #tpu.memory_space<vmem>>
    %dma_start3A_1002 = tpu.memref_squeeze %dma_start3A_1001 : memref<1x40x128xf32, #tpu.memory_space<vmem>> -> memref<40x128xf32, #tpu.memory_space<vmem>>
    %dma_start3A_1003 = arith.constant 0 : i32
    %dma_start3A_1004 = tpu.memref_slice %arg5[%add3A_997, %dma_start3A_1003] : memref<320000x128xf32, #tpu.memory_space<hbm>> -> memref<40x128xf32, #tpu.memory_space<hbm>>
    %dma_start3A_1005 = arith.constant 0 : i32
    %dma_start3A_1006 = tpu.memref_slice %arg5[%add3A_997, %dma_start3A_1005] : memref<320000x128xf32, #tpu.memory_space<hbm>> -> memref<40x128xf32, #tpu.memory_space<hbm>>
    %dma_start3A_1007 = arith.constant 0 : i32
    %dma_start3A_1008 = arith.constant 0 : i32
    %dma_start3A_1009 = tpu.memref_slice %arg8[%dma_start3A_998, %dma_start3A_1007, %dma_start3A_1008] : memref<6x40x128xf32, #tpu.memory_space<vmem>> -> memref<1x40x128xf32, #tpu.memory_space<vmem>>
    %dma_start3A_1010 = tpu.memref_squeeze %dma_start3A_1009 : memref<1x40x128xf32, #tpu.memory_space<vmem>> -> memref<40x128xf32, #tpu.memory_space<vmem>>
    tpu.enqueue_dma source(%dma_start3A_1010 : memref<40x128xf32, #tpu.memory_space<vmem>>) target(%dma_start3A_1006 : memref<40x128xf32, #tpu.memory_space<hbm>>) target_semaphore(%arg11 : memref<!tpu.dma_semaphore, #tpu.memory_space<semaphore_mem>>)
    %dma_wait3A_1011 = arith.constant 0 : i32
    %dma_wait3A_1012 = arith.constant 0 : i32
    %dma_wait3A_1013 = arith.constant 0 : i32
    %dma_wait3A_1014 = tpu.memref_slice %arg8[%dma_wait3A_1011, %dma_wait3A_1012, %dma_wait3A_1013] : memref<6x40x128xf32, #tpu.memory_space<vmem>> -> memref<1x40x128xf32, #tpu.memory_space<vmem>>
    %dma_wait3A_1015 = tpu.memref_squeeze %dma_wait3A_1014 : memref<1x40x128xf32, #tpu.memory_space<vmem>> -> memref<40x128xf32, #tpu.memory_space<vmem>>
    %dma_wait3A_1016 = arith.constant 0 : i32
    %dma_wait3A_1017 = tpu.memref_slice %arg4[%mul3A_2, %dma_wait3A_1016] : memref<320000x128xf32, #tpu.memory_space<hbm>> -> memref<40x128xf32, #tpu.memory_space<hbm>>
    %dma_wait3A_1018 = arith.constant 0 : i32
    %dma_wait3A_1019 = tpu.memref_slice %arg4[%mul3A_2, %dma_wait3A_1018] : memref<320000x128xf32, #tpu.memory_space<hbm>> -> memref<40x128xf32, #tpu.memory_space<hbm>>
    %dma_wait3A_1020 = arith.constant 0 : i32
    %dma_wait3A_1021 = arith.constant 0 : i32
    %dma_wait3A_1022 = tpu.memref_slice %arg8[%dma_wait3A_1011, %dma_wait3A_1020, %dma_wait3A_1021] : memref<6x40x128xf32, #tpu.memory_space<vmem>> -> memref<1x40x128xf32, #tpu.memory_space<vmem>>
    %dma_wait3A_1023 = tpu.memref_squeeze %dma_wait3A_1022 : memref<1x40x128xf32, #tpu.memory_space<vmem>> -> memref<40x128xf32, #tpu.memory_space<vmem>>
    tpu.wait_dma2 semaphore(%arg11 : memref<!tpu.dma_semaphore, #tpu.memory_space<semaphore_mem>>) src(%dma_wait3A_1023 : memref<40x128xf32, #tpu.memory_space<vmem>>) dst(%dma_wait3A_1019 : memref<40x128xf32, #tpu.memory_space<hbm>>)
    %dma_start3A_1024 = arith.constant 0 : i32
    %dma_start3A_1025 = arith.constant 0 : i32
    %dma_start3A_1026 = arith.constant 0 : i32
    %dma_start3A_1027 = tpu.memref_slice %arg8[%dma_start3A_1024, %dma_start3A_1025, %dma_start3A_1026] : memref<6x40x128xf32, #tpu.memory_space<vmem>> -> memref<1x40x128xf32, #tpu.memory_space<vmem>>
    %dma_start3A_1028 = tpu.memref_squeeze %dma_start3A_1027 : memref<1x40x128xf32, #tpu.memory_space<vmem>> -> memref<40x128xf32, #tpu.memory_space<vmem>>
    %dma_start3A_1029 = arith.constant 320 : i32
    %dma_start3A_1030 = tpu.memref_slice %arg7[%dma_start3A_1029] : memref<10000xi32, #tpu.memory_space<vmem>> -> memref<40xi32, #tpu.memory_space<vmem>>
    %dma_start3A_1031 = arith.constant 0 : i32
    %dma_start3A_1032 = arith.constant 0 : i32
    %dma_start3A_1033 = tpu.memref_slice %arg9[%dma_start3A_1031, %dma_start3A_1032] : memref<10000x128xf32, #tpu.memory_space<vmem_shared>> -> memref<10000x128xf32, #tpu.memory_space<vmem_shared>>
    tpu.enqueue_indirect_dma source(%dma_start3A_1033 : memref<10000x128xf32, #tpu.memory_space<vmem_shared>>) target(%dma_start3A_1028 : memref<40x128xf32, #tpu.memory_space<vmem>>) offsets(%dma_start3A_1030 : memref<40xi32, #tpu.memory_space<vmem>>) semaphore(%arg10 : memref<!tpu.dma_semaphore, #tpu.memory_space<semaphore_mem>>)
    %dma_wait3A_1034 = arith.constant 3 : i32
    %dma_wait3A_1035 = arith.constant 0 : i32
    %dma_wait3A_1036 = arith.constant 0 : i32
    %dma_wait3A_1037 = tpu.memref_slice %arg8[%dma_wait3A_1034, %dma_wait3A_1035, %dma_wait3A_1036] : memref<6x40x128xf32, #tpu.memory_space<vmem>> -> memref<1x40x128xf32, #tpu.memory_space<vmem>>
    %dma_wait3A_1038 = tpu.memref_squeeze %dma_wait3A_1037 : memref<1x40x128xf32, #tpu.memory_space<vmem>> -> memref<40x128xf32, #tpu.memory_space<vmem>>
    %dma_wait3A_1039 = arith.constant 0 : i32
    %dma_wait3A_1040 = tpu.memref_slice %arg6[%dma_wait3A_1039] : memref<10000xi32, #tpu.memory_space<vmem>> -> memref<40xi32, #tpu.memory_space<vmem>>
    %dma_wait3A_1041 = arith.constant 0 : i32
    %dma_wait3A_1042 = arith.constant 0 : i32
    %dma_wait3A_1043 = tpu.memref_slice %arg9[%dma_wait3A_1041, %dma_wait3A_1042] : memref<10000x128xf32, #tpu.memory_space<vmem_shared>> -> memref<10000x128xf32, #tpu.memory_space<vmem_shared>>
    tpu.wait_indirect_dma semaphore(%arg10 : memref<!tpu.dma_semaphore, #tpu.memory_space<semaphore_mem>>) src(%dma_wait3A_1043 : memref<10000x128xf32, #tpu.memory_space<vmem_shared>>) dst(%dma_wait3A_1038 : memref<40x128xf32, #tpu.memory_space<vmem>>)
    %add3A_1044 = arith.constant 200 : i32
    %add3A_1045 = arith.addi %mul3A_2, %add3A_1044 : i32
    %dma_start3A_1046 = arith.constant 3 : i32
    %dma_start3A_1047 = arith.constant 0 : i32
    %dma_start3A_1048 = arith.constant 0 : i32
    %dma_start3A_1049 = tpu.memref_slice %arg8[%dma_start3A_1046, %dma_start3A_1047, %dma_start3A_1048] : memref<6x40x128xf32, #tpu.memory_space<vmem>> -> memref<1x40x128xf32, #tpu.memory_space<vmem>>
    %dma_start3A_1050 = tpu.memref_squeeze %dma_start3A_1049 : memref<1x40x128xf32, #tpu.memory_space<vmem>> -> memref<40x128xf32, #tpu.memory_space<vmem>>
    %dma_start3A_1051 = arith.constant 0 : i32
    %dma_start3A_1052 = tpu.memref_slice %arg5[%add3A_1045, %dma_start3A_1051] : memref<320000x128xf32, #tpu.memory_space<hbm>> -> memref<40x128xf32, #tpu.memory_space<hbm>>
    %dma_start3A_1053 = arith.constant 0 : i32
    %dma_start3A_1054 = tpu.memref_slice %arg5[%add3A_1045, %dma_start3A_1053] : memref<320000x128xf32, #tpu.memory_space<hbm>> -> memref<40x128xf32, #tpu.memory_space<hbm>>
    %dma_start3A_1055 = arith.constant 0 : i32
    %dma_start3A_1056 = arith.constant 0 : i32
    %dma_start3A_1057 = tpu.memref_slice %arg8[%dma_start3A_1046, %dma_start3A_1055, %dma_start3A_1056] : memref<6x40x128xf32, #tpu.memory_space<vmem>> -> memref<1x40x128xf32, #tpu.memory_space<vmem>>
    %dma_start3A_1058 = tpu.memref_squeeze %dma_start3A_1057 : memref<1x40x128xf32, #tpu.memory_space<vmem>> -> memref<40x128xf32, #tpu.memory_space<vmem>>
    tpu.enqueue_dma source(%dma_start3A_1058 : memref<40x128xf32, #tpu.memory_space<vmem>>) target(%dma_start3A_1054 : memref<40x128xf32, #tpu.memory_space<hbm>>) target_semaphore(%arg11 : memref<!tpu.dma_semaphore, #tpu.memory_space<semaphore_mem>>)
    %dma_wait3A_1059 = arith.constant 0 : i32
    %dma_wait3A_1060 = arith.constant 0 : i32
    %dma_wait3A_1061 = arith.constant 0 : i32
    %dma_wait3A_1062 = tpu.memref_slice %arg8[%dma_wait3A_1059, %dma_wait3A_1060, %dma_wait3A_1061] : memref<6x40x128xf32, #tpu.memory_space<vmem>> -> memref<1x40x128xf32, #tpu.memory_space<vmem>>
    %dma_wait3A_1063 = tpu.memref_squeeze %dma_wait3A_1062 : memref<1x40x128xf32, #tpu.memory_space<vmem>> -> memref<40x128xf32, #tpu.memory_space<vmem>>
    %dma_wait3A_1064 = arith.constant 0 : i32
    %dma_wait3A_1065 = tpu.memref_slice %arg4[%mul3A_2, %dma_wait3A_1064] : memref<320000x128xf32, #tpu.memory_space<hbm>> -> memref<40x128xf32, #tpu.memory_space<hbm>>
    %dma_wait3A_1066 = arith.constant 0 : i32
    %dma_wait3A_1067 = tpu.memref_slice %arg4[%mul3A_2, %dma_wait3A_1066] : memref<320000x128xf32, #tpu.memory_space<hbm>> -> memref<40x128xf32, #tpu.memory_space<hbm>>
    %dma_wait3A_1068 = arith.constant 0 : i32
    %dma_wait3A_1069 = arith.constant 0 : i32
    %dma_wait3A_1070 = tpu.memref_slice %arg8[%dma_wait3A_1059, %dma_wait3A_1068, %dma_wait3A_1069] : memref<6x40x128xf32, #tpu.memory_space<vmem>> -> memref<1x40x128xf32, #tpu.memory_space<vmem>>
    %dma_wait3A_1071 = tpu.memref_squeeze %dma_wait3A_1070 : memref<1x40x128xf32, #tpu.memory_space<vmem>> -> memref<40x128xf32, #tpu.memory_space<vmem>>
    tpu.wait_dma2 semaphore(%arg11 : memref<!tpu.dma_semaphore, #tpu.memory_space<semaphore_mem>>) src(%dma_wait3A_1071 : memref<40x128xf32, #tpu.memory_space<vmem>>) dst(%dma_wait3A_1067 : memref<40x128xf32, #tpu.memory_space<hbm>>)
    %dma_start3A_1072 = arith.constant 1 : i32
    %dma_start3A_1073 = arith.constant 0 : i32
    %dma_start3A_1074 = arith.constant 0 : i32
    %dma_start3A_1075 = tpu.memref_slice %arg8[%dma_start3A_1072, %dma_start3A_1073, %dma_start3A_1074] : memref<6x40x128xf32, #tpu.memory_space<vmem>> -> memref<1x40x128xf32, #tpu.memory_space<vmem>>
    %dma_start3A_1076 = tpu.memref_squeeze %dma_start3A_1075 : memref<1x40x128xf32, #tpu.memory_space<vmem>> -> memref<40x128xf32, #tpu.memory_space<vmem>>
    %dma_start3A_1077 = arith.constant 360 : i32
    %dma_start3A_1078 = tpu.memref_slice %arg7[%dma_start3A_1077] : memref<10000xi32, #tpu.memory_space<vmem>> -> memref<40xi32, #tpu.memory_space<vmem>>
    %dma_start3A_1079 = arith.constant 0 : i32
    %dma_start3A_1080 = arith.constant 0 : i32
    %dma_start3A_1081 = tpu.memref_slice %arg9[%dma_start3A_1079, %dma_start3A_1080] : memref<10000x128xf32, #tpu.memory_space<vmem_shared>> -> memref<10000x128xf32, #tpu.memory_space<vmem_shared>>
    tpu.enqueue_indirect_dma source(%dma_start3A_1081 : memref<10000x128xf32, #tpu.memory_space<vmem_shared>>) target(%dma_start3A_1076 : memref<40x128xf32, #tpu.memory_space<vmem>>) offsets(%dma_start3A_1078 : memref<40xi32, #tpu.memory_space<vmem>>) semaphore(%arg10 : memref<!tpu.dma_semaphore, #tpu.memory_space<semaphore_mem>>)
    %dma_wait3A_1082 = arith.constant 4 : i32
    %dma_wait3A_1083 = arith.constant 0 : i32
    %dma_wait3A_1084 = arith.constant 0 : i32
    %dma_wait3A_1085 = tpu.memref_slice %arg8[%dma_wait3A_1082, %dma_wait3A_1083, %dma_wait3A_1084] : memref<6x40x128xf32, #tpu.memory_space<vmem>> -> memref<1x40x128xf32, #tpu.memory_space<vmem>>
    %dma_wait3A_1086 = tpu.memref_squeeze %dma_wait3A_1085 : memref<1x40x128xf32, #tpu.memory_space<vmem>> -> memref<40x128xf32, #tpu.memory_space<vmem>>
    %dma_wait3A_1087 = arith.constant 0 : i32
    %dma_wait3A_1088 = tpu.memref_slice %arg6[%dma_wait3A_1087] : memref<10000xi32, #tpu.memory_space<vmem>> -> memref<40xi32, #tpu.memory_space<vmem>>
    %dma_wait3A_1089 = arith.constant 0 : i32
    %dma_wait3A_1090 = arith.constant 0 : i32
    %dma_wait3A_1091 = tpu.memref_slice %arg9[%dma_wait3A_1089, %dma_wait3A_1090] : memref<10000x128xf32, #tpu.memory_space<vmem_shared>> -> memref<10000x128xf32, #tpu.memory_space<vmem_shared>>
    tpu.wait_indirect_dma semaphore(%arg10 : memref<!tpu.dma_semaphore, #tpu.memory_space<semaphore_mem>>) src(%dma_wait3A_1091 : memref<10000x128xf32, #tpu.memory_space<vmem_shared>>) dst(%dma_wait3A_1086 : memref<40x128xf32, #tpu.memory_space<vmem>>)
    %add3A_1092 = arith.constant 240 : i32
    %add3A_1093 = arith.addi %mul3A_2, %add3A_1092 : i32
    %dma_start3A_1094 = arith.constant 4 : i32
    %dma_start3A_1095 = arith.constant 0 : i32
    %dma_start3A_1096 = arith.constant 0 : i32
    %dma_start3A_1097 = tpu.memref_slice %arg8[%dma_start3A_1094, %dma_start3A_1095, %dma_start3A_1096] : memref<6x40x128xf32, #tpu.memory_space<vmem>> -> memref<1x40x128xf32, #tpu.memory_space<vmem>>
    %dma_start3A_1098 = tpu.memref_squeeze %dma_start3A_1097 : memref<1x40x128xf32, #tpu.memory_space<vmem>> -> memref<40x128xf32, #tpu.memory_space<vmem>>
    %dma_start3A_1099 = arith.constant 0 : i32
    %dma_start3A_1100 = tpu.memref_slice %arg5[%add3A_1093, %dma_start3A_1099] : memref<320000x128xf32, #tpu.memory_space<hbm>> -> memref<40x128xf32, #tpu.memory_space<hbm>>
    %dma_start3A_1101 = arith.constant 0 : i32
    %dma_start3A_1102 = tpu.memref_slice %arg5[%add3A_1093, %dma_start3A_1101] : memref<320000x128xf32, #tpu.memory_space<hbm>> -> memref<40x128xf32, #tpu.memory_space<hbm>>
    %dma_start3A_1103 = arith.constant 0 : i32
    %dma_start3A_1104 = arith.constant 0 : i32
    %dma_start3A_1105 = tpu.memref_slice %arg8[%dma_start3A_1094, %dma_start3A_1103, %dma_start3A_1104] : memref<6x40x128xf32, #tpu.memory_space<vmem>> -> memref<1x40x128xf32, #tpu.memory_space<vmem>>
    %dma_start3A_1106 = tpu.memref_squeeze %dma_start3A_1105 : memref<1x40x128xf32, #tpu.memory_space<vmem>> -> memref<40x128xf32, #tpu.memory_space<vmem>>
    tpu.enqueue_dma source(%dma_start3A_1106 : memref<40x128xf32, #tpu.memory_space<vmem>>) target(%dma_start3A_1102 : memref<40x128xf32, #tpu.memory_space<hbm>>) target_semaphore(%arg11 : memref<!tpu.dma_semaphore, #tpu.memory_space<semaphore_mem>>)
    %dma_wait3A_1107 = arith.constant 0 : i32
    %dma_wait3A_1108 = arith.constant 0 : i32
    %dma_wait3A_1109 = arith.constant 0 : i32
    %dma_wait3A_1110 = tpu.memref_slice %arg8[%dma_wait3A_1107, %dma_wait3A_1108, %dma_wait3A_1109] : memref<6x40x128xf32, #tpu.memory_space<vmem>> -> memref<1x40x128xf32, #tpu.memory_space<vmem>>
    %dma_wait3A_1111 = tpu.memref_squeeze %dma_wait3A_1110 : memref<1x40x128xf32, #tpu.memory_space<vmem>> -> memref<40x128xf32, #tpu.memory_space<vmem>>
    %dma_wait3A_1112 = arith.constant 0 : i32
    %dma_wait3A_1113 = tpu.memref_slice %arg4[%mul3A_2, %dma_wait3A_1112] : memref<320000x128xf32, #tpu.memory_space<hbm>> -> memref<40x128xf32, #tpu.memory_space<hbm>>
    %dma_wait3A_1114 = arith.constant 0 : i32
    %dma_wait3A_1115 = tpu.memref_slice %arg4[%mul3A_2, %dma_wait3A_1114] : memref<320000x128xf32, #tpu.memory_space<hbm>> -> memref<40x128xf32, #tpu.memory_space<hbm>>
    %dma_wait3A_1116 = arith.constant 0 : i32
    %dma_wait3A_1117 = arith.constant 0 : i32
    %dma_wait3A_1118 = tpu.memref_slice %arg8[%dma_wait3A_1107, %dma_wait3A_1116, %dma_wait3A_1117] : memref<6x40x128xf32, #tpu.memory_space<vmem>> -> memref<1x40x128xf32, #tpu.memory_space<vmem>>
    %dma_wait3A_1119 = tpu.memref_squeeze %dma_wait3A_1118 : memref<1x40x128xf32, #tpu.memory_space<vmem>> -> memref<40x128xf32, #tpu.memory_space<vmem>>
    tpu.wait_dma2 semaphore(%arg11 : memref<!tpu.dma_semaphore, #tpu.memory_space<semaphore_mem>>) src(%dma_wait3A_1119 : memref<40x128xf32, #tpu.memory_space<vmem>>) dst(%dma_wait3A_1115 : memref<40x128xf32, #tpu.memory_space<hbm>>)
    %dma_start3A_1120 = arith.constant 2 : i32
    %dma_start3A_1121 = arith.constant 0 : i32
    %dma_start3A_1122 = arith.constant 0 : i32
    %dma_start3A_1123 = tpu.memref_slice %arg8[%dma_start3A_1120, %dma_start3A_1121, %dma_start3A_1122] : memref<6x40x128xf32, #tpu.memory_space<vmem>> -> memref<1x40x128xf32, #tpu.memory_space<vmem>>
    %dma_start3A_1124 = tpu.memref_squeeze %dma_start3A_1123 : memref<1x40x128xf32, #tpu.memory_space<vmem>> -> memref<40x128xf32, #tpu.memory_space<vmem>>
    %dma_start3A_1125 = arith.constant 400 : i32
    %dma_start3A_1126 = tpu.memref_slice %arg7[%dma_start3A_1125] : memref<10000xi32, #tpu.memory_space<vmem>> -> memref<40xi32, #tpu.memory_space<vmem>>
    %dma_start3A_1127 = arith.constant 0 : i32
    %dma_start3A_1128 = arith.constant 0 : i32
    %dma_start3A_1129 = tpu.memref_slice %arg9[%dma_start3A_1127, %dma_start3A_1128] : memref<10000x128xf32, #tpu.memory_space<vmem_shared>> -> memref<10000x128xf32, #tpu.memory_space<vmem_shared>>
    tpu.enqueue_indirect_dma source(%dma_start3A_1129 : memref<10000x128xf32, #tpu.memory_space<vmem_shared>>) target(%dma_start3A_1124 : memref<40x128xf32, #tpu.memory_space<vmem>>) offsets(%dma_start3A_1126 : memref<40xi32, #tpu.memory_space<vmem>>) semaphore(%arg10 : memref<!tpu.dma_semaphore, #tpu.memory_space<semaphore_mem>>)
    %dma_wait3A_1130 = arith.constant 5 : i32
    %dma_wait3A_1131 = arith.constant 0 : i32
    %dma_wait3A_1132 = arith.constant 0 : i32
    %dma_wait3A_1133 = tpu.memref_slice %arg8[%dma_wait3A_1130, %dma_wait3A_1131, %dma_wait3A_1132] : memref<6x40x128xf32, #tpu.memory_space<vmem>> -> memref<1x40x128xf32, #tpu.memory_space<vmem>>
    %dma_wait3A_1134 = tpu.memref_squeeze %dma_wait3A_1133 : memref<1x40x128xf32, #tpu.memory_space<vmem>> -> memref<40x128xf32, #tpu.memory_space<vmem>>
    %dma_wait3A_1135 = arith.constant 0 : i32
    %dma_wait3A_1136 = tpu.memref_slice %arg6[%dma_wait3A_1135] : memref<10000xi32, #tpu.memory_space<vmem>> -> memref<40xi32, #tpu.memory_space<vmem>>
    %dma_wait3A_1137 = arith.constant 0 : i32
    %dma_wait3A_1138 = arith.constant 0 : i32
    %dma_wait3A_1139 = tpu.memref_slice %arg9[%dma_wait3A_1137, %dma_wait3A_1138] : memref<10000x128xf32, #tpu.memory_space<vmem_shared>> -> memref<10000x128xf32, #tpu.memory_space<vmem_shared>>
    tpu.wait_indirect_dma semaphore(%arg10 : memref<!tpu.dma_semaphore, #tpu.memory_space<semaphore_mem>>) src(%dma_wait3A_1139 : memref<10000x128xf32, #tpu.memory_space<vmem_shared>>) dst(%dma_wait3A_1134 : memref<40x128xf32, #tpu.memory_space<vmem>>)
    %add3A_1140 = arith.constant 280 : i32
    %add3A_1141 = arith.addi %mul3A_2, %add3A_1140 : i32
    %dma_start3A_1142 = arith.constant 5 : i32
    %dma_start3A_1143 = arith.constant 0 : i32
    %dma_start3A_1144 = arith.constant 0 : i32
    %dma_start3A_1145 = tpu.memref_slice %arg8[%dma_start3A_1142, %dma_start3A_1143, %dma_start3A_1144] : memref<6x40x128xf32, #tpu.memory_space<vmem>> -> memref<1x40x128xf32, #tpu.memory_space<vmem>>
    %dma_start3A_1146 = tpu.memref_squeeze %dma_start3A_1145 : memref<1x40x128xf32, #tpu.memory_space<vmem>> -> memref<40x128xf32, #tpu.memory_space<vmem>>
    %dma_start3A_1147 = arith.constant 0 : i32
    %dma_start3A_1148 = tpu.memref_slice %arg5[%add3A_1141, %dma_start3A_1147] : memref<320000x128xf32, #tpu.memory_space<hbm>> -> memref<40x128xf32, #tpu.memory_space<hbm>>
    %dma_start3A_1149 = arith.constant 0 : i32
    %dma_start3A_1150 = tpu.memref_slice %arg5[%add3A_1141, %dma_start3A_1149] : memref<320000x128xf32, #tpu.memory_space<hbm>> -> memref<40x128xf32, #tpu.memory_space<hbm>>
    %dma_start3A_1151 = arith.constant 0 : i32
    %dma_start3A_1152 = arith.constant 0 : i32
    %dma_start3A_1153 = tpu.memref_slice %arg8[%dma_start3A_1142, %dma_start3A_1151, %dma_start3A_1152] : memref<6x40x128xf32, #tpu.memory_space<vmem>> -> memref<1x40x128xf32, #tpu.memory_space<vmem>>
    %dma_start3A_1154 = tpu.memref_squeeze %dma_start3A_1153 : memref<1x40x128xf32, #tpu.memory_space<vmem>> -> memref<40x128xf32, #tpu.memory_space<vmem>>
    tpu.enqueue_dma source(%dma_start3A_1154 : memref<40x128xf32, #tpu.memory_space<vmem>>) target(%dma_start3A_1150 : memref<40x128xf32, #tpu.memory_space<hbm>>) target_semaphore(%arg11 : memref<!tpu.dma_semaphore, #tpu.memory_space<semaphore_mem>>)
    %dma_wait3A_1155 = arith.constant 0 : i32
    %dma_wait3A_1156 = arith.constant 0 : i32
    %dma_wait3A_1157 = arith.constant 0 : i32
    %dma_wait3A_1158 = tpu.memref_slice %arg8[%dma_wait3A_1155, %dma_wait3A_1156, %dma_wait3A_1157] : memref<6x40x128xf32, #tpu.memory_space<vmem>> -> memref<1x40x128xf32, #tpu.memory_space<vmem>>
    %dma_wait3A_1159 = tpu.memref_squeeze %dma_wait3A_1158 : memref<1x40x128xf32, #tpu.memory_space<vmem>> -> memref<40x128xf32, #tpu.memory_space<vmem>>
    %dma_wait3A_1160 = arith.constant 0 : i32
    %dma_wait3A_1161 = tpu.memref_slice %arg4[%mul3A_2, %dma_wait3A_1160] : memref<320000x128xf32, #tpu.memory_space<hbm>> -> memref<40x128xf32, #tpu.memory_space<hbm>>
    %dma_wait3A_1162 = arith.constant 0 : i32
    %dma_wait3A_1163 = tpu.memref_slice %arg4[%mul3A_2, %dma_wait3A_1162] : memref<320000x128xf32, #tpu.memory_space<hbm>> -> memref<40x128xf32, #tpu.memory_space<hbm>>
    %dma_wait3A_1164 = arith.constant 0 : i32
    %dma_wait3A_1165 = arith.constant 0 : i32
    %dma_wait3A_1166 = tpu.memref_slice %arg8[%dma_wait3A_1155, %dma_wait3A_1164, %dma_wait3A_1165] : memref<6x40x128xf32, #tpu.memory_space<vmem>> -> memref<1x40x128xf32, #tpu.memory_space<vmem>>
    %dma_wait3A_1167 = tpu.memref_squeeze %dma_wait3A_1166 : memref<1x40x128xf32, #tpu.memory_space<vmem>> -> memref<40x128xf32, #tpu.memory_space<vmem>>
    tpu.wait_dma2 semaphore(%arg11 : memref<!tpu.dma_semaphore, #tpu.memory_space<semaphore_mem>>) src(%dma_wait3A_1167 : memref<40x128xf32, #tpu.memory_space<vmem>>) dst(%dma_wait3A_1163 : memref<40x128xf32, #tpu.memory_space<hbm>>)
    %dma_start3A_1168 = arith.constant 3 : i32
    %dma_start3A_1169 = arith.constant 0 : i32
    %dma_start3A_1170 = arith.constant 0 : i32
    %dma_start3A_1171 = tpu.memref_slice %arg8[%dma_start3A_1168, %dma_start3A_1169, %dma_start3A_1170] : memref<6x40x128xf32, #tpu.memory_space<vmem>> -> memref<1x40x128xf32, #tpu.memory_space<vmem>>
    %dma_start3A_1172 = tpu.memref_squeeze %dma_start3A_1171 : memref<1x40x128xf32, #tpu.memory_space<vmem>> -> memref<40x128xf32, #tpu.memory_space<vmem>>
    %dma_start3A_1173 = arith.constant 440 : i32
    %dma_start3A_1174 = tpu.memref_slice %arg7[%dma_start3A_1173] : memref<10000xi32, #tpu.memory_space<vmem>> -> memref<40xi32, #tpu.memory_space<vmem>>
    %dma_start3A_1175 = arith.constant 0 : i32
    %dma_start3A_1176 = arith.constant 0 : i32
    %dma_start3A_1177 = tpu.memref_slice %arg9[%dma_start3A_1175, %dma_start3A_1176] : memref<10000x128xf32, #tpu.memory_space<vmem_shared>> -> memref<10000x128xf32, #tpu.memory_space<vmem_shared>>
    tpu.enqueue_indirect_dma source(%dma_start3A_1177 : memref<10000x128xf32, #tpu.memory_space<vmem_shared>>) target(%dma_start3A_1172 : memref<40x128xf32, #tpu.memory_space<vmem>>) offsets(%dma_start3A_1174 : memref<40xi32, #tpu.memory_space<vmem>>) semaphore(%arg10 : memref<!tpu.dma_semaphore, #tpu.memory_space<semaphore_mem>>)
    %scan3A_1178 = arith.constant 0 : i32
    %scan3A_1179 = arith.constant 0 : i32
    %scan3A_1180 = arith.constant 39 : i32
    %scan3A_1181 = arith.addi %scan3A_1179, %scan3A_1180 : i32
    %scan3A_1182 = arith.constant 1 : i32
    scf.for %scan3A_1554 = %scan3A_1179 to %scan3A_1181 step %scan3A_1182  : i32 {
      %mul3A_1555 = arith.constant 6 : i32
      %mul3A_1556 = arith.muli %scan3A_1554, %mul3A_1555 : i32
      %add3A_1557 = arith.constant 258 : i32
      %add3A_1558 = arith.addi %add3A_1557, %mul3A_1556 : i32
      %add3A_1559 = arith.constant 0 : i32
      %add3A_1560 = arith.addi %add3A_1558, %add3A_1559 : i32
      %dma_wait3A_1561 = arith.constant 0 : i32
      %dma_wait3A_1562 = arith.constant 0 : i32
      %dma_wait3A_1563 = arith.constant 0 : i32
      %dma_wait3A_1564 = tpu.memref_slice %arg8[%dma_wait3A_1561, %dma_wait3A_1562, %dma_wait3A_1563] : memref<6x40x128xf32, #tpu.memory_space<vmem>> -> memref<1x40x128xf32, #tpu.memory_space<vmem>>
      %dma_wait3A_1565 = tpu.memref_squeeze %dma_wait3A_1564 : memref<1x40x128xf32, #tpu.memory_space<vmem>> -> memref<40x128xf32, #tpu.memory_space<vmem>>
      %dma_wait3A_1566 = arith.constant 0 : i32
      %dma_wait3A_1567 = tpu.memref_slice %arg6[%dma_wait3A_1566] : memref<10000xi32, #tpu.memory_space<vmem>> -> memref<40xi32, #tpu.memory_space<vmem>>
      %dma_wait3A_1568 = arith.constant 0 : i32
      %dma_wait3A_1569 = arith.constant 0 : i32
      %dma_wait3A_1570 = tpu.memref_slice %arg9[%dma_wait3A_1568, %dma_wait3A_1569] : memref<10000x128xf32, #tpu.memory_space<vmem_shared>> -> memref<10000x128xf32, #tpu.memory_space<vmem_shared>>
      tpu.wait_indirect_dma semaphore(%arg10 : memref<!tpu.dma_semaphore, #tpu.memory_space<semaphore_mem>>) src(%dma_wait3A_1570 : memref<10000x128xf32, #tpu.memory_space<vmem_shared>>) dst(%dma_wait3A_1565 : memref<40x128xf32, #tpu.memory_space<vmem>>)
      %sub3A = arith.constant 250 : i32
      %sub3A_1571 = arith.subi %add3A_1560, %sub3A : i32
      %mul3A_1572 = arith.constant 40 : i32
      %mul3A_1573 = arith.muli %sub3A_1571, %mul3A_1572 : i32
      %add3A_1574 = arith.addi %mul3A_2, %mul3A_1573 : i32
      %dma_start3A_1575 = arith.constant 0 : i32
      %dma_start3A_1576 = arith.constant 0 : i32
      %dma_start3A_1577 = arith.constant 0 : i32
      %dma_start3A_1578 = tpu.memref_slice %arg8[%dma_start3A_1575, %dma_start3A_1576, %dma_start3A_1577] : memref<6x40x128xf32, #tpu.memory_space<vmem>> -> memref<1x40x128xf32, #tpu.memory_space<vmem>>
      %dma_start3A_1579 = tpu.memref_squeeze %dma_start3A_1578 : memref<1x40x128xf32, #tpu.memory_space<vmem>> -> memref<40x128xf32, #tpu.memory_space<vmem>>
      %dma_start3A_1580 = arith.constant 0 : i32
      %dma_start3A_1581 = tpu.memref_slice %arg5[%add3A_1574, %dma_start3A_1580] : memref<320000x128xf32, #tpu.memory_space<hbm>> -> memref<40x128xf32, #tpu.memory_space<hbm>>
      %dma_start3A_1582 = arith.constant 0 : i32
      %dma_start3A_1583 = tpu.memref_slice %arg5[%add3A_1574, %dma_start3A_1582] : memref<320000x128xf32, #tpu.memory_space<hbm>> -> memref<40x128xf32, #tpu.memory_space<hbm>>
      %dma_start3A_1584 = arith.constant 0 : i32
      %dma_start3A_1585 = arith.constant 0 : i32
      %dma_start3A_1586 = tpu.memref_slice %arg8[%dma_start3A_1575, %dma_start3A_1584, %dma_start3A_1585] : memref<6x40x128xf32, #tpu.memory_space<vmem>> -> memref<1x40x128xf32, #tpu.memory_space<vmem>>
      %dma_start3A_1587 = tpu.memref_squeeze %dma_start3A_1586 : memref<1x40x128xf32, #tpu.memory_space<vmem>> -> memref<40x128xf32, #tpu.memory_space<vmem>>
      tpu.enqueue_dma source(%dma_start3A_1587 : memref<40x128xf32, #tpu.memory_space<vmem>>) target(%dma_start3A_1583 : memref<40x128xf32, #tpu.memory_space<hbm>>) target_semaphore(%arg11 : memref<!tpu.dma_semaphore, #tpu.memory_space<semaphore_mem>>)
      %dma_wait3A_1588 = arith.constant 0 : i32
      %dma_wait3A_1589 = arith.constant 0 : i32
      %dma_wait3A_1590 = arith.constant 0 : i32
      %dma_wait3A_1591 = tpu.memref_slice %arg8[%dma_wait3A_1588, %dma_wait3A_1589, %dma_wait3A_1590] : memref<6x40x128xf32, #tpu.memory_space<vmem>> -> memref<1x40x128xf32, #tpu.memory_space<vmem>>
      %dma_wait3A_1592 = tpu.memref_squeeze %dma_wait3A_1591 : memref<1x40x128xf32, #tpu.memory_space<vmem>> -> memref<40x128xf32, #tpu.memory_space<vmem>>
      %dma_wait3A_1593 = arith.constant 0 : i32
      %dma_wait3A_1594 = tpu.memref_slice %arg4[%mul3A_2, %dma_wait3A_1593] : memref<320000x128xf32, #tpu.memory_space<hbm>> -> memref<40x128xf32, #tpu.memory_space<hbm>>
      %dma_wait3A_1595 = arith.constant 0 : i32
      %dma_wait3A_1596 = tpu.memref_slice %arg4[%mul3A_2, %dma_wait3A_1595] : memref<320000x128xf32, #tpu.memory_space<hbm>> -> memref<40x128xf32, #tpu.memory_space<hbm>>
      %dma_wait3A_1597 = arith.constant 0 : i32
      %dma_wait3A_1598 = arith.constant 0 : i32
      %dma_wait3A_1599 = tpu.memref_slice %arg8[%dma_wait3A_1588, %dma_wait3A_1597, %dma_wait3A_1598] : memref<6x40x128xf32, #tpu.memory_space<vmem>> -> memref<1x40x128xf32, #tpu.memory_space<vmem>>
      %dma_wait3A_1600 = tpu.memref_squeeze %dma_wait3A_1599 : memref<1x40x128xf32, #tpu.memory_space<vmem>> -> memref<40x128xf32, #tpu.memory_space<vmem>>
      tpu.wait_dma2 semaphore(%arg11 : memref<!tpu.dma_semaphore, #tpu.memory_space<semaphore_mem>>) src(%dma_wait3A_1600 : memref<40x128xf32, #tpu.memory_space<vmem>>) dst(%dma_wait3A_1596 : memref<40x128xf32, #tpu.memory_space<hbm>>)
      %add3A_1601 = arith.constant 4 : i32
      %add3A_1602 = arith.addi %add3A_1560, %add3A_1601 : i32
      %sub3A_1603 = arith.constant 250 : i32
      %sub3A_1604 = arith.subi %add3A_1602, %sub3A_1603 : i32
      %mul3A_1605 = arith.constant 40 : i32
      %mul3A_1606 = arith.muli %sub3A_1604, %mul3A_1605 : i32
      %dma_start3A_1607 = arith.constant 4 : i32
      %dma_start3A_1608 = arith.constant 0 : i32
      %dma_start3A_1609 = arith.constant 0 : i32
      %dma_start3A_1610 = tpu.memref_slice %arg8[%dma_start3A_1607, %dma_start3A_1608, %dma_start3A_1609] : memref<6x40x128xf32, #tpu.memory_space<vmem>> -> memref<1x40x128xf32, #tpu.memory_space<vmem>>
      %dma_start3A_1611 = tpu.memref_squeeze %dma_start3A_1610 : memref<1x40x128xf32, #tpu.memory_space<vmem>> -> memref<40x128xf32, #tpu.memory_space<vmem>>
      %dma_start3A_1612 = tpu.memref_slice %arg7[%mul3A_1606] : memref<10000xi32, #tpu.memory_space<vmem>> -> memref<40xi32, #tpu.memory_space<vmem>>
      %dma_start3A_1613 = arith.constant 0 : i32
      %dma_start3A_1614 = arith.constant 0 : i32
      %dma_start3A_1615 = tpu.memref_slice %arg9[%dma_start3A_1613, %dma_start3A_1614] : memref<10000x128xf32, #tpu.memory_space<vmem_shared>> -> memref<10000x128xf32, #tpu.memory_space<vmem_shared>>
      tpu.enqueue_indirect_dma source(%dma_start3A_1615 : memref<10000x128xf32, #tpu.memory_space<vmem_shared>>) target(%dma_start3A_1611 : memref<40x128xf32, #tpu.memory_space<vmem>>) offsets(%dma_start3A_1612 : memref<40xi32, #tpu.memory_space<vmem>>) semaphore(%arg10 : memref<!tpu.dma_semaphore, #tpu.memory_space<semaphore_mem>>)
      %add3A_1616 = arith.constant 1 : i32
      %add3A_1617 = arith.addi %add3A_1558, %add3A_1616 : i32
      %dma_wait3A_1618 = arith.constant 1 : i32
      %dma_wait3A_1619 = arith.constant 0 : i32
      %dma_wait3A_1620 = arith.constant 0 : i32
      %dma_wait3A_1621 = tpu.memref_slice %arg8[%dma_wait3A_1618, %dma_wait3A_1619, %dma_wait3A_1620] : memref<6x40x128xf32, #tpu.memory_space<vmem>> -> memref<1x40x128xf32, #tpu.memory_space<vmem>>
      %dma_wait3A_1622 = tpu.memref_squeeze %dma_wait3A_1621 : memref<1x40x128xf32, #tpu.memory_space<vmem>> -> memref<40x128xf32, #tpu.memory_space<vmem>>
      %dma_wait3A_1623 = arith.constant 0 : i32
      %dma_wait3A_1624 = tpu.memref_slice %arg6[%dma_wait3A_1623] : memref<10000xi32, #tpu.memory_space<vmem>> -> memref<40xi32, #tpu.memory_space<vmem>>
      %dma_wait3A_1625 = arith.constant 0 : i32
      %dma_wait3A_1626 = arith.constant 0 : i32
      %dma_wait3A_1627 = tpu.memref_slice %arg9[%dma_wait3A_1625, %dma_wait3A_1626] : memref<10000x128xf32, #tpu.memory_space<vmem_shared>> -> memref<10000x128xf32, #tpu.memory_space<vmem_shared>>
      tpu.wait_indirect_dma semaphore(%arg10 : memref<!tpu.dma_semaphore, #tpu.memory_space<semaphore_mem>>) src(%dma_wait3A_1627 : memref<10000x128xf32, #tpu.memory_space<vmem_shared>>) dst(%dma_wait3A_1622 : memref<40x128xf32, #tpu.memory_space<vmem>>)
      %sub3A_1628 = arith.constant 250 : i32
      %sub3A_1629 = arith.subi %add3A_1617, %sub3A_1628 : i32
      %mul3A_1630 = arith.constant 40 : i32
      %mul3A_1631 = arith.muli %sub3A_1629, %mul3A_1630 : i32
      %add3A_1632 = arith.addi %mul3A_2, %mul3A_1631 : i32
      %dma_start3A_1633 = arith.constant 1 : i32
      %dma_start3A_1634 = arith.constant 0 : i32
      %dma_start3A_1635 = arith.constant 0 : i32
      %dma_start3A_1636 = tpu.memref_slice %arg8[%dma_start3A_1633, %dma_start3A_1634, %dma_start3A_1635] : memref<6x40x128xf32, #tpu.memory_space<vmem>> -> memref<1x40x128xf32, #tpu.memory_space<vmem>>
      %dma_start3A_1637 = tpu.memref_squeeze %dma_start3A_1636 : memref<1x40x128xf32, #tpu.memory_space<vmem>> -> memref<40x128xf32, #tpu.memory_space<vmem>>
      %dma_start3A_1638 = arith.constant 0 : i32
      %dma_start3A_1639 = tpu.memref_slice %arg5[%add3A_1632, %dma_start3A_1638] : memref<320000x128xf32, #tpu.memory_space<hbm>> -> memref<40x128xf32, #tpu.memory_space<hbm>>
      %dma_start3A_1640 = arith.constant 0 : i32
      %dma_start3A_1641 = tpu.memref_slice %arg5[%add3A_1632, %dma_start3A_1640] : memref<320000x128xf32, #tpu.memory_space<hbm>> -> memref<40x128xf32, #tpu.memory_space<hbm>>
      %dma_start3A_1642 = arith.constant 0 : i32
      %dma_start3A_1643 = arith.constant 0 : i32
      %dma_start3A_1644 = tpu.memref_slice %arg8[%dma_start3A_1633, %dma_start3A_1642, %dma_start3A_1643] : memref<6x40x128xf32, #tpu.memory_space<vmem>> -> memref<1x40x128xf32, #tpu.memory_space<vmem>>
      %dma_start3A_1645 = tpu.memref_squeeze %dma_start3A_1644 : memref<1x40x128xf32, #tpu.memory_space<vmem>> -> memref<40x128xf32, #tpu.memory_space<vmem>>
      tpu.enqueue_dma source(%dma_start3A_1645 : memref<40x128xf32, #tpu.memory_space<vmem>>) target(%dma_start3A_1641 : memref<40x128xf32, #tpu.memory_space<hbm>>) target_semaphore(%arg11 : memref<!tpu.dma_semaphore, #tpu.memory_space<semaphore_mem>>)
      %dma_wait3A_1646 = arith.constant 0 : i32
      %dma_wait3A_1647 = arith.constant 0 : i32
      %dma_wait3A_1648 = arith.constant 0 : i32
      %dma_wait3A_1649 = tpu.memref_slice %arg8[%dma_wait3A_1646, %dma_wait3A_1647, %dma_wait3A_1648] : memref<6x40x128xf32, #tpu.memory_space<vmem>> -> memref<1x40x128xf32, #tpu.memory_space<vmem>>
      %dma_wait3A_1650 = tpu.memref_squeeze %dma_wait3A_1649 : memref<1x40x128xf32, #tpu.memory_space<vmem>> -> memref<40x128xf32, #tpu.memory_space<vmem>>
      %dma_wait3A_1651 = arith.constant 0 : i32
      %dma_wait3A_1652 = tpu.memref_slice %arg4[%mul3A_2, %dma_wait3A_1651] : memref<320000x128xf32, #tpu.memory_space<hbm>> -> memref<40x128xf32, #tpu.memory_space<hbm>>
      %dma_wait3A_1653 = arith.constant 0 : i32
      %dma_wait3A_1654 = tpu.memref_slice %arg4[%mul3A_2, %dma_wait3A_1653] : memref<320000x128xf32, #tpu.memory_space<hbm>> -> memref<40x128xf32, #tpu.memory_space<hbm>>
      %dma_wait3A_1655 = arith.constant 0 : i32
      %dma_wait3A_1656 = arith.constant 0 : i32
      %dma_wait3A_1657 = tpu.memref_slice %arg8[%dma_wait3A_1646, %dma_wait3A_1655, %dma_wait3A_1656] : memref<6x40x128xf32, #tpu.memory_space<vmem>> -> memref<1x40x128xf32, #tpu.memory_space<vmem>>
      %dma_wait3A_1658 = tpu.memref_squeeze %dma_wait3A_1657 : memref<1x40x128xf32, #tpu.memory_space<vmem>> -> memref<40x128xf32, #tpu.memory_space<vmem>>
      tpu.wait_dma2 semaphore(%arg11 : memref<!tpu.dma_semaphore, #tpu.memory_space<semaphore_mem>>) src(%dma_wait3A_1658 : memref<40x128xf32, #tpu.memory_space<vmem>>) dst(%dma_wait3A_1654 : memref<40x128xf32, #tpu.memory_space<hbm>>)
      %add3A_1659 = arith.constant 4 : i32
      %add3A_1660 = arith.addi %add3A_1617, %add3A_1659 : i32
      %sub3A_1661 = arith.constant 250 : i32
      %sub3A_1662 = arith.subi %add3A_1660, %sub3A_1661 : i32
      %mul3A_1663 = arith.constant 40 : i32
      %mul3A_1664 = arith.muli %sub3A_1662, %mul3A_1663 : i32
      %dma_start3A_1665 = arith.constant 5 : i32
      %dma_start3A_1666 = arith.constant 0 : i32
      %dma_start3A_1667 = arith.constant 0 : i32
      %dma_start3A_1668 = tpu.memref_slice %arg8[%dma_start3A_1665, %dma_start3A_1666, %dma_start3A_1667] : memref<6x40x128xf32, #tpu.memory_space<vmem>> -> memref<1x40x128xf32, #tpu.memory_space<vmem>>
      %dma_start3A_1669 = tpu.memref_squeeze %dma_start3A_1668 : memref<1x40x128xf32, #tpu.memory_space<vmem>> -> memref<40x128xf32, #tpu.memory_space<vmem>>
      %dma_start3A_1670 = tpu.memref_slice %arg7[%mul3A_1664] : memref<10000xi32, #tpu.memory_space<vmem>> -> memref<40xi32, #tpu.memory_space<vmem>>
      %dma_start3A_1671 = arith.constant 0 : i32
      %dma_start3A_1672 = arith.constant 0 : i32
      %dma_start3A_1673 = tpu.memref_slice %arg9[%dma_start3A_1671, %dma_start3A_1672] : memref<10000x128xf32, #tpu.memory_space<vmem_shared>> -> memref<10000x128xf32, #tpu.memory_space<vmem_shared>>
      tpu.enqueue_indirect_dma source(%dma_start3A_1673 : memref<10000x128xf32, #tpu.memory_space<vmem_shared>>) target(%dma_start3A_1669 : memref<40x128xf32, #tpu.memory_space<vmem>>) offsets(%dma_start3A_1670 : memref<40xi32, #tpu.memory_space<vmem>>) semaphore(%arg10 : memref<!tpu.dma_semaphore, #tpu.memory_space<semaphore_mem>>)
      %add3A_1674 = arith.constant 2 : i32
      %add3A_1675 = arith.addi %add3A_1558, %add3A_1674 : i32
      %dma_wait3A_1676 = arith.constant 2 : i32
      %dma_wait3A_1677 = arith.constant 0 : i32
      %dma_wait3A_1678 = arith.constant 0 : i32
      %dma_wait3A_1679 = tpu.memref_slice %arg8[%dma_wait3A_1676, %dma_wait3A_1677, %dma_wait3A_1678] : memref<6x40x128xf32, #tpu.memory_space<vmem>> -> memref<1x40x128xf32, #tpu.memory_space<vmem>>
      %dma_wait3A_1680 = tpu.memref_squeeze %dma_wait3A_1679 : memref<1x40x128xf32, #tpu.memory_space<vmem>> -> memref<40x128xf32, #tpu.memory_space<vmem>>
      %dma_wait3A_1681 = arith.constant 0 : i32
      %dma_wait3A_1682 = tpu.memref_slice %arg6[%dma_wait3A_1681] : memref<10000xi32, #tpu.memory_space<vmem>> -> memref<40xi32, #tpu.memory_space<vmem>>
      %dma_wait3A_1683 = arith.constant 0 : i32
      %dma_wait3A_1684 = arith.constant 0 : i32
      %dma_wait3A_1685 = tpu.memref_slice %arg9[%dma_wait3A_1683, %dma_wait3A_1684] : memref<10000x128xf32, #tpu.memory_space<vmem_shared>> -> memref<10000x128xf32, #tpu.memory_space<vmem_shared>>
      tpu.wait_indirect_dma semaphore(%arg10 : memref<!tpu.dma_semaphore, #tpu.memory_space<semaphore_mem>>) src(%dma_wait3A_1685 : memref<10000x128xf32, #tpu.memory_space<vmem_shared>>) dst(%dma_wait3A_1680 : memref<40x128xf32, #tpu.memory_space<vmem>>)
      %sub3A_1686 = arith.constant 250 : i32
      %sub3A_1687 = arith.subi %add3A_1675, %sub3A_1686 : i32
      %mul3A_1688 = arith.constant 40 : i32
      %mul3A_1689 = arith.muli %sub3A_1687, %mul3A_1688 : i32
      %add3A_1690 = arith.addi %mul3A_2, %mul3A_1689 : i32
      %dma_start3A_1691 = arith.constant 2 : i32
      %dma_start3A_1692 = arith.constant 0 : i32
      %dma_start3A_1693 = arith.constant 0 : i32
      %dma_start3A_1694 = tpu.memref_slice %arg8[%dma_start3A_1691, %dma_start3A_1692, %dma_start3A_1693] : memref<6x40x128xf32, #tpu.memory_space<vmem>> -> memref<1x40x128xf32, #tpu.memory_space<vmem>>
      %dma_start3A_1695 = tpu.memref_squeeze %dma_start3A_1694 : memref<1x40x128xf32, #tpu.memory_space<vmem>> -> memref<40x128xf32, #tpu.memory_space<vmem>>
      %dma_start3A_1696 = arith.constant 0 : i32
      %dma_start3A_1697 = tpu.memref_slice %arg5[%add3A_1690, %dma_start3A_1696] : memref<320000x128xf32, #tpu.memory_space<hbm>> -> memref<40x128xf32, #tpu.memory_space<hbm>>
      %dma_start3A_1698 = arith.constant 0 : i32
      %dma_start3A_1699 = tpu.memref_slice %arg5[%add3A_1690, %dma_start3A_1698] : memref<320000x128xf32, #tpu.memory_space<hbm>> -> memref<40x128xf32, #tpu.memory_space<hbm>>
      %dma_start3A_1700 = arith.constant 0 : i32
      %dma_start3A_1701 = arith.constant 0 : i32
      %dma_start3A_1702 = tpu.memref_slice %arg8[%dma_start3A_1691, %dma_start3A_1700, %dma_start3A_1701] : memref<6x40x128xf32, #tpu.memory_space<vmem>> -> memref<1x40x128xf32, #tpu.memory_space<vmem>>
      %dma_start3A_1703 = tpu.memref_squeeze %dma_start3A_1702 : memref<1x40x128xf32, #tpu.memory_space<vmem>> -> memref<40x128xf32, #tpu.memory_space<vmem>>
      tpu.enqueue_dma source(%dma_start3A_1703 : memref<40x128xf32, #tpu.memory_space<vmem>>) target(%dma_start3A_1699 : memref<40x128xf32, #tpu.memory_space<hbm>>) target_semaphore(%arg11 : memref<!tpu.dma_semaphore, #tpu.memory_space<semaphore_mem>>)
      %dma_wait3A_1704 = arith.constant 0 : i32
      %dma_wait3A_1705 = arith.constant 0 : i32
      %dma_wait3A_1706 = arith.constant 0 : i32
      %dma_wait3A_1707 = tpu.memref_slice %arg8[%dma_wait3A_1704, %dma_wait3A_1705, %dma_wait3A_1706] : memref<6x40x128xf32, #tpu.memory_space<vmem>> -> memref<1x40x128xf32, #tpu.memory_space<vmem>>
      %dma_wait3A_1708 = tpu.memref_squeeze %dma_wait3A_1707 : memref<1x40x128xf32, #tpu.memory_space<vmem>> -> memref<40x128xf32, #tpu.memory_space<vmem>>
      %dma_wait3A_1709 = arith.constant 0 : i32
      %dma_wait3A_1710 = tpu.memref_slice %arg4[%mul3A_2, %dma_wait3A_1709] : memref<320000x128xf32, #tpu.memory_space<hbm>> -> memref<40x128xf32, #tpu.memory_space<hbm>>
      %dma_wait3A_1711 = arith.constant 0 : i32
      %dma_wait3A_1712 = tpu.memref_slice %arg4[%mul3A_2, %dma_wait3A_1711] : memref<320000x128xf32, #tpu.memory_space<hbm>> -> memref<40x128xf32, #tpu.memory_space<hbm>>
      %dma_wait3A_1713 = arith.constant 0 : i32
      %dma_wait3A_1714 = arith.constant 0 : i32
      %dma_wait3A_1715 = tpu.memref_slice %arg8[%dma_wait3A_1704, %dma_wait3A_1713, %dma_wait3A_1714] : memref<6x40x128xf32, #tpu.memory_space<vmem>> -> memref<1x40x128xf32, #tpu.memory_space<vmem>>
      %dma_wait3A_1716 = tpu.memref_squeeze %dma_wait3A_1715 : memref<1x40x128xf32, #tpu.memory_space<vmem>> -> memref<40x128xf32, #tpu.memory_space<vmem>>
      tpu.wait_dma2 semaphore(%arg11 : memref<!tpu.dma_semaphore, #tpu.memory_space<semaphore_mem>>) src(%dma_wait3A_1716 : memref<40x128xf32, #tpu.memory_space<vmem>>) dst(%dma_wait3A_1712 : memref<40x128xf32, #tpu.memory_space<hbm>>)
      %add3A_1717 = arith.constant 4 : i32
      %add3A_1718 = arith.addi %add3A_1675, %add3A_1717 : i32
      %sub3A_1719 = arith.constant 250 : i32
      %sub3A_1720 = arith.subi %add3A_1718, %sub3A_1719 : i32
      %mul3A_1721 = arith.constant 40 : i32
      %mul3A_1722 = arith.muli %sub3A_1720, %mul3A_1721 : i32
      %dma_start3A_1723 = arith.constant 0 : i32
      %dma_start3A_1724 = arith.constant 0 : i32
      %dma_start3A_1725 = arith.constant 0 : i32
      %dma_start3A_1726 = tpu.memref_slice %arg8[%dma_start3A_1723, %dma_start3A_1724, %dma_start3A_1725] : memref<6x40x128xf32, #tpu.memory_space<vmem>> -> memref<1x40x128xf32, #tpu.memory_space<vmem>>
      %dma_start3A_1727 = tpu.memref_squeeze %dma_start3A_1726 : memref<1x40x128xf32, #tpu.memory_space<vmem>> -> memref<40x128xf32, #tpu.memory_space<vmem>>
      %dma_start3A_1728 = tpu.memref_slice %arg7[%mul3A_1722] : memref<10000xi32, #tpu.memory_space<vmem>> -> memref<40xi32, #tpu.memory_space<vmem>>
      %dma_start3A_1729 = arith.constant 0 : i32
      %dma_start3A_1730 = arith.constant 0 : i32
      %dma_start3A_1731 = tpu.memref_slice %arg9[%dma_start3A_1729, %dma_start3A_1730] : memref<10000x128xf32, #tpu.memory_space<vmem_shared>> -> memref<10000x128xf32, #tpu.memory_space<vmem_shared>>
      tpu.enqueue_indirect_dma source(%dma_start3A_1731 : memref<10000x128xf32, #tpu.memory_space<vmem_shared>>) target(%dma_start3A_1727 : memref<40x128xf32, #tpu.memory_space<vmem>>) offsets(%dma_start3A_1728 : memref<40xi32, #tpu.memory_space<vmem>>) semaphore(%arg10 : memref<!tpu.dma_semaphore, #tpu.memory_space<semaphore_mem>>)
      %add3A_1732 = arith.constant 3 : i32
      %add3A_1733 = arith.addi %add3A_1558, %add3A_1732 : i32
      %dma_wait3A_1734 = arith.constant 3 : i32
      %dma_wait3A_1735 = arith.constant 0 : i32
      %dma_wait3A_1736 = arith.constant 0 : i32
      %dma_wait3A_1737 = tpu.memref_slice %arg8[%dma_wait3A_1734, %dma_wait3A_1735, %dma_wait3A_1736] : memref<6x40x128xf32, #tpu.memory_space<vmem>> -> memref<1x40x128xf32, #tpu.memory_space<vmem>>
      %dma_wait3A_1738 = tpu.memref_squeeze %dma_wait3A_1737 : memref<1x40x128xf32, #tpu.memory_space<vmem>> -> memref<40x128xf32, #tpu.memory_space<vmem>>
      %dma_wait3A_1739 = arith.constant 0 : i32
      %dma_wait3A_1740 = tpu.memref_slice %arg6[%dma_wait3A_1739] : memref<10000xi32, #tpu.memory_space<vmem>> -> memref<40xi32, #tpu.memory_space<vmem>>
      %dma_wait3A_1741 = arith.constant 0 : i32
      %dma_wait3A_1742 = arith.constant 0 : i32
      %dma_wait3A_1743 = tpu.memref_slice %arg9[%dma_wait3A_1741, %dma_wait3A_1742] : memref<10000x128xf32, #tpu.memory_space<vmem_shared>> -> memref<10000x128xf32, #tpu.memory_space<vmem_shared>>
      tpu.wait_indirect_dma semaphore(%arg10 : memref<!tpu.dma_semaphore, #tpu.memory_space<semaphore_mem>>) src(%dma_wait3A_1743 : memref<10000x128xf32, #tpu.memory_space<vmem_shared>>) dst(%dma_wait3A_1738 : memref<40x128xf32, #tpu.memory_space<vmem>>)
      %sub3A_1744 = arith.constant 250 : i32
      %sub3A_1745 = arith.subi %add3A_1733, %sub3A_1744 : i32
      %mul3A_1746 = arith.constant 40 : i32
      %mul3A_1747 = arith.muli %sub3A_1745, %mul3A_1746 : i32
      %add3A_1748 = arith.addi %mul3A_2, %mul3A_1747 : i32
      %dma_start3A_1749 = arith.constant 3 : i32
      %dma_start3A_1750 = arith.constant 0 : i32
      %dma_start3A_1751 = arith.constant 0 : i32
      %dma_start3A_1752 = tpu.memref_slice %arg8[%dma_start3A_1749, %dma_start3A_1750, %dma_start3A_1751] : memref<6x40x128xf32, #tpu.memory_space<vmem>> -> memref<1x40x128xf32, #tpu.memory_space<vmem>>
      %dma_start3A_1753 = tpu.memref_squeeze %dma_start3A_1752 : memref<1x40x128xf32, #tpu.memory_space<vmem>> -> memref<40x128xf32, #tpu.memory_space<vmem>>
      %dma_start3A_1754 = arith.constant 0 : i32
      %dma_start3A_1755 = tpu.memref_slice %arg5[%add3A_1748, %dma_start3A_1754] : memref<320000x128xf32, #tpu.memory_space<hbm>> -> memref<40x128xf32, #tpu.memory_space<hbm>>
      %dma_start3A_1756 = arith.constant 0 : i32
      %dma_start3A_1757 = tpu.memref_slice %arg5[%add3A_1748, %dma_start3A_1756] : memref<320000x128xf32, #tpu.memory_space<hbm>> -> memref<40x128xf32, #tpu.memory_space<hbm>>
      %dma_start3A_1758 = arith.constant 0 : i32
      %dma_start3A_1759 = arith.constant 0 : i32
      %dma_start3A_1760 = tpu.memref_slice %arg8[%dma_start3A_1749, %dma_start3A_1758, %dma_start3A_1759] : memref<6x40x128xf32, #tpu.memory_space<vmem>> -> memref<1x40x128xf32, #tpu.memory_space<vmem>>
      %dma_start3A_1761 = tpu.memref_squeeze %dma_start3A_1760 : memref<1x40x128xf32, #tpu.memory_space<vmem>> -> memref<40x128xf32, #tpu.memory_space<vmem>>
      tpu.enqueue_dma source(%dma_start3A_1761 : memref<40x128xf32, #tpu.memory_space<vmem>>) target(%dma_start3A_1757 : memref<40x128xf32, #tpu.memory_space<hbm>>) target_semaphore(%arg11 : memref<!tpu.dma_semaphore, #tpu.memory_space<semaphore_mem>>)
      %dma_wait3A_1762 = arith.constant 0 : i32
      %dma_wait3A_1763 = arith.constant 0 : i32
      %dma_wait3A_1764 = arith.constant 0 : i32
      %dma_wait3A_1765 = tpu.memref_slice %arg8[%dma_wait3A_1762, %dma_wait3A_1763, %dma_wait3A_1764] : memref<6x40x128xf32, #tpu.memory_space<vmem>> -> memref<1x40x128xf32, #tpu.memory_space<vmem>>
      %dma_wait3A_1766 = tpu.memref_squeeze %dma_wait3A_1765 : memref<1x40x128xf32, #tpu.memory_space<vmem>> -> memref<40x128xf32, #tpu.memory_space<vmem>>
      %dma_wait3A_1767 = arith.constant 0 : i32
      %dma_wait3A_1768 = tpu.memref_slice %arg4[%mul3A_2, %dma_wait3A_1767] : memref<320000x128xf32, #tpu.memory_space<hbm>> -> memref<40x128xf32, #tpu.memory_space<hbm>>
      %dma_wait3A_1769 = arith.constant 0 : i32
      %dma_wait3A_1770 = tpu.memref_slice %arg4[%mul3A_2, %dma_wait3A_1769] : memref<320000x128xf32, #tpu.memory_space<hbm>> -> memref<40x128xf32, #tpu.memory_space<hbm>>
      %dma_wait3A_1771 = arith.constant 0 : i32
      %dma_wait3A_1772 = arith.constant 0 : i32
      %dma_wait3A_1773 = tpu.memref_slice %arg8[%dma_wait3A_1762, %dma_wait3A_1771, %dma_wait3A_1772] : memref<6x40x128xf32, #tpu.memory_space<vmem>> -> memref<1x40x128xf32, #tpu.memory_space<vmem>>
      %dma_wait3A_1774 = tpu.memref_squeeze %dma_wait3A_1773 : memref<1x40x128xf32, #tpu.memory_space<vmem>> -> memref<40x128xf32, #tpu.memory_space<vmem>>
      tpu.wait_dma2 semaphore(%arg11 : memref<!tpu.dma_semaphore, #tpu.memory_space<semaphore_mem>>) src(%dma_wait3A_1774 : memref<40x128xf32, #tpu.memory_space<vmem>>) dst(%dma_wait3A_1770 : memref<40x128xf32, #tpu.memory_space<hbm>>)
      %add3A_1775 = arith.constant 4 : i32
      %add3A_1776 = arith.addi %add3A_1733, %add3A_1775 : i32
      %sub3A_1777 = arith.constant 250 : i32
      %sub3A_1778 = arith.subi %add3A_1776, %sub3A_1777 : i32
      %mul3A_1779 = arith.constant 40 : i32
      %mul3A_1780 = arith.muli %sub3A_1778, %mul3A_1779 : i32
      %dma_start3A_1781 = arith.constant 1 : i32
      %dma_start3A_1782 = arith.constant 0 : i32
      %dma_start3A_1783 = arith.constant 0 : i32
      %dma_start3A_1784 = tpu.memref_slice %arg8[%dma_start3A_1781, %dma_start3A_1782, %dma_start3A_1783] : memref<6x40x128xf32, #tpu.memory_space<vmem>> -> memref<1x40x128xf32, #tpu.memory_space<vmem>>
      %dma_start3A_1785 = tpu.memref_squeeze %dma_start3A_1784 : memref<1x40x128xf32, #tpu.memory_space<vmem>> -> memref<40x128xf32, #tpu.memory_space<vmem>>
      %dma_start3A_1786 = tpu.memref_slice %arg7[%mul3A_1780] : memref<10000xi32, #tpu.memory_space<vmem>> -> memref<40xi32, #tpu.memory_space<vmem>>
      %dma_start3A_1787 = arith.constant 0 : i32
      %dma_start3A_1788 = arith.constant 0 : i32
      %dma_start3A_1789 = tpu.memref_slice %arg9[%dma_start3A_1787, %dma_start3A_1788] : memref<10000x128xf32, #tpu.memory_space<vmem_shared>> -> memref<10000x128xf32, #tpu.memory_space<vmem_shared>>
      tpu.enqueue_indirect_dma source(%dma_start3A_1789 : memref<10000x128xf32, #tpu.memory_space<vmem_shared>>) target(%dma_start3A_1785 : memref<40x128xf32, #tpu.memory_space<vmem>>) offsets(%dma_start3A_1786 : memref<40xi32, #tpu.memory_space<vmem>>) semaphore(%arg10 : memref<!tpu.dma_semaphore, #tpu.memory_space<semaphore_mem>>)
      %add3A_1790 = arith.constant 4 : i32
      %add3A_1791 = arith.addi %add3A_1558, %add3A_1790 : i32
      %dma_wait3A_1792 = arith.constant 4 : i32
      %dma_wait3A_1793 = arith.constant 0 : i32
      %dma_wait3A_1794 = arith.constant 0 : i32
      %dma_wait3A_1795 = tpu.memref_slice %arg8[%dma_wait3A_1792, %dma_wait3A_1793, %dma_wait3A_1794] : memref<6x40x128xf32, #tpu.memory_space<vmem>> -> memref<1x40x128xf32, #tpu.memory_space<vmem>>
      %dma_wait3A_1796 = tpu.memref_squeeze %dma_wait3A_1795 : memref<1x40x128xf32, #tpu.memory_space<vmem>> -> memref<40x128xf32, #tpu.memory_space<vmem>>
      %dma_wait3A_1797 = arith.constant 0 : i32
      %dma_wait3A_1798 = tpu.memref_slice %arg6[%dma_wait3A_1797] : memref<10000xi32, #tpu.memory_space<vmem>> -> memref<40xi32, #tpu.memory_space<vmem>>
      %dma_wait3A_1799 = arith.constant 0 : i32
      %dma_wait3A_1800 = arith.constant 0 : i32
      %dma_wait3A_1801 = tpu.memref_slice %arg9[%dma_wait3A_1799, %dma_wait3A_1800] : memref<10000x128xf32, #tpu.memory_space<vmem_shared>> -> memref<10000x128xf32, #tpu.memory_space<vmem_shared>>
      tpu.wait_indirect_dma semaphore(%arg10 : memref<!tpu.dma_semaphore, #tpu.memory_space<semaphore_mem>>) src(%dma_wait3A_1801 : memref<10000x128xf32, #tpu.memory_space<vmem_shared>>) dst(%dma_wait3A_1796 : memref<40x128xf32, #tpu.memory_space<vmem>>)
      %sub3A_1802 = arith.constant 250 : i32
      %sub3A_1803 = arith.subi %add3A_1791, %sub3A_1802 : i32
      %mul3A_1804 = arith.constant 40 : i32
      %mul3A_1805 = arith.muli %sub3A_1803, %mul3A_1804 : i32
      %add3A_1806 = arith.addi %mul3A_2, %mul3A_1805 : i32
      %dma_start3A_1807 = arith.constant 4 : i32
      %dma_start3A_1808 = arith.constant 0 : i32
      %dma_start3A_1809 = arith.constant 0 : i32
      %dma_start3A_1810 = tpu.memref_slice %arg8[%dma_start3A_1807, %dma_start3A_1808, %dma_start3A_1809] : memref<6x40x128xf32, #tpu.memory_space<vmem>> -> memref<1x40x128xf32, #tpu.memory_space<vmem>>
      %dma_start3A_1811 = tpu.memref_squeeze %dma_start3A_1810 : memref<1x40x128xf32, #tpu.memory_space<vmem>> -> memref<40x128xf32, #tpu.memory_space<vmem>>
      %dma_start3A_1812 = arith.constant 0 : i32
      %dma_start3A_1813 = tpu.memref_slice %arg5[%add3A_1806, %dma_start3A_1812] : memref<320000x128xf32, #tpu.memory_space<hbm>> -> memref<40x128xf32, #tpu.memory_space<hbm>>
      %dma_start3A_1814 = arith.constant 0 : i32
      %dma_start3A_1815 = tpu.memref_slice %arg5[%add3A_1806, %dma_start3A_1814] : memref<320000x128xf32, #tpu.memory_space<hbm>> -> memref<40x128xf32, #tpu.memory_space<hbm>>
      %dma_start3A_1816 = arith.constant 0 : i32
      %dma_start3A_1817 = arith.constant 0 : i32
      %dma_start3A_1818 = tpu.memref_slice %arg8[%dma_start3A_1807, %dma_start3A_1816, %dma_start3A_1817] : memref<6x40x128xf32, #tpu.memory_space<vmem>> -> memref<1x40x128xf32, #tpu.memory_space<vmem>>
      %dma_start3A_1819 = tpu.memref_squeeze %dma_start3A_1818 : memref<1x40x128xf32, #tpu.memory_space<vmem>> -> memref<40x128xf32, #tpu.memory_space<vmem>>
      tpu.enqueue_dma source(%dma_start3A_1819 : memref<40x128xf32, #tpu.memory_space<vmem>>) target(%dma_start3A_1815 : memref<40x128xf32, #tpu.memory_space<hbm>>) target_semaphore(%arg11 : memref<!tpu.dma_semaphore, #tpu.memory_space<semaphore_mem>>)
      %dma_wait3A_1820 = arith.constant 0 : i32
      %dma_wait3A_1821 = arith.constant 0 : i32
      %dma_wait3A_1822 = arith.constant 0 : i32
      %dma_wait3A_1823 = tpu.memref_slice %arg8[%dma_wait3A_1820, %dma_wait3A_1821, %dma_wait3A_1822] : memref<6x40x128xf32, #tpu.memory_space<vmem>> -> memref<1x40x128xf32, #tpu.memory_space<vmem>>
      %dma_wait3A_1824 = tpu.memref_squeeze %dma_wait3A_1823 : memref<1x40x128xf32, #tpu.memory_space<vmem>> -> memref<40x128xf32, #tpu.memory_space<vmem>>
      %dma_wait3A_1825 = arith.constant 0 : i32
      %dma_wait3A_1826 = tpu.memref_slice %arg4[%mul3A_2, %dma_wait3A_1825] : memref<320000x128xf32, #tpu.memory_space<hbm>> -> memref<40x128xf32, #tpu.memory_space<hbm>>
      %dma_wait3A_1827 = arith.constant 0 : i32
      %dma_wait3A_1828 = tpu.memref_slice %arg4[%mul3A_2, %dma_wait3A_1827] : memref<320000x128xf32, #tpu.memory_space<hbm>> -> memref<40x128xf32, #tpu.memory_space<hbm>>
      %dma_wait3A_1829 = arith.constant 0 : i32
      %dma_wait3A_1830 = arith.constant 0 : i32
      %dma_wait3A_1831 = tpu.memref_slice %arg8[%dma_wait3A_1820, %dma_wait3A_1829, %dma_wait3A_1830] : memref<6x40x128xf32, #tpu.memory_space<vmem>> -> memref<1x40x128xf32, #tpu.memory_space<vmem>>
      %dma_wait3A_1832 = tpu.memref_squeeze %dma_wait3A_1831 : memref<1x40x128xf32, #tpu.memory_space<vmem>> -> memref<40x128xf32, #tpu.memory_space<vmem>>
      tpu.wait_dma2 semaphore(%arg11 : memref<!tpu.dma_semaphore, #tpu.memory_space<semaphore_mem>>) src(%dma_wait3A_1832 : memref<40x128xf32, #tpu.memory_space<vmem>>) dst(%dma_wait3A_1828 : memref<40x128xf32, #tpu.memory_space<hbm>>)
      %add3A_1833 = arith.constant 4 : i32
      %add3A_1834 = arith.addi %add3A_1791, %add3A_1833 : i32
      %sub3A_1835 = arith.constant 250 : i32
      %sub3A_1836 = arith.subi %add3A_1834, %sub3A_1835 : i32
      %mul3A_1837 = arith.constant 40 : i32
      %mul3A_1838 = arith.muli %sub3A_1836, %mul3A_1837 : i32
      %dma_start3A_1839 = arith.constant 2 : i32
      %dma_start3A_1840 = arith.constant 0 : i32
      %dma_start3A_1841 = arith.constant 0 : i32
      %dma_start3A_1842 = tpu.memref_slice %arg8[%dma_start3A_1839, %dma_start3A_1840, %dma_start3A_1841] : memref<6x40x128xf32, #tpu.memory_space<vmem>> -> memref<1x40x128xf32, #tpu.memory_space<vmem>>
      %dma_start3A_1843 = tpu.memref_squeeze %dma_start3A_1842 : memref<1x40x128xf32, #tpu.memory_space<vmem>> -> memref<40x128xf32, #tpu.memory_space<vmem>>
      %dma_start3A_1844 = tpu.memref_slice %arg7[%mul3A_1838] : memref<10000xi32, #tpu.memory_space<vmem>> -> memref<40xi32, #tpu.memory_space<vmem>>
      %dma_start3A_1845 = arith.constant 0 : i32
      %dma_start3A_1846 = arith.constant 0 : i32
      %dma_start3A_1847 = tpu.memref_slice %arg9[%dma_start3A_1845, %dma_start3A_1846] : memref<10000x128xf32, #tpu.memory_space<vmem_shared>> -> memref<10000x128xf32, #tpu.memory_space<vmem_shared>>
      tpu.enqueue_indirect_dma source(%dma_start3A_1847 : memref<10000x128xf32, #tpu.memory_space<vmem_shared>>) target(%dma_start3A_1843 : memref<40x128xf32, #tpu.memory_space<vmem>>) offsets(%dma_start3A_1844 : memref<40xi32, #tpu.memory_space<vmem>>) semaphore(%arg10 : memref<!tpu.dma_semaphore, #tpu.memory_space<semaphore_mem>>)
      %add3A_1848 = arith.constant 5 : i32
      %add3A_1849 = arith.addi %add3A_1558, %add3A_1848 : i32
      %dma_wait3A_1850 = arith.constant 5 : i32
      %dma_wait3A_1851 = arith.constant 0 : i32
      %dma_wait3A_1852 = arith.constant 0 : i32
      %dma_wait3A_1853 = tpu.memref_slice %arg8[%dma_wait3A_1850, %dma_wait3A_1851, %dma_wait3A_1852] : memref<6x40x128xf32, #tpu.memory_space<vmem>> -> memref<1x40x128xf32, #tpu.memory_space<vmem>>
      %dma_wait3A_1854 = tpu.memref_squeeze %dma_wait3A_1853 : memref<1x40x128xf32, #tpu.memory_space<vmem>> -> memref<40x128xf32, #tpu.memory_space<vmem>>
      %dma_wait3A_1855 = arith.constant 0 : i32
      %dma_wait3A_1856 = tpu.memref_slice %arg6[%dma_wait3A_1855] : memref<10000xi32, #tpu.memory_space<vmem>> -> memref<40xi32, #tpu.memory_space<vmem>>
      %dma_wait3A_1857 = arith.constant 0 : i32
      %dma_wait3A_1858 = arith.constant 0 : i32
      %dma_wait3A_1859 = tpu.memref_slice %arg9[%dma_wait3A_1857, %dma_wait3A_1858] : memref<10000x128xf32, #tpu.memory_space<vmem_shared>> -> memref<10000x128xf32, #tpu.memory_space<vmem_shared>>
      tpu.wait_indirect_dma semaphore(%arg10 : memref<!tpu.dma_semaphore, #tpu.memory_space<semaphore_mem>>) src(%dma_wait3A_1859 : memref<10000x128xf32, #tpu.memory_space<vmem_shared>>) dst(%dma_wait3A_1854 : memref<40x128xf32, #tpu.memory_space<vmem>>)
      %sub3A_1860 = arith.constant 250 : i32
      %sub3A_1861 = arith.subi %add3A_1849, %sub3A_1860 : i32
      %mul3A_1862 = arith.constant 40 : i32
      %mul3A_1863 = arith.muli %sub3A_1861, %mul3A_1862 : i32
      %add3A_1864 = arith.addi %mul3A_2, %mul3A_1863 : i32
      %dma_start3A_1865 = arith.constant 5 : i32
      %dma_start3A_1866 = arith.constant 0 : i32
      %dma_start3A_1867 = arith.constant 0 : i32
      %dma_start3A_1868 = tpu.memref_slice %arg8[%dma_start3A_1865, %dma_start3A_1866, %dma_start3A_1867] : memref<6x40x128xf32, #tpu.memory_space<vmem>> -> memref<1x40x128xf32, #tpu.memory_space<vmem>>
      %dma_start3A_1869 = tpu.memref_squeeze %dma_start3A_1868 : memref<1x40x128xf32, #tpu.memory_space<vmem>> -> memref<40x128xf32, #tpu.memory_space<vmem>>
      %dma_start3A_1870 = arith.constant 0 : i32
      %dma_start3A_1871 = tpu.memref_slice %arg5[%add3A_1864, %dma_start3A_1870] : memref<320000x128xf32, #tpu.memory_space<hbm>> -> memref<40x128xf32, #tpu.memory_space<hbm>>
      %dma_start3A_1872 = arith.constant 0 : i32
      %dma_start3A_1873 = tpu.memref_slice %arg5[%add3A_1864, %dma_start3A_1872] : memref<320000x128xf32, #tpu.memory_space<hbm>> -> memref<40x128xf32, #tpu.memory_space<hbm>>
      %dma_start3A_1874 = arith.constant 0 : i32
      %dma_start3A_1875 = arith.constant 0 : i32
      %dma_start3A_1876 = tpu.memref_slice %arg8[%dma_start3A_1865, %dma_start3A_1874, %dma_start3A_1875] : memref<6x40x128xf32, #tpu.memory_space<vmem>> -> memref<1x40x128xf32, #tpu.memory_space<vmem>>
      %dma_start3A_1877 = tpu.memref_squeeze %dma_start3A_1876 : memref<1x40x128xf32, #tpu.memory_space<vmem>> -> memref<40x128xf32, #tpu.memory_space<vmem>>
      tpu.enqueue_dma source(%dma_start3A_1877 : memref<40x128xf32, #tpu.memory_space<vmem>>) target(%dma_start3A_1873 : memref<40x128xf32, #tpu.memory_space<hbm>>) target_semaphore(%arg11 : memref<!tpu.dma_semaphore, #tpu.memory_space<semaphore_mem>>)
      %dma_wait3A_1878 = arith.constant 0 : i32
      %dma_wait3A_1879 = arith.constant 0 : i32
      %dma_wait3A_1880 = arith.constant 0 : i32
      %dma_wait3A_1881 = tpu.memref_slice %arg8[%dma_wait3A_1878, %dma_wait3A_1879, %dma_wait3A_1880] : memref<6x40x128xf32, #tpu.memory_space<vmem>> -> memref<1x40x128xf32, #tpu.memory_space<vmem>>
      %dma_wait3A_1882 = tpu.memref_squeeze %dma_wait3A_1881 : memref<1x40x128xf32, #tpu.memory_space<vmem>> -> memref<40x128xf32, #tpu.memory_space<vmem>>
      %dma_wait3A_1883 = arith.constant 0 : i32
      %dma_wait3A_1884 = tpu.memref_slice %arg4[%mul3A_2, %dma_wait3A_1883] : memref<320000x128xf32, #tpu.memory_space<hbm>> -> memref<40x128xf32, #tpu.memory_space<hbm>>
      %dma_wait3A_1885 = arith.constant 0 : i32
      %dma_wait3A_1886 = tpu.memref_slice %arg4[%mul3A_2, %dma_wait3A_1885] : memref<320000x128xf32, #tpu.memory_space<hbm>> -> memref<40x128xf32, #tpu.memory_space<hbm>>
      %dma_wait3A_1887 = arith.constant 0 : i32
      %dma_wait3A_1888 = arith.constant 0 : i32
      %dma_wait3A_1889 = tpu.memref_slice %arg8[%dma_wait3A_1878, %dma_wait3A_1887, %dma_wait3A_1888] : memref<6x40x128xf32, #tpu.memory_space<vmem>> -> memref<1x40x128xf32, #tpu.memory_space<vmem>>
      %dma_wait3A_1890 = tpu.memref_squeeze %dma_wait3A_1889 : memref<1x40x128xf32, #tpu.memory_space<vmem>> -> memref<40x128xf32, #tpu.memory_space<vmem>>
      tpu.wait_dma2 semaphore(%arg11 : memref<!tpu.dma_semaphore, #tpu.memory_space<semaphore_mem>>) src(%dma_wait3A_1890 : memref<40x128xf32, #tpu.memory_space<vmem>>) dst(%dma_wait3A_1886 : memref<40x128xf32, #tpu.memory_space<hbm>>)
      %add3A_1891 = arith.constant 4 : i32
      %add3A_1892 = arith.addi %add3A_1849, %add3A_1891 : i32
      %sub3A_1893 = arith.constant 250 : i32
      %sub3A_1894 = arith.subi %add3A_1892, %sub3A_1893 : i32
      %mul3A_1895 = arith.constant 40 : i32
      %mul3A_1896 = arith.muli %sub3A_1894, %mul3A_1895 : i32
      %dma_start3A_1897 = arith.constant 3 : i32
      %dma_start3A_1898 = arith.constant 0 : i32
      %dma_start3A_1899 = arith.constant 0 : i32
      %dma_start3A_1900 = tpu.memref_slice %arg8[%dma_start3A_1897, %dma_start3A_1898, %dma_start3A_1899] : memref<6x40x128xf32, #tpu.memory_space<vmem>> -> memref<1x40x128xf32, #tpu.memory_space<vmem>>
      %dma_start3A_1901 = tpu.memref_squeeze %dma_start3A_1900 : memref<1x40x128xf32, #tpu.memory_space<vmem>> -> memref<40x128xf32, #tpu.memory_space<vmem>>
      %dma_start3A_1902 = tpu.memref_slice %arg7[%mul3A_1896] : memref<10000xi32, #tpu.memory_space<vmem>> -> memref<40xi32, #tpu.memory_space<vmem>>
      %dma_start3A_1903 = arith.constant 0 : i32
      %dma_start3A_1904 = arith.constant 0 : i32
      %dma_start3A_1905 = tpu.memref_slice %arg9[%dma_start3A_1903, %dma_start3A_1904] : memref<10000x128xf32, #tpu.memory_space<vmem_shared>> -> memref<10000x128xf32, #tpu.memory_space<vmem_shared>>
      tpu.enqueue_indirect_dma source(%dma_start3A_1905 : memref<10000x128xf32, #tpu.memory_space<vmem_shared>>) target(%dma_start3A_1901 : memref<40x128xf32, #tpu.memory_space<vmem>>) offsets(%dma_start3A_1902 : memref<40xi32, #tpu.memory_space<vmem>>) semaphore(%arg10 : memref<!tpu.dma_semaphore, #tpu.memory_space<semaphore_mem>>)
    }
    %scan3A_1183 = arith.constant 39 : i32
    %dma_wait3A_1184 = arith.constant 0 : i32
    %dma_wait3A_1185 = arith.constant 0 : i32
    %dma_wait3A_1186 = arith.constant 0 : i32
    %dma_wait3A_1187 = tpu.memref_slice %arg8[%dma_wait3A_1184, %dma_wait3A_1185, %dma_wait3A_1186] : memref<6x40x128xf32, #tpu.memory_space<vmem>> -> memref<1x40x128xf32, #tpu.memory_space<vmem>>
    %dma_wait3A_1188 = tpu.memref_squeeze %dma_wait3A_1187 : memref<1x40x128xf32, #tpu.memory_space<vmem>> -> memref<40x128xf32, #tpu.memory_space<vmem>>
    %dma_wait3A_1189 = arith.constant 0 : i32
    %dma_wait3A_1190 = tpu.memref_slice %arg6[%dma_wait3A_1189] : memref<10000xi32, #tpu.memory_space<vmem>> -> memref<40xi32, #tpu.memory_space<vmem>>
    %dma_wait3A_1191 = arith.constant 0 : i32
    %dma_wait3A_1192 = arith.constant 0 : i32
    %dma_wait3A_1193 = tpu.memref_slice %arg9[%dma_wait3A_1191, %dma_wait3A_1192] : memref<10000x128xf32, #tpu.memory_space<vmem_shared>> -> memref<10000x128xf32, #tpu.memory_space<vmem_shared>>
    tpu.wait_indirect_dma semaphore(%arg10 : memref<!tpu.dma_semaphore, #tpu.memory_space<semaphore_mem>>) src(%dma_wait3A_1193 : memref<10000x128xf32, #tpu.memory_space<vmem_shared>>) dst(%dma_wait3A_1188 : memref<40x128xf32, #tpu.memory_space<vmem>>)
    %add3A_1194 = arith.constant 9680 : i32
    %add3A_1195 = arith.addi %mul3A_2, %add3A_1194 : i32
    %dma_start3A_1196 = arith.constant 0 : i32
    %dma_start3A_1197 = arith.constant 0 : i32
    %dma_start3A_1198 = arith.constant 0 : i32
    %dma_start3A_1199 = tpu.memref_slice %arg8[%dma_start3A_1196, %dma_start3A_1197, %dma_start3A_1198] : memref<6x40x128xf32, #tpu.memory_space<vmem>> -> memref<1x40x128xf32, #tpu.memory_space<vmem>>
    %dma_start3A_1200 = tpu.memref_squeeze %dma_start3A_1199 : memref<1x40x128xf32, #tpu.memory_space<vmem>> -> memref<40x128xf32, #tpu.memory_space<vmem>>
    %dma_start3A_1201 = arith.constant 0 : i32
    %dma_start3A_1202 = tpu.memref_slice %arg5[%add3A_1195, %dma_start3A_1201] : memref<320000x128xf32, #tpu.memory_space<hbm>> -> memref<40x128xf32, #tpu.memory_space<hbm>>
    %dma_start3A_1203 = arith.constant 0 : i32
    %dma_start3A_1204 = tpu.memref_slice %arg5[%add3A_1195, %dma_start3A_1203] : memref<320000x128xf32, #tpu.memory_space<hbm>> -> memref<40x128xf32, #tpu.memory_space<hbm>>
    %dma_start3A_1205 = arith.constant 0 : i32
    %dma_start3A_1206 = arith.constant 0 : i32
    %dma_start3A_1207 = tpu.memref_slice %arg8[%dma_start3A_1196, %dma_start3A_1205, %dma_start3A_1206] : memref<6x40x128xf32, #tpu.memory_space<vmem>> -> memref<1x40x128xf32, #tpu.memory_space<vmem>>
    %dma_start3A_1208 = tpu.memref_squeeze %dma_start3A_1207 : memref<1x40x128xf32, #tpu.memory_space<vmem>> -> memref<40x128xf32, #tpu.memory_space<vmem>>
    tpu.enqueue_dma source(%dma_start3A_1208 : memref<40x128xf32, #tpu.memory_space<vmem>>) target(%dma_start3A_1204 : memref<40x128xf32, #tpu.memory_space<hbm>>) target_semaphore(%arg11 : memref<!tpu.dma_semaphore, #tpu.memory_space<semaphore_mem>>)
    %dma_wait3A_1209 = arith.constant 0 : i32
    %dma_wait3A_1210 = arith.constant 0 : i32
    %dma_wait3A_1211 = arith.constant 0 : i32
    %dma_wait3A_1212 = tpu.memref_slice %arg8[%dma_wait3A_1209, %dma_wait3A_1210, %dma_wait3A_1211] : memref<6x40x128xf32, #tpu.memory_space<vmem>> -> memref<1x40x128xf32, #tpu.memory_space<vmem>>
    %dma_wait3A_1213 = tpu.memref_squeeze %dma_wait3A_1212 : memref<1x40x128xf32, #tpu.memory_space<vmem>> -> memref<40x128xf32, #tpu.memory_space<vmem>>
    %dma_wait3A_1214 = arith.constant 0 : i32
    %dma_wait3A_1215 = tpu.memref_slice %arg4[%mul3A_2, %dma_wait3A_1214] : memref<320000x128xf32, #tpu.memory_space<hbm>> -> memref<40x128xf32, #tpu.memory_space<hbm>>
    %dma_wait3A_1216 = arith.constant 0 : i32
    %dma_wait3A_1217 = tpu.memref_slice %arg4[%mul3A_2, %dma_wait3A_1216] : memref<320000x128xf32, #tpu.memory_space<hbm>> -> memref<40x128xf32, #tpu.memory_space<hbm>>
    %dma_wait3A_1218 = arith.constant 0 : i32
    %dma_wait3A_1219 = arith.constant 0 : i32
    %dma_wait3A_1220 = tpu.memref_slice %arg8[%dma_wait3A_1209, %dma_wait3A_1218, %dma_wait3A_1219] : memref<6x40x128xf32, #tpu.memory_space<vmem>> -> memref<1x40x128xf32, #tpu.memory_space<vmem>>
    %dma_wait3A_1221 = tpu.memref_squeeze %dma_wait3A_1220 : memref<1x40x128xf32, #tpu.memory_space<vmem>> -> memref<40x128xf32, #tpu.memory_space<vmem>>
    tpu.wait_dma2 semaphore(%arg11 : memref<!tpu.dma_semaphore, #tpu.memory_space<semaphore_mem>>) src(%dma_wait3A_1221 : memref<40x128xf32, #tpu.memory_space<vmem>>) dst(%dma_wait3A_1217 : memref<40x128xf32, #tpu.memory_space<hbm>>)
    %dma_start3A_1222 = arith.constant 4 : i32
    %dma_start3A_1223 = arith.constant 0 : i32
    %dma_start3A_1224 = arith.constant 0 : i32
    %dma_start3A_1225 = tpu.memref_slice %arg8[%dma_start3A_1222, %dma_start3A_1223, %dma_start3A_1224] : memref<6x40x128xf32, #tpu.memory_space<vmem>> -> memref<1x40x128xf32, #tpu.memory_space<vmem>>
    %dma_start3A_1226 = tpu.memref_squeeze %dma_start3A_1225 : memref<1x40x128xf32, #tpu.memory_space<vmem>> -> memref<40x128xf32, #tpu.memory_space<vmem>>
    %dma_start3A_1227 = arith.constant 9840 : i32
    %dma_start3A_1228 = tpu.memref_slice %arg7[%dma_start3A_1227] : memref<10000xi32, #tpu.memory_space<vmem>> -> memref<40xi32, #tpu.memory_space<vmem>>
    %dma_start3A_1229 = arith.constant 0 : i32
    %dma_start3A_1230 = arith.constant 0 : i32
    %dma_start3A_1231 = tpu.memref_slice %arg9[%dma_start3A_1229, %dma_start3A_1230] : memref<10000x128xf32, #tpu.memory_space<vmem_shared>> -> memref<10000x128xf32, #tpu.memory_space<vmem_shared>>
    tpu.enqueue_indirect_dma source(%dma_start3A_1231 : memref<10000x128xf32, #tpu.memory_space<vmem_shared>>) target(%dma_start3A_1226 : memref<40x128xf32, #tpu.memory_space<vmem>>) offsets(%dma_start3A_1228 : memref<40xi32, #tpu.memory_space<vmem>>) semaphore(%arg10 : memref<!tpu.dma_semaphore, #tpu.memory_space<semaphore_mem>>)
    %dma_wait3A_1232 = arith.constant 1 : i32
    %dma_wait3A_1233 = arith.constant 0 : i32
    %dma_wait3A_1234 = arith.constant 0 : i32
    %dma_wait3A_1235 = tpu.memref_slice %arg8[%dma_wait3A_1232, %dma_wait3A_1233, %dma_wait3A_1234] : memref<6x40x128xf32, #tpu.memory_space<vmem>> -> memref<1x40x128xf32, #tpu.memory_space<vmem>>
    %dma_wait3A_1236 = tpu.memref_squeeze %dma_wait3A_1235 : memref<1x40x128xf32, #tpu.memory_space<vmem>> -> memref<40x128xf32, #tpu.memory_space<vmem>>
    %dma_wait3A_1237 = arith.constant 0 : i32
    %dma_wait3A_1238 = tpu.memref_slice %arg6[%dma_wait3A_1237] : memref<10000xi32, #tpu.memory_space<vmem>> -> memref<40xi32, #tpu.memory_space<vmem>>
    %dma_wait3A_1239 = arith.constant 0 : i32
    %dma_wait3A_1240 = arith.constant 0 : i32
    %dma_wait3A_1241 = tpu.memref_slice %arg9[%dma_wait3A_1239, %dma_wait3A_1240] : memref<10000x128xf32, #tpu.memory_space<vmem_shared>> -> memref<10000x128xf32, #tpu.memory_space<vmem_shared>>
    tpu.wait_indirect_dma semaphore(%arg10 : memref<!tpu.dma_semaphore, #tpu.memory_space<semaphore_mem>>) src(%dma_wait3A_1241 : memref<10000x128xf32, #tpu.memory_space<vmem_shared>>) dst(%dma_wait3A_1236 : memref<40x128xf32, #tpu.memory_space<vmem>>)
    %add3A_1242 = arith.constant 9720 : i32
    %add3A_1243 = arith.addi %mul3A_2, %add3A_1242 : i32
    %dma_start3A_1244 = arith.constant 1 : i32
    %dma_start3A_1245 = arith.constant 0 : i32
    %dma_start3A_1246 = arith.constant 0 : i32
    %dma_start3A_1247 = tpu.memref_slice %arg8[%dma_start3A_1244, %dma_start3A_1245, %dma_start3A_1246] : memref<6x40x128xf32, #tpu.memory_space<vmem>> -> memref<1x40x128xf32, #tpu.memory_space<vmem>>
    %dma_start3A_1248 = tpu.memref_squeeze %dma_start3A_1247 : memref<1x40x128xf32, #tpu.memory_space<vmem>> -> memref<40x128xf32, #tpu.memory_space<vmem>>
    %dma_start3A_1249 = arith.constant 0 : i32
    %dma_start3A_1250 = tpu.memref_slice %arg5[%add3A_1243, %dma_start3A_1249] : memref<320000x128xf32, #tpu.memory_space<hbm>> -> memref<40x128xf32, #tpu.memory_space<hbm>>
    %dma_start3A_1251 = arith.constant 0 : i32
    %dma_start3A_1252 = tpu.memref_slice %arg5[%add3A_1243, %dma_start3A_1251] : memref<320000x128xf32, #tpu.memory_space<hbm>> -> memref<40x128xf32, #tpu.memory_space<hbm>>
    %dma_start3A_1253 = arith.constant 0 : i32
    %dma_start3A_1254 = arith.constant 0 : i32
    %dma_start3A_1255 = tpu.memref_slice %arg8[%dma_start3A_1244, %dma_start3A_1253, %dma_start3A_1254] : memref<6x40x128xf32, #tpu.memory_space<vmem>> -> memref<1x40x128xf32, #tpu.memory_space<vmem>>
    %dma_start3A_1256 = tpu.memref_squeeze %dma_start3A_1255 : memref<1x40x128xf32, #tpu.memory_space<vmem>> -> memref<40x128xf32, #tpu.memory_space<vmem>>
    tpu.enqueue_dma source(%dma_start3A_1256 : memref<40x128xf32, #tpu.memory_space<vmem>>) target(%dma_start3A_1252 : memref<40x128xf32, #tpu.memory_space<hbm>>) target_semaphore(%arg11 : memref<!tpu.dma_semaphore, #tpu.memory_space<semaphore_mem>>)
    %dma_wait3A_1257 = arith.constant 0 : i32
    %dma_wait3A_1258 = arith.constant 0 : i32
    %dma_wait3A_1259 = arith.constant 0 : i32
    %dma_wait3A_1260 = tpu.memref_slice %arg8[%dma_wait3A_1257, %dma_wait3A_1258, %dma_wait3A_1259] : memref<6x40x128xf32, #tpu.memory_space<vmem>> -> memref<1x40x128xf32, #tpu.memory_space<vmem>>
    %dma_wait3A_1261 = tpu.memref_squeeze %dma_wait3A_1260 : memref<1x40x128xf32, #tpu.memory_space<vmem>> -> memref<40x128xf32, #tpu.memory_space<vmem>>
    %dma_wait3A_1262 = arith.constant 0 : i32
    %dma_wait3A_1263 = tpu.memref_slice %arg4[%mul3A_2, %dma_wait3A_1262] : memref<320000x128xf32, #tpu.memory_space<hbm>> -> memref<40x128xf32, #tpu.memory_space<hbm>>
    %dma_wait3A_1264 = arith.constant 0 : i32
    %dma_wait3A_1265 = tpu.memref_slice %arg4[%mul3A_2, %dma_wait3A_1264] : memref<320000x128xf32, #tpu.memory_space<hbm>> -> memref<40x128xf32, #tpu.memory_space<hbm>>
    %dma_wait3A_1266 = arith.constant 0 : i32
    %dma_wait3A_1267 = arith.constant 0 : i32
    %dma_wait3A_1268 = tpu.memref_slice %arg8[%dma_wait3A_1257, %dma_wait3A_1266, %dma_wait3A_1267] : memref<6x40x128xf32, #tpu.memory_space<vmem>> -> memref<1x40x128xf32, #tpu.memory_space<vmem>>
    %dma_wait3A_1269 = tpu.memref_squeeze %dma_wait3A_1268 : memref<1x40x128xf32, #tpu.memory_space<vmem>> -> memref<40x128xf32, #tpu.memory_space<vmem>>
    tpu.wait_dma2 semaphore(%arg11 : memref<!tpu.dma_semaphore, #tpu.memory_space<semaphore_mem>>) src(%dma_wait3A_1269 : memref<40x128xf32, #tpu.memory_space<vmem>>) dst(%dma_wait3A_1265 : memref<40x128xf32, #tpu.memory_space<hbm>>)
    %dma_start3A_1270 = arith.constant 5 : i32
    %dma_start3A_1271 = arith.constant 0 : i32
    %dma_start3A_1272 = arith.constant 0 : i32
    %dma_start3A_1273 = tpu.memref_slice %arg8[%dma_start3A_1270, %dma_start3A_1271, %dma_start3A_1272] : memref<6x40x128xf32, #tpu.memory_space<vmem>> -> memref<1x40x128xf32, #tpu.memory_space<vmem>>
    %dma_start3A_1274 = tpu.memref_squeeze %dma_start3A_1273 : memref<1x40x128xf32, #tpu.memory_space<vmem>> -> memref<40x128xf32, #tpu.memory_space<vmem>>
    %dma_start3A_1275 = arith.constant 9880 : i32
    %dma_start3A_1276 = tpu.memref_slice %arg7[%dma_start3A_1275] : memref<10000xi32, #tpu.memory_space<vmem>> -> memref<40xi32, #tpu.memory_space<vmem>>
    %dma_start3A_1277 = arith.constant 0 : i32
    %dma_start3A_1278 = arith.constant 0 : i32
    %dma_start3A_1279 = tpu.memref_slice %arg9[%dma_start3A_1277, %dma_start3A_1278] : memref<10000x128xf32, #tpu.memory_space<vmem_shared>> -> memref<10000x128xf32, #tpu.memory_space<vmem_shared>>
    tpu.enqueue_indirect_dma source(%dma_start3A_1279 : memref<10000x128xf32, #tpu.memory_space<vmem_shared>>) target(%dma_start3A_1274 : memref<40x128xf32, #tpu.memory_space<vmem>>) offsets(%dma_start3A_1276 : memref<40xi32, #tpu.memory_space<vmem>>) semaphore(%arg10 : memref<!tpu.dma_semaphore, #tpu.memory_space<semaphore_mem>>)
    %dma_wait3A_1280 = arith.constant 2 : i32
    %dma_wait3A_1281 = arith.constant 0 : i32
    %dma_wait3A_1282 = arith.constant 0 : i32
    %dma_wait3A_1283 = tpu.memref_slice %arg8[%dma_wait3A_1280, %dma_wait3A_1281, %dma_wait3A_1282] : memref<6x40x128xf32, #tpu.memory_space<vmem>> -> memref<1x40x128xf32, #tpu.memory_space<vmem>>
    %dma_wait3A_1284 = tpu.memref_squeeze %dma_wait3A_1283 : memref<1x40x128xf32, #tpu.memory_space<vmem>> -> memref<40x128xf32, #tpu.memory_space<vmem>>
    %dma_wait3A_1285 = arith.constant 0 : i32
    %dma_wait3A_1286 = tpu.memref_slice %arg6[%dma_wait3A_1285] : memref<10000xi32, #tpu.memory_space<vmem>> -> memref<40xi32, #tpu.memory_space<vmem>>
    %dma_wait3A_1287 = arith.constant 0 : i32
    %dma_wait3A_1288 = arith.constant 0 : i32
    %dma_wait3A_1289 = tpu.memref_slice %arg9[%dma_wait3A_1287, %dma_wait3A_1288] : memref<10000x128xf32, #tpu.memory_space<vmem_shared>> -> memref<10000x128xf32, #tpu.memory_space<vmem_shared>>
    tpu.wait_indirect_dma semaphore(%arg10 : memref<!tpu.dma_semaphore, #tpu.memory_space<semaphore_mem>>) src(%dma_wait3A_1289 : memref<10000x128xf32, #tpu.memory_space<vmem_shared>>) dst(%dma_wait3A_1284 : memref<40x128xf32, #tpu.memory_space<vmem>>)
    %add3A_1290 = arith.constant 9760 : i32
    %add3A_1291 = arith.addi %mul3A_2, %add3A_1290 : i32
    %dma_start3A_1292 = arith.constant 2 : i32
    %dma_start3A_1293 = arith.constant 0 : i32
    %dma_start3A_1294 = arith.constant 0 : i32
    %dma_start3A_1295 = tpu.memref_slice %arg8[%dma_start3A_1292, %dma_start3A_1293, %dma_start3A_1294] : memref<6x40x128xf32, #tpu.memory_space<vmem>> -> memref<1x40x128xf32, #tpu.memory_space<vmem>>
    %dma_start3A_1296 = tpu.memref_squeeze %dma_start3A_1295 : memref<1x40x128xf32, #tpu.memory_space<vmem>> -> memref<40x128xf32, #tpu.memory_space<vmem>>
    %dma_start3A_1297 = arith.constant 0 : i32
    %dma_start3A_1298 = tpu.memref_slice %arg5[%add3A_1291, %dma_start3A_1297] : memref<320000x128xf32, #tpu.memory_space<hbm>> -> memref<40x128xf32, #tpu.memory_space<hbm>>
    %dma_start3A_1299 = arith.constant 0 : i32
    %dma_start3A_1300 = tpu.memref_slice %arg5[%add3A_1291, %dma_start3A_1299] : memref<320000x128xf32, #tpu.memory_space<hbm>> -> memref<40x128xf32, #tpu.memory_space<hbm>>
    %dma_start3A_1301 = arith.constant 0 : i32
    %dma_start3A_1302 = arith.constant 0 : i32
    %dma_start3A_1303 = tpu.memref_slice %arg8[%dma_start3A_1292, %dma_start3A_1301, %dma_start3A_1302] : memref<6x40x128xf32, #tpu.memory_space<vmem>> -> memref<1x40x128xf32, #tpu.memory_space<vmem>>
    %dma_start3A_1304 = tpu.memref_squeeze %dma_start3A_1303 : memref<1x40x128xf32, #tpu.memory_space<vmem>> -> memref<40x128xf32, #tpu.memory_space<vmem>>
    tpu.enqueue_dma source(%dma_start3A_1304 : memref<40x128xf32, #tpu.memory_space<vmem>>) target(%dma_start3A_1300 : memref<40x128xf32, #tpu.memory_space<hbm>>) target_semaphore(%arg11 : memref<!tpu.dma_semaphore, #tpu.memory_space<semaphore_mem>>)
    %dma_wait3A_1305 = arith.constant 0 : i32
    %dma_wait3A_1306 = arith.constant 0 : i32
    %dma_wait3A_1307 = arith.constant 0 : i32
    %dma_wait3A_1308 = tpu.memref_slice %arg8[%dma_wait3A_1305, %dma_wait3A_1306, %dma_wait3A_1307] : memref<6x40x128xf32, #tpu.memory_space<vmem>> -> memref<1x40x128xf32, #tpu.memory_space<vmem>>
    %dma_wait3A_1309 = tpu.memref_squeeze %dma_wait3A_1308 : memref<1x40x128xf32, #tpu.memory_space<vmem>> -> memref<40x128xf32, #tpu.memory_space<vmem>>
    %dma_wait3A_1310 = arith.constant 0 : i32
    %dma_wait3A_1311 = tpu.memref_slice %arg4[%mul3A_2, %dma_wait3A_1310] : memref<320000x128xf32, #tpu.memory_space<hbm>> -> memref<40x128xf32, #tpu.memory_space<hbm>>
    %dma_wait3A_1312 = arith.constant 0 : i32
    %dma_wait3A_1313 = tpu.memref_slice %arg4[%mul3A_2, %dma_wait3A_1312] : memref<320000x128xf32, #tpu.memory_space<hbm>> -> memref<40x128xf32, #tpu.memory_space<hbm>>
    %dma_wait3A_1314 = arith.constant 0 : i32
    %dma_wait3A_1315 = arith.constant 0 : i32
    %dma_wait3A_1316 = tpu.memref_slice %arg8[%dma_wait3A_1305, %dma_wait3A_1314, %dma_wait3A_1315] : memref<6x40x128xf32, #tpu.memory_space<vmem>> -> memref<1x40x128xf32, #tpu.memory_space<vmem>>
    %dma_wait3A_1317 = tpu.memref_squeeze %dma_wait3A_1316 : memref<1x40x128xf32, #tpu.memory_space<vmem>> -> memref<40x128xf32, #tpu.memory_space<vmem>>
    tpu.wait_dma2 semaphore(%arg11 : memref<!tpu.dma_semaphore, #tpu.memory_space<semaphore_mem>>) src(%dma_wait3A_1317 : memref<40x128xf32, #tpu.memory_space<vmem>>) dst(%dma_wait3A_1313 : memref<40x128xf32, #tpu.memory_space<hbm>>)
    %dma_start3A_1318 = arith.constant 0 : i32
    %dma_start3A_1319 = arith.constant 0 : i32
    %dma_start3A_1320 = arith.constant 0 : i32
    %dma_start3A_1321 = tpu.memref_slice %arg8[%dma_start3A_1318, %dma_start3A_1319, %dma_start3A_1320] : memref<6x40x128xf32, #tpu.memory_space<vmem>> -> memref<1x40x128xf32, #tpu.memory_space<vmem>>
    %dma_start3A_1322 = tpu.memref_squeeze %dma_start3A_1321 : memref<1x40x128xf32, #tpu.memory_space<vmem>> -> memref<40x128xf32, #tpu.memory_space<vmem>>
    %dma_start3A_1323 = arith.constant 9920 : i32
    %dma_start3A_1324 = tpu.memref_slice %arg7[%dma_start3A_1323] : memref<10000xi32, #tpu.memory_space<vmem>> -> memref<40xi32, #tpu.memory_space<vmem>>
    %dma_start3A_1325 = arith.constant 0 : i32
    %dma_start3A_1326 = arith.constant 0 : i32
    %dma_start3A_1327 = tpu.memref_slice %arg9[%dma_start3A_1325, %dma_start3A_1326] : memref<10000x128xf32, #tpu.memory_space<vmem_shared>> -> memref<10000x128xf32, #tpu.memory_space<vmem_shared>>
    tpu.enqueue_indirect_dma source(%dma_start3A_1327 : memref<10000x128xf32, #tpu.memory_space<vmem_shared>>) target(%dma_start3A_1322 : memref<40x128xf32, #tpu.memory_space<vmem>>) offsets(%dma_start3A_1324 : memref<40xi32, #tpu.memory_space<vmem>>) semaphore(%arg10 : memref<!tpu.dma_semaphore, #tpu.memory_space<semaphore_mem>>)
    %dma_wait3A_1328 = arith.constant 3 : i32
    %dma_wait3A_1329 = arith.constant 0 : i32
    %dma_wait3A_1330 = arith.constant 0 : i32
    %dma_wait3A_1331 = tpu.memref_slice %arg8[%dma_wait3A_1328, %dma_wait3A_1329, %dma_wait3A_1330] : memref<6x40x128xf32, #tpu.memory_space<vmem>> -> memref<1x40x128xf32, #tpu.memory_space<vmem>>
    %dma_wait3A_1332 = tpu.memref_squeeze %dma_wait3A_1331 : memref<1x40x128xf32, #tpu.memory_space<vmem>> -> memref<40x128xf32, #tpu.memory_space<vmem>>
    %dma_wait3A_1333 = arith.constant 0 : i32
    %dma_wait3A_1334 = tpu.memref_slice %arg6[%dma_wait3A_1333] : memref<10000xi32, #tpu.memory_space<vmem>> -> memref<40xi32, #tpu.memory_space<vmem>>
    %dma_wait3A_1335 = arith.constant 0 : i32
    %dma_wait3A_1336 = arith.constant 0 : i32
    %dma_wait3A_1337 = tpu.memref_slice %arg9[%dma_wait3A_1335, %dma_wait3A_1336] : memref<10000x128xf32, #tpu.memory_space<vmem_shared>> -> memref<10000x128xf32, #tpu.memory_space<vmem_shared>>
    tpu.wait_indirect_dma semaphore(%arg10 : memref<!tpu.dma_semaphore, #tpu.memory_space<semaphore_mem>>) src(%dma_wait3A_1337 : memref<10000x128xf32, #tpu.memory_space<vmem_shared>>) dst(%dma_wait3A_1332 : memref<40x128xf32, #tpu.memory_space<vmem>>)
    %add3A_1338 = arith.constant 9800 : i32
    %add3A_1339 = arith.addi %mul3A_2, %add3A_1338 : i32
    %dma_start3A_1340 = arith.constant 3 : i32
    %dma_start3A_1341 = arith.constant 0 : i32
    %dma_start3A_1342 = arith.constant 0 : i32
    %dma_start3A_1343 = tpu.memref_slice %arg8[%dma_start3A_1340, %dma_start3A_1341, %dma_start3A_1342] : memref<6x40x128xf32, #tpu.memory_space<vmem>> -> memref<1x40x128xf32, #tpu.memory_space<vmem>>
    %dma_start3A_1344 = tpu.memref_squeeze %dma_start3A_1343 : memref<1x40x128xf32, #tpu.memory_space<vmem>> -> memref<40x128xf32, #tpu.memory_space<vmem>>
    %dma_start3A_1345 = arith.constant 0 : i32
    %dma_start3A_1346 = tpu.memref_slice %arg5[%add3A_1339, %dma_start3A_1345] : memref<320000x128xf32, #tpu.memory_space<hbm>> -> memref<40x128xf32, #tpu.memory_space<hbm>>
    %dma_start3A_1347 = arith.constant 0 : i32
    %dma_start3A_1348 = tpu.memref_slice %arg5[%add3A_1339, %dma_start3A_1347] : memref<320000x128xf32, #tpu.memory_space<hbm>> -> memref<40x128xf32, #tpu.memory_space<hbm>>
    %dma_start3A_1349 = arith.constant 0 : i32
    %dma_start3A_1350 = arith.constant 0 : i32
    %dma_start3A_1351 = tpu.memref_slice %arg8[%dma_start3A_1340, %dma_start3A_1349, %dma_start3A_1350] : memref<6x40x128xf32, #tpu.memory_space<vmem>> -> memref<1x40x128xf32, #tpu.memory_space<vmem>>
    %dma_start3A_1352 = tpu.memref_squeeze %dma_start3A_1351 : memref<1x40x128xf32, #tpu.memory_space<vmem>> -> memref<40x128xf32, #tpu.memory_space<vmem>>
    tpu.enqueue_dma source(%dma_start3A_1352 : memref<40x128xf32, #tpu.memory_space<vmem>>) target(%dma_start3A_1348 : memref<40x128xf32, #tpu.memory_space<hbm>>) target_semaphore(%arg11 : memref<!tpu.dma_semaphore, #tpu.memory_space<semaphore_mem>>)
    %dma_wait3A_1353 = arith.constant 0 : i32
    %dma_wait3A_1354 = arith.constant 0 : i32
    %dma_wait3A_1355 = arith.constant 0 : i32
    %dma_wait3A_1356 = tpu.memref_slice %arg8[%dma_wait3A_1353, %dma_wait3A_1354, %dma_wait3A_1355] : memref<6x40x128xf32, #tpu.memory_space<vmem>> -> memref<1x40x128xf32, #tpu.memory_space<vmem>>
    %dma_wait3A_1357 = tpu.memref_squeeze %dma_wait3A_1356 : memref<1x40x128xf32, #tpu.memory_space<vmem>> -> memref<40x128xf32, #tpu.memory_space<vmem>>
    %dma_wait3A_1358 = arith.constant 0 : i32
    %dma_wait3A_1359 = tpu.memref_slice %arg4[%mul3A_2, %dma_wait3A_1358] : memref<320000x128xf32, #tpu.memory_space<hbm>> -> memref<40x128xf32, #tpu.memory_space<hbm>>
    %dma_wait3A_1360 = arith.constant 0 : i32
    %dma_wait3A_1361 = tpu.memref_slice %arg4[%mul3A_2, %dma_wait3A_1360] : memref<320000x128xf32, #tpu.memory_space<hbm>> -> memref<40x128xf32, #tpu.memory_space<hbm>>
    %dma_wait3A_1362 = arith.constant 0 : i32
    %dma_wait3A_1363 = arith.constant 0 : i32
    %dma_wait3A_1364 = tpu.memref_slice %arg8[%dma_wait3A_1353, %dma_wait3A_1362, %dma_wait3A_1363] : memref<6x40x128xf32, #tpu.memory_space<vmem>> -> memref<1x40x128xf32, #tpu.memory_space<vmem>>
    %dma_wait3A_1365 = tpu.memref_squeeze %dma_wait3A_1364 : memref<1x40x128xf32, #tpu.memory_space<vmem>> -> memref<40x128xf32, #tpu.memory_space<vmem>>
    tpu.wait_dma2 semaphore(%arg11 : memref<!tpu.dma_semaphore, #tpu.memory_space<semaphore_mem>>) src(%dma_wait3A_1365 : memref<40x128xf32, #tpu.memory_space<vmem>>) dst(%dma_wait3A_1361 : memref<40x128xf32, #tpu.memory_space<hbm>>)
    %dma_start3A_1366 = arith.constant 1 : i32
    %dma_start3A_1367 = arith.constant 0 : i32
    %dma_start3A_1368 = arith.constant 0 : i32
    %dma_start3A_1369 = tpu.memref_slice %arg8[%dma_start3A_1366, %dma_start3A_1367, %dma_start3A_1368] : memref<6x40x128xf32, #tpu.memory_space<vmem>> -> memref<1x40x128xf32, #tpu.memory_space<vmem>>
    %dma_start3A_1370 = tpu.memref_squeeze %dma_start3A_1369 : memref<1x40x128xf32, #tpu.memory_space<vmem>> -> memref<40x128xf32, #tpu.memory_space<vmem>>
    %dma_start3A_1371 = arith.constant 9960 : i32
    %dma_start3A_1372 = tpu.memref_slice %arg7[%dma_start3A_1371] : memref<10000xi32, #tpu.memory_space<vmem>> -> memref<40xi32, #tpu.memory_space<vmem>>
    %dma_start3A_1373 = arith.constant 0 : i32
    %dma_start3A_1374 = arith.constant 0 : i32
    %dma_start3A_1375 = tpu.memref_slice %arg9[%dma_start3A_1373, %dma_start3A_1374] : memref<10000x128xf32, #tpu.memory_space<vmem_shared>> -> memref<10000x128xf32, #tpu.memory_space<vmem_shared>>
    tpu.enqueue_indirect_dma source(%dma_start3A_1375 : memref<10000x128xf32, #tpu.memory_space<vmem_shared>>) target(%dma_start3A_1370 : memref<40x128xf32, #tpu.memory_space<vmem>>) offsets(%dma_start3A_1372 : memref<40xi32, #tpu.memory_space<vmem>>) semaphore(%arg10 : memref<!tpu.dma_semaphore, #tpu.memory_space<semaphore_mem>>)
    %dma_wait3A_1376 = arith.constant 4 : i32
    %dma_wait3A_1377 = arith.constant 0 : i32
    %dma_wait3A_1378 = arith.constant 0 : i32
    %dma_wait3A_1379 = tpu.memref_slice %arg8[%dma_wait3A_1376, %dma_wait3A_1377, %dma_wait3A_1378] : memref<6x40x128xf32, #tpu.memory_space<vmem>> -> memref<1x40x128xf32, #tpu.memory_space<vmem>>
    %dma_wait3A_1380 = tpu.memref_squeeze %dma_wait3A_1379 : memref<1x40x128xf32, #tpu.memory_space<vmem>> -> memref<40x128xf32, #tpu.memory_space<vmem>>
    %dma_wait3A_1381 = arith.constant 0 : i32
    %dma_wait3A_1382 = tpu.memref_slice %arg6[%dma_wait3A_1381] : memref<10000xi32, #tpu.memory_space<vmem>> -> memref<40xi32, #tpu.memory_space<vmem>>
    %dma_wait3A_1383 = arith.constant 0 : i32
    %dma_wait3A_1384 = arith.constant 0 : i32
    %dma_wait3A_1385 = tpu.memref_slice %arg9[%dma_wait3A_1383, %dma_wait3A_1384] : memref<10000x128xf32, #tpu.memory_space<vmem_shared>> -> memref<10000x128xf32, #tpu.memory_space<vmem_shared>>
    tpu.wait_indirect_dma semaphore(%arg10 : memref<!tpu.dma_semaphore, #tpu.memory_space<semaphore_mem>>) src(%dma_wait3A_1385 : memref<10000x128xf32, #tpu.memory_space<vmem_shared>>) dst(%dma_wait3A_1380 : memref<40x128xf32, #tpu.memory_space<vmem>>)
    %add3A_1386 = arith.constant 9840 : i32
    %add3A_1387 = arith.addi %mul3A_2, %add3A_1386 : i32
    %dma_start3A_1388 = arith.constant 4 : i32
    %dma_start3A_1389 = arith.constant 0 : i32
    %dma_start3A_1390 = arith.constant 0 : i32
    %dma_start3A_1391 = tpu.memref_slice %arg8[%dma_start3A_1388, %dma_start3A_1389, %dma_start3A_1390] : memref<6x40x128xf32, #tpu.memory_space<vmem>> -> memref<1x40x128xf32, #tpu.memory_space<vmem>>
    %dma_start3A_1392 = tpu.memref_squeeze %dma_start3A_1391 : memref<1x40x128xf32, #tpu.memory_space<vmem>> -> memref<40x128xf32, #tpu.memory_space<vmem>>
    %dma_start3A_1393 = arith.constant 0 : i32
    %dma_start3A_1394 = tpu.memref_slice %arg5[%add3A_1387, %dma_start3A_1393] : memref<320000x128xf32, #tpu.memory_space<hbm>> -> memref<40x128xf32, #tpu.memory_space<hbm>>
    %dma_start3A_1395 = arith.constant 0 : i32
    %dma_start3A_1396 = tpu.memref_slice %arg5[%add3A_1387, %dma_start3A_1395] : memref<320000x128xf32, #tpu.memory_space<hbm>> -> memref<40x128xf32, #tpu.memory_space<hbm>>
    %dma_start3A_1397 = arith.constant 0 : i32
    %dma_start3A_1398 = arith.constant 0 : i32
    %dma_start3A_1399 = tpu.memref_slice %arg8[%dma_start3A_1388, %dma_start3A_1397, %dma_start3A_1398] : memref<6x40x128xf32, #tpu.memory_space<vmem>> -> memref<1x40x128xf32, #tpu.memory_space<vmem>>
    %dma_start3A_1400 = tpu.memref_squeeze %dma_start3A_1399 : memref<1x40x128xf32, #tpu.memory_space<vmem>> -> memref<40x128xf32, #tpu.memory_space<vmem>>
    tpu.enqueue_dma source(%dma_start3A_1400 : memref<40x128xf32, #tpu.memory_space<vmem>>) target(%dma_start3A_1396 : memref<40x128xf32, #tpu.memory_space<hbm>>) target_semaphore(%arg11 : memref<!tpu.dma_semaphore, #tpu.memory_space<semaphore_mem>>)
    %dma_wait3A_1401 = arith.constant 5 : i32
    %dma_wait3A_1402 = arith.constant 0 : i32
    %dma_wait3A_1403 = arith.constant 0 : i32
    %dma_wait3A_1404 = tpu.memref_slice %arg8[%dma_wait3A_1401, %dma_wait3A_1402, %dma_wait3A_1403] : memref<6x40x128xf32, #tpu.memory_space<vmem>> -> memref<1x40x128xf32, #tpu.memory_space<vmem>>
    %dma_wait3A_1405 = tpu.memref_squeeze %dma_wait3A_1404 : memref<1x40x128xf32, #tpu.memory_space<vmem>> -> memref<40x128xf32, #tpu.memory_space<vmem>>
    %dma_wait3A_1406 = arith.constant 0 : i32
    %dma_wait3A_1407 = tpu.memref_slice %arg6[%dma_wait3A_1406] : memref<10000xi32, #tpu.memory_space<vmem>> -> memref<40xi32, #tpu.memory_space<vmem>>
    %dma_wait3A_1408 = arith.constant 0 : i32
    %dma_wait3A_1409 = arith.constant 0 : i32
    %dma_wait3A_1410 = tpu.memref_slice %arg9[%dma_wait3A_1408, %dma_wait3A_1409] : memref<10000x128xf32, #tpu.memory_space<vmem_shared>> -> memref<10000x128xf32, #tpu.memory_space<vmem_shared>>
    tpu.wait_indirect_dma semaphore(%arg10 : memref<!tpu.dma_semaphore, #tpu.memory_space<semaphore_mem>>) src(%dma_wait3A_1410 : memref<10000x128xf32, #tpu.memory_space<vmem_shared>>) dst(%dma_wait3A_1405 : memref<40x128xf32, #tpu.memory_space<vmem>>)
    %add3A_1411 = arith.constant 9880 : i32
    %add3A_1412 = arith.addi %mul3A_2, %add3A_1411 : i32
    %dma_start3A_1413 = arith.constant 5 : i32
    %dma_start3A_1414 = arith.constant 0 : i32
    %dma_start3A_1415 = arith.constant 0 : i32
    %dma_start3A_1416 = tpu.memref_slice %arg8[%dma_start3A_1413, %dma_start3A_1414, %dma_start3A_1415] : memref<6x40x128xf32, #tpu.memory_space<vmem>> -> memref<1x40x128xf32, #tpu.memory_space<vmem>>
    %dma_start3A_1417 = tpu.memref_squeeze %dma_start3A_1416 : memref<1x40x128xf32, #tpu.memory_space<vmem>> -> memref<40x128xf32, #tpu.memory_space<vmem>>
    %dma_start3A_1418 = arith.constant 0 : i32
    %dma_start3A_1419 = tpu.memref_slice %arg5[%add3A_1412, %dma_start3A_1418] : memref<320000x128xf32, #tpu.memory_space<hbm>> -> memref<40x128xf32, #tpu.memory_space<hbm>>
    %dma_start3A_1420 = arith.constant 0 : i32
    %dma_start3A_1421 = tpu.memref_slice %arg5[%add3A_1412, %dma_start3A_1420] : memref<320000x128xf32, #tpu.memory_space<hbm>> -> memref<40x128xf32, #tpu.memory_space<hbm>>
    %dma_start3A_1422 = arith.constant 0 : i32
    %dma_start3A_1423 = arith.constant 0 : i32
    %dma_start3A_1424 = tpu.memref_slice %arg8[%dma_start3A_1413, %dma_start3A_1422, %dma_start3A_1423] : memref<6x40x128xf32, #tpu.memory_space<vmem>> -> memref<1x40x128xf32, #tpu.memory_space<vmem>>
    %dma_start3A_1425 = tpu.memref_squeeze %dma_start3A_1424 : memref<1x40x128xf32, #tpu.memory_space<vmem>> -> memref<40x128xf32, #tpu.memory_space<vmem>>
    tpu.enqueue_dma source(%dma_start3A_1425 : memref<40x128xf32, #tpu.memory_space<vmem>>) target(%dma_start3A_1421 : memref<40x128xf32, #tpu.memory_space<hbm>>) target_semaphore(%arg11 : memref<!tpu.dma_semaphore, #tpu.memory_space<semaphore_mem>>)
    %dma_wait3A_1426 = arith.constant 0 : i32
    %dma_wait3A_1427 = arith.constant 0 : i32
    %dma_wait3A_1428 = arith.constant 0 : i32
    %dma_wait3A_1429 = tpu.memref_slice %arg8[%dma_wait3A_1426, %dma_wait3A_1427, %dma_wait3A_1428] : memref<6x40x128xf32, #tpu.memory_space<vmem>> -> memref<1x40x128xf32, #tpu.memory_space<vmem>>
    %dma_wait3A_1430 = tpu.memref_squeeze %dma_wait3A_1429 : memref<1x40x128xf32, #tpu.memory_space<vmem>> -> memref<40x128xf32, #tpu.memory_space<vmem>>
    %dma_wait3A_1431 = arith.constant 0 : i32
    %dma_wait3A_1432 = tpu.memref_slice %arg6[%dma_wait3A_1431] : memref<10000xi32, #tpu.memory_space<vmem>> -> memref<40xi32, #tpu.memory_space<vmem>>
    %dma_wait3A_1433 = arith.constant 0 : i32
    %dma_wait3A_1434 = arith.constant 0 : i32
    %dma_wait3A_1435 = tpu.memref_slice %arg9[%dma_wait3A_1433, %dma_wait3A_1434] : memref<10000x128xf32, #tpu.memory_space<vmem_shared>> -> memref<10000x128xf32, #tpu.memory_space<vmem_shared>>
    tpu.wait_indirect_dma semaphore(%arg10 : memref<!tpu.dma_semaphore, #tpu.memory_space<semaphore_mem>>) src(%dma_wait3A_1435 : memref<10000x128xf32, #tpu.memory_space<vmem_shared>>) dst(%dma_wait3A_1430 : memref<40x128xf32, #tpu.memory_space<vmem>>)
    %add3A_1436 = arith.constant 9920 : i32
    %add3A_1437 = arith.addi %mul3A_2, %add3A_1436 : i32
    %dma_start3A_1438 = arith.constant 0 : i32
    %dma_start3A_1439 = arith.constant 0 : i32
    %dma_start3A_1440 = arith.constant 0 : i32
    %dma_start3A_1441 = tpu.memref_slice %arg8[%dma_start3A_1438, %dma_start3A_1439, %dma_start3A_1440] : memref<6x40x128xf32, #tpu.memory_space<vmem>> -> memref<1x40x128xf32, #tpu.memory_space<vmem>>
    %dma_start3A_1442 = tpu.memref_squeeze %dma_start3A_1441 : memref<1x40x128xf32, #tpu.memory_space<vmem>> -> memref<40x128xf32, #tpu.memory_space<vmem>>
    %dma_start3A_1443 = arith.constant 0 : i32
    %dma_start3A_1444 = tpu.memref_slice %arg5[%add3A_1437, %dma_start3A_1443] : memref<320000x128xf32, #tpu.memory_space<hbm>> -> memref<40x128xf32, #tpu.memory_space<hbm>>
    %dma_start3A_1445 = arith.constant 0 : i32
    %dma_start3A_1446 = tpu.memref_slice %arg5[%add3A_1437, %dma_start3A_1445] : memref<320000x128xf32, #tpu.memory_space<hbm>> -> memref<40x128xf32, #tpu.memory_space<hbm>>
    %dma_start3A_1447 = arith.constant 0 : i32
    %dma_start3A_1448 = arith.constant 0 : i32
    %dma_start3A_1449 = tpu.memref_slice %arg8[%dma_start3A_1438, %dma_start3A_1447, %dma_start3A_1448] : memref<6x40x128xf32, #tpu.memory_space<vmem>> -> memref<1x40x128xf32, #tpu.memory_space<vmem>>
    %dma_start3A_1450 = tpu.memref_squeeze %dma_start3A_1449 : memref<1x40x128xf32, #tpu.memory_space<vmem>> -> memref<40x128xf32, #tpu.memory_space<vmem>>
    tpu.enqueue_dma source(%dma_start3A_1450 : memref<40x128xf32, #tpu.memory_space<vmem>>) target(%dma_start3A_1446 : memref<40x128xf32, #tpu.memory_space<hbm>>) target_semaphore(%arg11 : memref<!tpu.dma_semaphore, #tpu.memory_space<semaphore_mem>>)
    %dma_wait3A_1451 = arith.constant 1 : i32
    %dma_wait3A_1452 = arith.constant 0 : i32
    %dma_wait3A_1453 = arith.constant 0 : i32
    %dma_wait3A_1454 = tpu.memref_slice %arg8[%dma_wait3A_1451, %dma_wait3A_1452, %dma_wait3A_1453] : memref<6x40x128xf32, #tpu.memory_space<vmem>> -> memref<1x40x128xf32, #tpu.memory_space<vmem>>
    %dma_wait3A_1455 = tpu.memref_squeeze %dma_wait3A_1454 : memref<1x40x128xf32, #tpu.memory_space<vmem>> -> memref<40x128xf32, #tpu.memory_space<vmem>>
    %dma_wait3A_1456 = arith.constant 0 : i32
    %dma_wait3A_1457 = tpu.memref_slice %arg6[%dma_wait3A_1456] : memref<10000xi32, #tpu.memory_space<vmem>> -> memref<40xi32, #tpu.memory_space<vmem>>
    %dma_wait3A_1458 = arith.constant 0 : i32
    %dma_wait3A_1459 = arith.constant 0 : i32
    %dma_wait3A_1460 = tpu.memref_slice %arg9[%dma_wait3A_1458, %dma_wait3A_1459] : memref<10000x128xf32, #tpu.memory_space<vmem_shared>> -> memref<10000x128xf32, #tpu.memory_space<vmem_shared>>
    tpu.wait_indirect_dma semaphore(%arg10 : memref<!tpu.dma_semaphore, #tpu.memory_space<semaphore_mem>>) src(%dma_wait3A_1460 : memref<10000x128xf32, #tpu.memory_space<vmem_shared>>) dst(%dma_wait3A_1455 : memref<40x128xf32, #tpu.memory_space<vmem>>)
    %add3A_1461 = arith.constant 9960 : i32
    %add3A_1462 = arith.addi %mul3A_2, %add3A_1461 : i32
    %dma_start3A_1463 = arith.constant 1 : i32
    %dma_start3A_1464 = arith.constant 0 : i32
    %dma_start3A_1465 = arith.constant 0 : i32
    %dma_start3A_1466 = tpu.memref_slice %arg8[%dma_start3A_1463, %dma_start3A_1464, %dma_start3A_1465] : memref<6x40x128xf32, #tpu.memory_space<vmem>> -> memref<1x40x128xf32, #tpu.memory_space<vmem>>
    %dma_start3A_1467 = tpu.memref_squeeze %dma_start3A_1466 : memref<1x40x128xf32, #tpu.memory_space<vmem>> -> memref<40x128xf32, #tpu.memory_space<vmem>>
    %dma_start3A_1468 = arith.constant 0 : i32
    %dma_start3A_1469 = tpu.memref_slice %arg5[%add3A_1462, %dma_start3A_1468] : memref<320000x128xf32, #tpu.memory_space<hbm>> -> memref<40x128xf32, #tpu.memory_space<hbm>>
    %dma_start3A_1470 = arith.constant 0 : i32
    %dma_start3A_1471 = tpu.memref_slice %arg5[%add3A_1462, %dma_start3A_1470] : memref<320000x128xf32, #tpu.memory_space<hbm>> -> memref<40x128xf32, #tpu.memory_space<hbm>>
    %dma_start3A_1472 = arith.constant 0 : i32
    %dma_start3A_1473 = arith.constant 0 : i32
    %dma_start3A_1474 = tpu.memref_slice %arg8[%dma_start3A_1463, %dma_start3A_1472, %dma_start3A_1473] : memref<6x40x128xf32, #tpu.memory_space<vmem>> -> memref<1x40x128xf32, #tpu.memory_space<vmem>>
    %dma_start3A_1475 = tpu.memref_squeeze %dma_start3A_1474 : memref<1x40x128xf32, #tpu.memory_space<vmem>> -> memref<40x128xf32, #tpu.memory_space<vmem>>
    tpu.enqueue_dma source(%dma_start3A_1475 : memref<40x128xf32, #tpu.memory_space<vmem>>) target(%dma_start3A_1471 : memref<40x128xf32, #tpu.memory_space<hbm>>) target_semaphore(%arg11 : memref<!tpu.dma_semaphore, #tpu.memory_space<semaphore_mem>>)
    %dma_wait3A_1476 = arith.constant 0 : i32
    %dma_wait3A_1477 = arith.constant 0 : i32
    %dma_wait3A_1478 = arith.constant 0 : i32
    %dma_wait3A_1479 = tpu.memref_slice %arg8[%dma_wait3A_1476, %dma_wait3A_1477, %dma_wait3A_1478] : memref<6x40x128xf32, #tpu.memory_space<vmem>> -> memref<1x40x128xf32, #tpu.memory_space<vmem>>
    %dma_wait3A_1480 = tpu.memref_squeeze %dma_wait3A_1479 : memref<1x40x128xf32, #tpu.memory_space<vmem>> -> memref<40x128xf32, #tpu.memory_space<vmem>>
    %dma_wait3A_1481 = arith.constant 0 : i32
    %dma_wait3A_1482 = tpu.memref_slice %arg4[%mul3A_2, %dma_wait3A_1481] : memref<320000x128xf32, #tpu.memory_space<hbm>> -> memref<40x128xf32, #tpu.memory_space<hbm>>
    %dma_wait3A_1483 = arith.constant 0 : i32
    %dma_wait3A_1484 = tpu.memref_slice %arg4[%mul3A_2, %dma_wait3A_1483] : memref<320000x128xf32, #tpu.memory_space<hbm>> -> memref<40x128xf32, #tpu.memory_space<hbm>>
    %dma_wait3A_1485 = arith.constant 0 : i32
    %dma_wait3A_1486 = arith.constant 0 : i32
    %dma_wait3A_1487 = tpu.memref_slice %arg8[%dma_wait3A_1476, %dma_wait3A_1485, %dma_wait3A_1486] : memref<6x40x128xf32, #tpu.memory_space<vmem>> -> memref<1x40x128xf32, #tpu.memory_space<vmem>>
    %dma_wait3A_1488 = tpu.memref_squeeze %dma_wait3A_1487 : memref<1x40x128xf32, #tpu.memory_space<vmem>> -> memref<40x128xf32, #tpu.memory_space<vmem>>
    tpu.wait_dma2 semaphore(%arg11 : memref<!tpu.dma_semaphore, #tpu.memory_space<semaphore_mem>>) src(%dma_wait3A_1488 : memref<40x128xf32, #tpu.memory_space<vmem>>) dst(%dma_wait3A_1484 : memref<40x128xf32, #tpu.memory_space<hbm>>)
    %dma_wait3A_1489 = arith.constant 0 : i32
    %dma_wait3A_1490 = arith.constant 0 : i32
    %dma_wait3A_1491 = arith.constant 0 : i32
    %dma_wait3A_1492 = tpu.memref_slice %arg8[%dma_wait3A_1489, %dma_wait3A_1490, %dma_wait3A_1491] : memref<6x40x128xf32, #tpu.memory_space<vmem>> -> memref<1x40x128xf32, #tpu.memory_space<vmem>>
    %dma_wait3A_1493 = tpu.memref_squeeze %dma_wait3A_1492 : memref<1x40x128xf32, #tpu.memory_space<vmem>> -> memref<40x128xf32, #tpu.memory_space<vmem>>
    %dma_wait3A_1494 = arith.constant 0 : i32
    %dma_wait3A_1495 = tpu.memref_slice %arg4[%mul3A_2, %dma_wait3A_1494] : memref<320000x128xf32, #tpu.memory_space<hbm>> -> memref<40x128xf32, #tpu.memory_space<hbm>>
    %dma_wait3A_1496 = arith.constant 0 : i32
    %dma_wait3A_1497 = tpu.memref_slice %arg4[%mul3A_2, %dma_wait3A_1496] : memref<320000x128xf32, #tpu.memory_space<hbm>> -> memref<40x128xf32, #tpu.memory_space<hbm>>
    %dma_wait3A_1498 = arith.constant 0 : i32
    %dma_wait3A_1499 = arith.constant 0 : i32
    %dma_wait3A_1500 = tpu.memref_slice %arg8[%dma_wait3A_1489, %dma_wait3A_1498, %dma_wait3A_1499] : memref<6x40x128xf32, #tpu.memory_space<vmem>> -> memref<1x40x128xf32, #tpu.memory_space<vmem>>
    %dma_wait3A_1501 = tpu.memref_squeeze %dma_wait3A_1500 : memref<1x40x128xf32, #tpu.memory_space<vmem>> -> memref<40x128xf32, #tpu.memory_space<vmem>>
    tpu.wait_dma2 semaphore(%arg11 : memref<!tpu.dma_semaphore, #tpu.memory_space<semaphore_mem>>) src(%dma_wait3A_1501 : memref<40x128xf32, #tpu.memory_space<vmem>>) dst(%dma_wait3A_1497 : memref<40x128xf32, #tpu.memory_space<hbm>>)
    %dma_wait3A_1502 = arith.constant 0 : i32
    %dma_wait3A_1503 = arith.constant 0 : i32
    %dma_wait3A_1504 = arith.constant 0 : i32
    %dma_wait3A_1505 = tpu.memref_slice %arg8[%dma_wait3A_1502, %dma_wait3A_1503, %dma_wait3A_1504] : memref<6x40x128xf32, #tpu.memory_space<vmem>> -> memref<1x40x128xf32, #tpu.memory_space<vmem>>
    %dma_wait3A_1506 = tpu.memref_squeeze %dma_wait3A_1505 : memref<1x40x128xf32, #tpu.memory_space<vmem>> -> memref<40x128xf32, #tpu.memory_space<vmem>>
    %dma_wait3A_1507 = arith.constant 0 : i32
    %dma_wait3A_1508 = tpu.memref_slice %arg4[%mul3A_2, %dma_wait3A_1507] : memref<320000x128xf32, #tpu.memory_space<hbm>> -> memref<40x128xf32, #tpu.memory_space<hbm>>
    %dma_wait3A_1509 = arith.constant 0 : i32
    %dma_wait3A_1510 = tpu.memref_slice %arg4[%mul3A_2, %dma_wait3A_1509] : memref<320000x128xf32, #tpu.memory_space<hbm>> -> memref<40x128xf32, #tpu.memory_space<hbm>>
    %dma_wait3A_1511 = arith.constant 0 : i32
    %dma_wait3A_1512 = arith.constant 0 : i32
    %dma_wait3A_1513 = tpu.memref_slice %arg8[%dma_wait3A_1502, %dma_wait3A_1511, %dma_wait3A_1512] : memref<6x40x128xf32, #tpu.memory_space<vmem>> -> memref<1x40x128xf32, #tpu.memory_space<vmem>>
    %dma_wait3A_1514 = tpu.memref_squeeze %dma_wait3A_1513 : memref<1x40x128xf32, #tpu.memory_space<vmem>> -> memref<40x128xf32, #tpu.memory_space<vmem>>
    tpu.wait_dma2 semaphore(%arg11 : memref<!tpu.dma_semaphore, #tpu.memory_space<semaphore_mem>>) src(%dma_wait3A_1514 : memref<40x128xf32, #tpu.memory_space<vmem>>) dst(%dma_wait3A_1510 : memref<40x128xf32, #tpu.memory_space<hbm>>)
    %dma_wait3A_1515 = arith.constant 0 : i32
    %dma_wait3A_1516 = arith.constant 0 : i32
    %dma_wait3A_1517 = arith.constant 0 : i32
    %dma_wait3A_1518 = tpu.memref_slice %arg8[%dma_wait3A_1515, %dma_wait3A_1516, %dma_wait3A_1517] : memref<6x40x128xf32, #tpu.memory_space<vmem>> -> memref<1x40x128xf32, #tpu.memory_space<vmem>>
    %dma_wait3A_1519 = tpu.memref_squeeze %dma_wait3A_1518 : memref<1x40x128xf32, #tpu.memory_space<vmem>> -> memref<40x128xf32, #tpu.memory_space<vmem>>
    %dma_wait3A_1520 = arith.constant 0 : i32
    %dma_wait3A_1521 = tpu.memref_slice %arg4[%mul3A_2, %dma_wait3A_1520] : memref<320000x128xf32, #tpu.memory_space<hbm>> -> memref<40x128xf32, #tpu.memory_space<hbm>>
    %dma_wait3A_1522 = arith.constant 0 : i32
    %dma_wait3A_1523 = tpu.memref_slice %arg4[%mul3A_2, %dma_wait3A_1522] : memref<320000x128xf32, #tpu.memory_space<hbm>> -> memref<40x128xf32, #tpu.memory_space<hbm>>
    %dma_wait3A_1524 = arith.constant 0 : i32
    %dma_wait3A_1525 = arith.constant 0 : i32
    %dma_wait3A_1526 = tpu.memref_slice %arg8[%dma_wait3A_1515, %dma_wait3A_1524, %dma_wait3A_1525] : memref<6x40x128xf32, #tpu.memory_space<vmem>> -> memref<1x40x128xf32, #tpu.memory_space<vmem>>
    %dma_wait3A_1527 = tpu.memref_squeeze %dma_wait3A_1526 : memref<1x40x128xf32, #tpu.memory_space<vmem>> -> memref<40x128xf32, #tpu.memory_space<vmem>>
    tpu.wait_dma2 semaphore(%arg11 : memref<!tpu.dma_semaphore, #tpu.memory_space<semaphore_mem>>) src(%dma_wait3A_1527 : memref<40x128xf32, #tpu.memory_space<vmem>>) dst(%dma_wait3A_1523 : memref<40x128xf32, #tpu.memory_space<hbm>>)
    %dma_wait3A_1528 = arith.constant 0 : i32
    %dma_wait3A_1529 = arith.constant 0 : i32
    %dma_wait3A_1530 = arith.constant 0 : i32
    %dma_wait3A_1531 = tpu.memref_slice %arg8[%dma_wait3A_1528, %dma_wait3A_1529, %dma_wait3A_1530] : memref<6x40x128xf32, #tpu.memory_space<vmem>> -> memref<1x40x128xf32, #tpu.memory_space<vmem>>
    %dma_wait3A_1532 = tpu.memref_squeeze %dma_wait3A_1531 : memref<1x40x128xf32, #tpu.memory_space<vmem>> -> memref<40x128xf32, #tpu.memory_space<vmem>>
    %dma_wait3A_1533 = arith.constant 0 : i32
    %dma_wait3A_1534 = tpu.memref_slice %arg4[%mul3A_2, %dma_wait3A_1533] : memref<320000x128xf32, #tpu.memory_space<hbm>> -> memref<40x128xf32, #tpu.memory_space<hbm>>
    %dma_wait3A_1535 = arith.constant 0 : i32
    %dma_wait3A_1536 = tpu.memref_slice %arg4[%mul3A_2, %dma_wait3A_1535] : memref<320000x128xf32, #tpu.memory_space<hbm>> -> memref<40x128xf32, #tpu.memory_space<hbm>>
    %dma_wait3A_1537 = arith.constant 0 : i32
    %dma_wait3A_1538 = arith.constant 0 : i32
    %dma_wait3A_1539 = tpu.memref_slice %arg8[%dma_wait3A_1528, %dma_wait3A_1537, %dma_wait3A_1538] : memref<6x40x128xf32, #tpu.memory_space<vmem>> -> memref<1x40x128xf32, #tpu.memory_space<vmem>>
    %dma_wait3A_1540 = tpu.memref_squeeze %dma_wait3A_1539 : memref<1x40x128xf32, #tpu.memory_space<vmem>> -> memref<40x128xf32, #tpu.memory_space<vmem>>
    tpu.wait_dma2 semaphore(%arg11 : memref<!tpu.dma_semaphore, #tpu.memory_space<semaphore_mem>>) src(%dma_wait3A_1540 : memref<40x128xf32, #tpu.memory_space<vmem>>) dst(%dma_wait3A_1536 : memref<40x128xf32, #tpu.memory_space<hbm>>)
    %dma_wait3A_1541 = arith.constant 0 : i32
    %dma_wait3A_1542 = arith.constant 0 : i32
    %dma_wait3A_1543 = arith.constant 0 : i32
    %dma_wait3A_1544 = tpu.memref_slice %arg8[%dma_wait3A_1541, %dma_wait3A_1542, %dma_wait3A_1543] : memref<6x40x128xf32, #tpu.memory_space<vmem>> -> memref<1x40x128xf32, #tpu.memory_space<vmem>>
    %dma_wait3A_1545 = tpu.memref_squeeze %dma_wait3A_1544 : memref<1x40x128xf32, #tpu.memory_space<vmem>> -> memref<40x128xf32, #tpu.memory_space<vmem>>
    %dma_wait3A_1546 = arith.constant 0 : i32
    %dma_wait3A_1547 = tpu.memref_slice %arg4[%mul3A_2, %dma_wait3A_1546] : memref<320000x128xf32, #tpu.memory_space<hbm>> -> memref<40x128xf32, #tpu.memory_space<hbm>>
    %dma_wait3A_1548 = arith.constant 0 : i32
    %dma_wait3A_1549 = tpu.memref_slice %arg4[%mul3A_2, %dma_wait3A_1548] : memref<320000x128xf32, #tpu.memory_space<hbm>> -> memref<40x128xf32, #tpu.memory_space<hbm>>
    %dma_wait3A_1550 = arith.constant 0 : i32
    %dma_wait3A_1551 = arith.constant 0 : i32
    %dma_wait3A_1552 = tpu.memref_slice %arg8[%dma_wait3A_1541, %dma_wait3A_1550, %dma_wait3A_1551] : memref<6x40x128xf32, #tpu.memory_space<vmem>> -> memref<1x40x128xf32, #tpu.memory_space<vmem>>
    %dma_wait3A_1553 = tpu.memref_squeeze %dma_wait3A_1552 : memref<1x40x128xf32, #tpu.memory_space<vmem>> -> memref<40x128xf32, #tpu.memory_space<vmem>>
    tpu.wait_dma2 semaphore(%arg11 : memref<!tpu.dma_semaphore, #tpu.memory_space<semaphore_mem>>) src(%dma_wait3A_1553 : memref<40x128xf32, #tpu.memory_space<vmem>>) dst(%dma_wait3A_1549 : memref<40x128xf32, #tpu.memory_space<hbm>>)
    return
  }
}

</mosaic_0001>

<sc_bundles>
// kernel: kernel.3.cloned.1.call-start
scs
__scs_entry_jumppad:
0x0: {  	(pc) =	sbr.rel $0x88, $3  }
0x1: {  	(tag) =	ssettag $0x0;
	lr =	simm.s32 $0x1  }
0x2: {  	[smem:$0x3F9F] =	sst lr;
	_ =	strace $0xD0000000  }
0x3: {  	_ = 	snop  }
0x4: {  	_ = 	snop  }
0x5: {  	_ = 	snop  }
0x6: {  	_ = 	snop  }
0x7: {  	_ = 	snop  }
__scs_overlays_trampoline_lowered:
0x8: {  	[smem:$0x3FAE] =	sst s0  }
0x9: {  	[smem:$0x3FAF] =	sst s1  }
0xa: {  	[smem:$0x3FB0] =	sst s2  }
0xb: {  	[smem:$0x3FB1] =	sst s3  }
0xc: {  	[smem:$0x3FB2] =	sst s4  }
0xd: {  	[smem:$0x3FB3] =	sst s5  }
0xe: {  	[smem:$0x3FB4] =	sst s6  }
0xf: {  	[smem:$0x3FB5] =	sst s7  }
0x10: {  	[smem:$0x3FB6] =	sst s8  }
0x11: {  	[smem:$0x3FB7] =	sst s9;
	s0 =	simm.s32 @!p0 $0x0  }
0x12: {  	s1 =	sld [smem:$0x3F9D];
	s0 =	simm.s32 @p0 $0x1  }
0x13: {  	[smem:$0x3FB8] =	sst s0;
	s0 =	simm.s32 @!p1 $0x0  }
0x14: {  	s2 =	sld [smem:$0x3F9C];
	s0 =	simm.s32 @p1 $0x1  }
0x15: {  	[smem:$0x3FB9] =	sst s0;
	s0 =	simm.s32 @!p2 $0x0  }
0x16: {  	s3 =	sld [smem:$0x3FDB];
	s0 =	simm.s32 @p2 $0x1  }
0x17: {  	s4 =	simm.s32 $0x1BF5;
	[smem:$0x3FBB] =	sst s0  }
0x18: {  	s0 =	sld [smem:$0x3F9E];
	_ =	swait.ge [sflag:s4], $0x0  }
0x19: {  	s7 =	sld [smem:$0x3F9F]  }
0x1a: {  	s8 =	sadd.s32 $0xFFFFE003, lr  }
0x1b: {  	s9 =	sadd.s32 $0xFFFFFEF7, lr;
	s5 =	simm.s32 $0xFFFFFFFF;
	p2 =	slt.u32 s8, $0xFFFFF086  }
0x1c: {  	p1 =	slt.u32 s9, $0xF7A;
	s5 =	simm.s32 @!p2 $0x0  }
0x1d: {  	s5 =	simm.s32 @p1 $0x1;
	p0 =	seq.s32 s7, s2  }
0x1e: {  	s7 =	smul.u32 @!p0 $0xF7A, s2;
	p2 =	seq.s32 @!p0 s5, $0x0  }
0x1f: {  	s9 =	smul.u32 $0xF7A, s1;
	s8 =	simm.s32 @!p0 $0x1BF5;
	p2 =	por !p2, p0  }
0x20: {  	[sflag:s8] =	ssyncset.s32 @!p0 $0xFFFFF086;
	s6 =	sadd.s32 @!p0 s3, s7;
	s7 =	simm.s32 @!p0 $0x108  }
0x21: {  	s3 =	sadd.s32 s3, s9;
	s6 =	sadd.s32 @!p0 $0x88, s6;
	s7 =	simm.s32 @p2 $0x1082  }
0x22: {  	[simem:s7], [sflag:s8] =	dma.local @!p0 [hbm:s6], $0xF7A  }
0x23: {  	s9 =	sor.u32 $0xD0000000, s2;
	s6 =	simm.s32 $0x108;
	_ =	swait.ge @!p0 [sflag:s8], $0x0  }
0x24: {  	s3 =	sadd.s32 $0x88, s3;
	s6 =	simm.s32 @!p1 $0x1082;
	[sflag:s4] =	ssyncset.s32 $0xFFFFF086  }
0x25: {  	[simem:s6], [sflag:s4] =	dma.local [hbm:s3], $0xF7A  }
0x26: {  	[smem:$0x3F9F] =	sst s1;
	(tag) =	ssettag s2;
	_ =	strace s9  }
0x27: {  	s1 =	sld [smem:$0x3FAF]  }
0x28: {  	s2 =	sld [smem:$0x3FB0]  }
0x29: {  	s4 =	sld [smem:$0x3FB2]  }
0x2a: {  	p0 =	seq.s32 s5, $0x0;
	s5 =	sld [smem:$0x3FB3]  }
0x2b: {  	s6 =	sld [smem:$0x3FB4]  }
0x2c: {  	s7 =	sld [smem:$0x3FB5]  }
0x2d: {  	s3 =	simm.s32 $0x108;
	s8 =	sld [smem:$0x3FB6]  }
0x2e: {  	s3 =	simm.s32 @!p0 $0x1082;
	s9 =	sld [smem:$0x3FB7]  }
0x2f: {  	lr =	sadd.s32 s0, s3;
	s0 =	sld [smem:$0x3FAE]  }
0x30: {  	s3 =	sld [smem:$0x3FB1]  }
0x31: {  	[smem:$0x3FBA] =	sst s10  }
0x32: {  	s10 =	sld [smem:$0x3FB8];
	_ =	sdelay $0x3  }
0x33: {  	p0 =	seq.s32 s10, $0x1;
	s10 =	sld [smem:$0x3FBA];
	_ =	sdelay $0x3  }
0x34: {  	[smem:$0x3FBA] =	sst s10  }
0x35: {  	s10 =	sld [smem:$0x3FB9];
	_ =	sdelay $0x3  }
0x36: {  	p1 =	seq.s32 s10, $0x1;
	s10 =	sld [smem:$0x3FBA];
	_ =	sdelay $0x3  }
0x37: {  	[smem:$0x3FBA] =	sst s10  }
0x38: {  	s10 =	sld [smem:$0x3FBB]  }
0x39: {  	_ = 	snop;
	(pc) =	sbr.ind lr, $3  }
0x3a: {  	_ = 	snop  }
0x3b: {  	_ = 	snop  }
0x3c: {  	p2 =	seq.s32 s10, $0x1;
	s10 =	sld [smem:$0x3FBA]  }
0x3d: {  	_ =	shalt  }
0x3e: {  	_ =	shalt  }
0x3f: {  	_ =	shalt  }
0x40: {  	_ =	shalt  }
0x41: {  	_ =	shalt  }
0x42: {  	_ =	shalt  }
0x43: {  	_ =	shalt  }
0x44: {  	_ =	shalt  }
0x45: {  	_ =	shalt  }
0x46: {  	_ =	shalt  }
0x47: {  	_ =	shalt  }
0x48: {  	_ =	shalt  }
0x49: {  	_ =	shalt  }
0x4a: {  	_ =	shalt  }
0x4b: {  	_ =	shalt  }
0x4c: {  	_ =	shalt  }
0x4d: {  	_ =	shalt  }
0x4e: {  	_ =	shalt  }
0x4f: {  	_ =	shalt  }
0x50: {  	_ =	shalt  }
0x51: {  	_ =	shalt  }
0x52: {  	_ =	shalt  }
0x53: {  	_ =	shalt  }
0x54: {  	_ =	shalt  }
0x55: {  	_ =	shalt  }
0x56: {  	_ =	shalt  }
0x57: {  	_ =	shalt  }
0x58: {  	_ =	shalt  }
0x59: {  	_ =	shalt  }
0x5a: {  	_ =	shalt  }
0x5b: {  	_ =	shalt  }
0x5c: {  	_ =	shalt  }
0x5d: {  	_ =	shalt  }
0x5e: {  	_ =	shalt  }
0x5f: {  	_ =	shalt  }
0x60: {  	_ =	shalt  }
0x61: {  	_ =	shalt  }
0x62: {  	_ =	shalt  }
0x63: {  	_ =	shalt  }
0x64: {  	_ =	shalt  }
0x65: {  	_ =	shalt  }
0x66: {  	_ =	shalt  }
0x67: {  	_ =	shalt  }
0x68: {  	_ =	shalt  }
0x69: {  	_ =	shalt  }
0x6a: {  	_ =	shalt  }
0x6b: {  	_ =	shalt  }
0x6c: {  	_ =	shalt  }
0x6d: {  	_ =	shalt  }
0x6e: {  	_ =	shalt  }
0x6f: {  	_ =	shalt  }
0x70: {  	_ =	shalt  }
0x71: {  	_ =	shalt  }
0x72: {  	_ =	shalt  }
0x73: {  	_ =	shalt  }
0x74: {  	_ =	shalt  }
0x75: {  	_ =	shalt  }
0x76: {  	_ =	shalt  }
0x77: {  	_ =	shalt  }
0x78: {  	_ =	shalt  }
0x79: {  	_ =	shalt  }
0x7a: {  	_ =	shalt  }
0x7b: {  	_ =	shalt  }
0x7c: {  	_ =	shalt  }
0x7d: {  	_ =	shalt  }
0x7e: {  	_ =	shalt  }
0x7f: {  	_ =	shalt  }
0x80: {  	_ =	shalt  }
0x81: {  	_ =	shalt  }
0x82: {  	_ =	shalt  }
0x83: {  	_ =	shalt  }
0x84: {  	_ =	shalt  }
0x85: {  	_ =	shalt  }
0x86: {  	_ =	shalt  }
0x87: {  	_ =	shalt  }
.Lfunc_end0:
.L_simem_size_0:
called_computation_lowered:
.L_overlay_start_0:
0x88: {  	s2 =	sld [smem:$0x3FD9]  }
0x89: {  	s3 =	sld [smem:$0x3FFE];
	_ =	sdelay $0x1  }
0x8a: {  	s1 =	srdreg.scid  }
0x8b: {  	s0 =	sand.u32 $0x1, s1  }
0x8c: {  	s14 =	sshll.u32 s0, $0xA;
	s2 =	sadd.s32 s3, s2  }
0x8d: {  	s2 =	sadd.s32 s2, s14  }
0x8e: {  	[smem:$0x3FC6] =	sst s2  }
0x8f: {  	_ = 	snop  }
0x90: {  	s2 =	sld [smem:$0x3FD0];
	_ =	sdelay $0x2  }
0x91: {  	s4 =	simm.s32 $0xA;
	s5 =	simm.s32 $0x10;
	s15 =	sld [smem:$0x3FC9]  }
0x92: {  	[smem:s5], [sflag:s4] =	dma.local [hbm:s2], $0x1  }
0x93: {  	_ =	swait.eq [sflag:s4], $0x1  }
0x94: {  	[sflag:s4] =	ssyncset.done $0x0  }
0x95: {  	s16 =	sld [smem:$0x10];
	[sflag:s4] =	ssyncadd.s32 $0xFFFFFFFF  }
0x96: {  	s17 =	sld [smem:$0x11];
	(tm) =	ssettm $0x1  }
0x97: {  	s18 =	sld [smem:$0x3FFB];
	_ =	sdelay $0x3  }
0x98: {  	_ =	strace s18  }
0x99: {  	s5 =	sld [smem:$0x3FFC];
	_ =	sdelay $0x3  }
0x9a: {  	_ =	strace s5  }
0x9b: {  	s5 =	sld [smem:$0x3FFD];
	_ =	sdelay $0x3  }
0x9c: {  	_ =	strace s5  }
0x9d: {  	_ =	strace $0x8FFFFFFF  }
0x9e: {  	s19 =	sld [smem:$0x3FDB];
	_ =	sdelay $0x1  }
0x9f: {  	s6 =	simm.s32 $_scs_section_size  }
0xa0: {  	s7 =	simm.s32 $_size__tile_overlayer_lowered;
	s8 =	simm.s32 $_tile_overlayer_lowered  }
0xa1: {  	s22 =	simm.s32 $0x1BFF;
	s21 =	sshll.u32 s8, $0x1;
	s5 =	sadd.s32 s6, s19  }
0xa2: {  	s9 =	simm.s32 $0x0;
	s20 =	sshll.u32 s7, $0x1;
	s7 =	sadd.s32 s21, s5  }
0xa3: {  	[timem:s9], [sflag:s22] =	dma.local [hbm:s7], s20  }
0xa4: {  	_ =	swait.ge [sflag:s22], s20  }
0xa5: {  	s6 =	ssub.s32 $0x0, s20;
	[sflag:s22] =	ssyncset.done $0x0  }
0xa6: {  	[sflag:s22] =	ssyncadd.s32 s6;
	_ =	sdelay $0x1  }
0xa7: {  	s23 =	simm.s32 $0x1B8B  }
0xa8: {  	_ =	swait.ge [sflag:s23], $0x1  }
0xa9: {  	[sflag:s23] =	ssyncset.done $0x0  }
0xaa: {  	s25 =	simm.s32 $0x1B8E;
	s24 =	sld [smem:$0x3FFE];
	[sflag:s23] =	ssyncadd.s32 $0xFFFFFFFF  }
0xab: {  	s26 =	simm.s32 $execute0_lowered;
	[smem:$0x3FD2] =	sst s25  }
0xac: {  	s7 =	sshll.u32 s26, $0x1;
	_ =	strace $0x80000046;
	[dreg:$0x1] =	wrdreg $0xFFFFFFFF  }
0xad: {  	s28 =	simm.s32 $_size_execute0_lowered;
	s5 =	sadd.s32 s5, s7;
	[dreg:$0x0] =	wrdreg $0x0  }
0xae: {  	s7 =	sshll.u32 s28, $0x1;
	[dreg:$0x2] =	wrdreg s5  }
0xaf: {  	[dreg:$0x3] =	wrdreg s7  }
0xb0: {  	[dreg:$0x4] =	wrdreg $0xC0  }
0xb1: {  	_ =	task [dreg:s9], $0x5FFFF  }
0xb2: {  	[dreg:$0x1] =	wrdreg $0xFFFFFFFF  }
0xb3: {  	[dreg:$0x0] =	wrdreg $0x60  }
0xb4: {  	[dreg:$0x2] =	wrdreg s15  }
0xb5: {  	[dreg:$0x3] =	wrdreg s24  }
0xb6: {  	[dreg:$0x4] =	wrdreg s16  }
0xb7: {  	[dreg:$0x5] =	wrdreg s17  }
0xb8: {  	[dreg:$0x6] =	wrdreg $0xC7000  }
0xb9: {  	[dreg:$0x7] =	wrdreg $0x9  }
0xba: {  	_ =	task.clear_ibuf [dreg:s9], $0x8FFFF;
	_ =	strace $0x90000046  }
0xbb: {  	s29 =	simm.s32 $0x9;
	_ =	strace $0x80000048  }
0xbc: {  	_ =	swait.ge [sflag:s29], $0x1  }
0xbd: {  	[sflag:s29] =	ssyncadd.s32 $0xFFFFFFFF  }
0xbe: {  	_ =	strace $0x90000048  }
0xbf: {  	_ =	sfence  }
0xc0: {  	s30 =	sld [smem:$0x0];
	_ =	sdelay $0x2  }
0xc1: {  	s31 =	sshll.u32 s1, $0xD;
	s1 =	sshrl.u32 s1, $0x2  }
0xc2: {  	s3 =	sand.u32 $0x4000, s31;
	s1 =	sadd.s32 s1, s30  }
0xc3: {  	s0 =	sor.u32 s3, s0;
	s1 =	sshll.u32 s1, $0x11  }
0xc4: {  	s0 =	sor.u32 s1, s0  }
0xc5: {  	s0 =	sadd.s32 $0x8F2B, s0  }
0xc6: {  	[sflag:s0] =	ssyncadd.remote.s32 $0x1  }
0xc7: {  	_ =	sfence.sel $0xFFFF  }
0xc8: {  	[dreg:$0x0] =	wrdreg $0xFFFFFFFF;
	(pc) =	sbr.abs _section_cstart, $3  }
0xc9: {  	[dreg:$0x1] =	wrdreg $0xFFFFFFFF  }
0xca: {  	_ =	task.clear_ibuf [dreg:s9], $0x2FFFF;
	_ =	strace $0x9FFFFFFF  }
0xcb: {  	(tm) =	ssettm $0x7FFFFFFF  }
tec
execute0_lowered:
.L_overlay_start_1:
0x0: {  	(tag) =	ssettag $0x1  }
0x1: {  	s0 =	srdreg.scid;
	s17 =	stileid.u32  }
0x2: {  	s3 =	sand.u32 $0x1, s0;
	s16 =	sshll.u32 s17, $0x1  }
0x3: {  	s2 =	rddreg [dreg:$0x1];
	s0 =	sor.u32 s3, s16  }
0x4: {  	s4 =	rddreg [dreg:$0x2];
	s6 =	smul.u32 $0x2710, s0  }
0x5: {  	s5 =	rddreg [dreg:$0x3];
	s7 =	smul.u32 $0x138800, s0  }
0x6: {  	s1 =	simm.s32 $0x0;
	s28 =	rddreg [dreg:$0x4];
	s9 =	smul.u32 $0x27100, s0  }
0x7: {  	[smem:$0x7FF] =	sst s1;
	s6 =	sshrl.u32 s6, $0x3  }
0x8: {  	s19 =	sadd.s32 s4, s9;
	s2 =	sadd.s32 s6, s2;
	s6 =	sshrl.u32 s7, $0x3  }
0x9: {  	s9 =	sadd.s32 s5, s9;
	[dreg:$0x6] =	wrdreg s19;
	s20 =	sadd.s32 $0x280, s6  }
0xa: {  	[dreg:$0xe] =	wrdreg s9;
	s22 =	sadd.s32 $0x500, s6;
	s21 =	sadd.s32 s4, s20  }
0xb: {  	s10 =	sadd.s32 $0x780, s6;
	s11 =	sadd.s32 s4, s22;
	[dreg:$0x7] =	wrdreg s21  }
0xc: {  	s24 =	sadd.s32 $0xA00, s6;
	s23 =	sadd.s32 s4, s10;
	[dreg:$0x8] =	wrdreg s11  }
0xd: {  	s25 =	sadd.s32 $0xC80, s6;
	s12 =	sadd.s32 s4, s24;
	[dreg:$0x9] =	wrdreg s23  }
0xe: {  	s13 =	sadd.s32 $0xF00, s6;
	s14 =	sadd.s32 s4, s25;
	[dreg:$0xa] =	wrdreg s12  }
0xf: {  	s31 =	sadd.s32 $0x1180, s6;
	s26 =	sadd.s32 s4, s13;
	[dreg:$0xb] =	wrdreg s14  }
0x10: {  	s15 =	sadd.s32 s4, s31;
	[dreg:$0xc] =	wrdreg s26  }
0x11: {  	s29 =	simm.s32 $0x0;
	s7 =	sadd.s32 s5, s20;
	[dreg:$0xd] =	wrdreg s15  }
0x12: {  	s8 =	ssub.s32 $0x2, s3;
	s9 =	sadd.s32 s5, s22;
	[dreg:$0xf] =	wrdreg s7  }
0x13: {  	s18 =	sshrl.u32 s8, $0x1;
	s10 =	sadd.s32 s5, s10;
	[dreg:$0x10] =	wrdreg s9  }
0x14: {  	s0 =	ssub.s32 s8, s18;
	s13 =	sadd.s32 s5, s13;
	[dreg:$0x11] =	wrdreg s10  }
0x15: {  	s16 =	sadd.s32 $0x26700, s6;
	s18 =	sadd.s32 s5, s31;
	[dreg:$0x14] =	wrdreg s13  }
0x16: {  	p0 =	sne.s32 s17, $0xF;
	s22 =	sadd.s32 s4, s16;
	[dreg:$0x15] =	wrdreg s18  }
0x17: {  	s3 =	smul.u32 $0x27100, s3;
	s19 =	sadd.s32 $0x26980, s6;
	[dreg:$0x16] =	wrdreg s22  }
0x18: {  	s20 =	sadd.s32 $0x26C00, s6;
	s11 =	sadd.s32 s5, s24;
	s14 =	rddreg [dreg:$0x0]  }
0x19: {  	s31 =	smul.u32 $0x4E200, s17;
	s12 =	sadd.s32 s5, s25;
	[dreg:$0x12] =	wrdreg s11  }
0x1a: {  	s15 =	sadd.s32 s4, s6;
	s23 =	sadd.s32 s5, s16;
	[dreg:$0x13] =	wrdreg s12  }
0x1b: {  	s21 =	sadd.s32 $0x26E80, s6;
	s24 =	sadd.s32 s4, s19;
	[dreg:$0x17] =	wrdreg s23  }
0x1c: {  	s10 =	sadd.s32 s5, s6;
	s25 =	sadd.s32 s5, s19;
	[dreg:$0x18] =	wrdreg s24  }
0x1d: {  	s26 =	sadd.s32 s4, s20;
	s16 =	smul.u32 $0x4E000, s17;
	[dreg:$0x19] =	wrdreg s25  }
0x1e: {  	s19 =	smul.u32 $0x2700, s17;
	[dreg:$0x1a] =	wrdreg s26;
	s11 =	sadd.s32 s5, s20  }
0x1f: {  	s12 =	sadd.s32 s4, s21;
	s13 =	sadd.s32 s5, s21;
	s4 =	sadd.s32 s31, s4  }
0x20: {  	s5 =	sadd.s32 s31, s5;
	s24 =	sshll.u32 s17, $0x6;
	s25 =	sadd.s32 $0x27000, s14  }
0x21: {  	s26 =	sadd.s32 $0xA240, s2;
	s2 =	sadd.s32 $0x600, s2;
	s31 =	sadd.s32 $0x1400, s15  }
0x22: {  	s6 =	sadd.s32 $0x25D00, s10;
	s7 =	sadd.s32 $0x25F80, s10;
	s8 =	sadd.s32 $0x26200, s10  }
0x23: {  	s9 =	sadd.s32 $0x26480, s10;
	s10 =	smax.u32 s0, $0x1;
	[dreg:$0x1b] =	wrdreg s11  }
0x24: {  	s0 =	sadd.s32 $0x138000, s28;
	s17 =	simm.s32 $0x28;
	[dreg:$0x1c] =	wrdreg s12  }
0x25: {  	[dreg:$0x1d] =	wrdreg s13;
	s18 =	sadd.s32 s3, s4;
	s20 =	sadd.s32 s3, s5  }
0x26: {  	s21 =	sshrl.u32 s16, $0x2;
	s23 =	sadd.s32 s14, s19;
	s30 =	sor.u32 $0x1C03, s24  }
0x27: {  	s3 =	sadd.s32 $0x1680, s15;
	_ =	strace $0x80000047;
	[dreg:$0x1e] =	wrdreg s23  }
0x28: {  	s4 =	sadd.s32 $0x1900, s15;
	s5 =	sadd.s32 $0x1B80, s15;
	[dreg:$0x1f] =	wrdreg s25  }
0x29: {  	s14 =	sshrl.u32 @!p0 s0, $0x3;
	s15 =	simm.s32 $0x3;
	[smem:$0x7FB] =	sst s26  }
0x2a: {  	s16 =	simm.s32 $0x2780;
	s19 =	simm.s32 $0x6300;
	[smem:$0x7FC] =	sst s2  }
0x2b: {  	s24 =	simm.s32 $0xB300;
	s22 =	sadd.s32 s21, s28;
	[smem:$0x7FD] =	sst s31  }
0x2c: {  	s11 =	sadd.s32 $0x1E00, s18;
	s12 =	sadd.s32 $0x1400, s20;
	s18 =	simm.s32 $0x4F00  }
0x2d: {  	s20 =	simm.s32 $0x7700;
	s21 =	simm.s32 $0x8B00;
	s23 =	simm.s32 $0x9F00  }
0x2e: {  	s25 =	simm.s32 $0x2;
	s13 =	sshrl.u32 s22, $0x3;
	s22 =	simm.s32 $0x1  }
.LBB2_1:
0x2f: {  	s0 =	rddreg [dreg:$0x1e]  }
0x30: {  	[spmem:s13], [sflag:s30] =	dma.local [hbm:s0], $0x2700  }
0x31: {  	_ =	swait.ge [sflag:s15], $0x2700  }
0x32: {  	[sflag:s15] =	ssyncset.done $0x0  }
0x33: {  	s0 =	rddreg [dreg:$0x1f];
	[sflag:s15] =	ssyncadd.s32 $0xFFFFD900  }
0x34: {  	[spmem:s14], [sflag:s30] =	dma.local @!p0 [hbm:s0], $0x100  }
0x35: {  	s0 =	simm.s32 @!p0 $0x3  }
0x36: {  	_ =	swait.ge @!p0 [sflag:s0], $0x100  }
0x37: {  	s26 =	sld [smem:$0x7FB]  }
0x38: {  	[sflag:s0] =	ssyncset.done @!p0 $0x0  }
0x39: {  	[sflag:s0] =	ssyncadd.s32 @!p0 $0xFFFFFF00  }
0x3a: {  	[tilespmem:s1], [sflag:$0x3] =	stream.linear.gather [hbm4b:s26+s1], $0x2710, $0x38;
	[tilespmem:$0x1FF80] =	vst v63  }
0x3b: {  	_ =	swait.ge [sflag:s15], $0x2710  }
0x3c: {  	s2 =	sld [smem:$0x7FC]  }
0x3d: {  	[sflag:s15] =	ssyncset.done $0x0  }
0x3e: {  	[sflag:s15] =	ssyncadd.s32 $0xFFFFD8F0  }
0x3f: {  	[tilespmem:s16], [sflag:$0x3] =	stream.linear.gather [hbm4b:s2+s1], $0x2710, $0x38;
	[tilespmem:$0x1FF80] =	vst v63  }
0x40: {  	_ =	swait.ge [sflag:s15], $0x2710  }
0x41: {  	[sflag:s15] =	ssyncset.done $0x0  }
0x42: {  	[sflag:s15] =	ssyncadd.s32 $0xFFFFD8F0  }
0x43: {  	[bflag:$0x0] =	sbarrier.arrive $0xFFFF  }
0x44: {  	[tilespmem:s18], [sflag:$0x1] =	stream.indirect.gather [spmem:s28], $0x80, s1, s17, $0xb8;
	[tilespmem:$0x1FF80] =	vst v63  }
0x45: {  	_ = 	snop  }
0x46: {  	[tilespmem:s19], [sflag:$0x1] =	stream.indirect.gather [spmem:s28], $0x80, s17, s17, $0xb8;
	[tilespmem:$0x1FF80] =	vst v63  }
0x47: {  	s26 =	simm.s32 $0x50  }
0x48: {  	[tilespmem:s20], [sflag:$0x1] =	stream.indirect.gather [spmem:s28], $0x80, s26, s17, $0xb8;
	[tilespmem:$0x1FF80] =	vst v63  }
0x49: {  	s2 =	simm.s32 $0x78  }
0x4a: {  	[tilespmem:s21], [sflag:$0x1] =	stream.indirect.gather [spmem:s28], $0x80, s2, s17, $0xb8;
	[tilespmem:$0x1FF80] =	vst v63  }
0x4b: {  	_ =	swait.ge [sflag:s22], $0x1400  }
0x4c: {  	[sflag:s22] =	ssyncset.done $0x0  }
0x4d: {  	s26 =	rddreg [dreg:$0x6];
	[sflag:s22] =	ssyncadd.s32 $0xFFFFEC00  }
0x4e: {  	[hbm4b:s26+s1] =	stream.linear.scatter [tilespmem:s18], [sflag:$0x2], $0x1400, $0x38;
	[tilespmem:$0x1FF80] =	vst v63  }
0x4f: {  	s2 =	simm.s32 $0xA0  }
0x50: {  	[tilespmem:s23], [sflag:$0x1] =	stream.indirect.gather [spmem:s28], $0x80, s2, s17, $0xb8;
	[tilespmem:$0x1FF80] =	vst v63  }
0x51: {  	_ =	swait.ge [sflag:s22], $0x1400  }
0x52: {  	[sflag:s22] =	ssyncset.done $0x0  }
0x53: {  	s26 =	rddreg [dreg:$0x7];
	[sflag:s22] =	ssyncadd.s32 $0xFFFFEC00  }
0x54: {  	[hbm4b:s26+s1] =	stream.linear.scatter [tilespmem:s19], [sflag:$0x2], $0x1400, $0x38;
	[tilespmem:$0x1FF80] =	vst v63  }
0x55: {  	s2 =	simm.s32 $0xC8  }
0x56: {  	[tilespmem:s24], [sflag:$0x1] =	stream.indirect.gather [spmem:s28], $0x80, s2, s17, $0xb8;
	[tilespmem:$0x1FF80] =	vst v63  }
0x57: {  	_ =	swait.ge [sflag:s22], $0x1400  }
0x58: {  	[sflag:s22] =	ssyncset.done $0x0  }
0x59: {  	s26 =	rddreg [dreg:$0x8];
	[sflag:s22] =	ssyncadd.s32 $0xFFFFEC00  }
0x5a: {  	[hbm4b:s26+s1] =	stream.linear.scatter [tilespmem:s20], [sflag:$0x2], $0x1400, $0x38;
	[tilespmem:$0x1FF80] =	vst v63  }
0x5b: {  	_ =	swait.ge [sflag:s25], $0x1400  }
0x5c: {  	[sflag:s25] =	ssyncset.done $0x0  }
0x5d: {  	s2 =	simm.s32 $0xF0;
	[sflag:s25] =	ssyncadd.s32 $0xFFFFEC00  }
0x5e: {  	[tilespmem:s18], [sflag:$0x1] =	stream.indirect.gather [spmem:s28], $0x80, s2, s17, $0xb8;
	[tilespmem:$0x1FF80] =	vst v63  }
0x5f: {  	_ =	swait.ge [sflag:s22], $0x1400  }
0x60: {  	[sflag:s22] =	ssyncset.done $0x0  }
0x61: {  	s26 =	rddreg [dreg:$0x9];
	[sflag:s22] =	ssyncadd.s32 $0xFFFFEC00  }
0x62: {  	[hbm4b:s26+s1] =	stream.linear.scatter [tilespmem:s21], [sflag:$0x2], $0x1400, $0x38;
	[tilespmem:$0x1FF80] =	vst v63  }
0x63: {  	_ =	swait.ge [sflag:s25], $0x1400  }
0x64: {  	[sflag:s25] =	ssyncset.done $0x0  }
0x65: {  	s2 =	simm.s32 $0x118;
	[sflag:s25] =	ssyncadd.s32 $0xFFFFEC00  }
0x66: {  	[tilespmem:s19], [sflag:$0x1] =	stream.indirect.gather [spmem:s28], $0x80, s2, s17, $0xb8;
	[tilespmem:$0x1FF80] =	vst v63  }
0x67: {  	_ =	swait.ge [sflag:s22], $0x1400  }
0x68: {  	[sflag:s22] =	ssyncset.done $0x0  }
0x69: {  	s26 =	rddreg [dreg:$0xa];
	[sflag:s22] =	ssyncadd.s32 $0xFFFFEC00  }
0x6a: {  	[hbm4b:s26+s1] =	stream.linear.scatter [tilespmem:s23], [sflag:$0x2], $0x1400, $0x38;
	[tilespmem:$0x1FF80] =	vst v63  }
0x6b: {  	_ =	swait.ge [sflag:s25], $0x1400  }
0x6c: {  	[sflag:s25] =	ssyncset.done $0x0  }
0x6d: {  	s2 =	simm.s32 $0x140;
	[sflag:s25] =	ssyncadd.s32 $0xFFFFEC00  }
0x6e: {  	[tilespmem:s20], [sflag:$0x1] =	stream.indirect.gather [spmem:s28], $0x80, s2, s17, $0xb8;
	[tilespmem:$0x1FF80] =	vst v63  }
0x6f: {  	_ =	swait.ge [sflag:s22], $0x1400  }
0x70: {  	[sflag:s22] =	ssyncset.done $0x0  }
0x71: {  	s26 =	rddreg [dreg:$0xb];
	[sflag:s22] =	ssyncadd.s32 $0xFFFFEC00  }
0x72: {  	[hbm4b:s26+s1] =	stream.linear.scatter [tilespmem:s24], [sflag:$0x2], $0x1400, $0x38;
	[tilespmem:$0x1FF80] =	vst v63  }
0x73: {  	_ =	swait.ge [sflag:s25], $0x1400  }
0x74: {  	[sflag:s25] =	ssyncset.done $0x0  }
0x75: {  	s2 =	simm.s32 $0x168;
	[sflag:s25] =	ssyncadd.s32 $0xFFFFEC00  }
0x76: {  	[tilespmem:s21], [sflag:$0x1] =	stream.indirect.gather [spmem:s28], $0x80, s2, s17, $0xb8;
	[tilespmem:$0x1FF80] =	vst v63  }
0x77: {  	_ =	swait.ge [sflag:s22], $0x1400  }
0x78: {  	[sflag:s22] =	ssyncset.done $0x0  }
0x79: {  	s26 =	rddreg [dreg:$0xc];
	[sflag:s22] =	ssyncadd.s32 $0xFFFFEC00  }
0x7a: {  	[hbm4b:s26+s1] =	stream.linear.scatter [tilespmem:s18], [sflag:$0x2], $0x1400, $0x38;
	[tilespmem:$0x1FF80] =	vst v63  }
0x7b: {  	_ =	swait.ge [sflag:s25], $0x1400  }
0x7c: {  	[sflag:s25] =	ssyncset.done $0x0  }
0x7d: {  	s2 =	simm.s32 $0x190;
	[sflag:s25] =	ssyncadd.s32 $0xFFFFEC00  }
0x7e: {  	[tilespmem:s23], [sflag:$0x1] =	stream.indirect.gather [spmem:s28], $0x80, s2, s17, $0xb8;
	[tilespmem:$0x1FF80] =	vst v63  }
0x7f: {  	_ =	swait.ge [sflag:s22], $0x1400  }
0x80: {  	[sflag:s22] =	ssyncset.done $0x0  }
0x81: {  	s26 =	rddreg [dreg:$0xd];
	[sflag:s22] =	ssyncadd.s32 $0xFFFFEC00  }
0x82: {  	[hbm4b:s26+s1] =	stream.linear.scatter [tilespmem:s19], [sflag:$0x2], $0x1400, $0x38;
	[tilespmem:$0x1FF80] =	vst v63  }
0x83: {  	_ =	swait.ge [sflag:s25], $0x1400  }
0x84: {  	[sflag:s25] =	ssyncset.done $0x0  }
0x85: {  	s2 =	simm.s32 $0x1B8;
	[sflag:s25] =	ssyncadd.s32 $0xFFFFEC00  }
0x86: {  	[tilespmem:s24], [sflag:$0x1] =	stream.indirect.gather [spmem:s28], $0x80, s2, s17, $0xb8;
	[tilespmem:$0x1FF80] =	vst v63  }
0x87: {  	_ =	swait.ge [sflag:s22], $0x1400  }
0x88: {  	s26 =	sld [smem:$0x7FD]  }
0x89: {  	[sflag:s22] =	ssyncset.done $0x0  }
0x8a: {  	[sflag:s22] =	ssyncadd.s32 $0xFFFFEC00  }
0x8b: {  	[hbm4b:s26+s1] =	stream.linear.scatter [tilespmem:s20], [sflag:$0x2], $0x1400, $0x38;
	[tilespmem:$0x1FF80] =	vst v63  }
0x8c: {  	_ =	swait.ge [sflag:s25], $0x1400  }
0x8d: {  	[sflag:s25] =	ssyncset.done $0x0  }
0x8e: {  	s2 =	simm.s32 $0x1E0;
	[sflag:s25] =	ssyncadd.s32 $0xFFFFEC00  }
0x8f: {  	[tilespmem:s18], [sflag:$0x1] =	stream.indirect.gather [spmem:s28], $0x80, s2, s17, $0xb8;
	[tilespmem:$0x1FF80] =	vst v63  }
0x90: {  	_ =	swait.ge [sflag:s22], $0x1400  }
0x91: {  	[sflag:s22] =	ssyncset.done $0x0  }
0x92: {  	[sflag:s22] =	ssyncadd.s32 $0xFFFFEC00  }
0x93: {  	[hbm4b:s3+s1] =	stream.linear.scatter [tilespmem:s21], [sflag:$0x2], $0x1400, $0x38;
	[tilespmem:$0x1FF80] =	vst v63  }
0x94: {  	_ =	swait.ge [sflag:s25], $0x1400  }
0x95: {  	[sflag:s25] =	ssyncset.done $0x0  }
0x96: {  	s26 =	simm.s32 $0x208;
	[sflag:s25] =	ssyncadd.s32 $0xFFFFEC00  }
0x97: {  	[tilespmem:s19], [sflag:$0x1] =	stream.indirect.gather [spmem:s28], $0x80, s26, s17, $0xb8;
	[tilespmem:$0x1FF80] =	vst v63  }
0x98: {  	_ =	swait.ge [sflag:s22], $0x1400  }
0x99: {  	[sflag:s22] =	ssyncset.done $0x0  }
0x9a: {  	[sflag:s22] =	ssyncadd.s32 $0xFFFFEC00  }
0x9b: {  	[hbm4b:s4+s1] =	stream.linear.scatter [tilespmem:s23], [sflag:$0x2], $0x1400, $0x38;
	[tilespmem:$0x1FF80] =	vst v63  }
0x9c: {  	_ =	swait.ge [sflag:s25], $0x1400  }
0x9d: {  	[sflag:s25] =	ssyncset.done $0x0  }
0x9e: {  	s2 =	simm.s32 $0x230;
	[sflag:s25] =	ssyncadd.s32 $0xFFFFEC00  }
0x9f: {  	[tilespmem:s20], [sflag:$0x1] =	stream.indirect.gather [spmem:s28], $0x80, s2, s17, $0xb8;
	[tilespmem:$0x1FF80] =	vst v63  }
0xa0: {  	_ =	swait.ge [sflag:s22], $0x1400  }
0xa1: {  	[sflag:s22] =	ssyncset.done $0x0  }
0xa2: {  	[sflag:s22] =	ssyncadd.s32 $0xFFFFEC00  }
0xa3: {  	[hbm4b:s5+s1] =	stream.linear.scatter [tilespmem:s24], [sflag:$0x2], $0x1400, $0x38;
	[tilespmem:$0x1FF80] =	vst v63  }
0xa4: {  	_ =	swait.ge [sflag:s25], $0x1400  }
0xa5: {  	[sflag:s25] =	ssyncset.done $0x0  }
0xa6: {  	s26 =	simm.s32 $0x258;
	[sflag:s25] =	ssyncadd.s32 $0xFFFFEC00  }
0xa7: {  	[tilespmem:s21], [sflag:$0x1] =	stream.indirect.gather [spmem:s28], $0x80, s26, s17, $0xb8;
	[tilespmem:$0x1FF80] =	vst v63  }
0xa8: {  	_ =	swait.ge [sflag:s22], $0x1400  }
0xa9: {  	[sflag:s22] =	ssyncset.done $0x0  }
0xaa: {  	[sflag:s22] =	ssyncadd.s32 $0xFFFFEC00  }
0xab: {  	[hbm4b:s11+s1] =	stream.linear.scatter [tilespmem:s18], [sflag:$0x2], $0x1400, $0x38;
	[tilespmem:$0x1FF80] =	vst v63  }
0xac: {  	_ =	swait.ge [sflag:s25], $0x1400  }
0xad: {  	[sflag:s25] =	ssyncset.done $0x0  }
0xae: {  	s2 =	simm.s32 $0x280;
	[sflag:s25] =	ssyncadd.s32 $0xFFFFEC00  }
0xaf: {  	[tilespmem:s23], [sflag:$0x1] =	stream.indirect.gather [spmem:s28], $0x80, s2, s17, $0xb8;
	[tilespmem:$0x1FF80] =	vst v63  }
0xb0: {  	_ =	swait.ge [sflag:s22], $0x1400  }
0xb1: {  	[sflag:s22] =	ssyncset.done $0x0  }
0xb2: {  	s26 =	sadd.s32 $0x280, s11;
	[sflag:s22] =	ssyncadd.s32 $0xFFFFEC00  }
0xb3: {  	[hbm4b:s26+s1] =	stream.linear.scatter [tilespmem:s19], [sflag:$0x2], $0x1400, $0x38;
	[tilespmem:$0x1FF80] =	vst v63  }
0xb4: {  	_ =	swait.ge [sflag:s25], $0x1400  }
0xb5: {  	[sflag:s25] =	ssyncset.done $0x0  }
0xb6: {  	s2 =	simm.s32 $0x2A8;
	[sflag:s25] =	ssyncadd.s32 $0xFFFFEC00  }
0xb7: {  	[tilespmem:s24], [sflag:$0x1] =	stream.indirect.gather [spmem:s28], $0x80, s2, s17, $0xb8;
	[tilespmem:$0x1FF80] =	vst v63  }
0xb8: {  	_ =	swait.ge [sflag:s22], $0x1400  }
0xb9: {  	[sflag:s22] =	ssyncset.done $0x0  }
0xba: {  	s26 =	sadd.s32 $0x500, s11;
	[sflag:s22] =	ssyncadd.s32 $0xFFFFEC00  }
0xbb: {  	[hbm4b:s26+s1] =	stream.linear.scatter [tilespmem:s20], [sflag:$0x2], $0x1400, $0x38;
	[tilespmem:$0x1FF80] =	vst v63  }
0xbc: {  	_ =	swait.ge [sflag:s25], $0x1400  }
0xbd: {  	[sflag:s25] =	ssyncset.done $0x0  }
0xbe: {  	s2 =	simm.s32 $0x2D0;
	[sflag:s25] =	ssyncadd.s32 $0xFFFFEC00  }
0xbf: {  	[tilespmem:s18], [sflag:$0x1] =	stream.indirect.gather [spmem:s28], $0x80, s2, s17, $0xb8;
	[tilespmem:$0x1FF80] =	vst v63  }
0xc0: {  	_ =	swait.ge [sflag:s22], $0x1400  }
0xc1: {  	[sflag:s22] =	ssyncset.done $0x0  }
0xc2: {  	s26 =	sadd.s32 $0x780, s11;
	[sflag:s22] =	ssyncadd.s32 $0xFFFFEC00  }
0xc3: {  	[hbm4b:s26+s1] =	stream.linear.scatter [tilespmem:s21], [sflag:$0x2], $0x1400, $0x38;
	[tilespmem:$0x1FF80] =	vst v63  }
0xc4: {  	_ =	swait.ge [sflag:s25], $0x1400  }
0xc5: {  	[sflag:s25] =	ssyncset.done $0x0  }
0xc6: {  	s2 =	simm.s32 $0x2F8;
	[sflag:s25] =	ssyncadd.s32 $0xFFFFEC00  }
0xc7: {  	[tilespmem:s19], [sflag:$0x1] =	stream.indirect.gather [spmem:s28], $0x80, s2, s17, $0xb8;
	[tilespmem:$0x1FF80] =	vst v63  }
0xc8: {  	_ =	swait.ge [sflag:s22], $0x1400  }
0xc9: {  	[sflag:s22] =	ssyncset.done $0x0  }
0xca: {  	s26 =	sadd.s32 $0xA00, s11;
	[sflag:s22] =	ssyncadd.s32 $0xFFFFEC00  }
0xcb: {  	[hbm4b:s26+s1] =	stream.linear.scatter [tilespmem:s23], [sflag:$0x2], $0x1400, $0x38;
	[tilespmem:$0x1FF80] =	vst v63  }
0xcc: {  	_ =	swait.ge [sflag:s25], $0x1400  }
0xcd: {  	[sflag:s25] =	ssyncset.done $0x0  }
0xce: {  	s2 =	simm.s32 $0x320;
	[sflag:s25] =	ssyncadd.s32 $0xFFFFEC00  }
0xcf: {  	[tilespmem:s20], [sflag:$0x1] =	stream.indirect.gather [spmem:s28], $0x80, s2, s17, $0xb8;
	[tilespmem:$0x1FF80] =	vst v63  }
0xd0: {  	_ =	swait.ge [sflag:s22], $0x1400  }
0xd1: {  	[sflag:s22] =	ssyncset.done $0x0  }
0xd2: {  	s26 =	sadd.s32 $0xC80, s11;
	[sflag:s22] =	ssyncadd.s32 $0xFFFFEC00  }
0xd3: {  	[hbm4b:s26+s1] =	stream.linear.scatter [tilespmem:s24], [sflag:$0x2], $0x1400, $0x38;
	[tilespmem:$0x1FF80] =	vst v63  }
0xd4: {  	_ =	swait.ge [sflag:s25], $0x1400  }
0xd5: {  	s31 =	simm.s32 $0x3C0;
	[sflag:s25] =	ssyncset.done $0x0  }
0xd6: {  	s0 =	simm.s32 $0x348;
	s26 =	sadd.s32 $0xF00, s11;
	[sflag:s25] =	ssyncadd.s32 $0xFFFFEC00  }
.LBB2_2:
0xd7: {  	[tilespmem:s21], [sflag:$0x1] =	stream.indirect.gather [spmem:s28], $0x80, s0, s17, $0xb8;
	[tilespmem:$0x1FF80] =	vst v63  }
0xd8: {  	s0 =	smov.u32 s31  }
0xd9: {  	p1 =	sne.s32 s31, $0x8E80;
	s31 =	sadd.s32 $0x3C0, s31;
	_ =	swait.ge [sflag:s22], $0x1400  }
0xda: {  	[sflag:s22] =	ssyncset.done $0x0  }
0xdb: {  	[sflag:s22] =	ssyncadd.s32 $0xFFFFEC00  }
0xdc: {  	[hbm4b:s26+s1] =	stream.linear.scatter [tilespmem:s18], [sflag:$0x2], $0x1400, $0x38;
	[tilespmem:$0x1FF80] =	vst v63  }
0xdd: {  	_ =	swait.ge [sflag:s25], $0x1400  }
0xde: {  	s0 =	sshra.s32 s0, $0x2;
	[sflag:s25] =	ssyncset.done $0x0  }
0xdf: {  	s2 =	sadd.s32 $0x280, s0;
	[sflag:s25] =	ssyncadd.s32 $0xFFFFEC00  }
0xe0: {  	[tilespmem:s23], [sflag:$0x1] =	stream.indirect.gather [spmem:s28], $0x80, s2, s17, $0xb8;
	[tilespmem:$0x1FF80] =	vst v63  }
0xe1: {  	_ =	swait.ge [sflag:s22], $0x1400  }
0xe2: {  	[sflag:s22] =	ssyncset.done $0x0  }
0xe3: {  	s2 =	sadd.s32 $0x280, s26;
	[sflag:s22] =	ssyncadd.s32 $0xFFFFEC00  }
0xe4: {  	[hbm4b:s2+s1] =	stream.linear.scatter [tilespmem:s19], [sflag:$0x2], $0x1400, $0x38;
	[tilespmem:$0x1FF80] =	vst v63  }
0xe5: {  	_ =	swait.ge [sflag:s25], $0x1400  }
0xe6: {  	[sflag:s25] =	ssyncset.done $0x0  }
0xe7: {  	s2 =	sadd.s32 $0x2A8, s0;
	[sflag:s25] =	ssyncadd.s32 $0xFFFFEC00  }
0xe8: {  	[tilespmem:s24], [sflag:$0x1] =	stream.indirect.gather [spmem:s28], $0x80, s2, s17, $0xb8;
	[tilespmem:$0x1FF80] =	vst v63  }
0xe9: {  	_ =	swait.ge [sflag:s22], $0x1400  }
0xea: {  	[sflag:s22] =	ssyncset.done $0x0  }
0xeb: {  	s2 =	sadd.s32 $0x500, s26;
	[sflag:s22] =	ssyncadd.s32 $0xFFFFEC00  }
0xec: {  	[hbm4b:s2+s1] =	stream.linear.scatter [tilespmem:s20], [sflag:$0x2], $0x1400, $0x38;
	[tilespmem:$0x1FF80] =	vst v63  }
0xed: {  	_ =	swait.ge [sflag:s25], $0x1400  }
0xee: {  	[sflag:s25] =	ssyncset.done $0x0  }
0xef: {  	s2 =	sadd.s32 $0x2D0, s0;
	[sflag:s25] =	ssyncadd.s32 $0xFFFFEC00  }
0xf0: {  	[tilespmem:s18], [sflag:$0x1] =	stream.indirect.gather [spmem:s28], $0x80, s2, s17, $0xb8;
	[tilespmem:$0x1FF80] =	vst v63  }
0xf1: {  	_ =	swait.ge [sflag:s22], $0x1400  }
0xf2: {  	[sflag:s22] =	ssyncset.done $0x0  }
0xf3: {  	s2 =	sadd.s32 $0x780, s26;
	[sflag:s22] =	ssyncadd.s32 $0xFFFFEC00  }
0xf4: {  	[hbm4b:s2+s1] =	stream.linear.scatter [tilespmem:s21], [sflag:$0x2], $0x1400, $0x38;
	[tilespmem:$0x1FF80] =	vst v63  }
0xf5: {  	_ =	swait.ge [sflag:s25], $0x1400  }
0xf6: {  	[sflag:s25] =	ssyncset.done $0x0  }
0xf7: {  	s2 =	sadd.s32 $0x2F8, s0;
	[sflag:s25] =	ssyncadd.s32 $0xFFFFEC00  }
0xf8: {  	[tilespmem:s19], [sflag:$0x1] =	stream.indirect.gather [spmem:s28], $0x80, s2, s17, $0xb8;
	[tilespmem:$0x1FF80] =	vst v63  }
0xf9: {  	_ =	swait.ge [sflag:s22], $0x1400  }
0xfa: {  	[sflag:s22] =	ssyncset.done $0x0  }
0xfb: {  	s2 =	sadd.s32 $0xA00, s26;
	[sflag:s22] =	ssyncadd.s32 $0xFFFFEC00  }
0xfc: {  	[hbm4b:s2+s1] =	stream.linear.scatter [tilespmem:s23], [sflag:$0x2], $0x1400, $0x38;
	[tilespmem:$0x1FF80] =	vst v63  }
0xfd: {  	_ =	swait.ge [sflag:s25], $0x1400  }
0xfe: {  	[sflag:s25] =	ssyncset.done $0x0  }
0xff: {  	s2 =	sadd.s32 $0x320, s0;
	[sflag:s25] =	ssyncadd.s32 $0xFFFFEC00  }
0x100: {  	[tilespmem:s20], [sflag:$0x1] =	stream.indirect.gather [spmem:s28], $0x80, s2, s17, $0xb8;
	[tilespmem:$0x1FF80] =	vst v63  }
0x101: {  	_ =	swait.ge [sflag:s22], $0x1400  }
0x102: {  	[sflag:s22] =	ssyncset.done $0x0  }
.Ltmp0:
0x103: {  	s2 =	sadd.s32 $0xC80, s26;
	[sflag:s22] =	ssyncadd.s32 $0xFFFFEC00;
	(pc) =	sbr.rel @p1 .LBB2_2-.Ltmp0, $4  }
0x104: {  	[hbm4b:s2+s1] =	stream.linear.scatter [tilespmem:s24], [sflag:$0x2], $0x1400, $0x38;
	[tilespmem:$0x1FF80] =	vst v63  }
0x105: {  	_ =	swait.ge [sflag:s25], $0x1400  }
0x106: {  	[sflag:s25] =	ssyncset.done $0x0  }
0x107: {  	s0 =	sadd.s32 $0x348, s0;
	s26 =	sadd.s32 $0xF00, s26;
	[sflag:s25] =	ssyncadd.s32 $0xFFFFEC00  }
0x108: {  	[tilespmem:s21], [sflag:$0x1] =	stream.indirect.gather [spmem:s28], $0x80, s0, s17, $0xb8;
	[tilespmem:$0x1FF80] =	vst v63  }
0x109: {  	_ =	swait.ge [sflag:s22], $0x1400  }
0x10a: {  	[sflag:s22] =	ssyncset.done $0x0  }
0x10b: {  	s0 =	simm.s32 $0x0;
	s2 =	rddreg [dreg:$0x16];
	[sflag:s22] =	ssyncadd.s32 $0xFFFFEC00  }
0x10c: {  	[hbm4b:s2+s0] =	stream.linear.scatter [tilespmem:s18], [sflag:$0x2], $0x1400, $0x38;
	[tilespmem:$0x1FF80] =	vst v63  }
0x10d: {  	_ =	swait.ge [sflag:s25], $0x1400  }
0x10e: {  	[sflag:s25] =	ssyncset.done $0x0  }
0x10f: {  	[sflag:s25] =	ssyncadd.s32 $0xFFFFEC00  }
0x110: {  	[tilespmem:s23], [sflag:$0x1] =	stream.indirect.gather [spmem:s28], $0x80, s16, s17, $0xb8;
	[tilespmem:$0x1FF80] =	vst v63  }
0x111: {  	_ =	swait.ge [sflag:s22], $0x1400  }
0x112: {  	[sflag:s22] =	ssyncset.done $0x0  }
0x113: {  	s26 =	rddreg [dreg:$0x18];
	[sflag:s22] =	ssyncadd.s32 $0xFFFFEC00  }
0x114: {  	[hbm4b:s26+s0] =	stream.linear.scatter [tilespmem:s19], [sflag:$0x2], $0x1400, $0x38;
	[tilespmem:$0x1FF80] =	vst v63  }
0x115: {  	_ =	swait.ge [sflag:s25], $0x1400  }
0x116: {  	[sflag:s25] =	ssyncset.done $0x0  }
0x117: {  	s26 =	simm.s32 $0x27A8;
	[sflag:s25] =	ssyncadd.s32 $0xFFFFEC00  }
0x118: {  	[tilespmem:s24], [sflag:$0x1] =	stream.indirect.gather [spmem:s28], $0x80, s26, s17, $0xb8;
	[tilespmem:$0x1FF80] =	vst v63  }
0x119: {  	_ =	swait.ge [sflag:s22], $0x1400  }
0x11a: {  	[sflag:s22] =	ssyncset.done $0x0  }
0x11b: {  	s26 =	rddreg [dreg:$0x1a];
	[sflag:s22] =	ssyncadd.s32 $0xFFFFEC00  }
0x11c: {  	[hbm4b:s26+s0] =	stream.linear.scatter [tilespmem:s20], [sflag:$0x2], $0x1400, $0x38;
	[tilespmem:$0x1FF80] =	vst v63  }
0x11d: {  	_ =	swait.ge [sflag:s25], $0x1400  }
0x11e: {  	[sflag:s25] =	ssyncset.done $0x0  }
0x11f: {  	s26 =	simm.s32 $0x27D0;
	[sflag:s25] =	ssyncadd.s32 $0xFFFFEC00  }
0x120: {  	[tilespmem:s18], [sflag:$0x1] =	stream.indirect.gather [spmem:s28], $0x80, s26, s17, $0xb8;
	[tilespmem:$0x1FF80] =	vst v63  }
0x121: {  	_ =	swait.ge [sflag:s22], $0x1400  }
0x122: {  	[sflag:s22] =	ssyncset.done $0x0  }
0x123: {  	s26 =	rddreg [dreg:$0x1c];
	[sflag:s22] =	ssyncadd.s32 $0xFFFFEC00  }
0x124: {  	[hbm4b:s26+s0] =	stream.linear.scatter [tilespmem:s21], [sflag:$0x2], $0x1400, $0x38;
	[tilespmem:$0x1FF80] =	vst v63  }
0x125: {  	_ =	swait.ge [sflag:s25], $0x1400  }
0x126: {  	[sflag:s25] =	ssyncset.done $0x0  }
0x127: {  	s26 =	simm.s32 $0x27F8;
	[sflag:s25] =	ssyncadd.s32 $0xFFFFEC00  }
0x128: {  	[tilespmem:s19], [sflag:$0x1] =	stream.indirect.gather [spmem:s28], $0x80, s26, s17, $0xb8;
	[tilespmem:$0x1FF80] =	vst v63  }
0x129: {  	_ =	swait.ge [sflag:s22], $0x1400  }
0x12a: {  	[sflag:s22] =	ssyncset.done $0x0  }
0x12b: {  	s26 =	rddreg [dreg:$0xe];
	[sflag:s22] =	ssyncadd.s32 $0xFFFFEC00  }
0x12c: {  	[hbm4b:s26+s0] =	stream.linear.scatter [tilespmem:s23], [sflag:$0x2], $0x1400, $0x38;
	[tilespmem:$0x1FF80] =	vst v63  }
0x12d: {  	_ =	swait.ge [sflag:s25], $0x1400  }
0x12e: {  	[sflag:s25] =	ssyncset.done $0x0  }
0x12f: {  	s26 =	simm.s32 $0x2820;
	[sflag:s25] =	ssyncadd.s32 $0xFFFFEC00  }
0x130: {  	[tilespmem:s20], [sflag:$0x1] =	stream.indirect.gather [spmem:s28], $0x80, s26, s17, $0xb8;
	[tilespmem:$0x1FF80] =	vst v63  }
0x131: {  	_ =	swait.ge [sflag:s22], $0x1400  }
0x132: {  	[sflag:s22] =	ssyncset.done $0x0  }
0x133: {  	s26 =	rddreg [dreg:$0xf];
	[sflag:s22] =	ssyncadd.s32 $0xFFFFEC00  }
0x134: {  	[hbm4b:s26+s0] =	stream.linear.scatter [tilespmem:s24], [sflag:$0x2], $0x1400, $0x38;
	[tilespmem:$0x1FF80] =	vst v63  }
0x135: {  	_ =	swait.ge [sflag:s25], $0x1400  }
0x136: {  	[sflag:s25] =	ssyncset.done $0x0  }
0x137: {  	s26 =	simm.s32 $0x2848;
	[sflag:s25] =	ssyncadd.s32 $0xFFFFEC00  }
0x138: {  	[tilespmem:s21], [sflag:$0x1] =	stream.indirect.gather [spmem:s28], $0x80, s26, s17, $0xb8;
	[tilespmem:$0x1FF80] =	vst v63  }
0x139: {  	_ =	swait.ge [sflag:s22], $0x1400  }
0x13a: {  	[sflag:s22] =	ssyncset.done $0x0  }
0x13b: {  	s26 =	rddreg [dreg:$0x10];
	[sflag:s22] =	ssyncadd.s32 $0xFFFFEC00  }
0x13c: {  	[hbm4b:s26+s0] =	stream.linear.scatter [tilespmem:s18], [sflag:$0x2], $0x1400, $0x38;
	[tilespmem:$0x1FF80] =	vst v63  }
0x13d: {  	_ =	swait.ge [sflag:s25], $0x1400  }
0x13e: {  	[sflag:s25] =	ssyncset.done $0x0  }
0x13f: {  	s26 =	simm.s32 $0x2870;
	[sflag:s25] =	ssyncadd.s32 $0xFFFFEC00  }
0x140: {  	[tilespmem:s23], [sflag:$0x1] =	stream.indirect.gather [spmem:s28], $0x80, s26, s17, $0xb8;
	[tilespmem:$0x1FF80] =	vst v63  }
0x141: {  	_ =	swait.ge [sflag:s22], $0x1400  }
0x142: {  	[sflag:s22] =	ssyncset.done $0x0  }
0x143: {  	s26 =	rddreg [dreg:$0x11];
	[sflag:s22] =	ssyncadd.s32 $0xFFFFEC00  }
0x144: {  	[hbm4b:s26+s0] =	stream.linear.scatter [tilespmem:s19], [sflag:$0x2], $0x1400, $0x38;
	[tilespmem:$0x1FF80] =	vst v63  }
0x145: {  	_ =	swait.ge [sflag:s25], $0x1400  }
0x146: {  	[sflag:s25] =	ssyncset.done $0x0  }
0x147: {  	s26 =	simm.s32 $0x2898;
	[sflag:s25] =	ssyncadd.s32 $0xFFFFEC00  }
0x148: {  	[tilespmem:s24], [sflag:$0x1] =	stream.indirect.gather [spmem:s28], $0x80, s26, s17, $0xb8;
	[tilespmem:$0x1FF80] =	vst v63  }
0x149: {  	_ =	swait.ge [sflag:s22], $0x1400  }
0x14a: {  	[sflag:s22] =	ssyncset.done $0x0  }
0x14b: {  	s26 =	rddreg [dreg:$0x12];
	[sflag:s22] =	ssyncadd.s32 $0xFFFFEC00  }
0x14c: {  	[hbm4b:s26+s0] =	stream.linear.scatter [tilespmem:s20], [sflag:$0x2], $0x1400, $0x38;
	[tilespmem:$0x1FF80] =	vst v63  }
0x14d: {  	_ =	swait.ge [sflag:s25], $0x1400  }
0x14e: {  	[sflag:s25] =	ssyncset.done $0x0  }
0x14f: {  	s26 =	simm.s32 $0x28C0;
	[sflag:s25] =	ssyncadd.s32 $0xFFFFEC00  }
0x150: {  	[tilespmem:s18], [sflag:$0x1] =	stream.indirect.gather [spmem:s28], $0x80, s26, s17, $0xb8;
	[tilespmem:$0x1FF80] =	vst v63  }
0x151: {  	_ =	swait.ge [sflag:s22], $0x1400  }
0x152: {  	[sflag:s22] =	ssyncset.done $0x0  }
0x153: {  	s26 =	rddreg [dreg:$0x13];
	[sflag:s22] =	ssyncadd.s32 $0xFFFFEC00  }
0x154: {  	[hbm4b:s26+s0] =	stream.linear.scatter [tilespmem:s21], [sflag:$0x2], $0x1400, $0x38;
	[tilespmem:$0x1FF80] =	vst v63  }
0x155: {  	_ =	swait.ge [sflag:s25], $0x1400  }
0x156: {  	[sflag:s25] =	ssyncset.done $0x0  }
0x157: {  	s26 =	simm.s32 $0x28E8;
	[sflag:s25] =	ssyncadd.s32 $0xFFFFEC00  }
0x158: {  	[tilespmem:s19], [sflag:$0x1] =	stream.indirect.gather [spmem:s28], $0x80, s26, s17, $0xb8;
	[tilespmem:$0x1FF80] =	vst v63  }
0x159: {  	_ =	swait.ge [sflag:s22], $0x1400  }
0x15a: {  	[sflag:s22] =	ssyncset.done $0x0  }
0x15b: {  	s26 =	rddreg [dreg:$0x14];
	[sflag:s22] =	ssyncadd.s32 $0xFFFFEC00  }
0x15c: {  	[hbm4b:s26+s0] =	stream.linear.scatter [tilespmem:s23], [sflag:$0x2], $0x1400, $0x38;
	[tilespmem:$0x1FF80] =	vst v63  }
0x15d: {  	_ =	swait.ge [sflag:s25], $0x1400  }
0x15e: {  	[sflag:s25] =	ssyncset.done $0x0  }
0x15f: {  	s26 =	simm.s32 $0x2910;
	[sflag:s25] =	ssyncadd.s32 $0xFFFFEC00  }
0x160: {  	[tilespmem:s20], [sflag:$0x1] =	stream.indirect.gather [spmem:s28], $0x80, s26, s17, $0xb8;
	[tilespmem:$0x1FF80] =	vst v63  }
0x161: {  	_ =	swait.ge [sflag:s22], $0x1400  }
0x162: {  	[sflag:s22] =	ssyncset.done $0x0  }
0x163: {  	s26 =	rddreg [dreg:$0x15];
	[sflag:s22] =	ssyncadd.s32 $0xFFFFEC00  }
0x164: {  	[hbm4b:s26+s0] =	stream.linear.scatter [tilespmem:s24], [sflag:$0x2], $0x1400, $0x38;
	[tilespmem:$0x1FF80] =	vst v63  }
0x165: {  	_ =	swait.ge [sflag:s25], $0x1400  }
0x166: {  	[sflag:s25] =	ssyncset.done $0x0  }
0x167: {  	s26 =	simm.s32 $0x2938;
	[sflag:s25] =	ssyncadd.s32 $0xFFFFEC00  }
0x168: {  	[tilespmem:s21], [sflag:$0x1] =	stream.indirect.gather [spmem:s28], $0x80, s26, s17, $0xb8;
	[tilespmem:$0x1FF80] =	vst v63  }
0x169: {  	_ =	swait.ge [sflag:s22], $0x1400  }
0x16a: {  	[sflag:s22] =	ssyncset.done $0x0  }
0x16b: {  	[sflag:s22] =	ssyncadd.s32 $0xFFFFEC00  }
0x16c: {  	[hbm4b:s12+s1] =	stream.linear.scatter [tilespmem:s18], [sflag:$0x2], $0x1400, $0x38;
	[tilespmem:$0x1FF80] =	vst v63  }
0x16d: {  	_ =	swait.ge [sflag:s25], $0x1400  }
0x16e: {  	[sflag:s25] =	ssyncset.done $0x0  }
0x16f: {  	s2 =	simm.s32 $0x2960;
	[sflag:s25] =	ssyncadd.s32 $0xFFFFEC00  }
0x170: {  	[tilespmem:s23], [sflag:$0x1] =	stream.indirect.gather [spmem:s28], $0x80, s2, s17, $0xb8;
	[tilespmem:$0x1FF80] =	vst v63  }
0x171: {  	_ =	swait.ge [sflag:s22], $0x1400  }
0x172: {  	[sflag:s22] =	ssyncset.done $0x0  }
0x173: {  	s26 =	sadd.s32 $0x280, s12;
	[sflag:s22] =	ssyncadd.s32 $0xFFFFEC00  }
0x174: {  	[hbm4b:s26+s1] =	stream.linear.scatter [tilespmem:s19], [sflag:$0x2], $0x1400, $0x38;
	[tilespmem:$0x1FF80] =	vst v63  }
0x175: {  	_ =	swait.ge [sflag:s25], $0x1400  }
0x176: {  	[sflag:s25] =	ssyncset.done $0x0  }
0x177: {  	s2 =	simm.s32 $0x2988;
	[sflag:s25] =	ssyncadd.s32 $0xFFFFEC00  }
0x178: {  	[tilespmem:s24], [sflag:$0x1] =	stream.indirect.gather [spmem:s28], $0x80, s2, s17, $0xb8;
	[tilespmem:$0x1FF80] =	vst v63  }
0x179: {  	_ =	swait.ge [sflag:s22], $0x1400  }
0x17a: {  	[sflag:s22] =	ssyncset.done $0x0  }
0x17b: {  	s26 =	sadd.s32 $0x500, s12;
	[sflag:s22] =	ssyncadd.s32 $0xFFFFEC00  }
0x17c: {  	[hbm4b:s26+s1] =	stream.linear.scatter [tilespmem:s20], [sflag:$0x2], $0x1400, $0x38;
	[tilespmem:$0x1FF80] =	vst v63  }
0x17d: {  	_ =	swait.ge [sflag:s25], $0x1400  }
0x17e: {  	[sflag:s25] =	ssyncset.done $0x0  }
0x17f: {  	s2 =	simm.s32 $0x29B0;
	[sflag:s25] =	ssyncadd.s32 $0xFFFFEC00  }
0x180: {  	[tilespmem:s18], [sflag:$0x1] =	stream.indirect.gather [spmem:s28], $0x80, s2, s17, $0xb8;
	[tilespmem:$0x1FF80] =	vst v63  }
0x181: {  	_ =	swait.ge [sflag:s22], $0x1400  }
0x182: {  	[sflag:s22] =	ssyncset.done $0x0  }
0x183: {  	s26 =	sadd.s32 $0x780, s12;
	[sflag:s22] =	ssyncadd.s32 $0xFFFFEC00  }
0x184: {  	[hbm4b:s26+s1] =	stream.linear.scatter [tilespmem:s21], [sflag:$0x2], $0x1400, $0x38;
	[tilespmem:$0x1FF80] =	vst v63  }
0x185: {  	_ =	swait.ge [sflag:s25], $0x1400  }
0x186: {  	[sflag:s25] =	ssyncset.done $0x0  }
0x187: {  	s2 =	simm.s32 $0x29D8;
	[sflag:s25] =	ssyncadd.s32 $0xFFFFEC00  }
0x188: {  	[tilespmem:s19], [sflag:$0x1] =	stream.indirect.gather [spmem:s28], $0x80, s2, s17, $0xb8;
	[tilespmem:$0x1FF80] =	vst v63  }
0x189: {  	_ =	swait.ge [sflag:s22], $0x1400  }
0x18a: {  	[sflag:s22] =	ssyncset.done $0x0  }
0x18b: {  	s26 =	sadd.s32 $0xA00, s12;
	[sflag:s22] =	ssyncadd.s32 $0xFFFFEC00  }
0x18c: {  	[hbm4b:s26+s1] =	stream.linear.scatter [tilespmem:s23], [sflag:$0x2], $0x1400, $0x38;
	[tilespmem:$0x1FF80] =	vst v63  }
0x18d: {  	_ =	swait.ge [sflag:s25], $0x1400  }
0x18e: {  	[sflag:s25] =	ssyncset.done $0x0  }
0x18f: {  	s2 =	simm.s32 $0x2A00;
	[sflag:s25] =	ssyncadd.s32 $0xFFFFEC00  }
0x190: {  	[tilespmem:s20], [sflag:$0x1] =	stream.indirect.gather [spmem:s28], $0x80, s2, s17, $0xb8;
	[tilespmem:$0x1FF80] =	vst v63  }
0x191: {  	_ =	swait.ge [sflag:s22], $0x1400  }
0x192: {  	[sflag:s22] =	ssyncset.done $0x0  }
0x193: {  	s26 =	sadd.s32 $0xC80, s12;
	[sflag:s22] =	ssyncadd.s32 $0xFFFFEC00  }
0x194: {  	[hbm4b:s26+s1] =	stream.linear.scatter [tilespmem:s24], [sflag:$0x2], $0x1400, $0x38;
	[tilespmem:$0x1FF80] =	vst v63  }
0x195: {  	_ =	swait.ge [sflag:s25], $0x1400  }
0x196: {  	s31 =	simm.s32 $0x3C0;
	[sflag:s25] =	ssyncset.done $0x0  }
0x197: {  	s0 =	simm.s32 $0x2A28;
	s26 =	sadd.s32 $0xF00, s12;
	[sflag:s25] =	ssyncadd.s32 $0xFFFFEC00  }
.LBB2_4:
0x198: {  	[tilespmem:s21], [sflag:$0x1] =	stream.indirect.gather [spmem:s28], $0x80, s0, s17, $0xb8;
	[tilespmem:$0x1FF80] =	vst v63  }
0x199: {  	s0 =	smov.u32 s31  }
0x19a: {  	p1 =	sne.s32 s31, $0x8E80;
	s31 =	sadd.s32 $0x3C0, s31;
	_ =	swait.ge [sflag:s22], $0x1400  }
0x19b: {  	[sflag:s22] =	ssyncset.done $0x0  }
0x19c: {  	[sflag:s22] =	ssyncadd.s32 $0xFFFFEC00  }
0x19d: {  	[hbm4b:s26+s1] =	stream.linear.scatter [tilespmem:s18], [sflag:$0x2], $0x1400, $0x38;
	[tilespmem:$0x1FF80] =	vst v63  }
0x19e: {  	_ =	swait.ge [sflag:s25], $0x1400  }
0x19f: {  	s0 =	sshra.s32 s0, $0x2;
	[sflag:s25] =	ssyncset.done $0x0  }
0x1a0: {  	s2 =	sadd.s32 $0x2960, s0;
	[sflag:s25] =	ssyncadd.s32 $0xFFFFEC00  }
0x1a1: {  	[tilespmem:s23], [sflag:$0x1] =	stream.indirect.gather [spmem:s28], $0x80, s2, s17, $0xb8;
	[tilespmem:$0x1FF80] =	vst v63  }
0x1a2: {  	_ =	swait.ge [sflag:s22], $0x1400  }
0x1a3: {  	[sflag:s22] =	ssyncset.done $0x0  }
0x1a4: {  	s2 =	sadd.s32 $0x280, s26;
	[sflag:s22] =	ssyncadd.s32 $0xFFFFEC00  }
0x1a5: {  	[hbm4b:s2+s1] =	stream.linear.scatter [tilespmem:s19], [sflag:$0x2], $0x1400, $0x38;
	[tilespmem:$0x1FF80] =	vst v63  }
0x1a6: {  	_ =	swait.ge [sflag:s25], $0x1400  }
0x1a7: {  	[sflag:s25] =	ssyncset.done $0x0  }
0x1a8: {  	s2 =	sadd.s32 $0x2988, s0;
	[sflag:s25] =	ssyncadd.s32 $0xFFFFEC00  }
0x1a9: {  	[tilespmem:s24], [sflag:$0x1] =	stream.indirect.gather [spmem:s28], $0x80, s2, s17, $0xb8;
	[tilespmem:$0x1FF80] =	vst v63  }
0x1aa: {  	_ =	swait.ge [sflag:s22], $0x1400  }
0x1ab: {  	[sflag:s22] =	ssyncset.done $0x0  }
0x1ac: {  	s2 =	sadd.s32 $0x500, s26;
	[sflag:s22] =	ssyncadd.s32 $0xFFFFEC00  }
0x1ad: {  	[hbm4b:s2+s1] =	stream.linear.scatter [tilespmem:s20], [sflag:$0x2], $0x1400, $0x38;
	[tilespmem:$0x1FF80] =	vst v63  }
0x1ae: {  	_ =	swait.ge [sflag:s25], $0x1400  }
0x1af: {  	[sflag:s25] =	ssyncset.done $0x0  }
0x1b0: {  	s2 =	sadd.s32 $0x29B0, s0;
	[sflag:s25] =	ssyncadd.s32 $0xFFFFEC00  }
0x1b1: {  	[tilespmem:s18], [sflag:$0x1] =	stream.indirect.gather [spmem:s28], $0x80, s2, s17, $0xb8;
	[tilespmem:$0x1FF80] =	vst v63  }
0x1b2: {  	_ =	swait.ge [sflag:s22], $0x1400  }
0x1b3: {  	[sflag:s22] =	ssyncset.done $0x0  }
0x1b4: {  	s2 =	sadd.s32 $0x780, s26;
	[sflag:s22] =	ssyncadd.s32 $0xFFFFEC00  }
0x1b5: {  	[hbm4b:s2+s1] =	stream.linear.scatter [tilespmem:s21], [sflag:$0x2], $0x1400, $0x38;
	[tilespmem:$0x1FF80] =	vst v63  }
0x1b6: {  	_ =	swait.ge [sflag:s25], $0x1400  }
0x1b7: {  	[sflag:s25] =	ssyncset.done $0x0  }
0x1b8: {  	s2 =	sadd.s32 $0x29D8, s0;
	[sflag:s25] =	ssyncadd.s32 $0xFFFFEC00  }
0x1b9: {  	[tilespmem:s19], [sflag:$0x1] =	stream.indirect.gather [spmem:s28], $0x80, s2, s17, $0xb8;
	[tilespmem:$0x1FF80] =	vst v63  }
0x1ba: {  	_ =	swait.ge [sflag:s22], $0x1400  }
0x1bb: {  	[sflag:s22] =	ssyncset.done $0x0  }
0x1bc: {  	s2 =	sadd.s32 $0xA00, s26;
	[sflag:s22] =	ssyncadd.s32 $0xFFFFEC00  }
0x1bd: {  	[hbm4b:s2+s1] =	stream.linear.scatter [tilespmem:s23], [sflag:$0x2], $0x1400, $0x38;
	[tilespmem:$0x1FF80] =	vst v63  }
0x1be: {  	_ =	swait.ge [sflag:s25], $0x1400  }
0x1bf: {  	[sflag:s25] =	ssyncset.done $0x0  }
0x1c0: {  	s2 =	sadd.s32 $0x2A00, s0;
	[sflag:s25] =	ssyncadd.s32 $0xFFFFEC00  }
0x1c1: {  	[tilespmem:s20], [sflag:$0x1] =	stream.indirect.gather [spmem:s28], $0x80, s2, s17, $0xb8;
	[tilespmem:$0x1FF80] =	vst v63  }
0x1c2: {  	_ =	swait.ge [sflag:s22], $0x1400  }
0x1c3: {  	[sflag:s22] =	ssyncset.done $0x0  }
.Ltmp1:
0x1c4: {  	s2 =	sadd.s32 $0xC80, s26;
	[sflag:s22] =	ssyncadd.s32 $0xFFFFEC00;
	(pc) =	sbr.rel @p1 .LBB2_4-.Ltmp1, $4  }
0x1c5: {  	[hbm4b:s2+s1] =	stream.linear.scatter [tilespmem:s24], [sflag:$0x2], $0x1400, $0x38;
	[tilespmem:$0x1FF80] =	vst v63  }
0x1c6: {  	_ =	swait.ge [sflag:s25], $0x1400  }
0x1c7: {  	[sflag:s25] =	ssyncset.done $0x0  }
0x1c8: {  	s0 =	sadd.s32 $0x2A28, s0;
	s26 =	sadd.s32 $0xF00, s26;
	[sflag:s25] =	ssyncadd.s32 $0xFFFFEC00  }
0x1c9: {  	[tilespmem:s21], [sflag:$0x1] =	stream.indirect.gather [spmem:s28], $0x80, s0, s17, $0xb8;
	[tilespmem:$0x1FF80] =	vst v63  }
0x1ca: {  	_ =	swait.ge [sflag:s22], $0x1400  }
0x1cb: {  	[sflag:s22] =	ssyncset.done $0x0  }
0x1cc: {  	[sflag:s22] =	ssyncadd.s32 $0xFFFFEC00  }
0x1cd: {  	[hbm4b:s6+s1] =	stream.linear.scatter [tilespmem:s18], [sflag:$0x2], $0x1400, $0x38;
	[tilespmem:$0x1FF80] =	vst v63  }
0x1ce: {  	_ =	swait.ge [sflag:s25], $0x1400  }
0x1cf: {  	[sflag:s25] =	ssyncset.done $0x0  }
0x1d0: {  	s26 =	simm.s32 $0x4DF0;
	[sflag:s25] =	ssyncadd.s32 $0xFFFFEC00  }
0x1d1: {  	[tilespmem:s23], [sflag:$0x1] =	stream.indirect.gather [spmem:s28], $0x80, s26, s17, $0xb8;
	[tilespmem:$0x1FF80] =	vst v63  }
0x1d2: {  	_ =	swait.ge [sflag:s22], $0x1400  }
0x1d3: {  	[sflag:s22] =	ssyncset.done $0x0  }
0x1d4: {  	[sflag:s22] =	ssyncadd.s32 $0xFFFFEC00  }
0x1d5: {  	[hbm4b:s7+s1] =	stream.linear.scatter [tilespmem:s19], [sflag:$0x2], $0x1400, $0x38;
	[tilespmem:$0x1FF80] =	vst v63  }
0x1d6: {  	_ =	swait.ge [sflag:s25], $0x1400  }
0x1d7: {  	[sflag:s25] =	ssyncset.done $0x0  }
0x1d8: {  	s31 =	simm.s32 $0x4E18;
	[sflag:s25] =	ssyncadd.s32 $0xFFFFEC00  }
0x1d9: {  	[tilespmem:s24], [sflag:$0x1] =	stream.indirect.gather [spmem:s28], $0x80, s31, s17, $0xb8;
	[tilespmem:$0x1FF80] =	vst v63  }
0x1da: {  	_ =	swait.ge [sflag:s22], $0x1400  }
0x1db: {  	[sflag:s22] =	ssyncset.done $0x0  }
0x1dc: {  	[sflag:s22] =	ssyncadd.s32 $0xFFFFEC00  }
0x1dd: {  	[hbm4b:s8+s1] =	stream.linear.scatter [tilespmem:s20], [sflag:$0x2], $0x1400, $0x38;
	[tilespmem:$0x1FF80] =	vst v63  }
0x1de: {  	_ =	swait.ge [sflag:s25], $0x1400  }
0x1df: {  	[sflag:s25] =	ssyncset.done $0x0  }
0x1e0: {  	s2 =	simm.s32 $0x4E40;
	[sflag:s25] =	ssyncadd.s32 $0xFFFFEC00  }
0x1e1: {  	[tilespmem:s18], [sflag:$0x1] =	stream.indirect.gather [spmem:s28], $0x80, s2, s17, $0xb8;
	[tilespmem:$0x1FF80] =	vst v63  }
0x1e2: {  	_ =	swait.ge [sflag:s22], $0x1400  }
0x1e3: {  	[sflag:s22] =	ssyncset.done $0x0  }
0x1e4: {  	[sflag:s22] =	ssyncadd.s32 $0xFFFFEC00  }
0x1e5: {  	[hbm4b:s9+s1] =	stream.linear.scatter [tilespmem:s21], [sflag:$0x2], $0x1400, $0x38;
	[tilespmem:$0x1FF80] =	vst v63  }
0x1e6: {  	_ =	swait.ge [sflag:s25], $0x1400  }
0x1e7: {  	[sflag:s25] =	ssyncset.done $0x0  }
0x1e8: {  	s26 =	simm.s32 $0x4E68;
	[sflag:s25] =	ssyncadd.s32 $0xFFFFEC00  }
0x1e9: {  	[tilespmem:s19], [sflag:$0x1] =	stream.indirect.gather [spmem:s28], $0x80, s26, s17, $0xb8;
	[tilespmem:$0x1FF80] =	vst v63  }
0x1ea: {  	_ =	swait.ge [sflag:s22], $0x1400  }
0x1eb: {  	[sflag:s22] =	ssyncset.done $0x0  }
0x1ec: {  	s31 =	rddreg [dreg:$0x17];
	[sflag:s22] =	ssyncadd.s32 $0xFFFFEC00  }
0x1ed: {  	[hbm4b:s31+s1] =	stream.linear.scatter [tilespmem:s23], [sflag:$0x2], $0x1400, $0x38;
	[tilespmem:$0x1FF80] =	vst v63  }
0x1ee: {  	_ =	swait.ge [sflag:s22], $0x1400  }
0x1ef: {  	[sflag:s22] =	ssyncset.done $0x0  }
0x1f0: {  	s2 =	rddreg [dreg:$0x19];
	[sflag:s22] =	ssyncadd.s32 $0xFFFFEC00  }
0x1f1: {  	[hbm4b:s2+s1] =	stream.linear.scatter [tilespmem:s24], [sflag:$0x2], $0x1400, $0x38;
	[tilespmem:$0x1FF80] =	vst v63  }
0x1f2: {  	_ =	swait.ge [sflag:s22], $0x1400  }
0x1f3: {  	[sflag:s22] =	ssyncset.done $0x0  }
0x1f4: {  	s26 =	rddreg [dreg:$0x1b];
	[sflag:s22] =	ssyncadd.s32 $0xFFFFEC00  }
0x1f5: {  	[hbm4b:s26+s1] =	stream.linear.scatter [tilespmem:s18], [sflag:$0x2], $0x1400, $0x38;
	[tilespmem:$0x1FF80] =	vst v63  }
0x1f6: {  	_ =	swait.ge [sflag:s22], $0x1400  }
0x1f7: {  	[sflag:s22] =	ssyncset.done $0x0  }
0x1f8: {  	s31 =	rddreg [dreg:$0x1d];
	[sflag:s22] =	ssyncadd.s32 $0xFFFFEC00  }
0x1f9: {  	[hbm4b:s31+s1] =	stream.linear.scatter [tilespmem:s19], [sflag:$0x2], $0x1400, $0x38;
	[tilespmem:$0x1FF80] =	vst v63  }
0x1fa: {  	_ =	swait.ge [sflag:s25], $0x1400  }
0x1fb: {  	[sflag:s25] =	ssyncset.done $0x0  }
0x1fc: {  	[sflag:s25] =	ssyncadd.s32 $0xFFFFEC00  }
0x1fd: {  	_ =	swait.ge [sflag:s25], $0x1400  }
0x1fe: {  	[sflag:s25] =	ssyncset.done $0x0  }
0x1ff: {  	[sflag:s25] =	ssyncadd.s32 $0xFFFFEC00  }
0x200: {  	_ =	swait.ge [sflag:s25], $0x1400  }
0x201: {  	[sflag:s25] =	ssyncset.done $0x0  }
0x202: {  	[sflag:s25] =	ssyncadd.s32 $0xFFFFEC00  }
0x203: {  	_ =	swait.ge [sflag:s25], $0x1400  }
0x204: {  	[sflag:s25] =	ssyncset.done $0x0  }
0x205: {  	s29 =	sadd.s32 $0x1, s29;
	[sflag:s25] =	ssyncadd.s32 $0xFFFFEC00  }
0x206: {  	p1 =	sne.s32 s29, s10;
	_ =	swait.ge [sflag:s25], $0x1400  }
.Ltmp2:
0x207: {  	[sflag:s25] =	ssyncset.done $0x0;
	(pc) =	sbr.rel @p1 .LBB2_1-.Ltmp2, $4  }
0x208: {  	[sflag:s25] =	ssyncadd.s32 $0xFFFFEC00  }
0x209: {  	_ =	swait.ge [sflag:s25], $0x1400  }
0x20a: {  	[sflag:s25] =	ssyncset.done $0x0  }
0x20b: {  	[sflag:s25] =	ssyncadd.s32 $0xFFFFEC00  }
0x20c: {  	_ =	sfence.sel $0x180000  }
0x20d: {  	[bflag:$0x0] =	sbarrier.arrive $0xFFFF  }
0x20e: {  	_ =	strace $0x90000047  }
0x20f: {  	s0 =	stileid.u32;
	[bflag:$0x2] =	sbarrier.arrive $0xFFFF  }
0x210: {  	p0 =	sne.s32 s0, $0x0;
	s0 =	rddreg [dreg:$0x5]  }
0x211: {  	s0 =	sadd.s32 @!p0 $0x100000, s0  }
0x212: {  	[sflag:s0] =	ssyncadd.tile.s32 @!p0 $0x1;
	_ =	shalt  }
.Lfunc_end2:
_tile_overlayer_lowered:
.L_overlay_start_2:
0x213: {  	(tag) =	ssettag $0x2  }
0x214: {  	s0 =	rddreg [dreg:$0x0];
	s2 =	stileid.u32  }
0x215: {  	s1 =	rddreg [dreg:$0x1];
	p0 =	sne.s32 s2, $0x0  }
0x216: {  	s3 =	rddreg [dreg:$0x2];
	[bflag:$0x3] =	sbarrier.arrive $0xFFFF;
	s2 =	simm.s32 @!p0 $0x1C03  }
0x217: {  	[timem:s3], [sflag:s2] =	dma.local @!p0 [hbm:s0], s1  }
0x218: {  	s0 =	simm.s32 @!p0 $0x3  }
0x219: {  	_ =	swait.ge @!p0 [sflag:s0], s1  }
0x21a: {  	s1 =	ssub.s32 @!p0 $0x0, s1;
	[sflag:s0] =	ssyncset.done @!p0 $0x0  }
0x21b: {  	[sflag:s0] =	ssyncadd.s32 @!p0 s1  }
0x21c: {  	[bflag:$0x3] =	sbarrier.arrive $0xFFFF  }
0x21d: {  	_ =	shalt  }

</sc_bundles>
